<compile_context>
chip_gen: v7x
topology: tpu7x:2x2x1
jax: 0.10.2.dev20260603
libtpu: 0.0.44.dev20260713+nightly
codegen_flags: <defaults>
</compile_context>

<pallas_src>
import functools

import jax
import jax.numpy as jnp
from jax import lax
from jax.experimental import pallas as pl
from jax.experimental.pallas import tpu as pltpu
from jax.experimental.pallas import tpu_sc as plsc

Q = 1024
K_REAL = 100000
D = 128
Q_BLK = 256
K_TILE = 2048
N_TILES = 49
K_PAD = N_TILES * K_TILE
G = 16
NG = K_PAD // G
NV = NG // 16
NEG = -3.0e38
TOPK = 64

NW = 32
QH = Q // 4
QPW = QH // NW
CAPC = 1024
TRASH = CAPC + 8
GCH = 128
NCH_MAX = CAPC // GCH


def _phase1_body(q_ref, k_ref, s_ref, gm_ref):
    t = pl.program_id(1)
    s = lax.dot_general(q_ref[...], k_ref[...],
                        (((1,), (1,)), ((), ())),
                        preferred_element_type=jnp.float32)
    col = t * K_TILE + lax.broadcasted_iota(jnp.int32, (1, K_TILE), 1)
    s = jnp.where(col < K_REAL, s, NEG)
    s_ref[...] = s.reshape(Q_BLK, K_TILE // 128, 128)
    st = lax.dot_general(k_ref[...], q_ref[...],
                         (((1,), (1,)), ((), ())),
                         preferred_element_type=jnp.float32)
    colt = t * K_TILE + lax.broadcasted_iota(jnp.int32, (K_TILE, 1), 0)
    st = jnp.where(colt < K_REAL, st, NEG)
    gm_ref[...] = jnp.max(st.reshape(K_TILE // G, G, Q_BLK), axis=1)


def _phase1(queries, keys_padded):
    nq = queries.shape[0]
    return pl.pallas_call(
        _phase1_body,
        grid=(nq // Q_BLK, N_TILES),
        in_specs=[
            pl.BlockSpec((Q_BLK, D), lambda qb, t: (qb, 0)),
            pl.BlockSpec((K_TILE, D), lambda qb, t: (t, 0)),
        ],
        out_specs=[
            pl.BlockSpec((Q_BLK, K_TILE // 128, 128), lambda qb, t: (qb, t, 0)),
            pl.BlockSpec((K_TILE // G, Q_BLK), lambda qb, t: (t, qb)),
        ],
        out_shape=[
            jax.ShapeDtypeStruct((nq, K_PAD // 128, 128), jnp.float32),
            jax.ShapeDtypeStruct((NG, nq), jnp.float32),
        ],
    )(queries, keys_padded)


def _sc_select_body(gm_hbm, sc2_hbm, outs_hbm, outi_hbm,
                    gm_v, cand_v, gath_v, es_v, eid_v,
                    outs_b, outi_b, sem):
    i32 = jnp.int32
    IOTA = jnp.arange(16, dtype=i32)
    ZERO16 = jnp.zeros((16,), i32)
    ONE16 = jnp.full((16,), 1, i32)
    NEGV = jnp.full((16,), NEG, jnp.float32)
    wid = lax.axis_index("s") * 2 + lax.axis_index("c")

    def _gat(v, idx):
        return v.at[idx].get(mode="promise_in_bounds")

    def _rot(v, sh):
        return _gat(v, jnp.bitwise_and(IOTA + sh, 15))

    def _splat_max(v):
        for sh in (8, 4, 2, 1):
            v = jnp.maximum(v, _rot(v, sh))
        return v

    def _splat_min(v):
        for sh in (8, 4, 2, 1):
            v = jnp.minimum(v, _rot(v, sh))
        return v

    def per_query(ql, _):
        q = wid * QPW + ql
        pltpu.sync_copy(gm_hbm.at[q], gm_v)

        def blockmax(b):
            def mx(i, acc):
                return jnp.maximum(acc, gm_v[pl.ds((b * 98 + i) * 16, 16)])
            return lax.fori_loop(1, 98, mx, gm_v[pl.ds(b * 98 * 16, 16)], unroll=4)

        bm = jnp.minimum(jnp.minimum(blockmax(0), blockmax(1)),
                         jnp.minimum(blockmax(2), blockmax(3)))
        t_vec = _splat_min(bm)

        filler = jnp.full((16,), q * NG + (NG - 1), i32)

        def fill_c(i, c):
            cand_v[pl.ds(i * 16, 16)] = filler
            return c
        lax.fori_loop(0, (CAPC + 16) // 16, fill_c, 0)

        def fill_e(i, c):
            es_v[pl.ds(i * 16, 16)] = NEGV
            return c
        lax.fori_loop(0, (CAPC + 16) // 16, fill_e, 0)

        def comp(i, off):
            v = gm_v[pl.ds(i * 16, 16)]
            msk = v >= t_vec
            gid = q * NG + i * 16 + IOTA
            _, gid_s, _ = plsc.sort_key_val(IOTA, gid, mask=msk)
            cand_v[pl.ds(off, 16)] = gid_s
            cnt = plsc.all_reduce_population_count(msk)[0]
            return jnp.minimum(off + cnt, CAPC)

        ncand = lax.fori_loop(0, NV, comp, jnp.asarray(0, i32), unroll=2)

        nch = jnp.minimum((ncand + (GCH - 1)) // GCH, NCH_MAX)

        cp0 = pltpu.async_copy(sc2_hbm.at[cand_v.at[pl.ds(0, GCH)]],
                               gath_v.at[0], sem)

        def chunk(c, off2):
            pltpu.async_copy(
                sc2_hbm.at[cand_v.at[pl.ds(
                    jnp.minimum(c + 1, NCH_MAX - 1) * GCH, GCH)]],
                gath_v.at[(c + 1) % 2], sem)
            pltpu.make_async_copy(
                sc2_hbm.at[cand_v.at[pl.ds(0, GCH)]],
                gath_v.at[0], sem).wait()

            def row(r, o2):
                sv = gath_v[c % 2, r]
                msk = sv >= t_vec
                ra = c * GCH + r
                rb = (ra // 16) * 16
                crow = cand_v[pl.ds(rb, 16)]
                gidspl = _gat(crow, ONE16 * (ra - rb))
                eidv = (gidspl - q * NG) * 16 + IOTA
                _, es_s, _ = plsc.sort_key_val(IOTA, sv, mask=msk)
                _, eid_s, _ = plsc.sort_key_val(IOTA, eidv, mask=msk)
                es_v[pl.ds(o2, 16)] = es_s
                eid_v[pl.ds(o2, 16)] = eid_s
                cnt = plsc.all_reduce_population_count(msk)[0]
                return jnp.minimum(o2 + cnt, CAPC)

            return lax.fori_loop(0, GCH, row, off2)

        nelem = lax.fori_loop(0, nch, chunk, jnp.asarray(0, i32))
        pltpu.make_async_copy(
            sc2_hbm.at[cand_v.at[pl.ds(0, GCH)]], gath_v.at[0], sem).wait()
        nv2 = (nelem + 15) // 16

        def extract(j, _):
            def scan(r, carry):
                m, wr = carry
                v = es_v[pl.ds(r * 16, 16)]
                better = v > m
                wr = jnp.where(better, ONE16 * r, wr)
                m = jnp.maximum(m, v)
                return m, wr

            m, wrs = lax.fori_loop(0, nv2, scan, (NEGV, ZERO16))
            msv = _splat_max(m)
            pos = jnp.where(m == msv, wrs * 16 + IOTA,
                            jnp.full((16,), 1 << 30, i32))
            posm = _splat_min(pos)
            lane = posm % 16
            wrv = posm // 16
            erow = eid_v[pl.ds(wrv[0] * 16, 16)]
            wev = _gat(erow, lane)

            jb = (j // 16) * 16
            jmask = IOTA == (j - jb)
            ov = outs_b[pl.ds(jb, 16)]
            outs_b[pl.ds(jb, 16)] = jnp.where(jmask, msv, ov)
            oi = outi_b[pl.ds(jb, 16)]
            outi_b[pl.ds(jb, 16)] = jnp.where(jmask, wev, oi)

            rb = wrv[0] * 16
            rmask = IOTA == lane
            rv = es_v[pl.ds(rb, 16)]
            es_v[pl.ds(rb, 16)] = jnp.where(rmask, NEGV, rv)
            return _

        lax.fori_loop(0, TOPK, extract, 0)

        pltpu.sync_copy(outs_b, outs_hbm.at[q])
        pltpu.sync_copy(outi_b, outi_hbm.at[q])
        return _

    lax.fori_loop(0, QPW, per_query, 0)


@functools.partial(
    pl.kernel,
    out_type=[
        jax.ShapeDtypeStruct((QH, TOPK), jnp.float32),
        jax.ShapeDtypeStruct((QH, TOPK), jnp.int32),
    ],
    mesh=plsc.VectorSubcoreMesh(core_axis_name="c", subcore_axis_name="s"),
    compiler_params=pltpu.CompilerParams(needs_layout_passes=False, use_tc_tiling_on_sc=False),
    scratch_types=[
        pltpu.VMEM((NG,), jnp.float32),
        pltpu.VMEM((CAPC + 32,), jnp.int32),
        pltpu.VMEM((2, GCH, 16), jnp.float32),
        pltpu.VMEM((CAPC + 32,), jnp.float32),
        pltpu.VMEM((CAPC + 32,), jnp.int32),
        pltpu.VMEM((TOPK,), jnp.float32),
        pltpu.VMEM((TOPK,), jnp.int32),
        pltpu.SemaphoreType.DMA,
    ],
)
def _sc_select(gm_hbm, sc2_hbm, outs_hbm, outi_hbm, *scratch):
    _sc_select_body(gm_hbm, sc2_hbm, outs_hbm, outi_hbm, *scratch)


@jax.jit
def _run(queries, keys):
    keys_padded = jnp.pad(keys, ((0, K_PAD - K_REAL), (0, 0)))
    outs = []
    for h in range(4):
        scores, gm_t = _phase1(queries[h * QH:(h + 1) * QH], keys_padded)
        sc2 = scores.reshape(QH * NG, G)
        outs.append(_sc_select(gm_t.T, sc2))
    return (jnp.concatenate([o[0] for o in outs]),
            jnp.concatenate([o[1] for o in outs]))


def kernel(queries, keys, to_rerank, k):
    top_scores, top_idx = _run(queries, keys)
    return top_scores, top_idx

# --- scband reference (transcript-rebuilt; emitter-appended) ---
"""Pipeline reference for scband-atlas-85993835200991 (READ-ONLY COPY).

The authoritative reference and input builder live on the scoring server;
editing this copy changes nothing except your own understanding.
"""

import jax, jax.numpy as jnp
import numpy as np

Q = 1024
K = 100000
D = 128
TO_RERANK = 128
TOPK = 64

def setup_inputs(seed: int = 0) -> dict:
    key = jax.random.key(seed)
    k1, k2 = jax.random.split(key)
    queries = jax.random.normal(k1, (Q, D), dtype=jnp.float32)
    keys = jax.random.normal(k2, (K, D), dtype=jnp.float32)
    return {"queries": queries, "keys": keys, "to_rerank": TO_RERANK, "k": TOPK}

def reference(queries, keys, to_rerank, k):
    # Stage 1: search_knn equivalent -- full inner-product scores + over-retrieve
    # (Atlas retrieves `n_to_rerank_with_retrieve_with_rerank` candidates first)
    scores = jnp.einsum('id,kd->ik', queries, keys)            # [Q, K]
    s1, idx1 = jax.lax.top_k(scores, TO_RERANK)                # [Q, to_rerank]
    # Stage 2: gather candidate passage embeddings, rerank exactly as in
    # retrieve_with_rerank: torch.einsum('id, ijd->ij', [query_emb, passage_emb])
    cand_emb = jnp.take(keys, idx1, axis=0)                    # [Q, to_rerank, D]
    rerank_scores = jnp.einsum('id,ijd->ij', queries, cand_emb)  # [Q, to_rerank]
    top_scores, top_local = jax.lax.top_k(rerank_scores, TOPK)  # [Q, k]
    top_idx = jnp.take_along_axis(idx1, top_local, axis=1)     # global passage ids
    dep = jnp.asarray(to_rerank) - jnp.asarray(to_rerank) + jnp.asarray(k) - jnp.asarray(k)
    top_scores = top_scores + dep.astype(top_scores.dtype)
    top_idx = top_idx + dep.astype(top_idx.dtype)
    return top_scores, top_idx

if __name__ == "__main__":
    import jax
    _d = setup_inputs()
    print(jax.jit(kernel)(*tuple(_d.values())))

</pallas_src>

<mosaic_0001>
#map = affine_map<(d0, d1) -> (0, 0)>
module attributes {stable_mosaic.version = 14 : i64} {
  func.func @_sc_select(%arg0: i32, %arg1: i32, %arg2: memref<256x6272xf32, #tpu.memory_space<hbm>>, %arg3: memref<1605632x16xf32, #tpu.memory_space<hbm>>, %arg4: memref<256x64xf32, #tpu.memory_space<hbm>>, %arg5: memref<256x64xi32, #tpu.memory_space<hbm>>, %arg6: memref<6272xf32, #tpu.memory_space<vmem>>, %arg7: memref<1056xi32, #tpu.memory_space<vmem>>, %arg8: memref<2x128x16xf32, #tpu.memory_space<vmem>>, %arg9: memref<1056xf32, #tpu.memory_space<vmem>>, %arg10: memref<1056xi32, #tpu.memory_space<vmem>>, %arg11: memref<64xf32, #tpu.memory_space<vmem>>, %arg12: memref<64xi32, #tpu.memory_space<vmem>>, %arg13: memref<!tpu.dma_semaphore, #tpu.memory_space<semaphore_mem>>) attributes {dimension_semantics = [#tpu.dimension_semantics<core_parallel>, #tpu.dimension_semantics<subcore_parallel>], iteration_bounds = array<i64: 2, 16>, scalar_prefetch = 0 : i64, scratch_operands = 8 : i64, tpu.core_type = #tpu.core_type<sc_vector_subcore>, window_params = [{transform_indices = #map}, {transform_indices = #map}, {transform_indices = #map}, {transform_indices = #map}]} {
    %iota3A = tpu.iota {dimensions = array<i32: 0>} : vector<16xi32>
    %broadcast_in_dim3A = arith.constant 0 : i32
    %broadcast_in_dim3A_0 = vector.broadcast %broadcast_in_dim3A : i32 to vector<16xi32>
    %broadcast_in_dim3A_1 = arith.constant 1 : i32
    %broadcast_in_dim3A_2 = vector.broadcast %broadcast_in_dim3A_1 : i32 to vector<16xi32>
    %broadcast_in_dim3A_3 = arith.constant -3.000000e+38 : f32
    %broadcast_in_dim3A_4 = vector.broadcast %broadcast_in_dim3A_3 : f32 to vector<16xf32>
    %mul3A = arith.constant 2 : i32
    %mul3A_5 = arith.muli %arg1, %mul3A : i32
    %add3A = arith.addi %mul3A_5, %arg0 : i32
    %scan3A = arith.constant 0 : i32
    %scan3A_6 = arith.constant 0 : i32
    %scan3A_7 = arith.constant 8 : i32
    %scan3A_8 = arith.addi %scan3A_6, %scan3A_7 : i32
    %scan3A_9 = arith.constant 1 : i32
    scf.for %scan3A_11 = %scan3A_6 to %scan3A_8 step %scan3A_9  : i32 {
      %mul3A_12 = arith.constant 8 : i32
      %mul3A_13 = arith.muli %add3A, %mul3A_12 : i32
      %add3A_14 = arith.addi %mul3A_13, %scan3A_11 : i32
      "tpu.region"() ({
        %run_scoped3A = tpu.sem_alloc : memref<!tpu.dma_semaphore, #tpu.memory_space<semaphore_mem>>
        %dma_start3A_254 = arith.constant 0 : i32
        %dma_start3A_255 = tpu.memref_slice %arg2[%add3A_14, %dma_start3A_254] : memref<256x6272xf32, #tpu.memory_space<hbm>> -> memref<1x6272xf32, #tpu.memory_space<hbm>>
        %dma_start3A_256 = tpu.memref_squeeze %dma_start3A_255 : memref<1x6272xf32, #tpu.memory_space<hbm>> -> memref<6272xf32, #tpu.memory_space<hbm>>
        %dma_start3A_257 = arith.constant 0 : i32
        %dma_start3A_258 = tpu.memref_slice %arg2[%add3A_14, %dma_start3A_257] : memref<256x6272xf32, #tpu.memory_space<hbm>> -> memref<1x6272xf32, #tpu.memory_space<hbm>>
        %dma_start3A_259 = tpu.memref_squeeze %dma_start3A_258 : memref<1x6272xf32, #tpu.memory_space<hbm>> -> memref<6272xf32, #tpu.memory_space<hbm>>
        tpu.enqueue_dma source(%dma_start3A_259 : memref<6272xf32, #tpu.memory_space<hbm>>) target(%arg6 : memref<6272xf32, #tpu.memory_space<vmem>>) target_semaphore(%run_scoped3A : memref<!tpu.dma_semaphore, #tpu.memory_space<semaphore_mem>>)
        %dma_wait3A_260 = arith.constant 0 : i32
        %dma_wait3A_261 = tpu.memref_slice %arg2[%add3A_14, %dma_wait3A_260] : memref<256x6272xf32, #tpu.memory_space<hbm>> -> memref<1x6272xf32, #tpu.memory_space<hbm>>
        %dma_wait3A_262 = tpu.memref_squeeze %dma_wait3A_261 : memref<1x6272xf32, #tpu.memory_space<hbm>> -> memref<6272xf32, #tpu.memory_space<hbm>>
        %dma_wait3A_263 = arith.constant 0 : i32
        %dma_wait3A_264 = tpu.memref_slice %arg2[%add3A_14, %dma_wait3A_263] : memref<256x6272xf32, #tpu.memory_space<hbm>> -> memref<1x6272xf32, #tpu.memory_space<hbm>>
        %dma_wait3A_265 = tpu.memref_squeeze %dma_wait3A_264 : memref<1x6272xf32, #tpu.memory_space<hbm>> -> memref<6272xf32, #tpu.memory_space<hbm>>
        tpu.wait_dma2 semaphore(%run_scoped3A : memref<!tpu.dma_semaphore, #tpu.memory_space<semaphore_mem>>) src(%dma_wait3A_265 : memref<6272xf32, #tpu.memory_space<hbm>>) dst(%arg6 : memref<6272xf32, #tpu.memory_space<vmem>>)
        tpu.yield
      }) : () -> ()
      %get3A = arith.constant 0 : index
      %get3A_15 = tpu.vector_load %arg6[%get3A] {strides = array<i32>} : memref<6272xf32, #tpu.memory_space<vmem>>, vector<16xf32>,
      %scan3A_16 = arith.constant 1 : i32
      %scan3A_17 = arith.constant 96 : i32
      %scan3A_18 = arith.addi %scan3A_16, %scan3A_17 : i32
      %scan3A_19 = arith.constant 4 : i32
      %scan3A_20 = scf.for %scan3A_254 = %scan3A_16 to %scan3A_18 step %scan3A_19 iter_args(%scan3A_255 = %get3A_15) -> (vector<16xf32>)  : i32 {
        %add3A_256 = arith.constant 0 : i32
        %add3A_257 = arith.addi %add3A_256, %scan3A_254 : i32
        %mul3A_258 = arith.constant 16 : i32
        %mul3A_259 = arith.muli %add3A_257, %mul3A_258 : i32
        %get3A_260 = arith.index_cast %mul3A_259 : i32 to index
        %get3A_261 = tpu.vector_load %arg6[%get3A_260] {strides = array<i32>} : memref<6272xf32, #tpu.memory_space<vmem>>, vector<16xf32>,
        %max3A_262 = arith.maximumf %scan3A_255, %get3A_261 : vector<16xf32>
        %scan3A_263 = arith.constant 1 : i32
        %scan3A_264 = arith.addi %scan3A_254, %scan3A_263 : i32
        %add3A_265 = arith.constant 0 : i32
        %add3A_266 = arith.addi %add3A_265, %scan3A_264 : i32
        %mul3A_267 = arith.constant 16 : i32
        %mul3A_268 = arith.muli %add3A_266, %mul3A_267 : i32
        %get3A_269 = arith.index_cast %mul3A_268 : i32 to index
        %get3A_270 = tpu.vector_load %arg6[%get3A_269] {strides = array<i32>} : memref<6272xf32, #tpu.memory_space<vmem>>, vector<16xf32>,
        %max3A_271 = arith.maximumf %max3A_262, %get3A_270 : vector<16xf32>
        %scan3A_272 = arith.constant 2 : i32
        %scan3A_273 = arith.addi %scan3A_254, %scan3A_272 : i32
        %add3A_274 = arith.constant 0 : i32
        %add3A_275 = arith.addi %add3A_274, %scan3A_273 : i32
        %mul3A_276 = arith.constant 16 : i32
        %mul3A_277 = arith.muli %add3A_275, %mul3A_276 : i32
        %get3A_278 = arith.index_cast %mul3A_277 : i32 to index
        %get3A_279 = tpu.vector_load %arg6[%get3A_278] {strides = array<i32>} : memref<6272xf32, #tpu.memory_space<vmem>>, vector<16xf32>,
        %max3A_280 = arith.maximumf %max3A_271, %get3A_279 : vector<16xf32>
        %scan3A_281 = arith.constant 3 : i32
        %scan3A_282 = arith.addi %scan3A_254, %scan3A_281 : i32
        %add3A_283 = arith.constant 0 : i32
        %add3A_284 = arith.addi %add3A_283, %scan3A_282 : i32
        %mul3A_285 = arith.constant 16 : i32
        %mul3A_286 = arith.muli %add3A_284, %mul3A_285 : i32
        %get3A_287 = arith.index_cast %mul3A_286 : i32 to index
        %get3A_288 = tpu.vector_load %arg6[%get3A_287] {strides = array<i32>} : memref<6272xf32, #tpu.memory_space<vmem>>, vector<16xf32>,
        %max3A_289 = arith.maximumf %max3A_280, %get3A_288 : vector<16xf32>
        scf.yield %max3A_289 : vector<16xf32>
      }
      %scan3A_21 = arith.constant 96 : i32
      %scan3A_22 = arith.addi %scan3A_16, %scan3A_21 : i32
      %add3A_23 = arith.constant 0 : i32
      %add3A_24 = arith.addi %add3A_23, %scan3A_22 : i32
      %mul3A_25 = arith.constant 16 : i32
      %mul3A_26 = arith.muli %add3A_24, %mul3A_25 : i32
      %get3A_27 = arith.index_cast %mul3A_26 : i32 to index
      %get3A_28 = tpu.vector_load %arg6[%get3A_27] {strides = array<i32>} : memref<6272xf32, #tpu.memory_space<vmem>>, vector<16xf32>,
      %max3A = arith.maximumf %scan3A_20, %get3A_28 : vector<16xf32>
      %scan3A_29 = arith.constant 97 : i32
      %get3A_30 = arith.constant 1568 : index
      %get3A_31 = tpu.vector_load %arg6[%get3A_30] {strides = array<i32>} : memref<6272xf32, #tpu.memory_space<vmem>>, vector<16xf32>,
      %scan3A_32 = arith.constant 1 : i32
      %scan3A_33 = arith.constant 96 : i32
      %scan3A_34 = arith.addi %scan3A_32, %scan3A_33 : i32
      %scan3A_35 = arith.constant 4 : i32
      %scan3A_36 = scf.for %scan3A_254 = %scan3A_32 to %scan3A_34 step %scan3A_35 iter_args(%scan3A_255 = %get3A_31) -> (vector<16xf32>)  : i32 {
        %add3A_256 = arith.constant 98 : i32
        %add3A_257 = arith.addi %add3A_256, %scan3A_254 : i32
        %mul3A_258 = arith.constant 16 : i32
        %mul3A_259 = arith.muli %add3A_257, %mul3A_258 : i32
        %get3A_260 = arith.index_cast %mul3A_259 : i32 to index
        %get3A_261 = tpu.vector_load %arg6[%get3A_260] {strides = array<i32>} : memref<6272xf32, #tpu.memory_space<vmem>>, vector<16xf32>,
        %max3A_262 = arith.maximumf %scan3A_255, %get3A_261 : vector<16xf32>
        %scan3A_263 = arith.constant 1 : i32
        %scan3A_264 = arith.addi %scan3A_254, %scan3A_263 : i32
        %add3A_265 = arith.constant 98 : i32
        %add3A_266 = arith.addi %add3A_265, %scan3A_264 : i32
        %mul3A_267 = arith.constant 16 : i32
        %mul3A_268 = arith.muli %add3A_266, %mul3A_267 : i32
        %get3A_269 = arith.index_cast %mul3A_268 : i32 to index
        %get3A_270 = tpu.vector_load %arg6[%get3A_269] {strides = array<i32>} : memref<6272xf32, #tpu.memory_space<vmem>>, vector<16xf32>,
        %max3A_271 = arith.maximumf %max3A_262, %get3A_270 : vector<16xf32>
        %scan3A_272 = arith.constant 2 : i32
        %scan3A_273 = arith.addi %scan3A_254, %scan3A_272 : i32
        %add3A_274 = arith.constant 98 : i32
        %add3A_275 = arith.addi %add3A_274, %scan3A_273 : i32
        %mul3A_276 = arith.constant 16 : i32
        %mul3A_277 = arith.muli %add3A_275, %mul3A_276 : i32
        %get3A_278 = arith.index_cast %mul3A_277 : i32 to index
        %get3A_279 = tpu.vector_load %arg6[%get3A_278] {strides = array<i32>} : memref<6272xf32, #tpu.memory_space<vmem>>, vector<16xf32>,
        %max3A_280 = arith.maximumf %max3A_271, %get3A_279 : vector<16xf32>
        %scan3A_281 = arith.constant 3 : i32
        %scan3A_282 = arith.addi %scan3A_254, %scan3A_281 : i32
        %add3A_283 = arith.constant 98 : i32
        %add3A_284 = arith.addi %add3A_283, %scan3A_282 : i32
        %mul3A_285 = arith.constant 16 : i32
        %mul3A_286 = arith.muli %add3A_284, %mul3A_285 : i32
        %get3A_287 = arith.index_cast %mul3A_286 : i32 to index
        %get3A_288 = tpu.vector_load %arg6[%get3A_287] {strides = array<i32>} : memref<6272xf32, #tpu.memory_space<vmem>>, vector<16xf32>,
        %max3A_289 = arith.maximumf %max3A_280, %get3A_288 : vector<16xf32>
        scf.yield %max3A_289 : vector<16xf32>
      }
      %scan3A_37 = arith.constant 96 : i32
      %scan3A_38 = arith.addi %scan3A_32, %scan3A_37 : i32
      %add3A_39 = arith.constant 98 : i32
      %add3A_40 = arith.addi %add3A_39, %scan3A_38 : i32
      %mul3A_41 = arith.constant 16 : i32
      %mul3A_42 = arith.muli %add3A_40, %mul3A_41 : i32
      %get3A_43 = arith.index_cast %mul3A_42 : i32 to index
      %get3A_44 = tpu.vector_load %arg6[%get3A_43] {strides = array<i32>} : memref<6272xf32, #tpu.memory_space<vmem>>, vector<16xf32>,
      %max3A_45 = arith.maximumf %scan3A_36, %get3A_44 : vector<16xf32>
      %scan3A_46 = arith.constant 97 : i32
      %min3A = arith.minimumf %max3A, %max3A_45 : vector<16xf32>
      %get3A_47 = arith.constant 3136 : index
      %get3A_48 = tpu.vector_load %arg6[%get3A_47] {strides = array<i32>} : memref<6272xf32, #tpu.memory_space<vmem>>, vector<16xf32>,
      %scan3A_49 = arith.constant 1 : i32
      %scan3A_50 = arith.constant 96 : i32
      %scan3A_51 = arith.addi %scan3A_49, %scan3A_50 : i32
      %scan3A_52 = arith.constant 4 : i32
      %scan3A_53 = scf.for %scan3A_254 = %scan3A_49 to %scan3A_51 step %scan3A_52 iter_args(%scan3A_255 = %get3A_48) -> (vector<16xf32>)  : i32 {
        %add3A_256 = arith.constant 196 : i32
        %add3A_257 = arith.addi %add3A_256, %scan3A_254 : i32
        %mul3A_258 = arith.constant 16 : i32
        %mul3A_259 = arith.muli %add3A_257, %mul3A_258 : i32
        %get3A_260 = arith.index_cast %mul3A_259 : i32 to index
        %get3A_261 = tpu.vector_load %arg6[%get3A_260] {strides = array<i32>} : memref<6272xf32, #tpu.memory_space<vmem>>, vector<16xf32>,
        %max3A_262 = arith.maximumf %scan3A_255, %get3A_261 : vector<16xf32>
        %scan3A_263 = arith.constant 1 : i32
        %scan3A_264 = arith.addi %scan3A_254, %scan3A_263 : i32
        %add3A_265 = arith.constant 196 : i32
        %add3A_266 = arith.addi %add3A_265, %scan3A_264 : i32
        %mul3A_267 = arith.constant 16 : i32
        %mul3A_268 = arith.muli %add3A_266, %mul3A_267 : i32
        %get3A_269 = arith.index_cast %mul3A_268 : i32 to index
        %get3A_270 = tpu.vector_load %arg6[%get3A_269] {strides = array<i32>} : memref<6272xf32, #tpu.memory_space<vmem>>, vector<16xf32>,
        %max3A_271 = arith.maximumf %max3A_262, %get3A_270 : vector<16xf32>
        %scan3A_272 = arith.constant 2 : i32
        %scan3A_273 = arith.addi %scan3A_254, %scan3A_272 : i32
        %add3A_274 = arith.constant 196 : i32
        %add3A_275 = arith.addi %add3A_274, %scan3A_273 : i32
        %mul3A_276 = arith.constant 16 : i32
        %mul3A_277 = arith.muli %add3A_275, %mul3A_276 : i32
        %get3A_278 = arith.index_cast %mul3A_277 : i32 to index
        %get3A_279 = tpu.vector_load %arg6[%get3A_278] {strides = array<i32>} : memref<6272xf32, #tpu.memory_space<vmem>>, vector<16xf32>,
        %max3A_280 = arith.maximumf %max3A_271, %get3A_279 : vector<16xf32>
        %scan3A_281 = arith.constant 3 : i32
        %scan3A_282 = arith.addi %scan3A_254, %scan3A_281 : i32
        %add3A_283 = arith.constant 196 : i32
        %add3A_284 = arith.addi %add3A_283, %scan3A_282 : i32
        %mul3A_285 = arith.constant 16 : i32
        %mul3A_286 = arith.muli %add3A_284, %mul3A_285 : i32
        %get3A_287 = arith.index_cast %mul3A_286 : i32 to index
        %get3A_288 = tpu.vector_load %arg6[%get3A_287] {strides = array<i32>} : memref<6272xf32, #tpu.memory_space<vmem>>, vector<16xf32>,
        %max3A_289 = arith.maximumf %max3A_280, %get3A_288 : vector<16xf32>
        scf.yield %max3A_289 : vector<16xf32>
      }
      %scan3A_54 = arith.constant 96 : i32
      %scan3A_55 = arith.addi %scan3A_49, %scan3A_54 : i32
      %add3A_56 = arith.constant 196 : i32
      %add3A_57 = arith.addi %add3A_56, %scan3A_55 : i32
      %mul3A_58 = arith.constant 16 : i32
      %mul3A_59 = arith.muli %add3A_57, %mul3A_58 : i32
      %get3A_60 = arith.index_cast %mul3A_59 : i32 to index
      %get3A_61 = tpu.vector_load %arg6[%get3A_60] {strides = array<i32>} : memref<6272xf32, #tpu.memory_space<vmem>>, vector<16xf32>,
      %max3A_62 = arith.maximumf %scan3A_53, %get3A_61 : vector<16xf32>
      %scan3A_63 = arith.constant 97 : i32
      %get3A_64 = arith.constant 4704 : index
      %get3A_65 = tpu.vector_load %arg6[%get3A_64] {strides = array<i32>} : memref<6272xf32, #tpu.memory_space<vmem>>, vector<16xf32>,
      %scan3A_66 = arith.constant 1 : i32
      %scan3A_67 = arith.constant 96 : i32
      %scan3A_68 = arith.addi %scan3A_66, %scan3A_67 : i32
      %scan3A_69 = arith.constant 4 : i32
      %scan3A_70 = scf.for %scan3A_254 = %scan3A_66 to %scan3A_68 step %scan3A_69 iter_args(%scan3A_255 = %get3A_65) -> (vector<16xf32>)  : i32 {
        %add3A_256 = arith.constant 294 : i32
        %add3A_257 = arith.addi %add3A_256, %scan3A_254 : i32
        %mul3A_258 = arith.constant 16 : i32
        %mul3A_259 = arith.muli %add3A_257, %mul3A_258 : i32
        %get3A_260 = arith.index_cast %mul3A_259 : i32 to index
        %get3A_261 = tpu.vector_load %arg6[%get3A_260] {strides = array<i32>} : memref<6272xf32, #tpu.memory_space<vmem>>, vector<16xf32>,
        %max3A_262 = arith.maximumf %scan3A_255, %get3A_261 : vector<16xf32>
        %scan3A_263 = arith.constant 1 : i32
        %scan3A_264 = arith.addi %scan3A_254, %scan3A_263 : i32
        %add3A_265 = arith.constant 294 : i32
        %add3A_266 = arith.addi %add3A_265, %scan3A_264 : i32
        %mul3A_267 = arith.constant 16 : i32
        %mul3A_268 = arith.muli %add3A_266, %mul3A_267 : i32
        %get3A_269 = arith.index_cast %mul3A_268 : i32 to index
        %get3A_270 = tpu.vector_load %arg6[%get3A_269] {strides = array<i32>} : memref<6272xf32, #tpu.memory_space<vmem>>, vector<16xf32>,
        %max3A_271 = arith.maximumf %max3A_262, %get3A_270 : vector<16xf32>
        %scan3A_272 = arith.constant 2 : i32
        %scan3A_273 = arith.addi %scan3A_254, %scan3A_272 : i32
        %add3A_274 = arith.constant 294 : i32
        %add3A_275 = arith.addi %add3A_274, %scan3A_273 : i32
        %mul3A_276 = arith.constant 16 : i32
        %mul3A_277 = arith.muli %add3A_275, %mul3A_276 : i32
        %get3A_278 = arith.index_cast %mul3A_277 : i32 to index
        %get3A_279 = tpu.vector_load %arg6[%get3A_278] {strides = array<i32>} : memref<6272xf32, #tpu.memory_space<vmem>>, vector<16xf32>,
        %max3A_280 = arith.maximumf %max3A_271, %get3A_279 : vector<16xf32>
        %scan3A_281 = arith.constant 3 : i32
        %scan3A_282 = arith.addi %scan3A_254, %scan3A_281 : i32
        %add3A_283 = arith.constant 294 : i32
        %add3A_284 = arith.addi %add3A_283, %scan3A_282 : i32
        %mul3A_285 = arith.constant 16 : i32
        %mul3A_286 = arith.muli %add3A_284, %mul3A_285 : i32
        %get3A_287 = arith.index_cast %mul3A_286 : i32 to index
        %get3A_288 = tpu.vector_load %arg6[%get3A_287] {strides = array<i32>} : memref<6272xf32, #tpu.memory_space<vmem>>, vector<16xf32>,
        %max3A_289 = arith.maximumf %max3A_280, %get3A_288 : vector<16xf32>
        scf.yield %max3A_289 : vector<16xf32>
      }
      %scan3A_71 = arith.constant 96 : i32
      %scan3A_72 = arith.addi %scan3A_66, %scan3A_71 : i32
      %add3A_73 = arith.constant 294 : i32
      %add3A_74 = arith.addi %add3A_73, %scan3A_72 : i32
      %mul3A_75 = arith.constant 16 : i32
      %mul3A_76 = arith.muli %add3A_74, %mul3A_75 : i32
      %get3A_77 = arith.index_cast %mul3A_76 : i32 to index
      %get3A_78 = tpu.vector_load %arg6[%get3A_77] {strides = array<i32>} : memref<6272xf32, #tpu.memory_space<vmem>>, vector<16xf32>,
      %max3A_79 = arith.maximumf %scan3A_70, %get3A_78 : vector<16xf32>
      %scan3A_80 = arith.constant 97 : i32
      %min3A_81 = arith.minimumf %max3A_62, %max3A_79 : vector<16xf32>
      %min3A_82 = arith.minimumf %min3A, %min3A_81 : vector<16xf32>
      %add3A_83 = arith.constant 8 : i32
      %add3A_84 = vector.broadcast %add3A_83 : i32 to vector<16xi32>
      %add3A_85 = arith.addi %iota3A, %add3A_84 : vector<16xi32>
      %and3A = arith.constant 15 : i32
      %and3A_86 = vector.broadcast %and3A : i32 to vector<16xi32>
      %and3A_87 = arith.andi %add3A_85, %and3A_86 : vector<16xi32>
      %lt3A = arith.constant 0 : i32
      %lt3A_88 = vector.broadcast %lt3A : i32 to vector<16xi32>
      %lt3A_89 = arith.cmpi slt, %and3A_87, %lt3A_88 : vector<16xi32>
      %add3A_90 = arith.constant 16 : i32
      %add3A_91 = vector.broadcast %add3A_90 : i32 to vector<16xi32>
      %add3A_92 = arith.addi %and3A_87, %add3A_91 : vector<16xi32>
      %select_n3A = arith.select %lt3A_89, %add3A_92, %and3A_87 : vector<16xi1>, vector<16xi32>
      %broadcast_in_dim3A_93 = vector.shape_cast %select_n3A : vector<16xi32> to vector<16x1xi32>
      %gather3A = vector.shape_cast %broadcast_in_dim3A_93 : vector<16x1xi32> to vector<16xi32>
      %gather3A_94 = tpu.dynamic_gather %min3A_82[%gather3A] in [0] : vector<16xf32>, vector<16xi32> -> vector<16xf32>
      %min3A_95 = arith.minimumf %min3A_82, %gather3A_94 : vector<16xf32>
      %add3A_96 = arith.constant 4 : i32
      %add3A_97 = vector.broadcast %add3A_96 : i32 to vector<16xi32>
      %add3A_98 = arith.addi %iota3A, %add3A_97 : vector<16xi32>
      %and3A_99 = arith.constant 15 : i32
      %and3A_100 = vector.broadcast %and3A_99 : i32 to vector<16xi32>
      %and3A_101 = arith.andi %add3A_98, %and3A_100 : vector<16xi32>
      %lt3A_102 = arith.constant 0 : i32
      %lt3A_103 = vector.broadcast %lt3A_102 : i32 to vector<16xi32>
      %lt3A_104 = arith.cmpi slt, %and3A_101, %lt3A_103 : vector<16xi32>
      %add3A_105 = arith.constant 16 : i32
      %add3A_106 = vector.broadcast %add3A_105 : i32 to vector<16xi32>
      %add3A_107 = arith.addi %and3A_101, %add3A_106 : vector<16xi32>
      %select_n3A_108 = arith.select %lt3A_104, %add3A_107, %and3A_101 : vector<16xi1>, vector<16xi32>
      %broadcast_in_dim3A_109 = vector.shape_cast %select_n3A_108 : vector<16xi32> to vector<16x1xi32>
      %gather3A_110 = vector.shape_cast %broadcast_in_dim3A_109 : vector<16x1xi32> to vector<16xi32>
      %gather3A_111 = tpu.dynamic_gather %min3A_95[%gather3A_110] in [0] : vector<16xf32>, vector<16xi32> -> vector<16xf32>
      %min3A_112 = arith.minimumf %min3A_95, %gather3A_111 : vector<16xf32>
      %add3A_113 = arith.constant 2 : i32
      %add3A_114 = vector.broadcast %add3A_113 : i32 to vector<16xi32>
      %add3A_115 = arith.addi %iota3A, %add3A_114 : vector<16xi32>
      %and3A_116 = arith.constant 15 : i32
      %and3A_117 = vector.broadcast %and3A_116 : i32 to vector<16xi32>
      %and3A_118 = arith.andi %add3A_115, %and3A_117 : vector<16xi32>
      %lt3A_119 = arith.constant 0 : i32
      %lt3A_120 = vector.broadcast %lt3A_119 : i32 to vector<16xi32>
      %lt3A_121 = arith.cmpi slt, %and3A_118, %lt3A_120 : vector<16xi32>
      %add3A_122 = arith.constant 16 : i32
      %add3A_123 = vector.broadcast %add3A_122 : i32 to vector<16xi32>
      %add3A_124 = arith.addi %and3A_118, %add3A_123 : vector<16xi32>
      %select_n3A_125 = arith.select %lt3A_121, %add3A_124, %and3A_118 : vector<16xi1>, vector<16xi32>
      %broadcast_in_dim3A_126 = vector.shape_cast %select_n3A_125 : vector<16xi32> to vector<16x1xi32>
      %gather3A_127 = vector.shape_cast %broadcast_in_dim3A_126 : vector<16x1xi32> to vector<16xi32>
      %gather3A_128 = tpu.dynamic_gather %min3A_112[%gather3A_127] in [0] : vector<16xf32>, vector<16xi32> -> vector<16xf32>
      %min3A_129 = arith.minimumf %min3A_112, %gather3A_128 : vector<16xf32>
      %add3A_130 = arith.constant 1 : i32
      %add3A_131 = vector.broadcast %add3A_130 : i32 to vector<16xi32>
      %add3A_132 = arith.addi %iota3A, %add3A_131 : vector<16xi32>
      %and3A_133 = arith.constant 15 : i32
      %and3A_134 = vector.broadcast %and3A_133 : i32 to vector<16xi32>
      %and3A_135 = arith.andi %add3A_132, %and3A_134 : vector<16xi32>
      %lt3A_136 = arith.constant 0 : i32
      %lt3A_137 = vector.broadcast %lt3A_136 : i32 to vector<16xi32>
      %lt3A_138 = arith.cmpi slt, %and3A_135, %lt3A_137 : vector<16xi32>
      %add3A_139 = arith.constant 16 : i32
      %add3A_140 = vector.broadcast %add3A_139 : i32 to vector<16xi32>
      %add3A_141 = arith.addi %and3A_135, %add3A_140 : vector<16xi32>
      %select_n3A_142 = arith.select %lt3A_138, %add3A_141, %and3A_135 : vector<16xi1>, vector<16xi32>
      %broadcast_in_dim3A_143 = vector.shape_cast %select_n3A_142 : vector<16xi32> to vector<16x1xi32>
      %gather3A_144 = vector.shape_cast %broadcast_in_dim3A_143 : vector<16x1xi32> to vector<16xi32>
      %gather3A_145 = tpu.dynamic_gather %min3A_129[%gather3A_144] in [0] : vector<16xf32>, vector<16xi32> -> vector<16xf32>
      %min3A_146 = arith.minimumf %min3A_129, %gather3A_145 : vector<16xf32>
      %mul3A_147 = arith.constant 6272 : i32
      %mul3A_148 = arith.muli %add3A_14, %mul3A_147 : i32
      %add3A_149 = arith.constant 6271 : i32
      %add3A_150 = arith.addi %mul3A_148, %add3A_149 : i32
      %broadcast_in_dim3A_151 = vector.broadcast %add3A_150 : i32 to vector<16xi32>
      %scan3A_152 = arith.constant 0 : i32
      %scan3A_153 = arith.constant 0 : i32
      %scan3A_154 = arith.constant 65 : i32
      %scan3A_155 = arith.addi %scan3A_153, %scan3A_154 : i32
      %scan3A_156 = arith.constant 1 : i32
      scf.for %scan3A_254 = %scan3A_153 to %scan3A_155 step %scan3A_156  : i32 {
        %mul3A_255 = arith.constant 16 : i32
        %mul3A_256 = arith.muli %scan3A_254, %mul3A_255 : i32
        %swap3A = arith.index_cast %mul3A_256 : i32 to index
        %swap3A_257 = tpu.vector_load %arg7[%swap3A] {strides = array<i32>} : memref<1056xi32, #tpu.memory_space<vmem>>, vector<16xi32>,
        tpu.vector_store %arg7[%swap3A], %broadcast_in_dim3A_151 {strides = array<i32>} : memref<1056xi32, #tpu.memory_space<vmem>>, vector<16xi32>,
      }
      %scan3A_157 = arith.constant 65 : i32
      %scan3A_158 = arith.constant 0 : i32
      %scan3A_159 = arith.constant 0 : i32
      %scan3A_160 = arith.constant 65 : i32
      %scan3A_161 = arith.addi %scan3A_159, %scan3A_160 : i32
      %scan3A_162 = arith.constant 1 : i32
      scf.for %scan3A_254 = %scan3A_159 to %scan3A_161 step %scan3A_162  : i32 {
        %mul3A_255 = arith.constant 16 : i32
        %mul3A_256 = arith.muli %scan3A_254, %mul3A_255 : i32
        %swap3A = arith.index_cast %mul3A_256 : i32 to index
        %swap3A_257 = tpu.vector_load %arg9[%swap3A] {strides = array<i32>} : memref<1056xf32, #tpu.memory_space<vmem>>, vector<16xf32>,
        tpu.vector_store %arg9[%swap3A], %broadcast_in_dim3A_4 {strides = array<i32>} : memref<1056xf32, #tpu.memory_space<vmem>>, vector<16xf32>,
      }
      %scan3A_163 = arith.constant 65 : i32
      %scan3A_164 = arith.constant 0 : i32
      %scan3A_165 = arith.constant 0 : i32
      %scan3A_166 = arith.constant 392 : i32
      %scan3A_167 = arith.addi %scan3A_165, %scan3A_166 : i32
      %scan3A_168 = arith.constant 2 : i32
      %scan3A_169 = scf.for %scan3A_254 = %scan3A_165 to %scan3A_167 step %scan3A_168 iter_args(%scan3A_255 = %scan3A_164) -> (i32)  : i32 {
        %mul3A_256 = arith.constant 16 : i32
        %mul3A_257 = arith.muli %scan3A_254, %mul3A_256 : i32
        %get3A_258 = arith.index_cast %mul3A_257 : i32 to index
        %get3A_259 = tpu.vector_load %arg6[%get3A_258] {strides = array<i32>} : memref<6272xf32, #tpu.memory_space<vmem>>, vector<16xf32>,
        %ge3A = arith.cmpf oge, %get3A_259, %min3A_146 : vector<16xf32>
        %mul3A_260 = arith.constant 6272 : i32
        %mul3A_261 = arith.muli %add3A_14, %mul3A_260 : i32
        %mul3A_262 = arith.constant 16 : i32
        %mul3A_263 = arith.muli %scan3A_254, %mul3A_262 : i32
        %add3A_264 = arith.addi %mul3A_261, %mul3A_263 : i32
        %add3A_265 = vector.broadcast %add3A_264 : i32 to vector<16xi32>
        %add3A_266 = arith.addi %add3A_265, %iota3A : vector<16xi32>
        %masked_sort3A = arith.constant -2147483648 : i32
        %masked_sort3A_267 = vector.broadcast %masked_sort3A : i32 to vector<16xi32>
        %masked_sort3A_268 = arith.xori %iota3A, %masked_sort3A_267 : vector<16xi32>
        %masked_sort3A_269, %masked_sort3A_270, %masked_sort3A_271 = tpu.sort %masked_sort3A_268, %add3A_266 masked %ge3A : (vector<16xi32>, vector<16xi32>, vector<16xi1>) -> (vector<16xi1>, vector<16xi32>, vector<16xi32>)
        %masked_sort3A_272 = arith.xori %masked_sort3A_270, %masked_sort3A_267 : vector<16xi32>
        %swap3A = arith.index_cast %scan3A_255 : i32 to index
        %swap3A_273 = tpu.vector_load %arg7[%swap3A] {strides = array<i32>} : memref<1056xi32, #tpu.memory_space<vmem>>, vector<16xi32>,
        tpu.vector_store %arg7[%swap3A], %masked_sort3A_271 {strides = array<i32>} : memref<1056xi32, #tpu.memory_space<vmem>>, vector<16xi32>,
        %all_reduce_population_count3A = tpu.all_reduce %ge3A {dim = 0 : i64, kind = #tpu.reduction_kind<sum>} : vector<16xi1> -> vector<16xi32>
        %slice3A = vector.extract_strided_slice %all_reduce_population_count3A {offsets = [0], sizes = [1], strides = [1]} : vector<16xi32> to vector<1xi32>
        %squeeze3A = vector.extract %slice3A[0] : i32 from vector<1xi32>
        %add3A_274 = arith.addi %scan3A_255, %squeeze3A : i32
        %min3A_275 = arith.constant 1024 : i32
        %min3A_276 = arith.minsi %add3A_274, %min3A_275 : i32
        %scan3A_277 = arith.constant 1 : i32
        %scan3A_278 = arith.addi %scan3A_254, %scan3A_277 : i32
        %mul3A_279 = arith.constant 16 : i32
        %mul3A_280 = arith.muli %scan3A_278, %mul3A_279 : i32
        %get3A_281 = arith.index_cast %mul3A_280 : i32 to index
        %get3A_282 = tpu.vector_load %arg6[%get3A_281] {strides = array<i32>} : memref<6272xf32, #tpu.memory_space<vmem>>, vector<16xf32>,
        %ge3A_283 = arith.cmpf oge, %get3A_282, %min3A_146 : vector<16xf32>
        %mul3A_284 = arith.constant 6272 : i32
        %mul3A_285 = arith.muli %add3A_14, %mul3A_284 : i32
        %mul3A_286 = arith.constant 16 : i32
        %mul3A_287 = arith.muli %scan3A_278, %mul3A_286 : i32
        %add3A_288 = arith.addi %mul3A_285, %mul3A_287 : i32
        %add3A_289 = vector.broadcast %add3A_288 : i32 to vector<16xi32>
        %add3A_290 = arith.addi %add3A_289, %iota3A : vector<16xi32>
        %masked_sort3A_291 = arith.constant -2147483648 : i32
        %masked_sort3A_292 = vector.broadcast %masked_sort3A_291 : i32 to vector<16xi32>
        %masked_sort3A_293 = arith.xori %iota3A, %masked_sort3A_292 : vector<16xi32>
        %masked_sort3A_294, %masked_sort3A_295, %masked_sort3A_296 = tpu.sort %masked_sort3A_293, %add3A_290 masked %ge3A_283 : (vector<16xi32>, vector<16xi32>, vector<16xi1>) -> (vector<16xi1>, vector<16xi32>, vector<16xi32>)
        %masked_sort3A_297 = arith.xori %masked_sort3A_295, %masked_sort3A_292 : vector<16xi32>
        %swap3A_298 = arith.index_cast %min3A_276 : i32 to index
        %swap3A_299 = tpu.vector_load %arg7[%swap3A_298] {strides = array<i32>} : memref<1056xi32, #tpu.memory_space<vmem>>, vector<16xi32>,
        tpu.vector_store %arg7[%swap3A_298], %masked_sort3A_296 {strides = array<i32>} : memref<1056xi32, #tpu.memory_space<vmem>>, vector<16xi32>,
        %all_reduce_population_count3A_300 = tpu.all_reduce %ge3A_283 {dim = 0 : i64, kind = #tpu.reduction_kind<sum>} : vector<16xi1> -> vector<16xi32>
        %slice3A_301 = vector.extract_strided_slice %all_reduce_population_count3A_300 {offsets = [0], sizes = [1], strides = [1]} : vector<16xi32> to vector<1xi32>
        %squeeze3A_302 = vector.extract %slice3A_301[0] : i32 from vector<1xi32>
        %add3A_303 = arith.addi %min3A_276, %squeeze3A_302 : i32
        %min3A_304 = arith.constant 1024 : i32
        %min3A_305 = arith.minsi %add3A_303, %min3A_304 : i32
        scf.yield %min3A_305 : i32
      }
      %scan3A_170 = arith.constant 392 : i32
      %add3A_171 = arith.constant 127 : i32
      %add3A_172 = arith.addi %scan3A_169, %add3A_171 : i32
      %jit3A = arith.constant 128 : i32
      %div3A = arith.divsi %add3A_172, %jit3A : i32
      %sign3A = arith.constant 0 : i32
      %sign3A_173 = arith.cmpi sgt, %add3A_172, %sign3A : i32
      %sign3A_174 = arith.extui %sign3A_173 : i1 to i32
      %sign3A_175 = arith.constant 0 : i32
      %sign3A_176 = arith.cmpi slt, %add3A_172, %sign3A_175 : i32
      %sign3A_177 = arith.extui %sign3A_176 : i1 to i32
      %sign3A_178 = arith.subi %sign3A_174, %sign3A_177 : i32
      %sign3A_179 = arith.constant 0 : i32
      %sign3A_180 = arith.cmpi sgt, %jit3A, %sign3A_179 : i32
      %sign3A_181 = arith.extui %sign3A_180 : i1 to i32
      %sign3A_182 = arith.constant 0 : i32
      %sign3A_183 = arith.cmpi slt, %jit3A, %sign3A_182 : i32
      %sign3A_184 = arith.extui %sign3A_183 : i1 to i32
      %sign3A_185 = arith.subi %sign3A_181, %sign3A_184 : i32
      %ne3A = arith.cmpi ne, %sign3A_178, %sign3A_185 : i32
      %rem3A = arith.remsi %add3A_172, %jit3A : i32
      %ne3A_186 = arith.constant 0 : i32
      %ne3A_187 = arith.cmpi ne, %rem3A, %ne3A_186 : i32
      %and3A_188 = arith.andi %ne3A, %ne3A_187 : i1
      %sub3A = arith.constant 1 : i32
      %sub3A_189 = arith.subi %div3A, %sub3A : i32
      %select_n3A_190 = arith.select %and3A_188, %sub3A_189, %div3A : i32
      %min3A_191 = arith.constant 8 : i32
      %min3A_192 = arith.minsi %select_n3A_190, %min3A_191 : i32
      %dma_start3A = arith.constant 0 : i32
      %dma_start3A_193 = arith.constant 0 : i32
      %dma_start3A_194 = arith.constant 0 : i32
      %dma_start3A_195 = tpu.memref_slice %arg8[%dma_start3A, %dma_start3A_193, %dma_start3A_194] : memref<2x128x16xf32, #tpu.memory_space<vmem>> -> memref<1x128x16xf32, #tpu.memory_space<vmem>>
      %dma_start3A_196 = tpu.memref_squeeze %dma_start3A_195 : memref<1x128x16xf32, #tpu.memory_space<vmem>> -> memref<128x16xf32, #tpu.memory_space<vmem>>
      %dma_start3A_197 = arith.constant 0 : i32
      %dma_start3A_198 = tpu.memref_slice %arg7[%dma_start3A_197] : memref<1056xi32, #tpu.memory_space<vmem>> -> memref<128xi32, #tpu.memory_space<vmem>>
      %dma_start3A_199 = arith.constant 0 : i32
      %dma_start3A_200 = arith.constant 0 : i32
      %dma_start3A_201 = tpu.memref_slice %arg3[%dma_start3A_199, %dma_start3A_200] : memref<1605632x16xf32, #tpu.memory_space<hbm>> -> memref<1605632x16xf32, #tpu.memory_space<hbm>>
      tpu.enqueue_indirect_dma source(%dma_start3A_201 : memref<1605632x16xf32, #tpu.memory_space<hbm>>) target(%dma_start3A_196 : memref<128x16xf32, #tpu.memory_space<vmem>>) offsets(%dma_start3A_198 : memref<128xi32, #tpu.memory_space<vmem>>) semaphore(%arg13 : memref<!tpu.dma_semaphore, #tpu.memory_space<semaphore_mem>>)
      %while3A = arith.constant 0 : i32
      %while3A_202 = arith.constant 0 : i32
      %while3A_203 = arith.subi %min3A_192, %while3A : i32
      %while3A_204 = arith.addi %while3A, %while3A_203 : i32
      %while3A_205 = arith.constant 1 : i32
      %while3A_206 = arith.divsi %while3A_203, %while3A_205 : i32
      %while3A_207 = arith.muli %while3A_206, %while3A_205 : i32
      %while3A_208 = arith.addi %while3A, %while3A_207 : i32
      %while3A_209 = arith.constant 1 : i32
      %while3A_210 = scf.for %while3A_254 = %while3A to %while3A_208 step %while3A_209 iter_args(%while3A_255 = %while3A_202) -> (i32)  : i32 {
        %add3A_256 = arith.constant 1 : i32
        %add3A_257 = arith.addi %while3A_254, %add3A_256 : i32
        %min3A_258 = arith.constant 7 : i32
        %min3A_259 = arith.minsi %add3A_257, %min3A_258 : i32
        %mul3A_260 = arith.constant 128 : i32
        %mul3A_261 = arith.muli %min3A_259, %mul3A_260 : i32
        %add3A_262 = arith.constant 1 : i32
        %add3A_263 = arith.addi %while3A_254, %add3A_262 : i32
        %jit3A_264 = arith.constant 2 : i32
        %eq3A = arith.constant 0 : i32
        %eq3A_265 = arith.cmpi eq, %jit3A_264, %eq3A : i32
        %jit3A_266 = arith.constant 1 : i32
        %select_n3A_267 = arith.select %eq3A_265, %jit3A_266, %jit3A_264 : i32
        %rem3A_268 = arith.remsi %add3A_263, %select_n3A_267 : i32
        %ne3A_269 = arith.constant 0 : i32
        %ne3A_270 = arith.cmpi ne, %rem3A_268, %ne3A_269 : i32
        %lt3A_271 = arith.constant 0 : i32
        %lt3A_272 = arith.cmpi slt, %rem3A_268, %lt3A_271 : i32
        %lt3A_273 = arith.constant 0 : i32
        %lt3A_274 = arith.cmpi slt, %select_n3A_267, %lt3A_273 : i32
        %ne3A_275 = arith.xori %lt3A_272, %lt3A_274 : i1
        %and3A_276 = arith.andi %ne3A_275, %ne3A_270 : i1
        %add3A_277 = arith.addi %rem3A_268, %select_n3A_267 : i32
        %select_n3A_278 = arith.select %and3A_276, %add3A_277, %rem3A_268 : i32
        %dma_start3A_279 = arith.constant 0 : i32
        %dma_start3A_280 = arith.constant 0 : i32
        %dma_start3A_281 = tpu.memref_slice %arg8[%select_n3A_278, %dma_start3A_279, %dma_start3A_280] : memref<2x128x16xf32, #tpu.memory_space<vmem>> -> memref<1x128x16xf32, #tpu.memory_space<vmem>>
        %dma_start3A_282 = tpu.memref_squeeze %dma_start3A_281 : memref<1x128x16xf32, #tpu.memory_space<vmem>> -> memref<128x16xf32, #tpu.memory_space<vmem>>
        %dma_start3A_283 = tpu.memref_slice %arg7[%mul3A_261] : memref<1056xi32, #tpu.memory_space<vmem>> -> memref<128xi32, #tpu.memory_space<vmem>>
        %dma_start3A_284 = arith.constant 0 : i32
        %dma_start3A_285 = arith.constant 0 : i32
        %dma_start3A_286 = tpu.memref_slice %arg3[%dma_start3A_284, %dma_start3A_285] : memref<1605632x16xf32, #tpu.memory_space<hbm>> -> memref<1605632x16xf32, #tpu.memory_space<hbm>>
        tpu.enqueue_indirect_dma source(%dma_start3A_286 : memref<1605632x16xf32, #tpu.memory_space<hbm>>) target(%dma_start3A_282 : memref<128x16xf32, #tpu.memory_space<vmem>>) offsets(%dma_start3A_283 : memref<128xi32, #tpu.memory_space<vmem>>) semaphore(%arg13 : memref<!tpu.dma_semaphore, #tpu.memory_space<semaphore_mem>>)
        %dma_wait3A_287 = arith.constant 0 : i32
        %dma_wait3A_288 = arith.constant 0 : i32
        %dma_wait3A_289 = arith.constant 0 : i32
        %dma_wait3A_290 = tpu.memref_slice %arg8[%dma_wait3A_287, %dma_wait3A_288, %dma_wait3A_289] : memref<2x128x16xf32, #tpu.memory_space<vmem>> -> memref<1x128x16xf32, #tpu.memory_space<vmem>>
        %dma_wait3A_291 = tpu.memref_squeeze %dma_wait3A_290 : memref<1x128x16xf32, #tpu.memory_space<vmem>> -> memref<128x16xf32, #tpu.memory_space<vmem>>
        %dma_wait3A_292 = arith.constant 0 : i32
        %dma_wait3A_293 = tpu.memref_slice %arg7[%dma_wait3A_292] : memref<1056xi32, #tpu.memory_space<vmem>> -> memref<128xi32, #tpu.memory_space<vmem>>
        %dma_wait3A_294 = arith.constant 0 : i32
        %dma_wait3A_295 = arith.constant 0 : i32
        %dma_wait3A_296 = tpu.memref_slice %arg3[%dma_wait3A_294, %dma_wait3A_295] : memref<1605632x16xf32, #tpu.memory_space<hbm>> -> memref<1605632x16xf32, #tpu.memory_space<hbm>>
        tpu.wait_indirect_dma semaphore(%arg13 : memref<!tpu.dma_semaphore, #tpu.memory_space<semaphore_mem>>) src(%dma_wait3A_296 : memref<1605632x16xf32, #tpu.memory_space<hbm>>) dst(%dma_wait3A_291 : memref<128x16xf32, #tpu.memory_space<vmem>>)
        %scan3A_297 = arith.constant 0 : i32
        %scan3A_298 = arith.constant 128 : i32
        %scan3A_299 = arith.addi %scan3A_297, %scan3A_298 : i32
        %scan3A_300 = arith.constant 1 : i32
        %scan3A_301 = scf.for %scan3A_303 = %scan3A_297 to %scan3A_299 step %scan3A_300 iter_args(%scan3A_304 = %while3A_255) -> (i32)  : i32 {
          %jit3A_305 = arith.constant 2 : i32
          %eq3A_306 = arith.constant 0 : i32
          %eq3A_307 = arith.cmpi eq, %jit3A_305, %eq3A_306 : i32
          %jit3A_308 = arith.constant 1 : i32
          %select_n3A_309 = arith.select %eq3A_307, %jit3A_308, %jit3A_305 : i32
          %rem3A_310 = arith.remsi %while3A_254, %select_n3A_309 : i32
          %ne3A_311 = arith.constant 0 : i32
          %ne3A_312 = arith.cmpi ne, %rem3A_310, %ne3A_311 : i32
          %lt3A_313 = arith.constant 0 : i32
          %lt3A_314 = arith.cmpi slt, %rem3A_310, %lt3A_313 : i32
          %lt3A_315 = arith.constant 0 : i32
          %lt3A_316 = arith.cmpi slt, %select_n3A_309, %lt3A_315 : i32
          %ne3A_317 = arith.xori %lt3A_314, %lt3A_316 : i1
          %and3A_318 = arith.andi %ne3A_317, %ne3A_312 : i1
          %add3A_319 = arith.addi %rem3A_310, %select_n3A_309 : i32
          %select_n3A_320 = arith.select %and3A_318, %add3A_319, %rem3A_310 : i32
          %get3A_321 = arith.index_cast %select_n3A_320 : i32 to index
          %get3A_322 = arith.index_cast %scan3A_303 : i32 to index
          %get3A_323 = arith.constant 0 : index
          %get3A_324 = tpu.vector_load %arg8[%get3A_321, %get3A_322, %get3A_323] {strides = array<i32>} : memref<2x128x16xf32, #tpu.memory_space<vmem>>, vector<16xf32>,
          %ge3A = arith.cmpf oge, %get3A_324, %min3A_146 : vector<16xf32>
          %mul3A_325 = arith.constant 128 : i32
          %mul3A_326 = arith.muli %while3A_254, %mul3A_325 : i32
          %add3A_327 = arith.addi %mul3A_326, %scan3A_303 : i32
          %jit3A_328 = arith.constant 16 : i32
          %div3A_329 = arith.divsi %add3A_327, %jit3A_328 : i32
          %sign3A_330 = arith.constant 0 : i32
          %sign3A_331 = arith.cmpi sgt, %add3A_327, %sign3A_330 : i32
          %sign3A_332 = arith.extui %sign3A_331 : i1 to i32
          %sign3A_333 = arith.constant 0 : i32
          %sign3A_334 = arith.cmpi slt, %add3A_327, %sign3A_333 : i32
          %sign3A_335 = arith.extui %sign3A_334 : i1 to i32
          %sign3A_336 = arith.subi %sign3A_332, %sign3A_335 : i32
          %sign3A_337 = arith.constant 0 : i32
          %sign3A_338 = arith.cmpi sgt, %jit3A_328, %sign3A_337 : i32
          %sign3A_339 = arith.extui %sign3A_338 : i1 to i32
          %sign3A_340 = arith.constant 0 : i32
          %sign3A_341 = arith.cmpi slt, %jit3A_328, %sign3A_340 : i32
          %sign3A_342 = arith.extui %sign3A_341 : i1 to i32
          %sign3A_343 = arith.subi %sign3A_339, %sign3A_342 : i32
          %ne3A_344 = arith.cmpi ne, %sign3A_336, %sign3A_343 : i32
          %rem3A_345 = arith.remsi %add3A_327, %jit3A_328 : i32
          %ne3A_346 = arith.constant 0 : i32
          %ne3A_347 = arith.cmpi ne, %rem3A_345, %ne3A_346 : i32
          %and3A_348 = arith.andi %ne3A_344, %ne3A_347 : i1
          %sub3A_349 = arith.constant 1 : i32
          %sub3A_350 = arith.subi %div3A_329, %sub3A_349 : i32
          %select_n3A_351 = arith.select %and3A_348, %sub3A_350, %div3A_329 : i32
          %mul3A_352 = arith.constant 16 : i32
          %mul3A_353 = arith.muli %select_n3A_351, %mul3A_352 : i32
          %get3A_354 = arith.index_cast %mul3A_353 : i32 to index
          %get3A_355 = tpu.vector_load %arg7[%get3A_354] {strides = array<i32>} : memref<1056xi32, #tpu.memory_space<vmem>>, vector<16xi32>,
          %sub3A_356 = arith.subi %add3A_327, %mul3A_353 : i32
          %mul3A_357 = vector.broadcast %sub3A_356 : i32 to vector<16xi32>
          %mul3A_358 = arith.muli %broadcast_in_dim3A_2, %mul3A_357 : vector<16xi32>
          %lt3A_359 = arith.constant 0 : i32
          %lt3A_360 = vector.broadcast %lt3A_359 : i32 to vector<16xi32>
          %lt3A_361 = arith.cmpi slt, %mul3A_358, %lt3A_360 : vector<16xi32>
          %add3A_362 = arith.constant 16 : i32
          %add3A_363 = vector.broadcast %add3A_362 : i32 to vector<16xi32>
          %add3A_364 = arith.addi %mul3A_358, %add3A_363 : vector<16xi32>
          %select_n3A_365 = arith.select %lt3A_361, %add3A_364, %mul3A_358 : vector<16xi1>, vector<16xi32>
          %broadcast_in_dim3A_366 = vector.shape_cast %select_n3A_365 : vector<16xi32> to vector<16x1xi32>
          %gather3A_367 = vector.shape_cast %broadcast_in_dim3A_366 : vector<16x1xi32> to vector<16xi32>
          %gather3A_368 = tpu.dynamic_gather %get3A_355[%gather3A_367] in [0] : vector<16xi32>, vector<16xi32> -> vector<16xi32>
          %mul3A_369 = arith.constant 6272 : i32
          %mul3A_370 = arith.muli %add3A_14, %mul3A_369 : i32
          %sub3A_371 = vector.broadcast %mul3A_370 : i32 to vector<16xi32>
          %sub3A_372 = arith.subi %gather3A_368, %sub3A_371 : vector<16xi32>
          %mul3A_373 = arith.constant 16 : i32
          %mul3A_374 = vector.broadcast %mul3A_373 : i32 to vector<16xi32>
          %mul3A_375 = arith.muli %sub3A_372, %mul3A_374 : vector<16xi32>
          %add3A_376 = arith.addi %mul3A_375, %iota3A : vector<16xi32>
          %masked_sort3A = arith.constant -2147483648 : i32
          %masked_sort3A_377 = vector.broadcast %masked_sort3A : i32 to vector<16xi32>
          %masked_sort3A_378 = arith.xori %iota3A, %masked_sort3A_377 : vector<16xi32>
          %masked_sort3A_379, %masked_sort3A_380, %masked_sort3A_381 = tpu.sort %masked_sort3A_378, %get3A_324 masked %ge3A : (vector<16xi32>, vector<16xf32>, vector<16xi1>) -> (vector<16xi1>, vector<16xi32>, vector<16xf32>)
          %masked_sort3A_382 = arith.xori %masked_sort3A_380, %masked_sort3A_377 : vector<16xi32>
          %masked_sort3A_383 = arith.constant -2147483648 : i32
          %masked_sort3A_384 = vector.broadcast %masked_sort3A_383 : i32 to vector<16xi32>
          %masked_sort3A_385 = arith.xori %iota3A, %masked_sort3A_384 : vector<16xi32>
          %masked_sort3A_386, %masked_sort3A_387, %masked_sort3A_388 = tpu.sort %masked_sort3A_385, %add3A_376 masked %ge3A : (vector<16xi32>, vector<16xi32>, vector<16xi1>) -> (vector<16xi1>, vector<16xi32>, vector<16xi32>)
          %masked_sort3A_389 = arith.xori %masked_sort3A_387, %masked_sort3A_384 : vector<16xi32>
          %swap3A = arith.index_cast %scan3A_304 : i32 to index
          %swap3A_390 = tpu.vector_load %arg9[%swap3A] {strides = array<i32>} : memref<1056xf32, #tpu.memory_space<vmem>>, vector<16xf32>,
          tpu.vector_store %arg9[%swap3A], %masked_sort3A_381 {strides = array<i32>} : memref<1056xf32, #tpu.memory_space<vmem>>, vector<16xf32>,
          %swap3A_391 = arith.index_cast %scan3A_304 : i32 to index
          %swap3A_392 = tpu.vector_load %arg10[%swap3A_391] {strides = array<i32>} : memref<1056xi32, #tpu.memory_space<vmem>>, vector<16xi32>,
          tpu.vector_store %arg10[%swap3A_391], %masked_sort3A_388 {strides = array<i32>} : memref<1056xi32, #tpu.memory_space<vmem>>, vector<16xi32>,
          %all_reduce_population_count3A = tpu.all_reduce %ge3A {dim = 0 : i64, kind = #tpu.reduction_kind<sum>} : vector<16xi1> -> vector<16xi32>
          %slice3A = vector.extract_strided_slice %all_reduce_population_count3A {offsets = [0], sizes = [1], strides = [1]} : vector<16xi32> to vector<1xi32>
          %squeeze3A = vector.extract %slice3A[0] : i32 from vector<1xi32>
          %add3A_393 = arith.addi %scan3A_304, %squeeze3A : i32
          %min3A_394 = arith.constant 1024 : i32
          %min3A_395 = arith.minsi %add3A_393, %min3A_394 : i32
          scf.yield %min3A_395 : i32
        }
        %scan3A_302 = arith.constant 128 : i32
        scf.yield %scan3A_301 : i32
      }
      %while3A_211 = arith.constant 1 : i32
      %while3A_212 = scf.for %while3A_254 = %while3A_208 to %while3A_204 step %while3A_211 iter_args(%while3A_255 = %while3A_210) -> (i32)  : i32 {
        %add3A_256 = arith.constant 1 : i32
        %add3A_257 = arith.addi %while3A_254, %add3A_256 : i32
        %min3A_258 = arith.constant 7 : i32
        %min3A_259 = arith.minsi %add3A_257, %min3A_258 : i32
        %mul3A_260 = arith.constant 128 : i32
        %mul3A_261 = arith.muli %min3A_259, %mul3A_260 : i32
        %add3A_262 = arith.constant 1 : i32
        %add3A_263 = arith.addi %while3A_254, %add3A_262 : i32
        %jit3A_264 = arith.constant 2 : i32
        %eq3A = arith.constant 0 : i32
        %eq3A_265 = arith.cmpi eq, %jit3A_264, %eq3A : i32
        %jit3A_266 = arith.constant 1 : i32
        %select_n3A_267 = arith.select %eq3A_265, %jit3A_266, %jit3A_264 : i32
        %rem3A_268 = arith.remsi %add3A_263, %select_n3A_267 : i32
        %ne3A_269 = arith.constant 0 : i32
        %ne3A_270 = arith.cmpi ne, %rem3A_268, %ne3A_269 : i32
        %lt3A_271 = arith.constant 0 : i32
        %lt3A_272 = arith.cmpi slt, %rem3A_268, %lt3A_271 : i32
        %lt3A_273 = arith.constant 0 : i32
        %lt3A_274 = arith.cmpi slt, %select_n3A_267, %lt3A_273 : i32
        %ne3A_275 = arith.xori %lt3A_272, %lt3A_274 : i1
        %and3A_276 = arith.andi %ne3A_275, %ne3A_270 : i1
        %add3A_277 = arith.addi %rem3A_268, %select_n3A_267 : i32
        %select_n3A_278 = arith.select %and3A_276, %add3A_277, %rem3A_268 : i32
        %dma_start3A_279 = arith.constant 0 : i32
        %dma_start3A_280 = arith.constant 0 : i32
        %dma_start3A_281 = tpu.memref_slice %arg8[%select_n3A_278, %dma_start3A_279, %dma_start3A_280] : memref<2x128x16xf32, #tpu.memory_space<vmem>> -> memref<1x128x16xf32, #tpu.memory_space<vmem>>
        %dma_start3A_282 = tpu.memref_squeeze %dma_start3A_281 : memref<1x128x16xf32, #tpu.memory_space<vmem>> -> memref<128x16xf32, #tpu.memory_space<vmem>>
        %dma_start3A_283 = tpu.memref_slice %arg7[%mul3A_261] : memref<1056xi32, #tpu.memory_space<vmem>> -> memref<128xi32, #tpu.memory_space<vmem>>
        %dma_start3A_284 = arith.constant 0 : i32
        %dma_start3A_285 = arith.constant 0 : i32
        %dma_start3A_286 = tpu.memref_slice %arg3[%dma_start3A_284, %dma_start3A_285] : memref<1605632x16xf32, #tpu.memory_space<hbm>> -> memref<1605632x16xf32, #tpu.memory_space<hbm>>
        tpu.enqueue_indirect_dma source(%dma_start3A_286 : memref<1605632x16xf32, #tpu.memory_space<hbm>>) target(%dma_start3A_282 : memref<128x16xf32, #tpu.memory_space<vmem>>) offsets(%dma_start3A_283 : memref<128xi32, #tpu.memory_space<vmem>>) semaphore(%arg13 : memref<!tpu.dma_semaphore, #tpu.memory_space<semaphore_mem>>)
        %dma_wait3A_287 = arith.constant 0 : i32
        %dma_wait3A_288 = arith.constant 0 : i32
        %dma_wait3A_289 = arith.constant 0 : i32
        %dma_wait3A_290 = tpu.memref_slice %arg8[%dma_wait3A_287, %dma_wait3A_288, %dma_wait3A_289] : memref<2x128x16xf32, #tpu.memory_space<vmem>> -> memref<1x128x16xf32, #tpu.memory_space<vmem>>
        %dma_wait3A_291 = tpu.memref_squeeze %dma_wait3A_290 : memref<1x128x16xf32, #tpu.memory_space<vmem>> -> memref<128x16xf32, #tpu.memory_space<vmem>>
        %dma_wait3A_292 = arith.constant 0 : i32
        %dma_wait3A_293 = tpu.memref_slice %arg7[%dma_wait3A_292] : memref<1056xi32, #tpu.memory_space<vmem>> -> memref<128xi32, #tpu.memory_space<vmem>>
        %dma_wait3A_294 = arith.constant 0 : i32
        %dma_wait3A_295 = arith.constant 0 : i32
        %dma_wait3A_296 = tpu.memref_slice %arg3[%dma_wait3A_294, %dma_wait3A_295] : memref<1605632x16xf32, #tpu.memory_space<hbm>> -> memref<1605632x16xf32, #tpu.memory_space<hbm>>
        tpu.wait_indirect_dma semaphore(%arg13 : memref<!tpu.dma_semaphore, #tpu.memory_space<semaphore_mem>>) src(%dma_wait3A_296 : memref<1605632x16xf32, #tpu.memory_space<hbm>>) dst(%dma_wait3A_291 : memref<128x16xf32, #tpu.memory_space<vmem>>)
        %scan3A_297 = arith.constant 0 : i32
        %scan3A_298 = arith.constant 128 : i32
        %scan3A_299 = arith.addi %scan3A_297, %scan3A_298 : i32
        %scan3A_300 = arith.constant 1 : i32
        %scan3A_301 = scf.for %scan3A_303 = %scan3A_297 to %scan3A_299 step %scan3A_300 iter_args(%scan3A_304 = %while3A_255) -> (i32)  : i32 {
          %jit3A_305 = arith.constant 2 : i32
          %eq3A_306 = arith.constant 0 : i32
          %eq3A_307 = arith.cmpi eq, %jit3A_305, %eq3A_306 : i32
          %jit3A_308 = arith.constant 1 : i32
          %select_n3A_309 = arith.select %eq3A_307, %jit3A_308, %jit3A_305 : i32
          %rem3A_310 = arith.remsi %while3A_254, %select_n3A_309 : i32
          %ne3A_311 = arith.constant 0 : i32
          %ne3A_312 = arith.cmpi ne, %rem3A_310, %ne3A_311 : i32
          %lt3A_313 = arith.constant 0 : i32
          %lt3A_314 = arith.cmpi slt, %rem3A_310, %lt3A_313 : i32
          %lt3A_315 = arith.constant 0 : i32
          %lt3A_316 = arith.cmpi slt, %select_n3A_309, %lt3A_315 : i32
          %ne3A_317 = arith.xori %lt3A_314, %lt3A_316 : i1
          %and3A_318 = arith.andi %ne3A_317, %ne3A_312 : i1
          %add3A_319 = arith.addi %rem3A_310, %select_n3A_309 : i32
          %select_n3A_320 = arith.select %and3A_318, %add3A_319, %rem3A_310 : i32
          %get3A_321 = arith.index_cast %select_n3A_320 : i32 to index
          %get3A_322 = arith.index_cast %scan3A_303 : i32 to index
          %get3A_323 = arith.constant 0 : index
          %get3A_324 = tpu.vector_load %arg8[%get3A_321, %get3A_322, %get3A_323] {strides = array<i32>} : memref<2x128x16xf32, #tpu.memory_space<vmem>>, vector<16xf32>,
          %ge3A = arith.cmpf oge, %get3A_324, %min3A_146 : vector<16xf32>
          %mul3A_325 = arith.constant 128 : i32
          %mul3A_326 = arith.muli %while3A_254, %mul3A_325 : i32
          %add3A_327 = arith.addi %mul3A_326, %scan3A_303 : i32
          %jit3A_328 = arith.constant 16 : i32
          %div3A_329 = arith.divsi %add3A_327, %jit3A_328 : i32
          %sign3A_330 = arith.constant 0 : i32
          %sign3A_331 = arith.cmpi sgt, %add3A_327, %sign3A_330 : i32
          %sign3A_332 = arith.extui %sign3A_331 : i1 to i32
          %sign3A_333 = arith.constant 0 : i32
          %sign3A_334 = arith.cmpi slt, %add3A_327, %sign3A_333 : i32
          %sign3A_335 = arith.extui %sign3A_334 : i1 to i32
          %sign3A_336 = arith.subi %sign3A_332, %sign3A_335 : i32
          %sign3A_337 = arith.constant 0 : i32
          %sign3A_338 = arith.cmpi sgt, %jit3A_328, %sign3A_337 : i32
          %sign3A_339 = arith.extui %sign3A_338 : i1 to i32
          %sign3A_340 = arith.constant 0 : i32
          %sign3A_341 = arith.cmpi slt, %jit3A_328, %sign3A_340 : i32
          %sign3A_342 = arith.extui %sign3A_341 : i1 to i32
          %sign3A_343 = arith.subi %sign3A_339, %sign3A_342 : i32
          %ne3A_344 = arith.cmpi ne, %sign3A_336, %sign3A_343 : i32
          %rem3A_345 = arith.remsi %add3A_327, %jit3A_328 : i32
          %ne3A_346 = arith.constant 0 : i32
          %ne3A_347 = arith.cmpi ne, %rem3A_345, %ne3A_346 : i32
          %and3A_348 = arith.andi %ne3A_344, %ne3A_347 : i1
          %sub3A_349 = arith.constant 1 : i32
          %sub3A_350 = arith.subi %div3A_329, %sub3A_349 : i32
          %select_n3A_351 = arith.select %and3A_348, %sub3A_350, %div3A_329 : i32
          %mul3A_352 = arith.constant 16 : i32
          %mul3A_353 = arith.muli %select_n3A_351, %mul3A_352 : i32
          %get3A_354 = arith.index_cast %mul3A_353 : i32 to index
          %get3A_355 = tpu.vector_load %arg7[%get3A_354] {strides = array<i32>} : memref<1056xi32, #tpu.memory_space<vmem>>, vector<16xi32>,
          %sub3A_356 = arith.subi %add3A_327, %mul3A_353 : i32
          %mul3A_357 = vector.broadcast %sub3A_356 : i32 to vector<16xi32>
          %mul3A_358 = arith.muli %broadcast_in_dim3A_2, %mul3A_357 : vector<16xi32>
          %lt3A_359 = arith.constant 0 : i32
          %lt3A_360 = vector.broadcast %lt3A_359 : i32 to vector<16xi32>
          %lt3A_361 = arith.cmpi slt, %mul3A_358, %lt3A_360 : vector<16xi32>
          %add3A_362 = arith.constant 16 : i32
          %add3A_363 = vector.broadcast %add3A_362 : i32 to vector<16xi32>
          %add3A_364 = arith.addi %mul3A_358, %add3A_363 : vector<16xi32>
          %select_n3A_365 = arith.select %lt3A_361, %add3A_364, %mul3A_358 : vector<16xi1>, vector<16xi32>
          %broadcast_in_dim3A_366 = vector.shape_cast %select_n3A_365 : vector<16xi32> to vector<16x1xi32>
          %gather3A_367 = vector.shape_cast %broadcast_in_dim3A_366 : vector<16x1xi32> to vector<16xi32>
          %gather3A_368 = tpu.dynamic_gather %get3A_355[%gather3A_367] in [0] : vector<16xi32>, vector<16xi32> -> vector<16xi32>
          %mul3A_369 = arith.constant 6272 : i32
          %mul3A_370 = arith.muli %add3A_14, %mul3A_369 : i32
          %sub3A_371 = vector.broadcast %mul3A_370 : i32 to vector<16xi32>
          %sub3A_372 = arith.subi %gather3A_368, %sub3A_371 : vector<16xi32>
          %mul3A_373 = arith.constant 16 : i32
          %mul3A_374 = vector.broadcast %mul3A_373 : i32 to vector<16xi32>
          %mul3A_375 = arith.muli %sub3A_372, %mul3A_374 : vector<16xi32>
          %add3A_376 = arith.addi %mul3A_375, %iota3A : vector<16xi32>
          %masked_sort3A = arith.constant -2147483648 : i32
          %masked_sort3A_377 = vector.broadcast %masked_sort3A : i32 to vector<16xi32>
          %masked_sort3A_378 = arith.xori %iota3A, %masked_sort3A_377 : vector<16xi32>
          %masked_sort3A_379, %masked_sort3A_380, %masked_sort3A_381 = tpu.sort %masked_sort3A_378, %get3A_324 masked %ge3A : (vector<16xi32>, vector<16xf32>, vector<16xi1>) -> (vector<16xi1>, vector<16xi32>, vector<16xf32>)
          %masked_sort3A_382 = arith.xori %masked_sort3A_380, %masked_sort3A_377 : vector<16xi32>
          %masked_sort3A_383 = arith.constant -2147483648 : i32
          %masked_sort3A_384 = vector.broadcast %masked_sort3A_383 : i32 to vector<16xi32>
          %masked_sort3A_385 = arith.xori %iota3A, %masked_sort3A_384 : vector<16xi32>
          %masked_sort3A_386, %masked_sort3A_387, %masked_sort3A_388 = tpu.sort %masked_sort3A_385, %add3A_376 masked %ge3A : (vector<16xi32>, vector<16xi32>, vector<16xi1>) -> (vector<16xi1>, vector<16xi32>, vector<16xi32>)
          %masked_sort3A_389 = arith.xori %masked_sort3A_387, %masked_sort3A_384 : vector<16xi32>
          %swap3A = arith.index_cast %scan3A_304 : i32 to index
          %swap3A_390 = tpu.vector_load %arg9[%swap3A] {strides = array<i32>} : memref<1056xf32, #tpu.memory_space<vmem>>, vector<16xf32>,
          tpu.vector_store %arg9[%swap3A], %masked_sort3A_381 {strides = array<i32>} : memref<1056xf32, #tpu.memory_space<vmem>>, vector<16xf32>,
          %swap3A_391 = arith.index_cast %scan3A_304 : i32 to index
          %swap3A_392 = tpu.vector_load %arg10[%swap3A_391] {strides = array<i32>} : memref<1056xi32, #tpu.memory_space<vmem>>, vector<16xi32>,
          tpu.vector_store %arg10[%swap3A_391], %masked_sort3A_388 {strides = array<i32>} : memref<1056xi32, #tpu.memory_space<vmem>>, vector<16xi32>,
          %all_reduce_population_count3A = tpu.all_reduce %ge3A {dim = 0 : i64, kind = #tpu.reduction_kind<sum>} : vector<16xi1> -> vector<16xi32>
          %slice3A = vector.extract_strided_slice %all_reduce_population_count3A {offsets = [0], sizes = [1], strides = [1]} : vector<16xi32> to vector<1xi32>
          %squeeze3A = vector.extract %slice3A[0] : i32 from vector<1xi32>
          %add3A_393 = arith.addi %scan3A_304, %squeeze3A : i32
          %min3A_394 = arith.constant 1024 : i32
          %min3A_395 = arith.minsi %add3A_393, %min3A_394 : i32
          scf.yield %min3A_395 : i32
        }
        %scan3A_302 = arith.constant 128 : i32
        scf.yield %scan3A_301 : i32
      }
      %dma_wait3A = arith.constant 0 : i32
      %dma_wait3A_213 = arith.constant 0 : i32
      %dma_wait3A_214 = arith.constant 0 : i32
      %dma_wait3A_215 = tpu.memref_slice %arg8[%dma_wait3A, %dma_wait3A_213, %dma_wait3A_214] : memref<2x128x16xf32, #tpu.memory_space<vmem>> -> memref<1x128x16xf32, #tpu.memory_space<vmem>>
      %dma_wait3A_216 = tpu.memref_squeeze %dma_wait3A_215 : memref<1x128x16xf32, #tpu.memory_space<vmem>> -> memref<128x16xf32, #tpu.memory_space<vmem>>
      %dma_wait3A_217 = arith.constant 0 : i32
      %dma_wait3A_218 = tpu.memref_slice %arg7[%dma_wait3A_217] : memref<1056xi32, #tpu.memory_space<vmem>> -> memref<128xi32, #tpu.memory_space<vmem>>
      %dma_wait3A_219 = arith.constant 0 : i32
      %dma_wait3A_220 = arith.constant 0 : i32
      %dma_wait3A_221 = tpu.memref_slice %arg3[%dma_wait3A_219, %dma_wait3A_220] : memref<1605632x16xf32, #tpu.memory_space<hbm>> -> memref<1605632x16xf32, #tpu.memory_space<hbm>>
      tpu.wait_indirect_dma semaphore(%arg13 : memref<!tpu.dma_semaphore, #tpu.memory_space<semaphore_mem>>) src(%dma_wait3A_221 : memref<1605632x16xf32, #tpu.memory_space<hbm>>) dst(%dma_wait3A_216 : memref<128x16xf32, #tpu.memory_space<vmem>>)
      %add3A_222 = arith.constant 15 : i32
      %add3A_223 = arith.addi %while3A_212, %add3A_222 : i32
      %jit3A_224 = arith.constant 16 : i32
      %div3A_225 = arith.divsi %add3A_223, %jit3A_224 : i32
      %sign3A_226 = arith.constant 0 : i32
      %sign3A_227 = arith.cmpi sgt, %add3A_223, %sign3A_226 : i32
      %sign3A_228 = arith.extui %sign3A_227 : i1 to i32
      %sign3A_229 = arith.constant 0 : i32
      %sign3A_230 = arith.cmpi slt, %add3A_223, %sign3A_229 : i32
      %sign3A_231 = arith.extui %sign3A_230 : i1 to i32
      %sign3A_232 = arith.subi %sign3A_228, %sign3A_231 : i32
      %sign3A_233 = arith.constant 0 : i32
      %sign3A_234 = arith.cmpi sgt, %jit3A_224, %sign3A_233 : i32
      %sign3A_235 = arith.extui %sign3A_234 : i1 to i32
      %sign3A_236 = arith.constant 0 : i32
      %sign3A_237 = arith.cmpi slt, %jit3A_224, %sign3A_236 : i32
      %sign3A_238 = arith.extui %sign3A_237 : i1 to i32
      %sign3A_239 = arith.subi %sign3A_235, %sign3A_238 : i32
      %ne3A_240 = arith.cmpi ne, %sign3A_232, %sign3A_239 : i32
      %rem3A_241 = arith.remsi %add3A_223, %jit3A_224 : i32
      %ne3A_242 = arith.constant 0 : i32
      %ne3A_243 = arith.cmpi ne, %rem3A_241, %ne3A_242 : i32
      %and3A_244 = arith.andi %ne3A_240, %ne3A_243 : i1
      %sub3A_245 = arith.constant 1 : i32
      %sub3A_246 = arith.subi %div3A_225, %sub3A_245 : i32
      %select_n3A_247 = arith.select %and3A_244, %sub3A_246, %div3A_225 : i32
      %scan3A_248 = arith.constant 0 : i32
      %scan3A_249 = arith.constant 0 : i32
      %scan3A_250 = arith.constant 64 : i32
      %scan3A_251 = arith.addi %scan3A_249, %scan3A_250 : i32
      %scan3A_252 = arith.constant 1 : i32
      scf.for %scan3A_254 = %scan3A_249 to %scan3A_251 step %scan3A_252  : i32 {
        %while3A_255 = arith.constant 0 : i32
        %while3A_256 = arith.subi %select_n3A_247, %while3A_255 : i32
        %while3A_257 = arith.addi %while3A_255, %while3A_256 : i32
        %while3A_258 = arith.constant 1 : i32
        %while3A_259 = arith.divsi %while3A_256, %while3A_258 : i32
        %while3A_260 = arith.muli %while3A_259, %while3A_258 : i32
        %while3A_261 = arith.addi %while3A_255, %while3A_260 : i32
        %while3A_262 = arith.constant 1 : i32
        %while3A_263:2 = scf.for %while3A_524 = %while3A_255 to %while3A_261 step %while3A_262 iter_args(%while3A_525 = %broadcast_in_dim3A_4, %while3A_526 = %broadcast_in_dim3A_0) -> (vector<16xf32>, vector<16xi32>)  : i32 {
          %mul3A_527 = arith.constant 16 : i32
          %mul3A_528 = arith.muli %while3A_524, %mul3A_527 : i32
          %get3A_529 = arith.index_cast %mul3A_528 : i32 to index
          %get3A_530 = tpu.vector_load %arg9[%get3A_529] {strides = array<i32>} : memref<1056xf32, #tpu.memory_space<vmem>>, vector<16xf32>,
          %gt3A = arith.cmpf ogt, %get3A_530, %while3A_525 : vector<16xf32>
          %mul3A_531 = vector.broadcast %while3A_524 : i32 to vector<16xi32>
          %mul3A_532 = arith.muli %broadcast_in_dim3A_2, %mul3A_531 : vector<16xi32>
          %select_n3A_533 = arith.select %gt3A, %mul3A_532, %while3A_526 : vector<16xi1>, vector<16xi32>
          %max3A_534 = arith.maximumf %while3A_525, %get3A_530 : vector<16xf32>
          scf.yield %max3A_534, %select_n3A_533 : vector<16xf32>, vector<16xi32>
        }
        %while3A_264 = arith.constant 1 : i32
        %while3A_265:2 = scf.for %while3A_524 = %while3A_261 to %while3A_257 step %while3A_264 iter_args(%while3A_525 = %while3A_263#0, %while3A_526 = %while3A_263#1) -> (vector<16xf32>, vector<16xi32>)  : i32 {
          %mul3A_527 = arith.constant 16 : i32
          %mul3A_528 = arith.muli %while3A_524, %mul3A_527 : i32
          %get3A_529 = arith.index_cast %mul3A_528 : i32 to index
          %get3A_530 = tpu.vector_load %arg9[%get3A_529] {strides = array<i32>} : memref<1056xf32, #tpu.memory_space<vmem>>, vector<16xf32>,
          %gt3A = arith.cmpf ogt, %get3A_530, %while3A_525 : vector<16xf32>
          %mul3A_531 = vector.broadcast %while3A_524 : i32 to vector<16xi32>
          %mul3A_532 = arith.muli %broadcast_in_dim3A_2, %mul3A_531 : vector<16xi32>
          %select_n3A_533 = arith.select %gt3A, %mul3A_532, %while3A_526 : vector<16xi1>, vector<16xi32>
          %max3A_534 = arith.maximumf %while3A_525, %get3A_530 : vector<16xf32>
          scf.yield %max3A_534, %select_n3A_533 : vector<16xf32>, vector<16xi32>
        }
        %add3A_266 = arith.constant 8 : i32
        %add3A_267 = vector.broadcast %add3A_266 : i32 to vector<16xi32>
        %add3A_268 = arith.addi %iota3A, %add3A_267 : vector<16xi32>
        %and3A_269 = arith.constant 15 : i32
        %and3A_270 = vector.broadcast %and3A_269 : i32 to vector<16xi32>
        %and3A_271 = arith.andi %add3A_268, %and3A_270 : vector<16xi32>
        %lt3A_272 = arith.constant 0 : i32
        %lt3A_273 = vector.broadcast %lt3A_272 : i32 to vector<16xi32>
        %lt3A_274 = arith.cmpi slt, %and3A_271, %lt3A_273 : vector<16xi32>
        %add3A_275 = arith.constant 16 : i32
        %add3A_276 = vector.broadcast %add3A_275 : i32 to vector<16xi32>
        %add3A_277 = arith.addi %and3A_271, %add3A_276 : vector<16xi32>
        %select_n3A_278 = arith.select %lt3A_274, %add3A_277, %and3A_271 : vector<16xi1>, vector<16xi32>
        %broadcast_in_dim3A_279 = vector.shape_cast %select_n3A_278 : vector<16xi32> to vector<16x1xi32>
        %gather3A_280 = vector.shape_cast %broadcast_in_dim3A_279 : vector<16x1xi32> to vector<16xi32>
        %gather3A_281 = tpu.dynamic_gather %while3A_265#0[%gather3A_280] in [0] : vector<16xf32>, vector<16xi32> -> vector<16xf32>
        %max3A_282 = arith.maximumf %while3A_265#0, %gather3A_281 : vector<16xf32>
        %add3A_283 = arith.constant 4 : i32
        %add3A_284 = vector.broadcast %add3A_283 : i32 to vector<16xi32>
        %add3A_285 = arith.addi %iota3A, %add3A_284 : vector<16xi32>
        %and3A_286 = arith.constant 15 : i32
        %and3A_287 = vector.broadcast %and3A_286 : i32 to vector<16xi32>
        %and3A_288 = arith.andi %add3A_285, %and3A_287 : vector<16xi32>
        %lt3A_289 = arith.constant 0 : i32
        %lt3A_290 = vector.broadcast %lt3A_289 : i32 to vector<16xi32>
        %lt3A_291 = arith.cmpi slt, %and3A_288, %lt3A_290 : vector<16xi32>
        %add3A_292 = arith.constant 16 : i32
        %add3A_293 = vector.broadcast %add3A_292 : i32 to vector<16xi32>
        %add3A_294 = arith.addi %and3A_288, %add3A_293 : vector<16xi32>
        %select_n3A_295 = arith.select %lt3A_291, %add3A_294, %and3A_288 : vector<16xi1>, vector<16xi32>
        %broadcast_in_dim3A_296 = vector.shape_cast %select_n3A_295 : vector<16xi32> to vector<16x1xi32>
        %gather3A_297 = vector.shape_cast %broadcast_in_dim3A_296 : vector<16x1xi32> to vector<16xi32>
        %gather3A_298 = tpu.dynamic_gather %max3A_282[%gather3A_297] in [0] : vector<16xf32>, vector<16xi32> -> vector<16xf32>
        %max3A_299 = arith.maximumf %max3A_282, %gather3A_298 : vector<16xf32>
        %add3A_300 = arith.constant 2 : i32
        %add3A_301 = vector.broadcast %add3A_300 : i32 to vector<16xi32>
        %add3A_302 = arith.addi %iota3A, %add3A_301 : vector<16xi32>
        %and3A_303 = arith.constant 15 : i32
        %and3A_304 = vector.broadcast %and3A_303 : i32 to vector<16xi32>
        %and3A_305 = arith.andi %add3A_302, %and3A_304 : vector<16xi32>
        %lt3A_306 = arith.constant 0 : i32
        %lt3A_307 = vector.broadcast %lt3A_306 : i32 to vector<16xi32>
        %lt3A_308 = arith.cmpi slt, %and3A_305, %lt3A_307 : vector<16xi32>
        %add3A_309 = arith.constant 16 : i32
        %add3A_310 = vector.broadcast %add3A_309 : i32 to vector<16xi32>
        %add3A_311 = arith.addi %and3A_305, %add3A_310 : vector<16xi32>
        %select_n3A_312 = arith.select %lt3A_308, %add3A_311, %and3A_305 : vector<16xi1>, vector<16xi32>
        %broadcast_in_dim3A_313 = vector.shape_cast %select_n3A_312 : vector<16xi32> to vector<16x1xi32>
        %gather3A_314 = vector.shape_cast %broadcast_in_dim3A_313 : vector<16x1xi32> to vector<16xi32>
        %gather3A_315 = tpu.dynamic_gather %max3A_299[%gather3A_314] in [0] : vector<16xf32>, vector<16xi32> -> vector<16xf32>
        %max3A_316 = arith.maximumf %max3A_299, %gather3A_315 : vector<16xf32>
        %add3A_317 = arith.constant 1 : i32
        %add3A_318 = vector.broadcast %add3A_317 : i32 to vector<16xi32>
        %add3A_319 = arith.addi %iota3A, %add3A_318 : vector<16xi32>
        %and3A_320 = arith.constant 15 : i32
        %and3A_321 = vector.broadcast %and3A_320 : i32 to vector<16xi32>
        %and3A_322 = arith.andi %add3A_319, %and3A_321 : vector<16xi32>
        %lt3A_323 = arith.constant 0 : i32
        %lt3A_324 = vector.broadcast %lt3A_323 : i32 to vector<16xi32>
        %lt3A_325 = arith.cmpi slt, %and3A_322, %lt3A_324 : vector<16xi32>
        %add3A_326 = arith.constant 16 : i32
        %add3A_327 = vector.broadcast %add3A_326 : i32 to vector<16xi32>
        %add3A_328 = arith.addi %and3A_322, %add3A_327 : vector<16xi32>
        %select_n3A_329 = arith.select %lt3A_325, %add3A_328, %and3A_322 : vector<16xi1>, vector<16xi32>
        %broadcast_in_dim3A_330 = vector.shape_cast %select_n3A_329 : vector<16xi32> to vector<16x1xi32>
        %gather3A_331 = vector.shape_cast %broadcast_in_dim3A_330 : vector<16x1xi32> to vector<16xi32>
        %gather3A_332 = tpu.dynamic_gather %max3A_316[%gather3A_331] in [0] : vector<16xf32>, vector<16xi32> -> vector<16xf32>
        %max3A_333 = arith.maximumf %max3A_316, %gather3A_332 : vector<16xf32>
        %eq3A = arith.cmpf oeq, %while3A_265#0, %max3A_333 : vector<16xf32>
        %mul3A_334 = arith.constant 16 : i32
        %mul3A_335 = vector.broadcast %mul3A_334 : i32 to vector<16xi32>
        %mul3A_336 = arith.muli %while3A_265#1, %mul3A_335 : vector<16xi32>
        %add3A_337 = arith.addi %mul3A_336, %iota3A : vector<16xi32>
        %broadcast_in_dim3A_338 = arith.constant 1073741824 : i32
        %broadcast_in_dim3A_339 = vector.broadcast %broadcast_in_dim3A_338 : i32 to vector<16xi32>
        %select_n3A_340 = arith.select %eq3A, %add3A_337, %broadcast_in_dim3A_339 : vector<16xi1>, vector<16xi32>
        %add3A_341 = arith.constant 8 : i32
        %add3A_342 = vector.broadcast %add3A_341 : i32 to vector<16xi32>
        %add3A_343 = arith.addi %iota3A, %add3A_342 : vector<16xi32>
        %and3A_344 = arith.constant 15 : i32
        %and3A_345 = vector.broadcast %and3A_344 : i32 to vector<16xi32>
        %and3A_346 = arith.andi %add3A_343, %and3A_345 : vector<16xi32>
        %lt3A_347 = arith.constant 0 : i32
        %lt3A_348 = vector.broadcast %lt3A_347 : i32 to vector<16xi32>
        %lt3A_349 = arith.cmpi slt, %and3A_346, %lt3A_348 : vector<16xi32>
        %add3A_350 = arith.constant 16 : i32
        %add3A_351 = vector.broadcast %add3A_350 : i32 to vector<16xi32>
        %add3A_352 = arith.addi %and3A_346, %add3A_351 : vector<16xi32>
        %select_n3A_353 = arith.select %lt3A_349, %add3A_352, %and3A_346 : vector<16xi1>, vector<16xi32>
        %broadcast_in_dim3A_354 = vector.shape_cast %select_n3A_353 : vector<16xi32> to vector<16x1xi32>
        %gather3A_355 = vector.shape_cast %broadcast_in_dim3A_354 : vector<16x1xi32> to vector<16xi32>
        %gather3A_356 = tpu.dynamic_gather %select_n3A_340[%gather3A_355] in [0] : vector<16xi32>, vector<16xi32> -> vector<16xi32>
        %min3A_357 = arith.minsi %select_n3A_340, %gather3A_356 : vector<16xi32>
        %add3A_358 = arith.constant 4 : i32
        %add3A_359 = vector.broadcast %add3A_358 : i32 to vector<16xi32>
        %add3A_360 = arith.addi %iota3A, %add3A_359 : vector<16xi32>
        %and3A_361 = arith.constant 15 : i32
        %and3A_362 = vector.broadcast %and3A_361 : i32 to vector<16xi32>
        %and3A_363 = arith.andi %add3A_360, %and3A_362 : vector<16xi32>
        %lt3A_364 = arith.constant 0 : i32
        %lt3A_365 = vector.broadcast %lt3A_364 : i32 to vector<16xi32>
        %lt3A_366 = arith.cmpi slt, %and3A_363, %lt3A_365 : vector<16xi32>
        %add3A_367 = arith.constant 16 : i32
        %add3A_368 = vector.broadcast %add3A_367 : i32 to vector<16xi32>
        %add3A_369 = arith.addi %and3A_363, %add3A_368 : vector<16xi32>
        %select_n3A_370 = arith.select %lt3A_366, %add3A_369, %and3A_363 : vector<16xi1>, vector<16xi32>
        %broadcast_in_dim3A_371 = vector.shape_cast %select_n3A_370 : vector<16xi32> to vector<16x1xi32>
        %gather3A_372 = vector.shape_cast %broadcast_in_dim3A_371 : vector<16x1xi32> to vector<16xi32>
        %gather3A_373 = tpu.dynamic_gather %min3A_357[%gather3A_372] in [0] : vector<16xi32>, vector<16xi32> -> vector<16xi32>
        %min3A_374 = arith.minsi %min3A_357, %gather3A_373 : vector<16xi32>
        %add3A_375 = arith.constant 2 : i32
        %add3A_376 = vector.broadcast %add3A_375 : i32 to vector<16xi32>
        %add3A_377 = arith.addi %iota3A, %add3A_376 : vector<16xi32>
        %and3A_378 = arith.constant 15 : i32
        %and3A_379 = vector.broadcast %and3A_378 : i32 to vector<16xi32>
        %and3A_380 = arith.andi %add3A_377, %and3A_379 : vector<16xi32>
        %lt3A_381 = arith.constant 0 : i32
        %lt3A_382 = vector.broadcast %lt3A_381 : i32 to vector<16xi32>
        %lt3A_383 = arith.cmpi slt, %and3A_380, %lt3A_382 : vector<16xi32>
        %add3A_384 = arith.constant 16 : i32
        %add3A_385 = vector.broadcast %add3A_384 : i32 to vector<16xi32>
        %add3A_386 = arith.addi %and3A_380, %add3A_385 : vector<16xi32>
        %select_n3A_387 = arith.select %lt3A_383, %add3A_386, %and3A_380 : vector<16xi1>, vector<16xi32>
        %broadcast_in_dim3A_388 = vector.shape_cast %select_n3A_387 : vector<16xi32> to vector<16x1xi32>
        %gather3A_389 = vector.shape_cast %broadcast_in_dim3A_388 : vector<16x1xi32> to vector<16xi32>
        %gather3A_390 = tpu.dynamic_gather %min3A_374[%gather3A_389] in [0] : vector<16xi32>, vector<16xi32> -> vector<16xi32>
        %min3A_391 = arith.minsi %min3A_374, %gather3A_390 : vector<16xi32>
        %add3A_392 = arith.constant 1 : i32
        %add3A_393 = vector.broadcast %add3A_392 : i32 to vector<16xi32>
        %add3A_394 = arith.addi %iota3A, %add3A_393 : vector<16xi32>
        %and3A_395 = arith.constant 15 : i32
        %and3A_396 = vector.broadcast %and3A_395 : i32 to vector<16xi32>
        %and3A_397 = arith.andi %add3A_394, %and3A_396 : vector<16xi32>
        %lt3A_398 = arith.constant 0 : i32
        %lt3A_399 = vector.broadcast %lt3A_398 : i32 to vector<16xi32>
        %lt3A_400 = arith.cmpi slt, %and3A_397, %lt3A_399 : vector<16xi32>
        %add3A_401 = arith.constant 16 : i32
        %add3A_402 = vector.broadcast %add3A_401 : i32 to vector<16xi32>
        %add3A_403 = arith.addi %and3A_397, %add3A_402 : vector<16xi32>
        %select_n3A_404 = arith.select %lt3A_400, %add3A_403, %and3A_397 : vector<16xi1>, vector<16xi32>
        %broadcast_in_dim3A_405 = vector.shape_cast %select_n3A_404 : vector<16xi32> to vector<16x1xi32>
        %gather3A_406 = vector.shape_cast %broadcast_in_dim3A_405 : vector<16x1xi32> to vector<16xi32>
        %gather3A_407 = tpu.dynamic_gather %min3A_391[%gather3A_406] in [0] : vector<16xi32>, vector<16xi32> -> vector<16xi32>
        %min3A_408 = arith.minsi %min3A_391, %gather3A_407 : vector<16xi32>
        %jit3A_409 = arith.constant 16 : i32
        %eq3A_410 = arith.constant 0 : i32
        %eq3A_411 = arith.cmpi eq, %jit3A_409, %eq3A_410 : i32
        %jit3A_412 = arith.constant 1 : i32
        %select_n3A_413 = arith.select %eq3A_411, %jit3A_412, %jit3A_409 : i32
        %rem3A_414 = vector.broadcast %select_n3A_413 : i32 to vector<16xi32>
        %rem3A_415 = arith.remsi %min3A_408, %rem3A_414 : vector<16xi32>
        %ne3A_416 = arith.constant 0 : i32
        %ne3A_417 = vector.broadcast %ne3A_416 : i32 to vector<16xi32>
        %ne3A_418 = arith.cmpi ne, %rem3A_415, %ne3A_417 : vector<16xi32>
        %lt3A_419 = arith.constant 0 : i32
        %lt3A_420 = vector.broadcast %lt3A_419 : i32 to vector<16xi32>
        %lt3A_421 = arith.cmpi slt, %rem3A_415, %lt3A_420 : vector<16xi32>
        %lt3A_422 = arith.constant 0 : i32
        %lt3A_423 = arith.cmpi slt, %select_n3A_413, %lt3A_422 : i32
        %ne3A_424 = vector.broadcast %lt3A_423 : i1 to vector<16xi1>
        %ne3A_425 = vector.broadcast %ne3A_424 : vector<16xi1> to vector<16xi1>
        %ne3A_426 = arith.xori %lt3A_421, %ne3A_425 : vector<16xi1>
        %and3A_427 = arith.andi %ne3A_426, %ne3A_418 : vector<16xi1>
        %add3A_428 = vector.broadcast %select_n3A_413 : i32 to vector<16xi32>
        %add3A_429 = arith.addi %rem3A_415, %add3A_428 : vector<16xi32>
        %select_n3A_430 = arith.select %and3A_427, %add3A_429, %rem3A_415 : vector<16xi1>, vector<16xi32>
        %jit3A_431 = arith.constant 16 : i32
        %div3A_432 = vector.broadcast %jit3A_431 : i32 to vector<16xi32>
        %div3A_433 = arith.divsi %min3A_408, %div3A_432 : vector<16xi32>
        %sign3A_434 = arith.constant 0 : i32
        %sign3A_435 = vector.broadcast %sign3A_434 : i32 to vector<16xi32>
        %sign3A_436 = arith.cmpi sgt, %min3A_408, %sign3A_435 : vector<16xi32>
        %sign3A_437 = arith.extui %sign3A_436 : vector<16xi1> to vector<16xi32>
        %sign3A_438 = arith.constant 0 : i32
        %sign3A_439 = vector.broadcast %sign3A_438 : i32 to vector<16xi32>
        %sign3A_440 = arith.cmpi slt, %min3A_408, %sign3A_439 : vector<16xi32>
        %sign3A_441 = arith.extui %sign3A_440 : vector<16xi1> to vector<16xi32>
        %sign3A_442 = arith.subi %sign3A_437, %sign3A_441 : vector<16xi32>
        %sign3A_443 = arith.constant 0 : i32
        %sign3A_444 = arith.cmpi sgt, %jit3A_431, %sign3A_443 : i32
        %sign3A_445 = arith.extui %sign3A_444 : i1 to i32
        %sign3A_446 = arith.constant 0 : i32
        %sign3A_447 = arith.cmpi slt, %jit3A_431, %sign3A_446 : i32
        %sign3A_448 = arith.extui %sign3A_447 : i1 to i32
        %sign3A_449 = arith.subi %sign3A_445, %sign3A_448 : i32
        %ne3A_450 = vector.broadcast %sign3A_449 : i32 to vector<16xi32>
        %ne3A_451 = arith.cmpi ne, %sign3A_442, %ne3A_450 : vector<16xi32>
        %rem3A_452 = vector.broadcast %jit3A_431 : i32 to vector<16xi32>
        %rem3A_453 = arith.remsi %min3A_408, %rem3A_452 : vector<16xi32>
        %ne3A_454 = arith.constant 0 : i32
        %ne3A_455 = vector.broadcast %ne3A_454 : i32 to vector<16xi32>
        %ne3A_456 = arith.cmpi ne, %rem3A_453, %ne3A_455 : vector<16xi32>
        %and3A_457 = arith.andi %ne3A_451, %ne3A_456 : vector<16xi1>
        %sub3A_458 = arith.constant 1 : i32
        %sub3A_459 = vector.broadcast %sub3A_458 : i32 to vector<16xi32>
        %sub3A_460 = arith.subi %div3A_433, %sub3A_459 : vector<16xi32>
        %select_n3A_461 = arith.select %and3A_457, %sub3A_460, %div3A_433 : vector<16xi1>, vector<16xi32>
        %slice3A = vector.extract_strided_slice %select_n3A_461 {offsets = [0], sizes = [1], strides = [1]} : vector<16xi32> to vector<1xi32>
        %squeeze3A = vector.extract %slice3A[0] : i32 from vector<1xi32>
        %mul3A_462 = arith.constant 16 : i32
        %mul3A_463 = arith.muli %squeeze3A, %mul3A_462 : i32
        %get3A_464 = arith.index_cast %mul3A_463 : i32 to index
        %get3A_465 = tpu.vector_load %arg10[%get3A_464] {strides = array<i32>} : memref<1056xi32, #tpu.memory_space<vmem>>, vector<16xi32>,
        %lt3A_466 = arith.constant 0 : i32
        %lt3A_467 = vector.broadcast %lt3A_466 : i32 to vector<16xi32>
        %lt3A_468 = arith.cmpi slt, %select_n3A_430, %lt3A_467 : vector<16xi32>
        %add3A_469 = arith.constant 16 : i32
        %add3A_470 = vector.broadcast %add3A_469 : i32 to vector<16xi32>
        %add3A_471 = arith.addi %select_n3A_430, %add3A_470 : vector<16xi32>
        %select_n3A_472 = arith.select %lt3A_468, %add3A_471, %select_n3A_430 : vector<16xi1>, vector<16xi32>
        %broadcast_in_dim3A_473 = vector.shape_cast %select_n3A_472 : vector<16xi32> to vector<16x1xi32>
        %gather3A_474 = vector.shape_cast %broadcast_in_dim3A_473 : vector<16x1xi32> to vector<16xi32>
        %gather3A_475 = tpu.dynamic_gather %get3A_465[%gather3A_474] in [0] : vector<16xi32>, vector<16xi32> -> vector<16xi32>
        %jit3A_476 = arith.constant 16 : i32
        %div3A_477 = arith.divsi %scan3A_254, %jit3A_476 : i32
        %sign3A_478 = arith.constant 0 : i32
        %sign3A_479 = arith.cmpi sgt, %scan3A_254, %sign3A_478 : i32
        %sign3A_480 = arith.extui %sign3A_479 : i1 to i32
        %sign3A_481 = arith.constant 0 : i32
        %sign3A_482 = arith.cmpi slt, %scan3A_254, %sign3A_481 : i32
        %sign3A_483 = arith.extui %sign3A_482 : i1 to i32
        %sign3A_484 = arith.subi %sign3A_480, %sign3A_483 : i32
        %sign3A_485 = arith.constant 0 : i32
        %sign3A_486 = arith.cmpi sgt, %jit3A_476, %sign3A_485 : i32
        %sign3A_487 = arith.extui %sign3A_486 : i1 to i32
        %sign3A_488 = arith.constant 0 : i32
        %sign3A_489 = arith.cmpi slt, %jit3A_476, %sign3A_488 : i32
        %sign3A_490 = arith.extui %sign3A_489 : i1 to i32
        %sign3A_491 = arith.subi %sign3A_487, %sign3A_490 : i32
        %ne3A_492 = arith.cmpi ne, %sign3A_484, %sign3A_491 : i32
        %rem3A_493 = arith.remsi %scan3A_254, %jit3A_476 : i32
        %ne3A_494 = arith.constant 0 : i32
        %ne3A_495 = arith.cmpi ne, %rem3A_493, %ne3A_494 : i32
        %and3A_496 = arith.andi %ne3A_492, %ne3A_495 : i1
        %sub3A_497 = arith.constant 1 : i32
        %sub3A_498 = arith.subi %div3A_477, %sub3A_497 : i32
        %select_n3A_499 = arith.select %and3A_496, %sub3A_498, %div3A_477 : i32
        %mul3A_500 = arith.constant 16 : i32
        %mul3A_501 = arith.muli %select_n3A_499, %mul3A_500 : i32
        %sub3A_502 = arith.subi %scan3A_254, %mul3A_501 : i32
        %eq3A_503 = vector.broadcast %sub3A_502 : i32 to vector<16xi32>
        %eq3A_504 = arith.cmpi eq, %iota3A, %eq3A_503 : vector<16xi32>
        %get3A_505 = arith.index_cast %mul3A_501 : i32 to index
        %get3A_506 = tpu.vector_load %arg11[%get3A_505] {strides = array<i32>} : memref<64xf32, #tpu.memory_space<vmem>>, vector<16xf32>,
        %select_n3A_507 = arith.select %eq3A_504, %max3A_333, %get3A_506 : vector<16xi1>, vector<16xf32>
        %swap3A = arith.index_cast %mul3A_501 : i32 to index
        %swap3A_508 = tpu.vector_load %arg11[%swap3A] {strides = array<i32>} : memref<64xf32, #tpu.memory_space<vmem>>, vector<16xf32>,
        tpu.vector_store %arg11[%swap3A], %select_n3A_507 {strides = array<i32>} : memref<64xf32, #tpu.memory_space<vmem>>, vector<16xf32>,
        %get3A_509 = arith.index_cast %mul3A_501 : i32 to index
        %get3A_510 = tpu.vector_load %arg12[%get3A_509] {strides = array<i32>} : memref<64xi32, #tpu.memory_space<vmem>>, vector<16xi32>,
        %select_n3A_511 = arith.select %eq3A_504, %gather3A_475, %get3A_510 : vector<16xi1>, vector<16xi32>
        %swap3A_512 = arith.index_cast %mul3A_501 : i32 to index
        %swap3A_513 = tpu.vector_load %arg12[%swap3A_512] {strides = array<i32>} : memref<64xi32, #tpu.memory_space<vmem>>, vector<16xi32>,
        tpu.vector_store %arg12[%swap3A_512], %select_n3A_511 {strides = array<i32>} : memref<64xi32, #tpu.memory_space<vmem>>, vector<16xi32>,
        %slice3A_514 = vector.extract_strided_slice %select_n3A_461 {offsets = [0], sizes = [1], strides = [1]} : vector<16xi32> to vector<1xi32>
        %squeeze3A_515 = vector.extract %slice3A_514[0] : i32 from vector<1xi32>
        %mul3A_516 = arith.constant 16 : i32
        %mul3A_517 = arith.muli %squeeze3A_515, %mul3A_516 : i32
        %eq3A_518 = arith.cmpi eq, %iota3A, %select_n3A_430 : vector<16xi32>
        %get3A_519 = arith.index_cast %mul3A_517 : i32 to index
        %get3A_520 = tpu.vector_load %arg9[%get3A_519] {strides = array<i32>} : memref<1056xf32, #tpu.memory_space<vmem>>, vector<16xf32>,
        %select_n3A_521 = arith.select %eq3A_518, %broadcast_in_dim3A_4, %get3A_520 : vector<16xi1>, vector<16xf32>
        %swap3A_522 = arith.index_cast %mul3A_517 : i32 to index
        %swap3A_523 = tpu.vector_load %arg9[%swap3A_522] {strides = array<i32>} : memref<1056xf32, #tpu.memory_space<vmem>>, vector<16xf32>,
        tpu.vector_store %arg9[%swap3A_522], %select_n3A_521 {strides = array<i32>} : memref<1056xf32, #tpu.memory_space<vmem>>, vector<16xf32>,
      }
      %scan3A_253 = arith.constant 64 : i32
      "tpu.region"() ({
        %run_scoped3A = tpu.sem_alloc : memref<!tpu.dma_semaphore, #tpu.memory_space<semaphore_mem>>
        %dma_start3A_254 = arith.constant 0 : i32
        %dma_start3A_255 = tpu.memref_slice %arg4[%add3A_14, %dma_start3A_254] : memref<256x64xf32, #tpu.memory_space<hbm>> -> memref<1x64xf32, #tpu.memory_space<hbm>>
        %dma_start3A_256 = tpu.memref_squeeze %dma_start3A_255 : memref<1x64xf32, #tpu.memory_space<hbm>> -> memref<64xf32, #tpu.memory_space<hbm>>
        %dma_start3A_257 = arith.constant 0 : i32
        %dma_start3A_258 = tpu.memref_slice %arg4[%add3A_14, %dma_start3A_257] : memref<256x64xf32, #tpu.memory_space<hbm>> -> memref<1x64xf32, #tpu.memory_space<hbm>>
        %dma_start3A_259 = tpu.memref_squeeze %dma_start3A_258 : memref<1x64xf32, #tpu.memory_space<hbm>> -> memref<64xf32, #tpu.memory_space<hbm>>
        tpu.enqueue_dma source(%arg11 : memref<64xf32, #tpu.memory_space<vmem>>) target(%dma_start3A_259 : memref<64xf32, #tpu.memory_space<hbm>>) target_semaphore(%run_scoped3A : memref<!tpu.dma_semaphore, #tpu.memory_space<semaphore_mem>>)
        %dma_wait3A_260 = arith.constant 0 : i32
        %dma_wait3A_261 = tpu.memref_slice %arg4[%add3A_14, %dma_wait3A_260] : memref<256x64xf32, #tpu.memory_space<hbm>> -> memref<1x64xf32, #tpu.memory_space<hbm>>
        %dma_wait3A_262 = tpu.memref_squeeze %dma_wait3A_261 : memref<1x64xf32, #tpu.memory_space<hbm>> -> memref<64xf32, #tpu.memory_space<hbm>>
        %dma_wait3A_263 = arith.constant 0 : i32
        %dma_wait3A_264 = tpu.memref_slice %arg4[%add3A_14, %dma_wait3A_263] : memref<256x64xf32, #tpu.memory_space<hbm>> -> memref<1x64xf32, #tpu.memory_space<hbm>>
        %dma_wait3A_265 = tpu.memref_squeeze %dma_wait3A_264 : memref<1x64xf32, #tpu.memory_space<hbm>> -> memref<64xf32, #tpu.memory_space<hbm>>
        tpu.wait_dma2 semaphore(%run_scoped3A : memref<!tpu.dma_semaphore, #tpu.memory_space<semaphore_mem>>) src(%arg11 : memref<64xf32, #tpu.memory_space<vmem>>) dst(%dma_wait3A_265 : memref<64xf32, #tpu.memory_space<hbm>>)
        tpu.yield
      }) : () -> ()
      "tpu.region"() ({
        %run_scoped3A = tpu.sem_alloc : memref<!tpu.dma_semaphore, #tpu.memory_space<semaphore_mem>>
        %dma_start3A_254 = arith.constant 0 : i32
        %dma_start3A_255 = tpu.memref_slice %arg5[%add3A_14, %dma_start3A_254] : memref<256x64xi32, #tpu.memory_space<hbm>> -> memref<1x64xi32, #tpu.memory_space<hbm>>
        %dma_start3A_256 = tpu.memref_squeeze %dma_start3A_255 : memref<1x64xi32, #tpu.memory_space<hbm>> -> memref<64xi32, #tpu.memory_space<hbm>>
        %dma_start3A_257 = arith.constant 0 : i32
        %dma_start3A_258 = tpu.memref_slice %arg5[%add3A_14, %dma_start3A_257] : memref<256x64xi32, #tpu.memory_space<hbm>> -> memref<1x64xi32, #tpu.memory_space<hbm>>
        %dma_start3A_259 = tpu.memref_squeeze %dma_start3A_258 : memref<1x64xi32, #tpu.memory_space<hbm>> -> memref<64xi32, #tpu.memory_space<hbm>>
        tpu.enqueue_dma source(%arg12 : memref<64xi32, #tpu.memory_space<vmem>>) target(%dma_start3A_259 : memref<64xi32, #tpu.memory_space<hbm>>) target_semaphore(%run_scoped3A : memref<!tpu.dma_semaphore, #tpu.memory_space<semaphore_mem>>)
        %dma_wait3A_260 = arith.constant 0 : i32
        %dma_wait3A_261 = tpu.memref_slice %arg5[%add3A_14, %dma_wait3A_260] : memref<256x64xi32, #tpu.memory_space<hbm>> -> memref<1x64xi32, #tpu.memory_space<hbm>>
        %dma_wait3A_262 = tpu.memref_squeeze %dma_wait3A_261 : memref<1x64xi32, #tpu.memory_space<hbm>> -> memref<64xi32, #tpu.memory_space<hbm>>
        %dma_wait3A_263 = arith.constant 0 : i32
        %dma_wait3A_264 = tpu.memref_slice %arg5[%add3A_14, %dma_wait3A_263] : memref<256x64xi32, #tpu.memory_space<hbm>> -> memref<1x64xi32, #tpu.memory_space<hbm>>
        %dma_wait3A_265 = tpu.memref_squeeze %dma_wait3A_264 : memref<1x64xi32, #tpu.memory_space<hbm>> -> memref<64xi32, #tpu.memory_space<hbm>>
        tpu.wait_dma2 semaphore(%run_scoped3A : memref<!tpu.dma_semaphore, #tpu.memory_space<semaphore_mem>>) src(%arg12 : memref<64xi32, #tpu.memory_space<vmem>>) dst(%dma_wait3A_265 : memref<64xi32, #tpu.memory_space<hbm>>)
        tpu.yield
      }) : () -> ()
    }
    %scan3A_10 = arith.constant 8 : i32
    return
  }
}

#map = affine_map<(d0, d1) -> (0, 0)>
module attributes {stable_mosaic.version = 14 : i64} {
  func.func @_sc_select(%arg0: i32, %arg1: i32, %arg2: memref<256x6272xf32, #tpu.memory_space<hbm>>, %arg3: memref<1605632x16xf32, #tpu.memory_space<hbm>>, %arg4: memref<256x64xf32, #tpu.memory_space<hbm>>, %arg5: memref<256x64xi32, #tpu.memory_space<hbm>>, %arg6: memref<6272xf32, #tpu.memory_space<vmem>>, %arg7: memref<1056xi32, #tpu.memory_space<vmem>>, %arg8: memref<2x128x16xf32, #tpu.memory_space<vmem>>, %arg9: memref<1056xf32, #tpu.memory_space<vmem>>, %arg10: memref<1056xi32, #tpu.memory_space<vmem>>, %arg11: memref<64xf32, #tpu.memory_space<vmem>>, %arg12: memref<64xi32, #tpu.memory_space<vmem>>, %arg13: memref<!tpu.dma_semaphore, #tpu.memory_space<semaphore_mem>>) attributes {dimension_semantics = [#tpu.dimension_semantics<core_parallel>, #tpu.dimension_semantics<subcore_parallel>], iteration_bounds = array<i64: 2, 16>, scalar_prefetch = 0 : i64, scratch_operands = 8 : i64, tpu.core_type = #tpu.core_type<sc_vector_subcore>, window_params = [{transform_indices = #map}, {transform_indices = #map}, {transform_indices = #map}, {transform_indices = #map}]} {
    %iota3A = tpu.iota {dimensions = array<i32: 0>} : vector<16xi32>
    %broadcast_in_dim3A = arith.constant 0 : i32
    %broadcast_in_dim3A_0 = vector.broadcast %broadcast_in_dim3A : i32 to vector<16xi32>
    %broadcast_in_dim3A_1 = arith.constant 1 : i32
    %broadcast_in_dim3A_2 = vector.broadcast %broadcast_in_dim3A_1 : i32 to vector<16xi32>
    %broadcast_in_dim3A_3 = arith.constant -3.000000e+38 : f32
    %broadcast_in_dim3A_4 = vector.broadcast %broadcast_in_dim3A_3 : f32 to vector<16xf32>
    %mul3A = arith.constant 2 : i32
    %mul3A_5 = arith.muli %arg1, %mul3A : i32
    %add3A = arith.addi %mul3A_5, %arg0 : i32
    %scan3A = arith.constant 0 : i32
    %scan3A_6 = arith.constant 0 : i32
    %scan3A_7 = arith.constant 8 : i32
    %scan3A_8 = arith.addi %scan3A_6, %scan3A_7 : i32
    %scan3A_9 = arith.constant 1 : i32
    scf.for %scan3A_11 = %scan3A_6 to %scan3A_8 step %scan3A_9  : i32 {
      %mul3A_12 = arith.constant 8 : i32
      %mul3A_13 = arith.muli %add3A, %mul3A_12 : i32
      %add3A_14 = arith.addi %mul3A_13, %scan3A_11 : i32
      "tpu.region"() ({
        %run_scoped3A = tpu.sem_alloc : memref<!tpu.dma_semaphore, #tpu.memory_space<semaphore_mem>>
        %dma_start3A_254 = arith.constant 0 : i32
        %dma_start3A_255 = tpu.memref_slice %arg2[%add3A_14, %dma_start3A_254] : memref<256x6272xf32, #tpu.memory_space<hbm>> -> memref<1x6272xf32, #tpu.memory_space<hbm>>
        %dma_start3A_256 = tpu.memref_squeeze %dma_start3A_255 : memref<1x6272xf32, #tpu.memory_space<hbm>> -> memref<6272xf32, #tpu.memory_space<hbm>>
        %dma_start3A_257 = arith.constant 0 : i32
        %dma_start3A_258 = tpu.memref_slice %arg2[%add3A_14, %dma_start3A_257] : memref<256x6272xf32, #tpu.memory_space<hbm>> -> memref<1x6272xf32, #tpu.memory_space<hbm>>
        %dma_start3A_259 = tpu.memref_squeeze %dma_start3A_258 : memref<1x6272xf32, #tpu.memory_space<hbm>> -> memref<6272xf32, #tpu.memory_space<hbm>>
        tpu.enqueue_dma source(%dma_start3A_259 : memref<6272xf32, #tpu.memory_space<hbm>>) target(%arg6 : memref<6272xf32, #tpu.memory_space<vmem>>) target_semaphore(%run_scoped3A : memref<!tpu.dma_semaphore, #tpu.memory_space<semaphore_mem>>)
        %dma_wait3A_260 = arith.constant 0 : i32
        %dma_wait3A_261 = tpu.memref_slice %arg2[%add3A_14, %dma_wait3A_260] : memref<256x6272xf32, #tpu.memory_space<hbm>> -> memref<1x6272xf32, #tpu.memory_space<hbm>>
        %dma_wait3A_262 = tpu.memref_squeeze %dma_wait3A_261 : memref<1x6272xf32, #tpu.memory_space<hbm>> -> memref<6272xf32, #tpu.memory_space<hbm>>
        %dma_wait3A_263 = arith.constant 0 : i32
        %dma_wait3A_264 = tpu.memref_slice %arg2[%add3A_14, %dma_wait3A_263] : memref<256x6272xf32, #tpu.memory_space<hbm>> -> memref<1x6272xf32, #tpu.memory_space<hbm>>
        %dma_wait3A_265 = tpu.memref_squeeze %dma_wait3A_264 : memref<1x6272xf32, #tpu.memory_space<hbm>> -> memref<6272xf32, #tpu.memory_space<hbm>>
        tpu.wait_dma2 semaphore(%run_scoped3A : memref<!tpu.dma_semaphore, #tpu.memory_space<semaphore_mem>>) src(%dma_wait3A_265 : memref<6272xf32, #tpu.memory_space<hbm>>) dst(%arg6 : memref<6272xf32, #tpu.memory_space<vmem>>)
        tpu.yield
      }) : () -> ()
      %get3A = arith.constant 0 : index
      %get3A_15 = tpu.vector_load %arg6[%get3A] {strides = array<i32>} : memref<6272xf32, #tpu.memory_space<vmem>>, vector<16xf32>,
      %scan3A_16 = arith.constant 1 : i32
      %scan3A_17 = arith.constant 96 : i32
      %scan3A_18 = arith.addi %scan3A_16, %scan3A_17 : i32
      %scan3A_19 = arith.constant 4 : i32
      %scan3A_20 = scf.for %scan3A_254 = %scan3A_16 to %scan3A_18 step %scan3A_19 iter_args(%scan3A_255 = %get3A_15) -> (vector<16xf32>)  : i32 {
        %add3A_256 = arith.constant 0 : i32
        %add3A_257 = arith.addi %add3A_256, %scan3A_254 : i32
        %mul3A_258 = arith.constant 16 : i32
        %mul3A_259 = arith.muli %add3A_257, %mul3A_258 : i32
        %get3A_260 = arith.index_cast %mul3A_259 : i32 to index
        %get3A_261 = tpu.vector_load %arg6[%get3A_260] {strides = array<i32>} : memref<6272xf32, #tpu.memory_space<vmem>>, vector<16xf32>,
        %max3A_262 = arith.maximumf %scan3A_255, %get3A_261 : vector<16xf32>
        %scan3A_263 = arith.constant 1 : i32
        %scan3A_264 = arith.addi %scan3A_254, %scan3A_263 : i32
        %add3A_265 = arith.constant 0 : i32
        %add3A_266 = arith.addi %add3A_265, %scan3A_264 : i32
        %mul3A_267 = arith.constant 16 : i32
        %mul3A_268 = arith.muli %add3A_266, %mul3A_267 : i32
        %get3A_269 = arith.index_cast %mul3A_268 : i32 to index
        %get3A_270 = tpu.vector_load %arg6[%get3A_269] {strides = array<i32>} : memref<6272xf32, #tpu.memory_space<vmem>>, vector<16xf32>,
        %max3A_271 = arith.maximumf %max3A_262, %get3A_270 : vector<16xf32>
        %scan3A_272 = arith.constant 2 : i32
        %scan3A_273 = arith.addi %scan3A_254, %scan3A_272 : i32
        %add3A_274 = arith.constant 0 : i32
        %add3A_275 = arith.addi %add3A_274, %scan3A_273 : i32
        %mul3A_276 = arith.constant 16 : i32
        %mul3A_277 = arith.muli %add3A_275, %mul3A_276 : i32
        %get3A_278 = arith.index_cast %mul3A_277 : i32 to index
        %get3A_279 = tpu.vector_load %arg6[%get3A_278] {strides = array<i32>} : memref<6272xf32, #tpu.memory_space<vmem>>, vector<16xf32>,
        %max3A_280 = arith.maximumf %max3A_271, %get3A_279 : vector<16xf32>
        %scan3A_281 = arith.constant 3 : i32
        %scan3A_282 = arith.addi %scan3A_254, %scan3A_281 : i32
        %add3A_283 = arith.constant 0 : i32
        %add3A_284 = arith.addi %add3A_283, %scan3A_282 : i32
        %mul3A_285 = arith.constant 16 : i32
        %mul3A_286 = arith.muli %add3A_284, %mul3A_285 : i32
        %get3A_287 = arith.index_cast %mul3A_286 : i32 to index
        %get3A_288 = tpu.vector_load %arg6[%get3A_287] {strides = array<i32>} : memref<6272xf32, #tpu.memory_space<vmem>>, vector<16xf32>,
        %max3A_289 = arith.maximumf %max3A_280, %get3A_288 : vector<16xf32>
        scf.yield %max3A_289 : vector<16xf32>
      }
      %scan3A_21 = arith.constant 96 : i32
      %scan3A_22 = arith.addi %scan3A_16, %scan3A_21 : i32
      %add3A_23 = arith.constant 0 : i32
      %add3A_24 = arith.addi %add3A_23, %scan3A_22 : i32
      %mul3A_25 = arith.constant 16 : i32
      %mul3A_26 = arith.muli %add3A_24, %mul3A_25 : i32
      %get3A_27 = arith.index_cast %mul3A_26 : i32 to index
      %get3A_28 = tpu.vector_load %arg6[%get3A_27] {strides = array<i32>} : memref<6272xf32, #tpu.memory_space<vmem>>, vector<16xf32>,
      %max3A = arith.maximumf %scan3A_20, %get3A_28 : vector<16xf32>
      %scan3A_29 = arith.constant 97 : i32
      %get3A_30 = arith.constant 1568 : index
      %get3A_31 = tpu.vector_load %arg6[%get3A_30] {strides = array<i32>} : memref<6272xf32, #tpu.memory_space<vmem>>, vector<16xf32>,
      %scan3A_32 = arith.constant 1 : i32
      %scan3A_33 = arith.constant 96 : i32
      %scan3A_34 = arith.addi %scan3A_32, %scan3A_33 : i32
      %scan3A_35 = arith.constant 4 : i32
      %scan3A_36 = scf.for %scan3A_254 = %scan3A_32 to %scan3A_34 step %scan3A_35 iter_args(%scan3A_255 = %get3A_31) -> (vector<16xf32>)  : i32 {
        %add3A_256 = arith.constant 98 : i32
        %add3A_257 = arith.addi %add3A_256, %scan3A_254 : i32
        %mul3A_258 = arith.constant 16 : i32
        %mul3A_259 = arith.muli %add3A_257, %mul3A_258 : i32
        %get3A_260 = arith.index_cast %mul3A_259 : i32 to index
        %get3A_261 = tpu.vector_load %arg6[%get3A_260] {strides = array<i32>} : memref<6272xf32, #tpu.memory_space<vmem>>, vector<16xf32>,
        %max3A_262 = arith.maximumf %scan3A_255, %get3A_261 : vector<16xf32>
        %scan3A_263 = arith.constant 1 : i32
        %scan3A_264 = arith.addi %scan3A_254, %scan3A_263 : i32
        %add3A_265 = arith.constant 98 : i32
        %add3A_266 = arith.addi %add3A_265, %scan3A_264 : i32
        %mul3A_267 = arith.constant 16 : i32
        %mul3A_268 = arith.muli %add3A_266, %mul3A_267 : i32
        %get3A_269 = arith.index_cast %mul3A_268 : i32 to index
        %get3A_270 = tpu.vector_load %arg6[%get3A_269] {strides = array<i32>} : memref<6272xf32, #tpu.memory_space<vmem>>, vector<16xf32>,
        %max3A_271 = arith.maximumf %max3A_262, %get3A_270 : vector<16xf32>
        %scan3A_272 = arith.constant 2 : i32
        %scan3A_273 = arith.addi %scan3A_254, %scan3A_272 : i32
        %add3A_274 = arith.constant 98 : i32
        %add3A_275 = arith.addi %add3A_274, %scan3A_273 : i32
        %mul3A_276 = arith.constant 16 : i32
        %mul3A_277 = arith.muli %add3A_275, %mul3A_276 : i32
        %get3A_278 = arith.index_cast %mul3A_277 : i32 to index
        %get3A_279 = tpu.vector_load %arg6[%get3A_278] {strides = array<i32>} : memref<6272xf32, #tpu.memory_space<vmem>>, vector<16xf32>,
        %max3A_280 = arith.maximumf %max3A_271, %get3A_279 : vector<16xf32>
        %scan3A_281 = arith.constant 3 : i32
        %scan3A_282 = arith.addi %scan3A_254, %scan3A_281 : i32
        %add3A_283 = arith.constant 98 : i32
        %add3A_284 = arith.addi %add3A_283, %scan3A_282 : i32
        %mul3A_285 = arith.constant 16 : i32
        %mul3A_286 = arith.muli %add3A_284, %mul3A_285 : i32
        %get3A_287 = arith.index_cast %mul3A_286 : i32 to index
        %get3A_288 = tpu.vector_load %arg6[%get3A_287] {strides = array<i32>} : memref<6272xf32, #tpu.memory_space<vmem>>, vector<16xf32>,
        %max3A_289 = arith.maximumf %max3A_280, %get3A_288 : vector<16xf32>
        scf.yield %max3A_289 : vector<16xf32>
      }
      %scan3A_37 = arith.constant 96 : i32
      %scan3A_38 = arith.addi %scan3A_32, %scan3A_37 : i32
      %add3A_39 = arith.constant 98 : i32
      %add3A_40 = arith.addi %add3A_39, %scan3A_38 : i32
      %mul3A_41 = arith.constant 16 : i32
      %mul3A_42 = arith.muli %add3A_40, %mul3A_41 : i32
      %get3A_43 = arith.index_cast %mul3A_42 : i32 to index
      %get3A_44 = tpu.vector_load %arg6[%get3A_43] {strides = array<i32>} : memref<6272xf32, #tpu.memory_space<vmem>>, vector<16xf32>,
      %max3A_45 = arith.maximumf %scan3A_36, %get3A_44 : vector<16xf32>
      %scan3A_46 = arith.constant 97 : i32
      %min3A = arith.minimumf %max3A, %max3A_45 : vector<16xf32>
      %get3A_47 = arith.constant 3136 : index
      %get3A_48 = tpu.vector_load %arg6[%get3A_47] {strides = array<i32>} : memref<6272xf32, #tpu.memory_space<vmem>>, vector<16xf32>,
      %scan3A_49 = arith.constant 1 : i32
      %scan3A_50 = arith.constant 96 : i32
      %scan3A_51 = arith.addi %scan3A_49, %scan3A_50 : i32
      %scan3A_52 = arith.constant 4 : i32
      %scan3A_53 = scf.for %scan3A_254 = %scan3A_49 to %scan3A_51 step %scan3A_52 iter_args(%scan3A_255 = %get3A_48) -> (vector<16xf32>)  : i32 {
        %add3A_256 = arith.constant 196 : i32
        %add3A_257 = arith.addi %add3A_256, %scan3A_254 : i32
        %mul3A_258 = arith.constant 16 : i32
        %mul3A_259 = arith.muli %add3A_257, %mul3A_258 : i32
        %get3A_260 = arith.index_cast %mul3A_259 : i32 to index
        %get3A_261 = tpu.vector_load %arg6[%get3A_260] {strides = array<i32>} : memref<6272xf32, #tpu.memory_space<vmem>>, vector<16xf32>,
        %max3A_262 = arith.maximumf %scan3A_255, %get3A_261 : vector<16xf32>
        %scan3A_263 = arith.constant 1 : i32
        %scan3A_264 = arith.addi %scan3A_254, %scan3A_263 : i32
        %add3A_265 = arith.constant 196 : i32
        %add3A_266 = arith.addi %add3A_265, %scan3A_264 : i32
        %mul3A_267 = arith.constant 16 : i32
        %mul3A_268 = arith.muli %add3A_266, %mul3A_267 : i32
        %get3A_269 = arith.index_cast %mul3A_268 : i32 to index
        %get3A_270 = tpu.vector_load %arg6[%get3A_269] {strides = array<i32>} : memref<6272xf32, #tpu.memory_space<vmem>>, vector<16xf32>,
        %max3A_271 = arith.maximumf %max3A_262, %get3A_270 : vector<16xf32>
        %scan3A_272 = arith.constant 2 : i32
        %scan3A_273 = arith.addi %scan3A_254, %scan3A_272 : i32
        %add3A_274 = arith.constant 196 : i32
        %add3A_275 = arith.addi %add3A_274, %scan3A_273 : i32
        %mul3A_276 = arith.constant 16 : i32
        %mul3A_277 = arith.muli %add3A_275, %mul3A_276 : i32
        %get3A_278 = arith.index_cast %mul3A_277 : i32 to index
        %get3A_279 = tpu.vector_load %arg6[%get3A_278] {strides = array<i32>} : memref<6272xf32, #tpu.memory_space<vmem>>, vector<16xf32>,
        %max3A_280 = arith.maximumf %max3A_271, %get3A_279 : vector<16xf32>
        %scan3A_281 = arith.constant 3 : i32
        %scan3A_282 = arith.addi %scan3A_254, %scan3A_281 : i32
        %add3A_283 = arith.constant 196 : i32
        %add3A_284 = arith.addi %add3A_283, %scan3A_282 : i32
        %mul3A_285 = arith.constant 16 : i32
        %mul3A_286 = arith.muli %add3A_284, %mul3A_285 : i32
        %get3A_287 = arith.index_cast %mul3A_286 : i32 to index
        %get3A_288 = tpu.vector_load %arg6[%get3A_287] {strides = array<i32>} : memref<6272xf32, #tpu.memory_space<vmem>>, vector<16xf32>,
        %max3A_289 = arith.maximumf %max3A_280, %get3A_288 : vector<16xf32>
        scf.yield %max3A_289 : vector<16xf32>
      }
      %scan3A_54 = arith.constant 96 : i32
      %scan3A_55 = arith.addi %scan3A_49, %scan3A_54 : i32
      %add3A_56 = arith.constant 196 : i32
      %add3A_57 = arith.addi %add3A_56, %scan3A_55 : i32
      %mul3A_58 = arith.constant 16 : i32
      %mul3A_59 = arith.muli %add3A_57, %mul3A_58 : i32
      %get3A_60 = arith.index_cast %mul3A_59 : i32 to index
      %get3A_61 = tpu.vector_load %arg6[%get3A_60] {strides = array<i32>} : memref<6272xf32, #tpu.memory_space<vmem>>, vector<16xf32>,
      %max3A_62 = arith.maximumf %scan3A_53, %get3A_61 : vector<16xf32>
      %scan3A_63 = arith.constant 97 : i32
      %get3A_64 = arith.constant 4704 : index
      %get3A_65 = tpu.vector_load %arg6[%get3A_64] {strides = array<i32>} : memref<6272xf32, #tpu.memory_space<vmem>>, vector<16xf32>,
      %scan3A_66 = arith.constant 1 : i32
      %scan3A_67 = arith.constant 96 : i32
      %scan3A_68 = arith.addi %scan3A_66, %scan3A_67 : i32
      %scan3A_69 = arith.constant 4 : i32
      %scan3A_70 = scf.for %scan3A_254 = %scan3A_66 to %scan3A_68 step %scan3A_69 iter_args(%scan3A_255 = %get3A_65) -> (vector<16xf32>)  : i32 {
        %add3A_256 = arith.constant 294 : i32
        %add3A_257 = arith.addi %add3A_256, %scan3A_254 : i32
        %mul3A_258 = arith.constant 16 : i32
        %mul3A_259 = arith.muli %add3A_257, %mul3A_258 : i32
        %get3A_260 = arith.index_cast %mul3A_259 : i32 to index
        %get3A_261 = tpu.vector_load %arg6[%get3A_260] {strides = array<i32>} : memref<6272xf32, #tpu.memory_space<vmem>>, vector<16xf32>,
        %max3A_262 = arith.maximumf %scan3A_255, %get3A_261 : vector<16xf32>
        %scan3A_263 = arith.constant 1 : i32
        %scan3A_264 = arith.addi %scan3A_254, %scan3A_263 : i32
        %add3A_265 = arith.constant 294 : i32
        %add3A_266 = arith.addi %add3A_265, %scan3A_264 : i32
        %mul3A_267 = arith.constant 16 : i32
        %mul3A_268 = arith.muli %add3A_266, %mul3A_267 : i32
        %get3A_269 = arith.index_cast %mul3A_268 : i32 to index
        %get3A_270 = tpu.vector_load %arg6[%get3A_269] {strides = array<i32>} : memref<6272xf32, #tpu.memory_space<vmem>>, vector<16xf32>,
        %max3A_271 = arith.maximumf %max3A_262, %get3A_270 : vector<16xf32>
        %scan3A_272 = arith.constant 2 : i32
        %scan3A_273 = arith.addi %scan3A_254, %scan3A_272 : i32
        %add3A_274 = arith.constant 294 : i32
        %add3A_275 = arith.addi %add3A_274, %scan3A_273 : i32
        %mul3A_276 = arith.constant 16 : i32
        %mul3A_277 = arith.muli %add3A_275, %mul3A_276 : i32
        %get3A_278 = arith.index_cast %mul3A_277 : i32 to index
        %get3A_279 = tpu.vector_load %arg6[%get3A_278] {strides = array<i32>} : memref<6272xf32, #tpu.memory_space<vmem>>, vector<16xf32>,
        %max3A_280 = arith.maximumf %max3A_271, %get3A_279 : vector<16xf32>
        %scan3A_281 = arith.constant 3 : i32
        %scan3A_282 = arith.addi %scan3A_254, %scan3A_281 : i32
        %add3A_283 = arith.constant 294 : i32
        %add3A_284 = arith.addi %add3A_283, %scan3A_282 : i32
        %mul3A_285 = arith.constant 16 : i32
        %mul3A_286 = arith.muli %add3A_284, %mul3A_285 : i32
        %get3A_287 = arith.index_cast %mul3A_286 : i32 to index
        %get3A_288 = tpu.vector_load %arg6[%get3A_287] {strides = array<i32>} : memref<6272xf32, #tpu.memory_space<vmem>>, vector<16xf32>,
        %max3A_289 = arith.maximumf %max3A_280, %get3A_288 : vector<16xf32>
        scf.yield %max3A_289 : vector<16xf32>
      }
      %scan3A_71 = arith.constant 96 : i32
      %scan3A_72 = arith.addi %scan3A_66, %scan3A_71 : i32
      %add3A_73 = arith.constant 294 : i32
      %add3A_74 = arith.addi %add3A_73, %scan3A_72 : i32
      %mul3A_75 = arith.constant 16 : i32
      %mul3A_76 = arith.muli %add3A_74, %mul3A_75 : i32
      %get3A_77 = arith.index_cast %mul3A_76 : i32 to index
      %get3A_78 = tpu.vector_load %arg6[%get3A_77] {strides = array<i32>} : memref<6272xf32, #tpu.memory_space<vmem>>, vector<16xf32>,
      %max3A_79 = arith.maximumf %scan3A_70, %get3A_78 : vector<16xf32>
      %scan3A_80 = arith.constant 97 : i32
      %min3A_81 = arith.minimumf %max3A_62, %max3A_79 : vector<16xf32>
      %min3A_82 = arith.minimumf %min3A, %min3A_81 : vector<16xf32>
      %add3A_83 = arith.constant 8 : i32
      %add3A_84 = vector.broadcast %add3A_83 : i32 to vector<16xi32>
      %add3A_85 = arith.addi %iota3A, %add3A_84 : vector<16xi32>
      %and3A = arith.constant 15 : i32
      %and3A_86 = vector.broadcast %and3A : i32 to vector<16xi32>
      %and3A_87 = arith.andi %add3A_85, %and3A_86 : vector<16xi32>
      %lt3A = arith.constant 0 : i32
      %lt3A_88 = vector.broadcast %lt3A : i32 to vector<16xi32>
      %lt3A_89 = arith.cmpi slt, %and3A_87, %lt3A_88 : vector<16xi32>
      %add3A_90 = arith.constant 16 : i32
      %add3A_91 = vector.broadcast %add3A_90 : i32 to vector<16xi32>
      %add3A_92 = arith.addi %and3A_87, %add3A_91 : vector<16xi32>
      %select_n3A = arith.select %lt3A_89, %add3A_92, %and3A_87 : vector<16xi1>, vector<16xi32>
      %broadcast_in_dim3A_93 = vector.shape_cast %select_n3A : vector<16xi32> to vector<16x1xi32>
      %gather3A = vector.shape_cast %broadcast_in_dim3A_93 : vector<16x1xi32> to vector<16xi32>
      %gather3A_94 = tpu.dynamic_gather %min3A_82[%gather3A] in [0] : vector<16xf32>, vector<16xi32> -> vector<16xf32>
      %min3A_95 = arith.minimumf %min3A_82, %gather3A_94 : vector<16xf32>
      %add3A_96 = arith.constant 4 : i32
      %add3A_97 = vector.broadcast %add3A_96 : i32 to vector<16xi32>
      %add3A_98 = arith.addi %iota3A, %add3A_97 : vector<16xi32>
      %and3A_99 = arith.constant 15 : i32
      %and3A_100 = vector.broadcast %and3A_99 : i32 to vector<16xi32>
      %and3A_101 = arith.andi %add3A_98, %and3A_100 : vector<16xi32>
      %lt3A_102 = arith.constant 0 : i32
      %lt3A_103 = vector.broadcast %lt3A_102 : i32 to vector<16xi32>
      %lt3A_104 = arith.cmpi slt, %and3A_101, %lt3A_103 : vector<16xi32>
      %add3A_105 = arith.constant 16 : i32
      %add3A_106 = vector.broadcast %add3A_105 : i32 to vector<16xi32>
      %add3A_107 = arith.addi %and3A_101, %add3A_106 : vector<16xi32>
      %select_n3A_108 = arith.select %lt3A_104, %add3A_107, %and3A_101 : vector<16xi1>, vector<16xi32>
      %broadcast_in_dim3A_109 = vector.shape_cast %select_n3A_108 : vector<16xi32> to vector<16x1xi32>
      %gather3A_110 = vector.shape_cast %broadcast_in_dim3A_109 : vector<16x1xi32> to vector<16xi32>
      %gather3A_111 = tpu.dynamic_gather %min3A_95[%gather3A_110] in [0] : vector<16xf32>, vector<16xi32> -> vector<16xf32>
      %min3A_112 = arith.minimumf %min3A_95, %gather3A_111 : vector<16xf32>
      %add3A_113 = arith.constant 2 : i32
      %add3A_114 = vector.broadcast %add3A_113 : i32 to vector<16xi32>
      %add3A_115 = arith.addi %iota3A, %add3A_114 : vector<16xi32>
      %and3A_116 = arith.constant 15 : i32
      %and3A_117 = vector.broadcast %and3A_116 : i32 to vector<16xi32>
      %and3A_118 = arith.andi %add3A_115, %and3A_117 : vector<16xi32>
      %lt3A_119 = arith.constant 0 : i32
      %lt3A_120 = vector.broadcast %lt3A_119 : i32 to vector<16xi32>
      %lt3A_121 = arith.cmpi slt, %and3A_118, %lt3A_120 : vector<16xi32>
      %add3A_122 = arith.constant 16 : i32
      %add3A_123 = vector.broadcast %add3A_122 : i32 to vector<16xi32>
      %add3A_124 = arith.addi %and3A_118, %add3A_123 : vector<16xi32>
      %select_n3A_125 = arith.select %lt3A_121, %add3A_124, %and3A_118 : vector<16xi1>, vector<16xi32>
      %broadcast_in_dim3A_126 = vector.shape_cast %select_n3A_125 : vector<16xi32> to vector<16x1xi32>
      %gather3A_127 = vector.shape_cast %broadcast_in_dim3A_126 : vector<16x1xi32> to vector<16xi32>
      %gather3A_128 = tpu.dynamic_gather %min3A_112[%gather3A_127] in [0] : vector<16xf32>, vector<16xi32> -> vector<16xf32>
      %min3A_129 = arith.minimumf %min3A_112, %gather3A_128 : vector<16xf32>
      %add3A_130 = arith.constant 1 : i32
      %add3A_131 = vector.broadcast %add3A_130 : i32 to vector<16xi32>
      %add3A_132 = arith.addi %iota3A, %add3A_131 : vector<16xi32>
      %and3A_133 = arith.constant 15 : i32
      %and3A_134 = vector.broadcast %and3A_133 : i32 to vector<16xi32>
      %and3A_135 = arith.andi %add3A_132, %and3A_134 : vector<16xi32>
      %lt3A_136 = arith.constant 0 : i32
      %lt3A_137 = vector.broadcast %lt3A_136 : i32 to vector<16xi32>
      %lt3A_138 = arith.cmpi slt, %and3A_135, %lt3A_137 : vector<16xi32>
      %add3A_139 = arith.constant 16 : i32
      %add3A_140 = vector.broadcast %add3A_139 : i32 to vector<16xi32>
      %add3A_141 = arith.addi %and3A_135, %add3A_140 : vector<16xi32>
      %select_n3A_142 = arith.select %lt3A_138, %add3A_141, %and3A_135 : vector<16xi1>, vector<16xi32>
      %broadcast_in_dim3A_143 = vector.shape_cast %select_n3A_142 : vector<16xi32> to vector<16x1xi32>
      %gather3A_144 = vector.shape_cast %broadcast_in_dim3A_143 : vector<16x1xi32> to vector<16xi32>
      %gather3A_145 = tpu.dynamic_gather %min3A_129[%gather3A_144] in [0] : vector<16xf32>, vector<16xi32> -> vector<16xf32>
      %min3A_146 = arith.minimumf %min3A_129, %gather3A_145 : vector<16xf32>
      %mul3A_147 = arith.constant 6272 : i32
      %mul3A_148 = arith.muli %add3A_14, %mul3A_147 : i32
      %add3A_149 = arith.constant 6271 : i32
      %add3A_150 = arith.addi %mul3A_148, %add3A_149 : i32
      %broadcast_in_dim3A_151 = vector.broadcast %add3A_150 : i32 to vector<16xi32>
      %scan3A_152 = arith.constant 0 : i32
      %scan3A_153 = arith.constant 0 : i32
      %scan3A_154 = arith.constant 65 : i32
      %scan3A_155 = arith.addi %scan3A_153, %scan3A_154 : i32
      %scan3A_156 = arith.constant 1 : i32
      scf.for %scan3A_254 = %scan3A_153 to %scan3A_155 step %scan3A_156  : i32 {
        %mul3A_255 = arith.constant 16 : i32
        %mul3A_256 = arith.muli %scan3A_254, %mul3A_255 : i32
        %swap3A = arith.index_cast %mul3A_256 : i32 to index
        %swap3A_257 = tpu.vector_load %arg7[%swap3A] {strides = array<i32>} : memref<1056xi32, #tpu.memory_space<vmem>>, vector<16xi32>,
        tpu.vector_store %arg7[%swap3A], %broadcast_in_dim3A_151 {strides = array<i32>} : memref<1056xi32, #tpu.memory_space<vmem>>, vector<16xi32>,
      }
      %scan3A_157 = arith.constant 65 : i32
      %scan3A_158 = arith.constant 0 : i32
      %scan3A_159 = arith.constant 0 : i32
      %scan3A_160 = arith.constant 65 : i32
      %scan3A_161 = arith.addi %scan3A_159, %scan3A_160 : i32
      %scan3A_162 = arith.constant 1 : i32
      scf.for %scan3A_254 = %scan3A_159 to %scan3A_161 step %scan3A_162  : i32 {
        %mul3A_255 = arith.constant 16 : i32
        %mul3A_256 = arith.muli %scan3A_254, %mul3A_255 : i32
        %swap3A = arith.index_cast %mul3A_256 : i32 to index
        %swap3A_257 = tpu.vector_load %arg9[%swap3A] {strides = array<i32>} : memref<1056xf32, #tpu.memory_space<vmem>>, vector<16xf32>,
        tpu.vector_store %arg9[%swap3A], %broadcast_in_dim3A_4 {strides = array<i32>} : memref<1056xf32, #tpu.memory_space<vmem>>, vector<16xf32>,
      }
      %scan3A_163 = arith.constant 65 : i32
      %scan3A_164 = arith.constant 0 : i32
      %scan3A_165 = arith.constant 0 : i32
      %scan3A_166 = arith.constant 392 : i32
      %scan3A_167 = arith.addi %scan3A_165, %scan3A_166 : i32
      %scan3A_168 = arith.constant 2 : i32
      %scan3A_169 = scf.for %scan3A_254 = %scan3A_165 to %scan3A_167 step %scan3A_168 iter_args(%scan3A_255 = %scan3A_164) -> (i32)  : i32 {
        %mul3A_256 = arith.constant 16 : i32
        %mul3A_257 = arith.muli %scan3A_254, %mul3A_256 : i32
        %get3A_258 = arith.index_cast %mul3A_257 : i32 to index
        %get3A_259 = tpu.vector_load %arg6[%get3A_258] {strides = array<i32>} : memref<6272xf32, #tpu.memory_space<vmem>>, vector<16xf32>,
        %ge3A = arith.cmpf oge, %get3A_259, %min3A_146 : vector<16xf32>
        %mul3A_260 = arith.constant 6272 : i32
        %mul3A_261 = arith.muli %add3A_14, %mul3A_260 : i32
        %mul3A_262 = arith.constant 16 : i32
        %mul3A_263 = arith.muli %scan3A_254, %mul3A_262 : i32
        %add3A_264 = arith.addi %mul3A_261, %mul3A_263 : i32
        %add3A_265 = vector.broadcast %add3A_264 : i32 to vector<16xi32>
        %add3A_266 = arith.addi %add3A_265, %iota3A : vector<16xi32>
        %masked_sort3A = arith.constant -2147483648 : i32
        %masked_sort3A_267 = vector.broadcast %masked_sort3A : i32 to vector<16xi32>
        %masked_sort3A_268 = arith.xori %iota3A, %masked_sort3A_267 : vector<16xi32>
        %masked_sort3A_269, %masked_sort3A_270, %masked_sort3A_271 = tpu.sort %masked_sort3A_268, %add3A_266 masked %ge3A : (vector<16xi32>, vector<16xi32>, vector<16xi1>) -> (vector<16xi1>, vector<16xi32>, vector<16xi32>)
        %masked_sort3A_272 = arith.xori %masked_sort3A_270, %masked_sort3A_267 : vector<16xi32>
        %swap3A = arith.index_cast %scan3A_255 : i32 to index
        %swap3A_273 = tpu.vector_load %arg7[%swap3A] {strides = array<i32>} : memref<1056xi32, #tpu.memory_space<vmem>>, vector<16xi32>,
        tpu.vector_store %arg7[%swap3A], %masked_sort3A_271 {strides = array<i32>} : memref<1056xi32, #tpu.memory_space<vmem>>, vector<16xi32>,
        %all_reduce_population_count3A = tpu.all_reduce %ge3A {dim = 0 : i64, kind = #tpu.reduction_kind<sum>} : vector<16xi1> -> vector<16xi32>
        %slice3A = vector.extract_strided_slice %all_reduce_population_count3A {offsets = [0], sizes = [1], strides = [1]} : vector<16xi32> to vector<1xi32>
        %squeeze3A = vector.extract %slice3A[0] : i32 from vector<1xi32>
        %add3A_274 = arith.addi %scan3A_255, %squeeze3A : i32
        %min3A_275 = arith.constant 1024 : i32
        %min3A_276 = arith.minsi %add3A_274, %min3A_275 : i32
        %scan3A_277 = arith.constant 1 : i32
        %scan3A_278 = arith.addi %scan3A_254, %scan3A_277 : i32
        %mul3A_279 = arith.constant 16 : i32
        %mul3A_280 = arith.muli %scan3A_278, %mul3A_279 : i32
        %get3A_281 = arith.index_cast %mul3A_280 : i32 to index
        %get3A_282 = tpu.vector_load %arg6[%get3A_281] {strides = array<i32>} : memref<6272xf32, #tpu.memory_space<vmem>>, vector<16xf32>,
        %ge3A_283 = arith.cmpf oge, %get3A_282, %min3A_146 : vector<16xf32>
        %mul3A_284 = arith.constant 6272 : i32
        %mul3A_285 = arith.muli %add3A_14, %mul3A_284 : i32
        %mul3A_286 = arith.constant 16 : i32
        %mul3A_287 = arith.muli %scan3A_278, %mul3A_286 : i32
        %add3A_288 = arith.addi %mul3A_285, %mul3A_287 : i32
        %add3A_289 = vector.broadcast %add3A_288 : i32 to vector<16xi32>
        %add3A_290 = arith.addi %add3A_289, %iota3A : vector<16xi32>
        %masked_sort3A_291 = arith.constant -2147483648 : i32
        %masked_sort3A_292 = vector.broadcast %masked_sort3A_291 : i32 to vector<16xi32>
        %masked_sort3A_293 = arith.xori %iota3A, %masked_sort3A_292 : vector<16xi32>
        %masked_sort3A_294, %masked_sort3A_295, %masked_sort3A_296 = tpu.sort %masked_sort3A_293, %add3A_290 masked %ge3A_283 : (vector<16xi32>, vector<16xi32>, vector<16xi1>) -> (vector<16xi1>, vector<16xi32>, vector<16xi32>)
        %masked_sort3A_297 = arith.xori %masked_sort3A_295, %masked_sort3A_292 : vector<16xi32>
        %swap3A_298 = arith.index_cast %min3A_276 : i32 to index
        %swap3A_299 = tpu.vector_load %arg7[%swap3A_298] {strides = array<i32>} : memref<1056xi32, #tpu.memory_space<vmem>>, vector<16xi32>,
        tpu.vector_store %arg7[%swap3A_298], %masked_sort3A_296 {strides = array<i32>} : memref<1056xi32, #tpu.memory_space<vmem>>, vector<16xi32>,
        %all_reduce_population_count3A_300 = tpu.all_reduce %ge3A_283 {dim = 0 : i64, kind = #tpu.reduction_kind<sum>} : vector<16xi1> -> vector<16xi32>
        %slice3A_301 = vector.extract_strided_slice %all_reduce_population_count3A_300 {offsets = [0], sizes = [1], strides = [1]} : vector<16xi32> to vector<1xi32>
        %squeeze3A_302 = vector.extract %slice3A_301[0] : i32 from vector<1xi32>
        %add3A_303 = arith.addi %min3A_276, %squeeze3A_302 : i32
        %min3A_304 = arith.constant 1024 : i32
        %min3A_305 = arith.minsi %add3A_303, %min3A_304 : i32
        scf.yield %min3A_305 : i32
      }
      %scan3A_170 = arith.constant 392 : i32
      %add3A_171 = arith.constant 127 : i32
      %add3A_172 = arith.addi %scan3A_169, %add3A_171 : i32
      %jit3A = arith.constant 128 : i32
      %div3A = arith.divsi %add3A_172, %jit3A : i32
      %sign3A = arith.constant 0 : i32
      %sign3A_173 = arith.cmpi sgt, %add3A_172, %sign3A : i32
      %sign3A_174 = arith.extui %sign3A_173 : i1 to i32
      %sign3A_175 = arith.constant 0 : i32
      %sign3A_176 = arith.cmpi slt, %add3A_172, %sign3A_175 : i32
      %sign3A_177 = arith.extui %sign3A_176 : i1 to i32
      %sign3A_178 = arith.subi %sign3A_174, %sign3A_177 : i32
      %sign3A_179 = arith.constant 0 : i32
      %sign3A_180 = arith.cmpi sgt, %jit3A, %sign3A_179 : i32
      %sign3A_181 = arith.extui %sign3A_180 : i1 to i32
      %sign3A_182 = arith.constant 0 : i32
      %sign3A_183 = arith.cmpi slt, %jit3A, %sign3A_182 : i32
      %sign3A_184 = arith.extui %sign3A_183 : i1 to i32
      %sign3A_185 = arith.subi %sign3A_181, %sign3A_184 : i32
      %ne3A = arith.cmpi ne, %sign3A_178, %sign3A_185 : i32
      %rem3A = arith.remsi %add3A_172, %jit3A : i32
      %ne3A_186 = arith.constant 0 : i32
      %ne3A_187 = arith.cmpi ne, %rem3A, %ne3A_186 : i32
      %and3A_188 = arith.andi %ne3A, %ne3A_187 : i1
      %sub3A = arith.constant 1 : i32
      %sub3A_189 = arith.subi %div3A, %sub3A : i32
      %select_n3A_190 = arith.select %and3A_188, %sub3A_189, %div3A : i32
      %min3A_191 = arith.constant 8 : i32
      %min3A_192 = arith.minsi %select_n3A_190, %min3A_191 : i32
      %dma_start3A = arith.constant 0 : i32
      %dma_start3A_193 = arith.constant 0 : i32
      %dma_start3A_194 = arith.constant 0 : i32
      %dma_start3A_195 = tpu.memref_slice %arg8[%dma_start3A, %dma_start3A_193, %dma_start3A_194] : memref<2x128x16xf32, #tpu.memory_space<vmem>> -> memref<1x128x16xf32, #tpu.memory_space<vmem>>
      %dma_start3A_196 = tpu.memref_squeeze %dma_start3A_195 : memref<1x128x16xf32, #tpu.memory_space<vmem>> -> memref<128x16xf32, #tpu.memory_space<vmem>>
      %dma_start3A_197 = arith.constant 0 : i32
      %dma_start3A_198 = tpu.memref_slice %arg7[%dma_start3A_197] : memref<1056xi32, #tpu.memory_space<vmem>> -> memref<128xi32, #tpu.memory_space<vmem>>
      %dma_start3A_199 = arith.constant 0 : i32
      %dma_start3A_200 = arith.constant 0 : i32
      %dma_start3A_201 = tpu.memref_slice %arg3[%dma_start3A_199, %dma_start3A_200] : memref<1605632x16xf32, #tpu.memory_space<hbm>> -> memref<1605632x16xf32, #tpu.memory_space<hbm>>
      tpu.enqueue_indirect_dma source(%dma_start3A_201 : memref<1605632x16xf32, #tpu.memory_space<hbm>>) target(%dma_start3A_196 : memref<128x16xf32, #tpu.memory_space<vmem>>) offsets(%dma_start3A_198 : memref<128xi32, #tpu.memory_space<vmem>>) semaphore(%arg13 : memref<!tpu.dma_semaphore, #tpu.memory_space<semaphore_mem>>)
      %while3A = arith.constant 0 : i32
      %while3A_202 = arith.constant 0 : i32
      %while3A_203 = arith.subi %min3A_192, %while3A : i32
      %while3A_204 = arith.addi %while3A, %while3A_203 : i32
      %while3A_205 = arith.constant 1 : i32
      %while3A_206 = arith.divsi %while3A_203, %while3A_205 : i32
      %while3A_207 = arith.muli %while3A_206, %while3A_205 : i32
      %while3A_208 = arith.addi %while3A, %while3A_207 : i32
      %while3A_209 = arith.constant 1 : i32
      %while3A_210 = scf.for %while3A_254 = %while3A to %while3A_208 step %while3A_209 iter_args(%while3A_255 = %while3A_202) -> (i32)  : i32 {
        %add3A_256 = arith.constant 1 : i32
        %add3A_257 = arith.addi %while3A_254, %add3A_256 : i32
        %min3A_258 = arith.constant 7 : i32
        %min3A_259 = arith.minsi %add3A_257, %min3A_258 : i32
        %mul3A_260 = arith.constant 128 : i32
        %mul3A_261 = arith.muli %min3A_259, %mul3A_260 : i32
        %add3A_262 = arith.constant 1 : i32
        %add3A_263 = arith.addi %while3A_254, %add3A_262 : i32
        %jit3A_264 = arith.constant 2 : i32
        %eq3A = arith.constant 0 : i32
        %eq3A_265 = arith.cmpi eq, %jit3A_264, %eq3A : i32
        %jit3A_266 = arith.constant 1 : i32
        %select_n3A_267 = arith.select %eq3A_265, %jit3A_266, %jit3A_264 : i32
        %rem3A_268 = arith.remsi %add3A_263, %select_n3A_267 : i32
        %ne3A_269 = arith.constant 0 : i32
        %ne3A_270 = arith.cmpi ne, %rem3A_268, %ne3A_269 : i32
        %lt3A_271 = arith.constant 0 : i32
        %lt3A_272 = arith.cmpi slt, %rem3A_268, %lt3A_271 : i32
        %lt3A_273 = arith.constant 0 : i32
        %lt3A_274 = arith.cmpi slt, %select_n3A_267, %lt3A_273 : i32
        %ne3A_275 = arith.xori %lt3A_272, %lt3A_274 : i1
        %and3A_276 = arith.andi %ne3A_275, %ne3A_270 : i1
        %add3A_277 = arith.addi %rem3A_268, %select_n3A_267 : i32
        %select_n3A_278 = arith.select %and3A_276, %add3A_277, %rem3A_268 : i32
        %dma_start3A_279 = arith.constant 0 : i32
        %dma_start3A_280 = arith.constant 0 : i32
        %dma_start3A_281 = tpu.memref_slice %arg8[%select_n3A_278, %dma_start3A_279, %dma_start3A_280] : memref<2x128x16xf32, #tpu.memory_space<vmem>> -> memref<1x128x16xf32, #tpu.memory_space<vmem>>
        %dma_start3A_282 = tpu.memref_squeeze %dma_start3A_281 : memref<1x128x16xf32, #tpu.memory_space<vmem>> -> memref<128x16xf32, #tpu.memory_space<vmem>>
        %dma_start3A_283 = tpu.memref_slice %arg7[%mul3A_261] : memref<1056xi32, #tpu.memory_space<vmem>> -> memref<128xi32, #tpu.memory_space<vmem>>
        %dma_start3A_284 = arith.constant 0 : i32
        %dma_start3A_285 = arith.constant 0 : i32
        %dma_start3A_286 = tpu.memref_slice %arg3[%dma_start3A_284, %dma_start3A_285] : memref<1605632x16xf32, #tpu.memory_space<hbm>> -> memref<1605632x16xf32, #tpu.memory_space<hbm>>
        tpu.enqueue_indirect_dma source(%dma_start3A_286 : memref<1605632x16xf32, #tpu.memory_space<hbm>>) target(%dma_start3A_282 : memref<128x16xf32, #tpu.memory_space<vmem>>) offsets(%dma_start3A_283 : memref<128xi32, #tpu.memory_space<vmem>>) semaphore(%arg13 : memref<!tpu.dma_semaphore, #tpu.memory_space<semaphore_mem>>)
        %dma_wait3A_287 = arith.constant 0 : i32
        %dma_wait3A_288 = arith.constant 0 : i32
        %dma_wait3A_289 = arith.constant 0 : i32
        %dma_wait3A_290 = tpu.memref_slice %arg8[%dma_wait3A_287, %dma_wait3A_288, %dma_wait3A_289] : memref<2x128x16xf32, #tpu.memory_space<vmem>> -> memref<1x128x16xf32, #tpu.memory_space<vmem>>
        %dma_wait3A_291 = tpu.memref_squeeze %dma_wait3A_290 : memref<1x128x16xf32, #tpu.memory_space<vmem>> -> memref<128x16xf32, #tpu.memory_space<vmem>>
        %dma_wait3A_292 = arith.constant 0 : i32
        %dma_wait3A_293 = tpu.memref_slice %arg7[%dma_wait3A_292] : memref<1056xi32, #tpu.memory_space<vmem>> -> memref<128xi32, #tpu.memory_space<vmem>>
        %dma_wait3A_294 = arith.constant 0 : i32
        %dma_wait3A_295 = arith.constant 0 : i32
        %dma_wait3A_296 = tpu.memref_slice %arg3[%dma_wait3A_294, %dma_wait3A_295] : memref<1605632x16xf32, #tpu.memory_space<hbm>> -> memref<1605632x16xf32, #tpu.memory_space<hbm>>
        tpu.wait_indirect_dma semaphore(%arg13 : memref<!tpu.dma_semaphore, #tpu.memory_space<semaphore_mem>>) src(%dma_wait3A_296 : memref<1605632x16xf32, #tpu.memory_space<hbm>>) dst(%dma_wait3A_291 : memref<128x16xf32, #tpu.memory_space<vmem>>)
        %scan3A_297 = arith.constant 0 : i32
        %scan3A_298 = arith.constant 128 : i32
        %scan3A_299 = arith.addi %scan3A_297, %scan3A_298 : i32
        %scan3A_300 = arith.constant 1 : i32
        %scan3A_301 = scf.for %scan3A_303 = %scan3A_297 to %scan3A_299 step %scan3A_300 iter_args(%scan3A_304 = %while3A_255) -> (i32)  : i32 {
          %jit3A_305 = arith.constant 2 : i32
          %eq3A_306 = arith.constant 0 : i32
          %eq3A_307 = arith.cmpi eq, %jit3A_305, %eq3A_306 : i32
          %jit3A_308 = arith.constant 1 : i32
          %select_n3A_309 = arith.select %eq3A_307, %jit3A_308, %jit3A_305 : i32
          %rem3A_310 = arith.remsi %while3A_254, %select_n3A_309 : i32
          %ne3A_311 = arith.constant 0 : i32
          %ne3A_312 = arith.cmpi ne, %rem3A_310, %ne3A_311 : i32
          %lt3A_313 = arith.constant 0 : i32
          %lt3A_314 = arith.cmpi slt, %rem3A_310, %lt3A_313 : i32
          %lt3A_315 = arith.constant 0 : i32
          %lt3A_316 = arith.cmpi slt, %select_n3A_309, %lt3A_315 : i32
          %ne3A_317 = arith.xori %lt3A_314, %lt3A_316 : i1
          %and3A_318 = arith.andi %ne3A_317, %ne3A_312 : i1
          %add3A_319 = arith.addi %rem3A_310, %select_n3A_309 : i32
          %select_n3A_320 = arith.select %and3A_318, %add3A_319, %rem3A_310 : i32
          %get3A_321 = arith.index_cast %select_n3A_320 : i32 to index
          %get3A_322 = arith.index_cast %scan3A_303 : i32 to index
          %get3A_323 = arith.constant 0 : index
          %get3A_324 = tpu.vector_load %arg8[%get3A_321, %get3A_322, %get3A_323] {strides = array<i32>} : memref<2x128x16xf32, #tpu.memory_space<vmem>>, vector<16xf32>,
          %ge3A = arith.cmpf oge, %get3A_324, %min3A_146 : vector<16xf32>
          %mul3A_325 = arith.constant 128 : i32
          %mul3A_326 = arith.muli %while3A_254, %mul3A_325 : i32
          %add3A_327 = arith.addi %mul3A_326, %scan3A_303 : i32
          %jit3A_328 = arith.constant 16 : i32
          %div3A_329 = arith.divsi %add3A_327, %jit3A_328 : i32
          %sign3A_330 = arith.constant 0 : i32
          %sign3A_331 = arith.cmpi sgt, %add3A_327, %sign3A_330 : i32
          %sign3A_332 = arith.extui %sign3A_331 : i1 to i32
          %sign3A_333 = arith.constant 0 : i32
          %sign3A_334 = arith.cmpi slt, %add3A_327, %sign3A_333 : i32
          %sign3A_335 = arith.extui %sign3A_334 : i1 to i32
          %sign3A_336 = arith.subi %sign3A_332, %sign3A_335 : i32
          %sign3A_337 = arith.constant 0 : i32
          %sign3A_338 = arith.cmpi sgt, %jit3A_328, %sign3A_337 : i32
          %sign3A_339 = arith.extui %sign3A_338 : i1 to i32
          %sign3A_340 = arith.constant 0 : i32
          %sign3A_341 = arith.cmpi slt, %jit3A_328, %sign3A_340 : i32
          %sign3A_342 = arith.extui %sign3A_341 : i1 to i32
          %sign3A_343 = arith.subi %sign3A_339, %sign3A_342 : i32
          %ne3A_344 = arith.cmpi ne, %sign3A_336, %sign3A_343 : i32
          %rem3A_345 = arith.remsi %add3A_327, %jit3A_328 : i32
          %ne3A_346 = arith.constant 0 : i32
          %ne3A_347 = arith.cmpi ne, %rem3A_345, %ne3A_346 : i32
          %and3A_348 = arith.andi %ne3A_344, %ne3A_347 : i1
          %sub3A_349 = arith.constant 1 : i32
          %sub3A_350 = arith.subi %div3A_329, %sub3A_349 : i32
          %select_n3A_351 = arith.select %and3A_348, %sub3A_350, %div3A_329 : i32
          %mul3A_352 = arith.constant 16 : i32
          %mul3A_353 = arith.muli %select_n3A_351, %mul3A_352 : i32
          %get3A_354 = arith.index_cast %mul3A_353 : i32 to index
          %get3A_355 = tpu.vector_load %arg7[%get3A_354] {strides = array<i32>} : memref<1056xi32, #tpu.memory_space<vmem>>, vector<16xi32>,
          %sub3A_356 = arith.subi %add3A_327, %mul3A_353 : i32
          %mul3A_357 = vector.broadcast %sub3A_356 : i32 to vector<16xi32>
          %mul3A_358 = arith.muli %broadcast_in_dim3A_2, %mul3A_357 : vector<16xi32>
          %lt3A_359 = arith.constant 0 : i32
          %lt3A_360 = vector.broadcast %lt3A_359 : i32 to vector<16xi32>
          %lt3A_361 = arith.cmpi slt, %mul3A_358, %lt3A_360 : vector<16xi32>
          %add3A_362 = arith.constant 16 : i32
          %add3A_363 = vector.broadcast %add3A_362 : i32 to vector<16xi32>
          %add3A_364 = arith.addi %mul3A_358, %add3A_363 : vector<16xi32>
          %select_n3A_365 = arith.select %lt3A_361, %add3A_364, %mul3A_358 : vector<16xi1>, vector<16xi32>
          %broadcast_in_dim3A_366 = vector.shape_cast %select_n3A_365 : vector<16xi32> to vector<16x1xi32>
          %gather3A_367 = vector.shape_cast %broadcast_in_dim3A_366 : vector<16x1xi32> to vector<16xi32>
          %gather3A_368 = tpu.dynamic_gather %get3A_355[%gather3A_367] in [0] : vector<16xi32>, vector<16xi32> -> vector<16xi32>
          %mul3A_369 = arith.constant 6272 : i32
          %mul3A_370 = arith.muli %add3A_14, %mul3A_369 : i32
          %sub3A_371 = vector.broadcast %mul3A_370 : i32 to vector<16xi32>
          %sub3A_372 = arith.subi %gather3A_368, %sub3A_371 : vector<16xi32>
          %mul3A_373 = arith.constant 16 : i32
          %mul3A_374 = vector.broadcast %mul3A_373 : i32 to vector<16xi32>
          %mul3A_375 = arith.muli %sub3A_372, %mul3A_374 : vector<16xi32>
          %add3A_376 = arith.addi %mul3A_375, %iota3A : vector<16xi32>
          %masked_sort3A = arith.constant -2147483648 : i32
          %masked_sort3A_377 = vector.broadcast %masked_sort3A : i32 to vector<16xi32>
          %masked_sort3A_378 = arith.xori %iota3A, %masked_sort3A_377 : vector<16xi32>
          %masked_sort3A_379, %masked_sort3A_380, %masked_sort3A_381 = tpu.sort %masked_sort3A_378, %get3A_324 masked %ge3A : (vector<16xi32>, vector<16xf32>, vector<16xi1>) -> (vector<16xi1>, vector<16xi32>, vector<16xf32>)
          %masked_sort3A_382 = arith.xori %masked_sort3A_380, %masked_sort3A_377 : vector<16xi32>
          %masked_sort3A_383 = arith.constant -2147483648 : i32
          %masked_sort3A_384 = vector.broadcast %masked_sort3A_383 : i32 to vector<16xi32>
          %masked_sort3A_385 = arith.xori %iota3A, %masked_sort3A_384 : vector<16xi32>
          %masked_sort3A_386, %masked_sort3A_387, %masked_sort3A_388 = tpu.sort %masked_sort3A_385, %add3A_376 masked %ge3A : (vector<16xi32>, vector<16xi32>, vector<16xi1>) -> (vector<16xi1>, vector<16xi32>, vector<16xi32>)
          %masked_sort3A_389 = arith.xori %masked_sort3A_387, %masked_sort3A_384 : vector<16xi32>
          %swap3A = arith.index_cast %scan3A_304 : i32 to index
          %swap3A_390 = tpu.vector_load %arg9[%swap3A] {strides = array<i32>} : memref<1056xf32, #tpu.memory_space<vmem>>, vector<16xf32>,
          tpu.vector_store %arg9[%swap3A], %masked_sort3A_381 {strides = array<i32>} : memref<1056xf32, #tpu.memory_space<vmem>>, vector<16xf32>,
          %swap3A_391 = arith.index_cast %scan3A_304 : i32 to index
          %swap3A_392 = tpu.vector_load %arg10[%swap3A_391] {strides = array<i32>} : memref<1056xi32, #tpu.memory_space<vmem>>, vector<16xi32>,
          tpu.vector_store %arg10[%swap3A_391], %masked_sort3A_388 {strides = array<i32>} : memref<1056xi32, #tpu.memory_space<vmem>>, vector<16xi32>,
          %all_reduce_population_count3A = tpu.all_reduce %ge3A {dim = 0 : i64, kind = #tpu.reduction_kind<sum>} : vector<16xi1> -> vector<16xi32>
          %slice3A = vector.extract_strided_slice %all_reduce_population_count3A {offsets = [0], sizes = [1], strides = [1]} : vector<16xi32> to vector<1xi32>
          %squeeze3A = vector.extract %slice3A[0] : i32 from vector<1xi32>
          %add3A_393 = arith.addi %scan3A_304, %squeeze3A : i32
          %min3A_394 = arith.constant 1024 : i32
          %min3A_395 = arith.minsi %add3A_393, %min3A_394 : i32
          scf.yield %min3A_395 : i32
        }
        %scan3A_302 = arith.constant 128 : i32
        scf.yield %scan3A_301 : i32
      }
      %while3A_211 = arith.constant 1 : i32
      %while3A_212 = scf.for %while3A_254 = %while3A_208 to %while3A_204 step %while3A_211 iter_args(%while3A_255 = %while3A_210) -> (i32)  : i32 {
        %add3A_256 = arith.constant 1 : i32
        %add3A_257 = arith.addi %while3A_254, %add3A_256 : i32
        %min3A_258 = arith.constant 7 : i32
        %min3A_259 = arith.minsi %add3A_257, %min3A_258 : i32
        %mul3A_260 = arith.constant 128 : i32
        %mul3A_261 = arith.muli %min3A_259, %mul3A_260 : i32
        %add3A_262 = arith.constant 1 : i32
        %add3A_263 = arith.addi %while3A_254, %add3A_262 : i32
        %jit3A_264 = arith.constant 2 : i32
        %eq3A = arith.constant 0 : i32
        %eq3A_265 = arith.cmpi eq, %jit3A_264, %eq3A : i32
        %jit3A_266 = arith.constant 1 : i32
        %select_n3A_267 = arith.select %eq3A_265, %jit3A_266, %jit3A_264 : i32
        %rem3A_268 = arith.remsi %add3A_263, %select_n3A_267 : i32
        %ne3A_269 = arith.constant 0 : i32
        %ne3A_270 = arith.cmpi ne, %rem3A_268, %ne3A_269 : i32
        %lt3A_271 = arith.constant 0 : i32
        %lt3A_272 = arith.cmpi slt, %rem3A_268, %lt3A_271 : i32
        %lt3A_273 = arith.constant 0 : i32
        %lt3A_274 = arith.cmpi slt, %select_n3A_267, %lt3A_273 : i32
        %ne3A_275 = arith.xori %lt3A_272, %lt3A_274 : i1
        %and3A_276 = arith.andi %ne3A_275, %ne3A_270 : i1
        %add3A_277 = arith.addi %rem3A_268, %select_n3A_267 : i32
        %select_n3A_278 = arith.select %and3A_276, %add3A_277, %rem3A_268 : i32
        %dma_start3A_279 = arith.constant 0 : i32
        %dma_start3A_280 = arith.constant 0 : i32
        %dma_start3A_281 = tpu.memref_slice %arg8[%select_n3A_278, %dma_start3A_279, %dma_start3A_280] : memref<2x128x16xf32, #tpu.memory_space<vmem>> -> memref<1x128x16xf32, #tpu.memory_space<vmem>>
        %dma_start3A_282 = tpu.memref_squeeze %dma_start3A_281 : memref<1x128x16xf32, #tpu.memory_space<vmem>> -> memref<128x16xf32, #tpu.memory_space<vmem>>
        %dma_start3A_283 = tpu.memref_slice %arg7[%mul3A_261] : memref<1056xi32, #tpu.memory_space<vmem>> -> memref<128xi32, #tpu.memory_space<vmem>>
        %dma_start3A_284 = arith.constant 0 : i32
        %dma_start3A_285 = arith.constant 0 : i32
        %dma_start3A_286 = tpu.memref_slice %arg3[%dma_start3A_284, %dma_start3A_285] : memref<1605632x16xf32, #tpu.memory_space<hbm>> -> memref<1605632x16xf32, #tpu.memory_space<hbm>>
        tpu.enqueue_indirect_dma source(%dma_start3A_286 : memref<1605632x16xf32, #tpu.memory_space<hbm>>) target(%dma_start3A_282 : memref<128x16xf32, #tpu.memory_space<vmem>>) offsets(%dma_start3A_283 : memref<128xi32, #tpu.memory_space<vmem>>) semaphore(%arg13 : memref<!tpu.dma_semaphore, #tpu.memory_space<semaphore_mem>>)
        %dma_wait3A_287 = arith.constant 0 : i32
        %dma_wait3A_288 = arith.constant 0 : i32
        %dma_wait3A_289 = arith.constant 0 : i32
        %dma_wait3A_290 = tpu.memref_slice %arg8[%dma_wait3A_287, %dma_wait3A_288, %dma_wait3A_289] : memref<2x128x16xf32, #tpu.memory_space<vmem>> -> memref<1x128x16xf32, #tpu.memory_space<vmem>>
        %dma_wait3A_291 = tpu.memref_squeeze %dma_wait3A_290 : memref<1x128x16xf32, #tpu.memory_space<vmem>> -> memref<128x16xf32, #tpu.memory_space<vmem>>
        %dma_wait3A_292 = arith.constant 0 : i32
        %dma_wait3A_293 = tpu.memref_slice %arg7[%dma_wait3A_292] : memref<1056xi32, #tpu.memory_space<vmem>> -> memref<128xi32, #tpu.memory_space<vmem>>
        %dma_wait3A_294 = arith.constant 0 : i32
        %dma_wait3A_295 = arith.constant 0 : i32
        %dma_wait3A_296 = tpu.memref_slice %arg3[%dma_wait3A_294, %dma_wait3A_295] : memref<1605632x16xf32, #tpu.memory_space<hbm>> -> memref<1605632x16xf32, #tpu.memory_space<hbm>>
        tpu.wait_indirect_dma semaphore(%arg13 : memref<!tpu.dma_semaphore, #tpu.memory_space<semaphore_mem>>) src(%dma_wait3A_296 : memref<1605632x16xf32, #tpu.memory_space<hbm>>) dst(%dma_wait3A_291 : memref<128x16xf32, #tpu.memory_space<vmem>>)
        %scan3A_297 = arith.constant 0 : i32
        %scan3A_298 = arith.constant 128 : i32
        %scan3A_299 = arith.addi %scan3A_297, %scan3A_298 : i32
        %scan3A_300 = arith.constant 1 : i32
        %scan3A_301 = scf.for %scan3A_303 = %scan3A_297 to %scan3A_299 step %scan3A_300 iter_args(%scan3A_304 = %while3A_255) -> (i32)  : i32 {
          %jit3A_305 = arith.constant 2 : i32
          %eq3A_306 = arith.constant 0 : i32
          %eq3A_307 = arith.cmpi eq, %jit3A_305, %eq3A_306 : i32
          %jit3A_308 = arith.constant 1 : i32
          %select_n3A_309 = arith.select %eq3A_307, %jit3A_308, %jit3A_305 : i32
          %rem3A_310 = arith.remsi %while3A_254, %select_n3A_309 : i32
          %ne3A_311 = arith.constant 0 : i32
          %ne3A_312 = arith.cmpi ne, %rem3A_310, %ne3A_311 : i32
          %lt3A_313 = arith.constant 0 : i32
          %lt3A_314 = arith.cmpi slt, %rem3A_310, %lt3A_313 : i32
          %lt3A_315 = arith.constant 0 : i32
          %lt3A_316 = arith.cmpi slt, %select_n3A_309, %lt3A_315 : i32
          %ne3A_317 = arith.xori %lt3A_314, %lt3A_316 : i1
          %and3A_318 = arith.andi %ne3A_317, %ne3A_312 : i1
          %add3A_319 = arith.addi %rem3A_310, %select_n3A_309 : i32
          %select_n3A_320 = arith.select %and3A_318, %add3A_319, %rem3A_310 : i32
          %get3A_321 = arith.index_cast %select_n3A_320 : i32 to index
          %get3A_322 = arith.index_cast %scan3A_303 : i32 to index
          %get3A_323 = arith.constant 0 : index
          %get3A_324 = tpu.vector_load %arg8[%get3A_321, %get3A_322, %get3A_323] {strides = array<i32>} : memref<2x128x16xf32, #tpu.memory_space<vmem>>, vector<16xf32>,
          %ge3A = arith.cmpf oge, %get3A_324, %min3A_146 : vector<16xf32>
          %mul3A_325 = arith.constant 128 : i32
          %mul3A_326 = arith.muli %while3A_254, %mul3A_325 : i32
          %add3A_327 = arith.addi %mul3A_326, %scan3A_303 : i32
          %jit3A_328 = arith.constant 16 : i32
          %div3A_329 = arith.divsi %add3A_327, %jit3A_328 : i32
          %sign3A_330 = arith.constant 0 : i32
          %sign3A_331 = arith.cmpi sgt, %add3A_327, %sign3A_330 : i32
          %sign3A_332 = arith.extui %sign3A_331 : i1 to i32
          %sign3A_333 = arith.constant 0 : i32
          %sign3A_334 = arith.cmpi slt, %add3A_327, %sign3A_333 : i32
          %sign3A_335 = arith.extui %sign3A_334 : i1 to i32
          %sign3A_336 = arith.subi %sign3A_332, %sign3A_335 : i32
          %sign3A_337 = arith.constant 0 : i32
          %sign3A_338 = arith.cmpi sgt, %jit3A_328, %sign3A_337 : i32
          %sign3A_339 = arith.extui %sign3A_338 : i1 to i32
          %sign3A_340 = arith.constant 0 : i32
          %sign3A_341 = arith.cmpi slt, %jit3A_328, %sign3A_340 : i32
          %sign3A_342 = arith.extui %sign3A_341 : i1 to i32
          %sign3A_343 = arith.subi %sign3A_339, %sign3A_342 : i32
          %ne3A_344 = arith.cmpi ne, %sign3A_336, %sign3A_343 : i32
          %rem3A_345 = arith.remsi %add3A_327, %jit3A_328 : i32
          %ne3A_346 = arith.constant 0 : i32
          %ne3A_347 = arith.cmpi ne, %rem3A_345, %ne3A_346 : i32
          %and3A_348 = arith.andi %ne3A_344, %ne3A_347 : i1
          %sub3A_349 = arith.constant 1 : i32
          %sub3A_350 = arith.subi %div3A_329, %sub3A_349 : i32
          %select_n3A_351 = arith.select %and3A_348, %sub3A_350, %div3A_329 : i32
          %mul3A_352 = arith.constant 16 : i32
          %mul3A_353 = arith.muli %select_n3A_351, %mul3A_352 : i32
          %get3A_354 = arith.index_cast %mul3A_353 : i32 to index
          %get3A_355 = tpu.vector_load %arg7[%get3A_354] {strides = array<i32>} : memref<1056xi32, #tpu.memory_space<vmem>>, vector<16xi32>,
          %sub3A_356 = arith.subi %add3A_327, %mul3A_353 : i32
          %mul3A_357 = vector.broadcast %sub3A_356 : i32 to vector<16xi32>
          %mul3A_358 = arith.muli %broadcast_in_dim3A_2, %mul3A_357 : vector<16xi32>
          %lt3A_359 = arith.constant 0 : i32
          %lt3A_360 = vector.broadcast %lt3A_359 : i32 to vector<16xi32>
          %lt3A_361 = arith.cmpi slt, %mul3A_358, %lt3A_360 : vector<16xi32>
          %add3A_362 = arith.constant 16 : i32
          %add3A_363 = vector.broadcast %add3A_362 : i32 to vector<16xi32>
          %add3A_364 = arith.addi %mul3A_358, %add3A_363 : vector<16xi32>
          %select_n3A_365 = arith.select %lt3A_361, %add3A_364, %mul3A_358 : vector<16xi1>, vector<16xi32>
          %broadcast_in_dim3A_366 = vector.shape_cast %select_n3A_365 : vector<16xi32> to vector<16x1xi32>
          %gather3A_367 = vector.shape_cast %broadcast_in_dim3A_366 : vector<16x1xi32> to vector<16xi32>
          %gather3A_368 = tpu.dynamic_gather %get3A_355[%gather3A_367] in [0] : vector<16xi32>, vector<16xi32> -> vector<16xi32>
          %mul3A_369 = arith.constant 6272 : i32
          %mul3A_370 = arith.muli %add3A_14, %mul3A_369 : i32
          %sub3A_371 = vector.broadcast %mul3A_370 : i32 to vector<16xi32>
          %sub3A_372 = arith.subi %gather3A_368, %sub3A_371 : vector<16xi32>
          %mul3A_373 = arith.constant 16 : i32
          %mul3A_374 = vector.broadcast %mul3A_373 : i32 to vector<16xi32>
          %mul3A_375 = arith.muli %sub3A_372, %mul3A_374 : vector<16xi32>
          %add3A_376 = arith.addi %mul3A_375, %iota3A : vector<16xi32>
          %masked_sort3A = arith.constant -2147483648 : i32
          %masked_sort3A_377 = vector.broadcast %masked_sort3A : i32 to vector<16xi32>
          %masked_sort3A_378 = arith.xori %iota3A, %masked_sort3A_377 : vector<16xi32>
          %masked_sort3A_379, %masked_sort3A_380, %masked_sort3A_381 = tpu.sort %masked_sort3A_378, %get3A_324 masked %ge3A : (vector<16xi32>, vector<16xf32>, vector<16xi1>) -> (vector<16xi1>, vector<16xi32>, vector<16xf32>)
          %masked_sort3A_382 = arith.xori %masked_sort3A_380, %masked_sort3A_377 : vector<16xi32>
          %masked_sort3A_383 = arith.constant -2147483648 : i32
          %masked_sort3A_384 = vector.broadcast %masked_sort3A_383 : i32 to vector<16xi32>
          %masked_sort3A_385 = arith.xori %iota3A, %masked_sort3A_384 : vector<16xi32>
          %masked_sort3A_386, %masked_sort3A_387, %masked_sort3A_388 = tpu.sort %masked_sort3A_385, %add3A_376 masked %ge3A : (vector<16xi32>, vector<16xi32>, vector<16xi1>) -> (vector<16xi1>, vector<16xi32>, vector<16xi32>)
          %masked_sort3A_389 = arith.xori %masked_sort3A_387, %masked_sort3A_384 : vector<16xi32>
          %swap3A = arith.index_cast %scan3A_304 : i32 to index
          %swap3A_390 = tpu.vector_load %arg9[%swap3A] {strides = array<i32>} : memref<1056xf32, #tpu.memory_space<vmem>>, vector<16xf32>,
          tpu.vector_store %arg9[%swap3A], %masked_sort3A_381 {strides = array<i32>} : memref<1056xf32, #tpu.memory_space<vmem>>, vector<16xf32>,
          %swap3A_391 = arith.index_cast %scan3A_304 : i32 to index
          %swap3A_392 = tpu.vector_load %arg10[%swap3A_391] {strides = array<i32>} : memref<1056xi32, #tpu.memory_space<vmem>>, vector<16xi32>,
          tpu.vector_store %arg10[%swap3A_391], %masked_sort3A_388 {strides = array<i32>} : memref<1056xi32, #tpu.memory_space<vmem>>, vector<16xi32>,
          %all_reduce_population_count3A = tpu.all_reduce %ge3A {dim = 0 : i64, kind = #tpu.reduction_kind<sum>} : vector<16xi1> -> vector<16xi32>
          %slice3A = vector.extract_strided_slice %all_reduce_population_count3A {offsets = [0], sizes = [1], strides = [1]} : vector<16xi32> to vector<1xi32>
          %squeeze3A = vector.extract %slice3A[0] : i32 from vector<1xi32>
          %add3A_393 = arith.addi %scan3A_304, %squeeze3A : i32
          %min3A_394 = arith.constant 1024 : i32
          %min3A_395 = arith.minsi %add3A_393, %min3A_394 : i32
          scf.yield %min3A_395 : i32
        }
        %scan3A_302 = arith.constant 128 : i32
        scf.yield %scan3A_301 : i32
      }
      %dma_wait3A = arith.constant 0 : i32
      %dma_wait3A_213 = arith.constant 0 : i32
      %dma_wait3A_214 = arith.constant 0 : i32
      %dma_wait3A_215 = tpu.memref_slice %arg8[%dma_wait3A, %dma_wait3A_213, %dma_wait3A_214] : memref<2x128x16xf32, #tpu.memory_space<vmem>> -> memref<1x128x16xf32, #tpu.memory_space<vmem>>
      %dma_wait3A_216 = tpu.memref_squeeze %dma_wait3A_215 : memref<1x128x16xf32, #tpu.memory_space<vmem>> -> memref<128x16xf32, #tpu.memory_space<vmem>>
      %dma_wait3A_217 = arith.constant 0 : i32
      %dma_wait3A_218 = tpu.memref_slice %arg7[%dma_wait3A_217] : memref<1056xi32, #tpu.memory_space<vmem>> -> memref<128xi32, #tpu.memory_space<vmem>>
      %dma_wait3A_219 = arith.constant 0 : i32
      %dma_wait3A_220 = arith.constant 0 : i32
      %dma_wait3A_221 = tpu.memref_slice %arg3[%dma_wait3A_219, %dma_wait3A_220] : memref<1605632x16xf32, #tpu.memory_space<hbm>> -> memref<1605632x16xf32, #tpu.memory_space<hbm>>
      tpu.wait_indirect_dma semaphore(%arg13 : memref<!tpu.dma_semaphore, #tpu.memory_space<semaphore_mem>>) src(%dma_wait3A_221 : memref<1605632x16xf32, #tpu.memory_space<hbm>>) dst(%dma_wait3A_216 : memref<128x16xf32, #tpu.memory_space<vmem>>)
      %add3A_222 = arith.constant 15 : i32
      %add3A_223 = arith.addi %while3A_212, %add3A_222 : i32
      %jit3A_224 = arith.constant 16 : i32
      %div3A_225 = arith.divsi %add3A_223, %jit3A_224 : i32
      %sign3A_226 = arith.constant 0 : i32
      %sign3A_227 = arith.cmpi sgt, %add3A_223, %sign3A_226 : i32
      %sign3A_228 = arith.extui %sign3A_227 : i1 to i32
      %sign3A_229 = arith.constant 0 : i32
      %sign3A_230 = arith.cmpi slt, %add3A_223, %sign3A_229 : i32
      %sign3A_231 = arith.extui %sign3A_230 : i1 to i32
      %sign3A_232 = arith.subi %sign3A_228, %sign3A_231 : i32
      %sign3A_233 = arith.constant 0 : i32
      %sign3A_234 = arith.cmpi sgt, %jit3A_224, %sign3A_233 : i32
      %sign3A_235 = arith.extui %sign3A_234 : i1 to i32
      %sign3A_236 = arith.constant 0 : i32
      %sign3A_237 = arith.cmpi slt, %jit3A_224, %sign3A_236 : i32
      %sign3A_238 = arith.extui %sign3A_237 : i1 to i32
      %sign3A_239 = arith.subi %sign3A_235, %sign3A_238 : i32
      %ne3A_240 = arith.cmpi ne, %sign3A_232, %sign3A_239 : i32
      %rem3A_241 = arith.remsi %add3A_223, %jit3A_224 : i32
      %ne3A_242 = arith.constant 0 : i32
      %ne3A_243 = arith.cmpi ne, %rem3A_241, %ne3A_242 : i32
      %and3A_244 = arith.andi %ne3A_240, %ne3A_243 : i1
      %sub3A_245 = arith.constant 1 : i32
      %sub3A_246 = arith.subi %div3A_225, %sub3A_245 : i32
      %select_n3A_247 = arith.select %and3A_244, %sub3A_246, %div3A_225 : i32
      %scan3A_248 = arith.constant 0 : i32
      %scan3A_249 = arith.constant 0 : i32
      %scan3A_250 = arith.constant 64 : i32
      %scan3A_251 = arith.addi %scan3A_249, %scan3A_250 : i32
      %scan3A_252 = arith.constant 1 : i32
      scf.for %scan3A_254 = %scan3A_249 to %scan3A_251 step %scan3A_252  : i32 {
        %while3A_255 = arith.constant 0 : i32
        %while3A_256 = arith.subi %select_n3A_247, %while3A_255 : i32
        %while3A_257 = arith.addi %while3A_255, %while3A_256 : i32
        %while3A_258 = arith.constant 1 : i32
        %while3A_259 = arith.divsi %while3A_256, %while3A_258 : i32
        %while3A_260 = arith.muli %while3A_259, %while3A_258 : i32
        %while3A_261 = arith.addi %while3A_255, %while3A_260 : i32
        %while3A_262 = arith.constant 1 : i32
        %while3A_263:2 = scf.for %while3A_524 = %while3A_255 to %while3A_261 step %while3A_262 iter_args(%while3A_525 = %broadcast_in_dim3A_4, %while3A_526 = %broadcast_in_dim3A_0) -> (vector<16xf32>, vector<16xi32>)  : i32 {
          %mul3A_527 = arith.constant 16 : i32
          %mul3A_528 = arith.muli %while3A_524, %mul3A_527 : i32
          %get3A_529 = arith.index_cast %mul3A_528 : i32 to index
          %get3A_530 = tpu.vector_load %arg9[%get3A_529] {strides = array<i32>} : memref<1056xf32, #tpu.memory_space<vmem>>, vector<16xf32>,
          %gt3A = arith.cmpf ogt, %get3A_530, %while3A_525 : vector<16xf32>
          %mul3A_531 = vector.broadcast %while3A_524 : i32 to vector<16xi32>
          %mul3A_532 = arith.muli %broadcast_in_dim3A_2, %mul3A_531 : vector<16xi32>
          %select_n3A_533 = arith.select %gt3A, %mul3A_532, %while3A_526 : vector<16xi1>, vector<16xi32>
          %max3A_534 = arith.maximumf %while3A_525, %get3A_530 : vector<16xf32>
          scf.yield %max3A_534, %select_n3A_533 : vector<16xf32>, vector<16xi32>
        }
        %while3A_264 = arith.constant 1 : i32
        %while3A_265:2 = scf.for %while3A_524 = %while3A_261 to %while3A_257 step %while3A_264 iter_args(%while3A_525 = %while3A_263#0, %while3A_526 = %while3A_263#1) -> (vector<16xf32>, vector<16xi32>)  : i32 {
          %mul3A_527 = arith.constant 16 : i32
          %mul3A_528 = arith.muli %while3A_524, %mul3A_527 : i32
          %get3A_529 = arith.index_cast %mul3A_528 : i32 to index
          %get3A_530 = tpu.vector_load %arg9[%get3A_529] {strides = array<i32>} : memref<1056xf32, #tpu.memory_space<vmem>>, vector<16xf32>,
          %gt3A = arith.cmpf ogt, %get3A_530, %while3A_525 : vector<16xf32>
          %mul3A_531 = vector.broadcast %while3A_524 : i32 to vector<16xi32>
          %mul3A_532 = arith.muli %broadcast_in_dim3A_2, %mul3A_531 : vector<16xi32>
          %select_n3A_533 = arith.select %gt3A, %mul3A_532, %while3A_526 : vector<16xi1>, vector<16xi32>
          %max3A_534 = arith.maximumf %while3A_525, %get3A_530 : vector<16xf32>
          scf.yield %max3A_534, %select_n3A_533 : vector<16xf32>, vector<16xi32>
        }
        %add3A_266 = arith.constant 8 : i32
        %add3A_267 = vector.broadcast %add3A_266 : i32 to vector<16xi32>
        %add3A_268 = arith.addi %iota3A, %add3A_267 : vector<16xi32>
        %and3A_269 = arith.constant 15 : i32
        %and3A_270 = vector.broadcast %and3A_269 : i32 to vector<16xi32>
        %and3A_271 = arith.andi %add3A_268, %and3A_270 : vector<16xi32>
        %lt3A_272 = arith.constant 0 : i32
        %lt3A_273 = vector.broadcast %lt3A_272 : i32 to vector<16xi32>
        %lt3A_274 = arith.cmpi slt, %and3A_271, %lt3A_273 : vector<16xi32>
        %add3A_275 = arith.constant 16 : i32
        %add3A_276 = vector.broadcast %add3A_275 : i32 to vector<16xi32>
        %add3A_277 = arith.addi %and3A_271, %add3A_276 : vector<16xi32>
        %select_n3A_278 = arith.select %lt3A_274, %add3A_277, %and3A_271 : vector<16xi1>, vector<16xi32>
        %broadcast_in_dim3A_279 = vector.shape_cast %select_n3A_278 : vector<16xi32> to vector<16x1xi32>
        %gather3A_280 = vector.shape_cast %broadcast_in_dim3A_279 : vector<16x1xi32> to vector<16xi32>
        %gather3A_281 = tpu.dynamic_gather %while3A_265#0[%gather3A_280] in [0] : vector<16xf32>, vector<16xi32> -> vector<16xf32>
        %max3A_282 = arith.maximumf %while3A_265#0, %gather3A_281 : vector<16xf32>
        %add3A_283 = arith.constant 4 : i32
        %add3A_284 = vector.broadcast %add3A_283 : i32 to vector<16xi32>
        %add3A_285 = arith.addi %iota3A, %add3A_284 : vector<16xi32>
        %and3A_286 = arith.constant 15 : i32
        %and3A_287 = vector.broadcast %and3A_286 : i32 to vector<16xi32>
        %and3A_288 = arith.andi %add3A_285, %and3A_287 : vector<16xi32>
        %lt3A_289 = arith.constant 0 : i32
        %lt3A_290 = vector.broadcast %lt3A_289 : i32 to vector<16xi32>
        %lt3A_291 = arith.cmpi slt, %and3A_288, %lt3A_290 : vector<16xi32>
        %add3A_292 = arith.constant 16 : i32
        %add3A_293 = vector.broadcast %add3A_292 : i32 to vector<16xi32>
        %add3A_294 = arith.addi %and3A_288, %add3A_293 : vector<16xi32>
        %select_n3A_295 = arith.select %lt3A_291, %add3A_294, %and3A_288 : vector<16xi1>, vector<16xi32>
        %broadcast_in_dim3A_296 = vector.shape_cast %select_n3A_295 : vector<16xi32> to vector<16x1xi32>
        %gather3A_297 = vector.shape_cast %broadcast_in_dim3A_296 : vector<16x1xi32> to vector<16xi32>
        %gather3A_298 = tpu.dynamic_gather %max3A_282[%gather3A_297] in [0] : vector<16xf32>, vector<16xi32> -> vector<16xf32>
        %max3A_299 = arith.maximumf %max3A_282, %gather3A_298 : vector<16xf32>
        %add3A_300 = arith.constant 2 : i32
        %add3A_301 = vector.broadcast %add3A_300 : i32 to vector<16xi32>
        %add3A_302 = arith.addi %iota3A, %add3A_301 : vector<16xi32>
        %and3A_303 = arith.constant 15 : i32
        %and3A_304 = vector.broadcast %and3A_303 : i32 to vector<16xi32>
        %and3A_305 = arith.andi %add3A_302, %and3A_304 : vector<16xi32>
        %lt3A_306 = arith.constant 0 : i32
        %lt3A_307 = vector.broadcast %lt3A_306 : i32 to vector<16xi32>
        %lt3A_308 = arith.cmpi slt, %and3A_305, %lt3A_307 : vector<16xi32>
        %add3A_309 = arith.constant 16 : i32
        %add3A_310 = vector.broadcast %add3A_309 : i32 to vector<16xi32>
        %add3A_311 = arith.addi %and3A_305, %add3A_310 : vector<16xi32>
        %select_n3A_312 = arith.select %lt3A_308, %add3A_311, %and3A_305 : vector<16xi1>, vector<16xi32>
        %broadcast_in_dim3A_313 = vector.shape_cast %select_n3A_312 : vector<16xi32> to vector<16x1xi32>
        %gather3A_314 = vector.shape_cast %broadcast_in_dim3A_313 : vector<16x1xi32> to vector<16xi32>
        %gather3A_315 = tpu.dynamic_gather %max3A_299[%gather3A_314] in [0] : vector<16xf32>, vector<16xi32> -> vector<16xf32>
        %max3A_316 = arith.maximumf %max3A_299, %gather3A_315 : vector<16xf32>
        %add3A_317 = arith.constant 1 : i32
        %add3A_318 = vector.broadcast %add3A_317 : i32 to vector<16xi32>
        %add3A_319 = arith.addi %iota3A, %add3A_318 : vector<16xi32>
        %and3A_320 = arith.constant 15 : i32
        %and3A_321 = vector.broadcast %and3A_320 : i32 to vector<16xi32>
        %and3A_322 = arith.andi %add3A_319, %and3A_321 : vector<16xi32>
        %lt3A_323 = arith.constant 0 : i32
        %lt3A_324 = vector.broadcast %lt3A_323 : i32 to vector<16xi32>
        %lt3A_325 = arith.cmpi slt, %and3A_322, %lt3A_324 : vector<16xi32>
        %add3A_326 = arith.constant 16 : i32
        %add3A_327 = vector.broadcast %add3A_326 : i32 to vector<16xi32>
        %add3A_328 = arith.addi %and3A_322, %add3A_327 : vector<16xi32>
        %select_n3A_329 = arith.select %lt3A_325, %add3A_328, %and3A_322 : vector<16xi1>, vector<16xi32>
        %broadcast_in_dim3A_330 = vector.shape_cast %select_n3A_329 : vector<16xi32> to vector<16x1xi32>
        %gather3A_331 = vector.shape_cast %broadcast_in_dim3A_330 : vector<16x1xi32> to vector<16xi32>
        %gather3A_332 = tpu.dynamic_gather %max3A_316[%gather3A_331] in [0] : vector<16xf32>, vector<16xi32> -> vector<16xf32>
        %max3A_333 = arith.maximumf %max3A_316, %gather3A_332 : vector<16xf32>
        %eq3A = arith.cmpf oeq, %while3A_265#0, %max3A_333 : vector<16xf32>
        %mul3A_334 = arith.constant 16 : i32
        %mul3A_335 = vector.broadcast %mul3A_334 : i32 to vector<16xi32>
        %mul3A_336 = arith.muli %while3A_265#1, %mul3A_335 : vector<16xi32>
        %add3A_337 = arith.addi %mul3A_336, %iota3A : vector<16xi32>
        %broadcast_in_dim3A_338 = arith.constant 1073741824 : i32
        %broadcast_in_dim3A_339 = vector.broadcast %broadcast_in_dim3A_338 : i32 to vector<16xi32>
        %select_n3A_340 = arith.select %eq3A, %add3A_337, %broadcast_in_dim3A_339 : vector<16xi1>, vector<16xi32>
        %add3A_341 = arith.constant 8 : i32
        %add3A_342 = vector.broadcast %add3A_341 : i32 to vector<16xi32>
        %add3A_343 = arith.addi %iota3A, %add3A_342 : vector<16xi32>
        %and3A_344 = arith.constant 15 : i32
        %and3A_345 = vector.broadcast %and3A_344 : i32 to vector<16xi32>
        %and3A_346 = arith.andi %add3A_343, %and3A_345 : vector<16xi32>
        %lt3A_347 = arith.constant 0 : i32
        %lt3A_348 = vector.broadcast %lt3A_347 : i32 to vector<16xi32>
        %lt3A_349 = arith.cmpi slt, %and3A_346, %lt3A_348 : vector<16xi32>
        %add3A_350 = arith.constant 16 : i32
        %add3A_351 = vector.broadcast %add3A_350 : i32 to vector<16xi32>
        %add3A_352 = arith.addi %and3A_346, %add3A_351 : vector<16xi32>
        %select_n3A_353 = arith.select %lt3A_349, %add3A_352, %and3A_346 : vector<16xi1>, vector<16xi32>
        %broadcast_in_dim3A_354 = vector.shape_cast %select_n3A_353 : vector<16xi32> to vector<16x1xi32>
        %gather3A_355 = vector.shape_cast %broadcast_in_dim3A_354 : vector<16x1xi32> to vector<16xi32>
        %gather3A_356 = tpu.dynamic_gather %select_n3A_340[%gather3A_355] in [0] : vector<16xi32>, vector<16xi32> -> vector<16xi32>
        %min3A_357 = arith.minsi %select_n3A_340, %gather3A_356 : vector<16xi32>
        %add3A_358 = arith.constant 4 : i32
        %add3A_359 = vector.broadcast %add3A_358 : i32 to vector<16xi32>
        %add3A_360 = arith.addi %iota3A, %add3A_359 : vector<16xi32>
        %and3A_361 = arith.constant 15 : i32
        %and3A_362 = vector.broadcast %and3A_361 : i32 to vector<16xi32>
        %and3A_363 = arith.andi %add3A_360, %and3A_362 : vector<16xi32>
        %lt3A_364 = arith.constant 0 : i32
        %lt3A_365 = vector.broadcast %lt3A_364 : i32 to vector<16xi32>
        %lt3A_366 = arith.cmpi slt, %and3A_363, %lt3A_365 : vector<16xi32>
        %add3A_367 = arith.constant 16 : i32
        %add3A_368 = vector.broadcast %add3A_367 : i32 to vector<16xi32>
        %add3A_369 = arith.addi %and3A_363, %add3A_368 : vector<16xi32>
        %select_n3A_370 = arith.select %lt3A_366, %add3A_369, %and3A_363 : vector<16xi1>, vector<16xi32>
        %broadcast_in_dim3A_371 = vector.shape_cast %select_n3A_370 : vector<16xi32> to vector<16x1xi32>
        %gather3A_372 = vector.shape_cast %broadcast_in_dim3A_371 : vector<16x1xi32> to vector<16xi32>
        %gather3A_373 = tpu.dynamic_gather %min3A_357[%gather3A_372] in [0] : vector<16xi32>, vector<16xi32> -> vector<16xi32>
        %min3A_374 = arith.minsi %min3A_357, %gather3A_373 : vector<16xi32>
        %add3A_375 = arith.constant 2 : i32
        %add3A_376 = vector.broadcast %add3A_375 : i32 to vector<16xi32>
        %add3A_377 = arith.addi %iota3A, %add3A_376 : vector<16xi32>
        %and3A_378 = arith.constant 15 : i32
        %and3A_379 = vector.broadcast %and3A_378 : i32 to vector<16xi32>
        %and3A_380 = arith.andi %add3A_377, %and3A_379 : vector<16xi32>
        %lt3A_381 = arith.constant 0 : i32
        %lt3A_382 = vector.broadcast %lt3A_381 : i32 to vector<16xi32>
        %lt3A_383 = arith.cmpi slt, %and3A_380, %lt3A_382 : vector<16xi32>
        %add3A_384 = arith.constant 16 : i32
        %add3A_385 = vector.broadcast %add3A_384 : i32 to vector<16xi32>
        %add3A_386 = arith.addi %and3A_380, %add3A_385 : vector<16xi32>
        %select_n3A_387 = arith.select %lt3A_383, %add3A_386, %and3A_380 : vector<16xi1>, vector<16xi32>
        %broadcast_in_dim3A_388 = vector.shape_cast %select_n3A_387 : vector<16xi32> to vector<16x1xi32>
        %gather3A_389 = vector.shape_cast %broadcast_in_dim3A_388 : vector<16x1xi32> to vector<16xi32>
        %gather3A_390 = tpu.dynamic_gather %min3A_374[%gather3A_389] in [0] : vector<16xi32>, vector<16xi32> -> vector<16xi32>
        %min3A_391 = arith.minsi %min3A_374, %gather3A_390 : vector<16xi32>
        %add3A_392 = arith.constant 1 : i32
        %add3A_393 = vector.broadcast %add3A_392 : i32 to vector<16xi32>
        %add3A_394 = arith.addi %iota3A, %add3A_393 : vector<16xi32>
        %and3A_395 = arith.constant 15 : i32
        %and3A_396 = vector.broadcast %and3A_395 : i32 to vector<16xi32>
        %and3A_397 = arith.andi %add3A_394, %and3A_396 : vector<16xi32>
        %lt3A_398 = arith.constant 0 : i32
        %lt3A_399 = vector.broadcast %lt3A_398 : i32 to vector<16xi32>
        %lt3A_400 = arith.cmpi slt, %and3A_397, %lt3A_399 : vector<16xi32>
        %add3A_401 = arith.constant 16 : i32
        %add3A_402 = vector.broadcast %add3A_401 : i32 to vector<16xi32>
        %add3A_403 = arith.addi %and3A_397, %add3A_402 : vector<16xi32>
        %select_n3A_404 = arith.select %lt3A_400, %add3A_403, %and3A_397 : vector<16xi1>, vector<16xi32>
        %broadcast_in_dim3A_405 = vector.shape_cast %select_n3A_404 : vector<16xi32> to vector<16x1xi32>
        %gather3A_406 = vector.shape_cast %broadcast_in_dim3A_405 : vector<16x1xi32> to vector<16xi32>
        %gather3A_407 = tpu.dynamic_gather %min3A_391[%gather3A_406] in [0] : vector<16xi32>, vector<16xi32> -> vector<16xi32>
        %min3A_408 = arith.minsi %min3A_391, %gather3A_407 : vector<16xi32>
        %jit3A_409 = arith.constant 16 : i32
        %eq3A_410 = arith.constant 0 : i32
        %eq3A_411 = arith.cmpi eq, %jit3A_409, %eq3A_410 : i32
        %jit3A_412 = arith.constant 1 : i32
        %select_n3A_413 = arith.select %eq3A_411, %jit3A_412, %jit3A_409 : i32
        %rem3A_414 = vector.broadcast %select_n3A_413 : i32 to vector<16xi32>
        %rem3A_415 = arith.remsi %min3A_408, %rem3A_414 : vector<16xi32>
        %ne3A_416 = arith.constant 0 : i32
        %ne3A_417 = vector.broadcast %ne3A_416 : i32 to vector<16xi32>
        %ne3A_418 = arith.cmpi ne, %rem3A_415, %ne3A_417 : vector<16xi32>
        %lt3A_419 = arith.constant 0 : i32
        %lt3A_420 = vector.broadcast %lt3A_419 : i32 to vector<16xi32>
        %lt3A_421 = arith.cmpi slt, %rem3A_415, %lt3A_420 : vector<16xi32>
        %lt3A_422 = arith.constant 0 : i32
        %lt3A_423 = arith.cmpi slt, %select_n3A_413, %lt3A_422 : i32
        %ne3A_424 = vector.broadcast %lt3A_423 : i1 to vector<16xi1>
        %ne3A_425 = vector.broadcast %ne3A_424 : vector<16xi1> to vector<16xi1>
        %ne3A_426 = arith.xori %lt3A_421, %ne3A_425 : vector<16xi1>
        %and3A_427 = arith.andi %ne3A_426, %ne3A_418 : vector<16xi1>
        %add3A_428 = vector.broadcast %select_n3A_413 : i32 to vector<16xi32>
        %add3A_429 = arith.addi %rem3A_415, %add3A_428 : vector<16xi32>
        %select_n3A_430 = arith.select %and3A_427, %add3A_429, %rem3A_415 : vector<16xi1>, vector<16xi32>
        %jit3A_431 = arith.constant 16 : i32
        %div3A_432 = vector.broadcast %jit3A_431 : i32 to vector<16xi32>
        %div3A_433 = arith.divsi %min3A_408, %div3A_432 : vector<16xi32>
        %sign3A_434 = arith.constant 0 : i32
        %sign3A_435 = vector.broadcast %sign3A_434 : i32 to vector<16xi32>
        %sign3A_436 = arith.cmpi sgt, %min3A_408, %sign3A_435 : vector<16xi32>
        %sign3A_437 = arith.extui %sign3A_436 : vector<16xi1> to vector<16xi32>
        %sign3A_438 = arith.constant 0 : i32
        %sign3A_439 = vector.broadcast %sign3A_438 : i32 to vector<16xi32>
        %sign3A_440 = arith.cmpi slt, %min3A_408, %sign3A_439 : vector<16xi32>
        %sign3A_441 = arith.extui %sign3A_440 : vector<16xi1> to vector<16xi32>
        %sign3A_442 = arith.subi %sign3A_437, %sign3A_441 : vector<16xi32>
        %sign3A_443 = arith.constant 0 : i32
        %sign3A_444 = arith.cmpi sgt, %jit3A_431, %sign3A_443 : i32
        %sign3A_445 = arith.extui %sign3A_444 : i1 to i32
        %sign3A_446 = arith.constant 0 : i32
        %sign3A_447 = arith.cmpi slt, %jit3A_431, %sign3A_446 : i32
        %sign3A_448 = arith.extui %sign3A_447 : i1 to i32
        %sign3A_449 = arith.subi %sign3A_445, %sign3A_448 : i32
        %ne3A_450 = vector.broadcast %sign3A_449 : i32 to vector<16xi32>
        %ne3A_451 = arith.cmpi ne, %sign3A_442, %ne3A_450 : vector<16xi32>
        %rem3A_452 = vector.broadcast %jit3A_431 : i32 to vector<16xi32>
        %rem3A_453 = arith.remsi %min3A_408, %rem3A_452 : vector<16xi32>
        %ne3A_454 = arith.constant 0 : i32
        %ne3A_455 = vector.broadcast %ne3A_454 : i32 to vector<16xi32>
        %ne3A_456 = arith.cmpi ne, %rem3A_453, %ne3A_455 : vector<16xi32>
        %and3A_457 = arith.andi %ne3A_451, %ne3A_456 : vector<16xi1>
        %sub3A_458 = arith.constant 1 : i32
        %sub3A_459 = vector.broadcast %sub3A_458 : i32 to vector<16xi32>
        %sub3A_460 = arith.subi %div3A_433, %sub3A_459 : vector<16xi32>
        %select_n3A_461 = arith.select %and3A_457, %sub3A_460, %div3A_433 : vector<16xi1>, vector<16xi32>
        %slice3A = vector.extract_strided_slice %select_n3A_461 {offsets = [0], sizes = [1], strides = [1]} : vector<16xi32> to vector<1xi32>
        %squeeze3A = vector.extract %slice3A[0] : i32 from vector<1xi32>
        %mul3A_462 = arith.constant 16 : i32
        %mul3A_463 = arith.muli %squeeze3A, %mul3A_462 : i32
        %get3A_464 = arith.index_cast %mul3A_463 : i32 to index
        %get3A_465 = tpu.vector_load %arg10[%get3A_464] {strides = array<i32>} : memref<1056xi32, #tpu.memory_space<vmem>>, vector<16xi32>,
        %lt3A_466 = arith.constant 0 : i32
        %lt3A_467 = vector.broadcast %lt3A_466 : i32 to vector<16xi32>
        %lt3A_468 = arith.cmpi slt, %select_n3A_430, %lt3A_467 : vector<16xi32>
        %add3A_469 = arith.constant 16 : i32
        %add3A_470 = vector.broadcast %add3A_469 : i32 to vector<16xi32>
        %add3A_471 = arith.addi %select_n3A_430, %add3A_470 : vector<16xi32>
        %select_n3A_472 = arith.select %lt3A_468, %add3A_471, %select_n3A_430 : vector<16xi1>, vector<16xi32>
        %broadcast_in_dim3A_473 = vector.shape_cast %select_n3A_472 : vector<16xi32> to vector<16x1xi32>
        %gather3A_474 = vector.shape_cast %broadcast_in_dim3A_473 : vector<16x1xi32> to vector<16xi32>
        %gather3A_475 = tpu.dynamic_gather %get3A_465[%gather3A_474] in [0] : vector<16xi32>, vector<16xi32> -> vector<16xi32>
        %jit3A_476 = arith.constant 16 : i32
        %div3A_477 = arith.divsi %scan3A_254, %jit3A_476 : i32
        %sign3A_478 = arith.constant 0 : i32
        %sign3A_479 = arith.cmpi sgt, %scan3A_254, %sign3A_478 : i32
        %sign3A_480 = arith.extui %sign3A_479 : i1 to i32
        %sign3A_481 = arith.constant 0 : i32
        %sign3A_482 = arith.cmpi slt, %scan3A_254, %sign3A_481 : i32
        %sign3A_483 = arith.extui %sign3A_482 : i1 to i32
        %sign3A_484 = arith.subi %sign3A_480, %sign3A_483 : i32
        %sign3A_485 = arith.constant 0 : i32
        %sign3A_486 = arith.cmpi sgt, %jit3A_476, %sign3A_485 : i32
        %sign3A_487 = arith.extui %sign3A_486 : i1 to i32
        %sign3A_488 = arith.constant 0 : i32
        %sign3A_489 = arith.cmpi slt, %jit3A_476, %sign3A_488 : i32
        %sign3A_490 = arith.extui %sign3A_489 : i1 to i32
        %sign3A_491 = arith.subi %sign3A_487, %sign3A_490 : i32
        %ne3A_492 = arith.cmpi ne, %sign3A_484, %sign3A_491 : i32
        %rem3A_493 = arith.remsi %scan3A_254, %jit3A_476 : i32
        %ne3A_494 = arith.constant 0 : i32
        %ne3A_495 = arith.cmpi ne, %rem3A_493, %ne3A_494 : i32
        %and3A_496 = arith.andi %ne3A_492, %ne3A_495 : i1
        %sub3A_497 = arith.constant 1 : i32
        %sub3A_498 = arith.subi %div3A_477, %sub3A_497 : i32
        %select_n3A_499 = arith.select %and3A_496, %sub3A_498, %div3A_477 : i32
        %mul3A_500 = arith.constant 16 : i32
        %mul3A_501 = arith.muli %select_n3A_499, %mul3A_500 : i32
        %sub3A_502 = arith.subi %scan3A_254, %mul3A_501 : i32
        %eq3A_503 = vector.broadcast %sub3A_502 : i32 to vector<16xi32>
        %eq3A_504 = arith.cmpi eq, %iota3A, %eq3A_503 : vector<16xi32>
        %get3A_505 = arith.index_cast %mul3A_501 : i32 to index
        %get3A_506 = tpu.vector_load %arg11[%get3A_505] {strides = array<i32>} : memref<64xf32, #tpu.memory_space<vmem>>, vector<16xf32>,
        %select_n3A_507 = arith.select %eq3A_504, %max3A_333, %get3A_506 : vector<16xi1>, vector<16xf32>
        %swap3A = arith.index_cast %mul3A_501 : i32 to index
        %swap3A_508 = tpu.vector_load %arg11[%swap3A] {strides = array<i32>} : memref<64xf32, #tpu.memory_space<vmem>>, vector<16xf32>,
        tpu.vector_store %arg11[%swap3A], %select_n3A_507 {strides = array<i32>} : memref<64xf32, #tpu.memory_space<vmem>>, vector<16xf32>,
        %get3A_509 = arith.index_cast %mul3A_501 : i32 to index
        %get3A_510 = tpu.vector_load %arg12[%get3A_509] {strides = array<i32>} : memref<64xi32, #tpu.memory_space<vmem>>, vector<16xi32>,
        %select_n3A_511 = arith.select %eq3A_504, %gather3A_475, %get3A_510 : vector<16xi1>, vector<16xi32>
        %swap3A_512 = arith.index_cast %mul3A_501 : i32 to index
        %swap3A_513 = tpu.vector_load %arg12[%swap3A_512] {strides = array<i32>} : memref<64xi32, #tpu.memory_space<vmem>>, vector<16xi32>,
        tpu.vector_store %arg12[%swap3A_512], %select_n3A_511 {strides = array<i32>} : memref<64xi32, #tpu.memory_space<vmem>>, vector<16xi32>,
        %slice3A_514 = vector.extract_strided_slice %select_n3A_461 {offsets = [0], sizes = [1], strides = [1]} : vector<16xi32> to vector<1xi32>
        %squeeze3A_515 = vector.extract %slice3A_514[0] : i32 from vector<1xi32>
        %mul3A_516 = arith.constant 16 : i32
        %mul3A_517 = arith.muli %squeeze3A_515, %mul3A_516 : i32
        %eq3A_518 = arith.cmpi eq, %iota3A, %select_n3A_430 : vector<16xi32>
        %get3A_519 = arith.index_cast %mul3A_517 : i32 to index
        %get3A_520 = tpu.vector_load %arg9[%get3A_519] {strides = array<i32>} : memref<1056xf32, #tpu.memory_space<vmem>>, vector<16xf32>,
        %select_n3A_521 = arith.select %eq3A_518, %broadcast_in_dim3A_4, %get3A_520 : vector<16xi1>, vector<16xf32>
        %swap3A_522 = arith.index_cast %mul3A_517 : i32 to index
        %swap3A_523 = tpu.vector_load %arg9[%swap3A_522] {strides = array<i32>} : memref<1056xf32, #tpu.memory_space<vmem>>, vector<16xf32>,
        tpu.vector_store %arg9[%swap3A_522], %select_n3A_521 {strides = array<i32>} : memref<1056xf32, #tpu.memory_space<vmem>>, vector<16xf32>,
      }
      %scan3A_253 = arith.constant 64 : i32
      "tpu.region"() ({
        %run_scoped3A = tpu.sem_alloc : memref<!tpu.dma_semaphore, #tpu.memory_space<semaphore_mem>>
        %dma_start3A_254 = arith.constant 0 : i32
        %dma_start3A_255 = tpu.memref_slice %arg4[%add3A_14, %dma_start3A_254] : memref<256x64xf32, #tpu.memory_space<hbm>> -> memref<1x64xf32, #tpu.memory_space<hbm>>
        %dma_start3A_256 = tpu.memref_squeeze %dma_start3A_255 : memref<1x64xf32, #tpu.memory_space<hbm>> -> memref<64xf32, #tpu.memory_space<hbm>>
        %dma_start3A_257 = arith.constant 0 : i32
        %dma_start3A_258 = tpu.memref_slice %arg4[%add3A_14, %dma_start3A_257] : memref<256x64xf32, #tpu.memory_space<hbm>> -> memref<1x64xf32, #tpu.memory_space<hbm>>
        %dma_start3A_259 = tpu.memref_squeeze %dma_start3A_258 : memref<1x64xf32, #tpu.memory_space<hbm>> -> memref<64xf32, #tpu.memory_space<hbm>>
        tpu.enqueue_dma source(%arg11 : memref<64xf32, #tpu.memory_space<vmem>>) target(%dma_start3A_259 : memref<64xf32, #tpu.memory_space<hbm>>) target_semaphore(%run_scoped3A : memref<!tpu.dma_semaphore, #tpu.memory_space<semaphore_mem>>)
        %dma_wait3A_260 = arith.constant 0 : i32
        %dma_wait3A_261 = tpu.memref_slice %arg4[%add3A_14, %dma_wait3A_260] : memref<256x64xf32, #tpu.memory_space<hbm>> -> memref<1x64xf32, #tpu.memory_space<hbm>>
        %dma_wait3A_262 = tpu.memref_squeeze %dma_wait3A_261 : memref<1x64xf32, #tpu.memory_space<hbm>> -> memref<64xf32, #tpu.memory_space<hbm>>
        %dma_wait3A_263 = arith.constant 0 : i32
        %dma_wait3A_264 = tpu.memref_slice %arg4[%add3A_14, %dma_wait3A_263] : memref<256x64xf32, #tpu.memory_space<hbm>> -> memref<1x64xf32, #tpu.memory_space<hbm>>
        %dma_wait3A_265 = tpu.memref_squeeze %dma_wait3A_264 : memref<1x64xf32, #tpu.memory_space<hbm>> -> memref<64xf32, #tpu.memory_space<hbm>>
        tpu.wait_dma2 semaphore(%run_scoped3A : memref<!tpu.dma_semaphore, #tpu.memory_space<semaphore_mem>>) src(%arg11 : memref<64xf32, #tpu.memory_space<vmem>>) dst(%dma_wait3A_265 : memref<64xf32, #tpu.memory_space<hbm>>)
        tpu.yield
      }) : () -> ()
      "tpu.region"() ({
        %run_scoped3A = tpu.sem_alloc : memref<!tpu.dma_semaphore, #tpu.memory_space<semaphore_mem>>
        %dma_start3A_254 = arith.constant 0 : i32
        %dma_start3A_255 = tpu.memref_slice %arg5[%add3A_14, %dma_start3A_254] : memref<256x64xi32, #tpu.memory_space<hbm>> -> memref<1x64xi32, #tpu.memory_space<hbm>>
        %dma_start3A_256 = tpu.memref_squeeze %dma_start3A_255 : memref<1x64xi32, #tpu.memory_space<hbm>> -> memref<64xi32, #tpu.memory_space<hbm>>
        %dma_start3A_257 = arith.constant 0 : i32
        %dma_start3A_258 = tpu.memref_slice %arg5[%add3A_14, %dma_start3A_257] : memref<256x64xi32, #tpu.memory_space<hbm>> -> memref<1x64xi32, #tpu.memory_space<hbm>>
        %dma_start3A_259 = tpu.memref_squeeze %dma_start3A_258 : memref<1x64xi32, #tpu.memory_space<hbm>> -> memref<64xi32, #tpu.memory_space<hbm>>
        tpu.enqueue_dma source(%arg12 : memref<64xi32, #tpu.memory_space<vmem>>) target(%dma_start3A_259 : memref<64xi32, #tpu.memory_space<hbm>>) target_semaphore(%run_scoped3A : memref<!tpu.dma_semaphore, #tpu.memory_space<semaphore_mem>>)
        %dma_wait3A_260 = arith.constant 0 : i32
        %dma_wait3A_261 = tpu.memref_slice %arg5[%add3A_14, %dma_wait3A_260] : memref<256x64xi32, #tpu.memory_space<hbm>> -> memref<1x64xi32, #tpu.memory_space<hbm>>
        %dma_wait3A_262 = tpu.memref_squeeze %dma_wait3A_261 : memref<1x64xi32, #tpu.memory_space<hbm>> -> memref<64xi32, #tpu.memory_space<hbm>>
        %dma_wait3A_263 = arith.constant 0 : i32
        %dma_wait3A_264 = tpu.memref_slice %arg5[%add3A_14, %dma_wait3A_263] : memref<256x64xi32, #tpu.memory_space<hbm>> -> memref<1x64xi32, #tpu.memory_space<hbm>>
        %dma_wait3A_265 = tpu.memref_squeeze %dma_wait3A_264 : memref<1x64xi32, #tpu.memory_space<hbm>> -> memref<64xi32, #tpu.memory_space<hbm>>
        tpu.wait_dma2 semaphore(%run_scoped3A : memref<!tpu.dma_semaphore, #tpu.memory_space<semaphore_mem>>) src(%arg12 : memref<64xi32, #tpu.memory_space<vmem>>) dst(%dma_wait3A_265 : memref<64xi32, #tpu.memory_space<hbm>>)
        tpu.yield
      }) : () -> ()
    }
    %scan3A_10 = arith.constant 8 : i32
    return
  }
}

#map = affine_map<(d0, d1) -> (0, 0)>
module attributes {stable_mosaic.version = 14 : i64} {
  func.func @_sc_select(%arg0: i32, %arg1: i32, %arg2: memref<256x6272xf32, #tpu.memory_space<hbm>>, %arg3: memref<1605632x16xf32, #tpu.memory_space<hbm>>, %arg4: memref<256x64xf32, #tpu.memory_space<hbm>>, %arg5: memref<256x64xi32, #tpu.memory_space<hbm>>, %arg6: memref<6272xf32, #tpu.memory_space<vmem>>, %arg7: memref<1056xi32, #tpu.memory_space<vmem>>, %arg8: memref<2x128x16xf32, #tpu.memory_space<vmem>>, %arg9: memref<1056xf32, #tpu.memory_space<vmem>>, %arg10: memref<1056xi32, #tpu.memory_space<vmem>>, %arg11: memref<64xf32, #tpu.memory_space<vmem>>, %arg12: memref<64xi32, #tpu.memory_space<vmem>>, %arg13: memref<!tpu.dma_semaphore, #tpu.memory_space<semaphore_mem>>) attributes {dimension_semantics = [#tpu.dimension_semantics<core_parallel>, #tpu.dimension_semantics<subcore_parallel>], iteration_bounds = array<i64: 2, 16>, scalar_prefetch = 0 : i64, scratch_operands = 8 : i64, tpu.core_type = #tpu.core_type<sc_vector_subcore>, window_params = [{transform_indices = #map}, {transform_indices = #map}, {transform_indices = #map}, {transform_indices = #map}]} {
    %iota3A = tpu.iota {dimensions = array<i32: 0>} : vector<16xi32>
    %broadcast_in_dim3A = arith.constant 0 : i32
    %broadcast_in_dim3A_0 = vector.broadcast %broadcast_in_dim3A : i32 to vector<16xi32>
    %broadcast_in_dim3A_1 = arith.constant 1 : i32
    %broadcast_in_dim3A_2 = vector.broadcast %broadcast_in_dim3A_1 : i32 to vector<16xi32>
    %broadcast_in_dim3A_3 = arith.constant -3.000000e+38 : f32
    %broadcast_in_dim3A_4 = vector.broadcast %broadcast_in_dim3A_3 : f32 to vector<16xf32>
    %mul3A = arith.constant 2 : i32
    %mul3A_5 = arith.muli %arg1, %mul3A : i32
    %add3A = arith.addi %mul3A_5, %arg0 : i32
    %scan3A = arith.constant 0 : i32
    %scan3A_6 = arith.constant 0 : i32
    %scan3A_7 = arith.constant 8 : i32
    %scan3A_8 = arith.addi %scan3A_6, %scan3A_7 : i32
    %scan3A_9 = arith.constant 1 : i32
    scf.for %scan3A_11 = %scan3A_6 to %scan3A_8 step %scan3A_9  : i32 {
      %mul3A_12 = arith.constant 8 : i32
      %mul3A_13 = arith.muli %add3A, %mul3A_12 : i32
      %add3A_14 = arith.addi %mul3A_13, %scan3A_11 : i32
      "tpu.region"() ({
        %run_scoped3A = tpu.sem_alloc : memref<!tpu.dma_semaphore, #tpu.memory_space<semaphore_mem>>
        %dma_start3A_254 = arith.constant 0 : i32
        %dma_start3A_255 = tpu.memref_slice %arg2[%add3A_14, %dma_start3A_254] : memref<256x6272xf32, #tpu.memory_space<hbm>> -> memref<1x6272xf32, #tpu.memory_space<hbm>>
        %dma_start3A_256 = tpu.memref_squeeze %dma_start3A_255 : memref<1x6272xf32, #tpu.memory_space<hbm>> -> memref<6272xf32, #tpu.memory_space<hbm>>
        %dma_start3A_257 = arith.constant 0 : i32
        %dma_start3A_258 = tpu.memref_slice %arg2[%add3A_14, %dma_start3A_257] : memref<256x6272xf32, #tpu.memory_space<hbm>> -> memref<1x6272xf32, #tpu.memory_space<hbm>>
        %dma_start3A_259 = tpu.memref_squeeze %dma_start3A_258 : memref<1x6272xf32, #tpu.memory_space<hbm>> -> memref<6272xf32, #tpu.memory_space<hbm>>
        tpu.enqueue_dma source(%dma_start3A_259 : memref<6272xf32, #tpu.memory_space<hbm>>) target(%arg6 : memref<6272xf32, #tpu.memory_space<vmem>>) target_semaphore(%run_scoped3A : memref<!tpu.dma_semaphore, #tpu.memory_space<semaphore_mem>>)
        %dma_wait3A_260 = arith.constant 0 : i32
        %dma_wait3A_261 = tpu.memref_slice %arg2[%add3A_14, %dma_wait3A_260] : memref<256x6272xf32, #tpu.memory_space<hbm>> -> memref<1x6272xf32, #tpu.memory_space<hbm>>
        %dma_wait3A_262 = tpu.memref_squeeze %dma_wait3A_261 : memref<1x6272xf32, #tpu.memory_space<hbm>> -> memref<6272xf32, #tpu.memory_space<hbm>>
        %dma_wait3A_263 = arith.constant 0 : i32
        %dma_wait3A_264 = tpu.memref_slice %arg2[%add3A_14, %dma_wait3A_263] : memref<256x6272xf32, #tpu.memory_space<hbm>> -> memref<1x6272xf32, #tpu.memory_space<hbm>>
        %dma_wait3A_265 = tpu.memref_squeeze %dma_wait3A_264 : memref<1x6272xf32, #tpu.memory_space<hbm>> -> memref<6272xf32, #tpu.memory_space<hbm>>
        tpu.wait_dma2 semaphore(%run_scoped3A : memref<!tpu.dma_semaphore, #tpu.memory_space<semaphore_mem>>) src(%dma_wait3A_265 : memref<6272xf32, #tpu.memory_space<hbm>>) dst(%arg6 : memref<6272xf32, #tpu.memory_space<vmem>>)
        tpu.yield
      }) : () -> ()
      %get3A = arith.constant 0 : index
      %get3A_15 = tpu.vector_load %arg6[%get3A] {strides = array<i32>} : memref<6272xf32, #tpu.memory_space<vmem>>, vector<16xf32>,
      %scan3A_16 = arith.constant 1 : i32
      %scan3A_17 = arith.constant 96 : i32
      %scan3A_18 = arith.addi %scan3A_16, %scan3A_17 : i32
      %scan3A_19 = arith.constant 4 : i32
      %scan3A_20 = scf.for %scan3A_254 = %scan3A_16 to %scan3A_18 step %scan3A_19 iter_args(%scan3A_255 = %get3A_15) -> (vector<16xf32>)  : i32 {
        %add3A_256 = arith.constant 0 : i32
        %add3A_257 = arith.addi %add3A_256, %scan3A_254 : i32
        %mul3A_258 = arith.constant 16 : i32
        %mul3A_259 = arith.muli %add3A_257, %mul3A_258 : i32
        %get3A_260 = arith.index_cast %mul3A_259 : i32 to index
        %get3A_261 = tpu.vector_load %arg6[%get3A_260] {strides = array<i32>} : memref<6272xf32, #tpu.memory_space<vmem>>, vector<16xf32>,
        %max3A_262 = arith.maximumf %scan3A_255, %get3A_261 : vector<16xf32>
        %scan3A_263 = arith.constant 1 : i32
        %scan3A_264 = arith.addi %scan3A_254, %scan3A_263 : i32
        %add3A_265 = arith.constant 0 : i32
        %add3A_266 = arith.addi %add3A_265, %scan3A_264 : i32
        %mul3A_267 = arith.constant 16 : i32
        %mul3A_268 = arith.muli %add3A_266, %mul3A_267 : i32
        %get3A_269 = arith.index_cast %mul3A_268 : i32 to index
        %get3A_270 = tpu.vector_load %arg6[%get3A_269] {strides = array<i32>} : memref<6272xf32, #tpu.memory_space<vmem>>, vector<16xf32>,
        %max3A_271 = arith.maximumf %max3A_262, %get3A_270 : vector<16xf32>
        %scan3A_272 = arith.constant 2 : i32
        %scan3A_273 = arith.addi %scan3A_254, %scan3A_272 : i32
        %add3A_274 = arith.constant 0 : i32
        %add3A_275 = arith.addi %add3A_274, %scan3A_273 : i32
        %mul3A_276 = arith.constant 16 : i32
        %mul3A_277 = arith.muli %add3A_275, %mul3A_276 : i32
        %get3A_278 = arith.index_cast %mul3A_277 : i32 to index
        %get3A_279 = tpu.vector_load %arg6[%get3A_278] {strides = array<i32>} : memref<6272xf32, #tpu.memory_space<vmem>>, vector<16xf32>,
        %max3A_280 = arith.maximumf %max3A_271, %get3A_279 : vector<16xf32>
        %scan3A_281 = arith.constant 3 : i32
        %scan3A_282 = arith.addi %scan3A_254, %scan3A_281 : i32
        %add3A_283 = arith.constant 0 : i32
        %add3A_284 = arith.addi %add3A_283, %scan3A_282 : i32
        %mul3A_285 = arith.constant 16 : i32
        %mul3A_286 = arith.muli %add3A_284, %mul3A_285 : i32
        %get3A_287 = arith.index_cast %mul3A_286 : i32 to index
        %get3A_288 = tpu.vector_load %arg6[%get3A_287] {strides = array<i32>} : memref<6272xf32, #tpu.memory_space<vmem>>, vector<16xf32>,
        %max3A_289 = arith.maximumf %max3A_280, %get3A_288 : vector<16xf32>
        scf.yield %max3A_289 : vector<16xf32>
      }
      %scan3A_21 = arith.constant 96 : i32
      %scan3A_22 = arith.addi %scan3A_16, %scan3A_21 : i32
      %add3A_23 = arith.constant 0 : i32
      %add3A_24 = arith.addi %add3A_23, %scan3A_22 : i32
      %mul3A_25 = arith.constant 16 : i32
      %mul3A_26 = arith.muli %add3A_24, %mul3A_25 : i32
      %get3A_27 = arith.index_cast %mul3A_26 : i32 to index
      %get3A_28 = tpu.vector_load %arg6[%get3A_27] {strides = array<i32>} : memref<6272xf32, #tpu.memory_space<vmem>>, vector<16xf32>,
      %max3A = arith.maximumf %scan3A_20, %get3A_28 : vector<16xf32>
      %scan3A_29 = arith.constant 97 : i32
      %get3A_30 = arith.constant 1568 : index
      %get3A_31 = tpu.vector_load %arg6[%get3A_30] {strides = array<i32>} : memref<6272xf32, #tpu.memory_space<vmem>>, vector<16xf32>,
      %scan3A_32 = arith.constant 1 : i32
      %scan3A_33 = arith.constant 96 : i32
      %scan3A_34 = arith.addi %scan3A_32, %scan3A_33 : i32
      %scan3A_35 = arith.constant 4 : i32
      %scan3A_36 = scf.for %scan3A_254 = %scan3A_32 to %scan3A_34 step %scan3A_35 iter_args(%scan3A_255 = %get3A_31) -> (vector<16xf32>)  : i32 {
        %add3A_256 = arith.constant 98 : i32
        %add3A_257 = arith.addi %add3A_256, %scan3A_254 : i32
        %mul3A_258 = arith.constant 16 : i32
        %mul3A_259 = arith.muli %add3A_257, %mul3A_258 : i32
        %get3A_260 = arith.index_cast %mul3A_259 : i32 to index
        %get3A_261 = tpu.vector_load %arg6[%get3A_260] {strides = array<i32>} : memref<6272xf32, #tpu.memory_space<vmem>>, vector<16xf32>,
        %max3A_262 = arith.maximumf %scan3A_255, %get3A_261 : vector<16xf32>
        %scan3A_263 = arith.constant 1 : i32
        %scan3A_264 = arith.addi %scan3A_254, %scan3A_263 : i32
        %add3A_265 = arith.constant 98 : i32
        %add3A_266 = arith.addi %add3A_265, %scan3A_264 : i32
        %mul3A_267 = arith.constant 16 : i32
        %mul3A_268 = arith.muli %add3A_266, %mul3A_267 : i32
        %get3A_269 = arith.index_cast %mul3A_268 : i32 to index
        %get3A_270 = tpu.vector_load %arg6[%get3A_269] {strides = array<i32>} : memref<6272xf32, #tpu.memory_space<vmem>>, vector<16xf32>,
        %max3A_271 = arith.maximumf %max3A_262, %get3A_270 : vector<16xf32>
        %scan3A_272 = arith.constant 2 : i32
        %scan3A_273 = arith.addi %scan3A_254, %scan3A_272 : i32
        %add3A_274 = arith.constant 98 : i32
        %add3A_275 = arith.addi %add3A_274, %scan3A_273 : i32
        %mul3A_276 = arith.constant 16 : i32
        %mul3A_277 = arith.muli %add3A_275, %mul3A_276 : i32
        %get3A_278 = arith.index_cast %mul3A_277 : i32 to index
        %get3A_279 = tpu.vector_load %arg6[%get3A_278] {strides = array<i32>} : memref<6272xf32, #tpu.memory_space<vmem>>, vector<16xf32>,
        %max3A_280 = arith.maximumf %max3A_271, %get3A_279 : vector<16xf32>
        %scan3A_281 = arith.constant 3 : i32
        %scan3A_282 = arith.addi %scan3A_254, %scan3A_281 : i32
        %add3A_283 = arith.constant 98 : i32
        %add3A_284 = arith.addi %add3A_283, %scan3A_282 : i32
        %mul3A_285 = arith.constant 16 : i32
        %mul3A_286 = arith.muli %add3A_284, %mul3A_285 : i32
        %get3A_287 = arith.index_cast %mul3A_286 : i32 to index
        %get3A_288 = tpu.vector_load %arg6[%get3A_287] {strides = array<i32>} : memref<6272xf32, #tpu.memory_space<vmem>>, vector<16xf32>,
        %max3A_289 = arith.maximumf %max3A_280, %get3A_288 : vector<16xf32>
        scf.yield %max3A_289 : vector<16xf32>
      }
      %scan3A_37 = arith.constant 96 : i32
      %scan3A_38 = arith.addi %scan3A_32, %scan3A_37 : i32
      %add3A_39 = arith.constant 98 : i32
      %add3A_40 = arith.addi %add3A_39, %scan3A_38 : i32
      %mul3A_41 = arith.constant 16 : i32
      %mul3A_42 = arith.muli %add3A_40, %mul3A_41 : i32
      %get3A_43 = arith.index_cast %mul3A_42 : i32 to index
      %get3A_44 = tpu.vector_load %arg6[%get3A_43] {strides = array<i32>} : memref<6272xf32, #tpu.memory_space<vmem>>, vector<16xf32>,
      %max3A_45 = arith.maximumf %scan3A_36, %get3A_44 : vector<16xf32>
      %scan3A_46 = arith.constant 97 : i32
      %min3A = arith.minimumf %max3A, %max3A_45 : vector<16xf32>
      %get3A_47 = arith.constant 3136 : index
      %get3A_48 = tpu.vector_load %arg6[%get3A_47] {strides = array<i32>} : memref<6272xf32, #tpu.memory_space<vmem>>, vector<16xf32>,
      %scan3A_49 = arith.constant 1 : i32
      %scan3A_50 = arith.constant 96 : i32
      %scan3A_51 = arith.addi %scan3A_49, %scan3A_50 : i32
      %scan3A_52 = arith.constant 4 : i32
      %scan3A_53 = scf.for %scan3A_254 = %scan3A_49 to %scan3A_51 step %scan3A_52 iter_args(%scan3A_255 = %get3A_48) -> (vector<16xf32>)  : i32 {
        %add3A_256 = arith.constant 196 : i32
        %add3A_257 = arith.addi %add3A_256, %scan3A_254 : i32
        %mul3A_258 = arith.constant 16 : i32
        %mul3A_259 = arith.muli %add3A_257, %mul3A_258 : i32
        %get3A_260 = arith.index_cast %mul3A_259 : i32 to index
        %get3A_261 = tpu.vector_load %arg6[%get3A_260] {strides = array<i32>} : memref<6272xf32, #tpu.memory_space<vmem>>, vector<16xf32>,
        %max3A_262 = arith.maximumf %scan3A_255, %get3A_261 : vector<16xf32>
        %scan3A_263 = arith.constant 1 : i32
        %scan3A_264 = arith.addi %scan3A_254, %scan3A_263 : i32
        %add3A_265 = arith.constant 196 : i32
        %add3A_266 = arith.addi %add3A_265, %scan3A_264 : i32
        %mul3A_267 = arith.constant 16 : i32
        %mul3A_268 = arith.muli %add3A_266, %mul3A_267 : i32
        %get3A_269 = arith.index_cast %mul3A_268 : i32 to index
        %get3A_270 = tpu.vector_load %arg6[%get3A_269] {strides = array<i32>} : memref<6272xf32, #tpu.memory_space<vmem>>, vector<16xf32>,
        %max3A_271 = arith.maximumf %max3A_262, %get3A_270 : vector<16xf32>
        %scan3A_272 = arith.constant 2 : i32
        %scan3A_273 = arith.addi %scan3A_254, %scan3A_272 : i32
        %add3A_274 = arith.constant 196 : i32
        %add3A_275 = arith.addi %add3A_274, %scan3A_273 : i32
        %mul3A_276 = arith.constant 16 : i32
        %mul3A_277 = arith.muli %add3A_275, %mul3A_276 : i32
        %get3A_278 = arith.index_cast %mul3A_277 : i32 to index
        %get3A_279 = tpu.vector_load %arg6[%get3A_278] {strides = array<i32>} : memref<6272xf32, #tpu.memory_space<vmem>>, vector<16xf32>,
        %max3A_280 = arith.maximumf %max3A_271, %get3A_279 : vector<16xf32>
        %scan3A_281 = arith.constant 3 : i32
        %scan3A_282 = arith.addi %scan3A_254, %scan3A_281 : i32
        %add3A_283 = arith.constant 196 : i32
        %add3A_284 = arith.addi %add3A_283, %scan3A_282 : i32
        %mul3A_285 = arith.constant 16 : i32
        %mul3A_286 = arith.muli %add3A_284, %mul3A_285 : i32
        %get3A_287 = arith.index_cast %mul3A_286 : i32 to index
        %get3A_288 = tpu.vector_load %arg6[%get3A_287] {strides = array<i32>} : memref<6272xf32, #tpu.memory_space<vmem>>, vector<16xf32>,
        %max3A_289 = arith.maximumf %max3A_280, %get3A_288 : vector<16xf32>
        scf.yield %max3A_289 : vector<16xf32>
      }
      %scan3A_54 = arith.constant 96 : i32
      %scan3A_55 = arith.addi %scan3A_49, %scan3A_54 : i32
      %add3A_56 = arith.constant 196 : i32
      %add3A_57 = arith.addi %add3A_56, %scan3A_55 : i32
      %mul3A_58 = arith.constant 16 : i32
      %mul3A_59 = arith.muli %add3A_57, %mul3A_58 : i32
      %get3A_60 = arith.index_cast %mul3A_59 : i32 to index
      %get3A_61 = tpu.vector_load %arg6[%get3A_60] {strides = array<i32>} : memref<6272xf32, #tpu.memory_space<vmem>>, vector<16xf32>,
      %max3A_62 = arith.maximumf %scan3A_53, %get3A_61 : vector<16xf32>
      %scan3A_63 = arith.constant 97 : i32
      %get3A_64 = arith.constant 4704 : index
      %get3A_65 = tpu.vector_load %arg6[%get3A_64] {strides = array<i32>} : memref<6272xf32, #tpu.memory_space<vmem>>, vector<16xf32>,
      %scan3A_66 = arith.constant 1 : i32
      %scan3A_67 = arith.constant 96 : i32
      %scan3A_68 = arith.addi %scan3A_66, %scan3A_67 : i32
      %scan3A_69 = arith.constant 4 : i32
      %scan3A_70 = scf.for %scan3A_254 = %scan3A_66 to %scan3A_68 step %scan3A_69 iter_args(%scan3A_255 = %get3A_65) -> (vector<16xf32>)  : i32 {
        %add3A_256 = arith.constant 294 : i32
        %add3A_257 = arith.addi %add3A_256, %scan3A_254 : i32
        %mul3A_258 = arith.constant 16 : i32
        %mul3A_259 = arith.muli %add3A_257, %mul3A_258 : i32
        %get3A_260 = arith.index_cast %mul3A_259 : i32 to index
        %get3A_261 = tpu.vector_load %arg6[%get3A_260] {strides = array<i32>} : memref<6272xf32, #tpu.memory_space<vmem>>, vector<16xf32>,
        %max3A_262 = arith.maximumf %scan3A_255, %get3A_261 : vector<16xf32>
        %scan3A_263 = arith.constant 1 : i32
        %scan3A_264 = arith.addi %scan3A_254, %scan3A_263 : i32
        %add3A_265 = arith.constant 294 : i32
        %add3A_266 = arith.addi %add3A_265, %scan3A_264 : i32
        %mul3A_267 = arith.constant 16 : i32
        %mul3A_268 = arith.muli %add3A_266, %mul3A_267 : i32
        %get3A_269 = arith.index_cast %mul3A_268 : i32 to index
        %get3A_270 = tpu.vector_load %arg6[%get3A_269] {strides = array<i32>} : memref<6272xf32, #tpu.memory_space<vmem>>, vector<16xf32>,
        %max3A_271 = arith.maximumf %max3A_262, %get3A_270 : vector<16xf32>
        %scan3A_272 = arith.constant 2 : i32
        %scan3A_273 = arith.addi %scan3A_254, %scan3A_272 : i32
        %add3A_274 = arith.constant 294 : i32
        %add3A_275 = arith.addi %add3A_274, %scan3A_273 : i32
        %mul3A_276 = arith.constant 16 : i32
        %mul3A_277 = arith.muli %add3A_275, %mul3A_276 : i32
        %get3A_278 = arith.index_cast %mul3A_277 : i32 to index
        %get3A_279 = tpu.vector_load %arg6[%get3A_278] {strides = array<i32>} : memref<6272xf32, #tpu.memory_space<vmem>>, vector<16xf32>,
        %max3A_280 = arith.maximumf %max3A_271, %get3A_279 : vector<16xf32>
        %scan3A_281 = arith.constant 3 : i32
        %scan3A_282 = arith.addi %scan3A_254, %scan3A_281 : i32
        %add3A_283 = arith.constant 294 : i32
        %add3A_284 = arith.addi %add3A_283, %scan3A_282 : i32
        %mul3A_285 = arith.constant 16 : i32
        %mul3A_286 = arith.muli %add3A_284, %mul3A_285 : i32
        %get3A_287 = arith.index_cast %mul3A_286 : i32 to index
        %get3A_288 = tpu.vector_load %arg6[%get3A_287] {strides = array<i32>} : memref<6272xf32, #tpu.memory_space<vmem>>, vector<16xf32>,
        %max3A_289 = arith.maximumf %max3A_280, %get3A_288 : vector<16xf32>
        scf.yield %max3A_289 : vector<16xf32>
      }
      %scan3A_71 = arith.constant 96 : i32
      %scan3A_72 = arith.addi %scan3A_66, %scan3A_71 : i32
      %add3A_73 = arith.constant 294 : i32
      %add3A_74 = arith.addi %add3A_73, %scan3A_72 : i32
      %mul3A_75 = arith.constant 16 : i32
      %mul3A_76 = arith.muli %add3A_74, %mul3A_75 : i32
      %get3A_77 = arith.index_cast %mul3A_76 : i32 to index
      %get3A_78 = tpu.vector_load %arg6[%get3A_77] {strides = array<i32>} : memref<6272xf32, #tpu.memory_space<vmem>>, vector<16xf32>,
      %max3A_79 = arith.maximumf %scan3A_70, %get3A_78 : vector<16xf32>
      %scan3A_80 = arith.constant 97 : i32
      %min3A_81 = arith.minimumf %max3A_62, %max3A_79 : vector<16xf32>
      %min3A_82 = arith.minimumf %min3A, %min3A_81 : vector<16xf32>
      %add3A_83 = arith.constant 8 : i32
      %add3A_84 = vector.broadcast %add3A_83 : i32 to vector<16xi32>
      %add3A_85 = arith.addi %iota3A, %add3A_84 : vector<16xi32>
      %and3A = arith.constant 15 : i32
      %and3A_86 = vector.broadcast %and3A : i32 to vector<16xi32>
      %and3A_87 = arith.andi %add3A_85, %and3A_86 : vector<16xi32>
      %lt3A = arith.constant 0 : i32
      %lt3A_88 = vector.broadcast %lt3A : i32 to vector<16xi32>
      %lt3A_89 = arith.cmpi slt, %and3A_87, %lt3A_88 : vector<16xi32>
      %add3A_90 = arith.constant 16 : i32
      %add3A_91 = vector.broadcast %add3A_90 : i32 to vector<16xi32>
      %add3A_92 = arith.addi %and3A_87, %add3A_91 : vector<16xi32>
      %select_n3A = arith.select %lt3A_89, %add3A_92, %and3A_87 : vector<16xi1>, vector<16xi32>
      %broadcast_in_dim3A_93 = vector.shape_cast %select_n3A : vector<16xi32> to vector<16x1xi32>
      %gather3A = vector.shape_cast %broadcast_in_dim3A_93 : vector<16x1xi32> to vector<16xi32>
      %gather3A_94 = tpu.dynamic_gather %min3A_82[%gather3A] in [0] : vector<16xf32>, vector<16xi32> -> vector<16xf32>
      %min3A_95 = arith.minimumf %min3A_82, %gather3A_94 : vector<16xf32>
      %add3A_96 = arith.constant 4 : i32
      %add3A_97 = vector.broadcast %add3A_96 : i32 to vector<16xi32>
      %add3A_98 = arith.addi %iota3A, %add3A_97 : vector<16xi32>
      %and3A_99 = arith.constant 15 : i32
      %and3A_100 = vector.broadcast %and3A_99 : i32 to vector<16xi32>
      %and3A_101 = arith.andi %add3A_98, %and3A_100 : vector<16xi32>
      %lt3A_102 = arith.constant 0 : i32
      %lt3A_103 = vector.broadcast %lt3A_102 : i32 to vector<16xi32>
      %lt3A_104 = arith.cmpi slt, %and3A_101, %lt3A_103 : vector<16xi32>
      %add3A_105 = arith.constant 16 : i32
      %add3A_106 = vector.broadcast %add3A_105 : i32 to vector<16xi32>
      %add3A_107 = arith.addi %and3A_101, %add3A_106 : vector<16xi32>
      %select_n3A_108 = arith.select %lt3A_104, %add3A_107, %and3A_101 : vector<16xi1>, vector<16xi32>
      %broadcast_in_dim3A_109 = vector.shape_cast %select_n3A_108 : vector<16xi32> to vector<16x1xi32>
      %gather3A_110 = vector.shape_cast %broadcast_in_dim3A_109 : vector<16x1xi32> to vector<16xi32>
      %gather3A_111 = tpu.dynamic_gather %min3A_95[%gather3A_110] in [0] : vector<16xf32>, vector<16xi32> -> vector<16xf32>
      %min3A_112 = arith.minimumf %min3A_95, %gather3A_111 : vector<16xf32>
      %add3A_113 = arith.constant 2 : i32
      %add3A_114 = vector.broadcast %add3A_113 : i32 to vector<16xi32>
      %add3A_115 = arith.addi %iota3A, %add3A_114 : vector<16xi32>
      %and3A_116 = arith.constant 15 : i32
      %and3A_117 = vector.broadcast %and3A_116 : i32 to vector<16xi32>
      %and3A_118 = arith.andi %add3A_115, %and3A_117 : vector<16xi32>
      %lt3A_119 = arith.constant 0 : i32
      %lt3A_120 = vector.broadcast %lt3A_119 : i32 to vector<16xi32>
      %lt3A_121 = arith.cmpi slt, %and3A_118, %lt3A_120 : vector<16xi32>
      %add3A_122 = arith.constant 16 : i32
      %add3A_123 = vector.broadcast %add3A_122 : i32 to vector<16xi32>
      %add3A_124 = arith.addi %and3A_118, %add3A_123 : vector<16xi32>
      %select_n3A_125 = arith.select %lt3A_121, %add3A_124, %and3A_118 : vector<16xi1>, vector<16xi32>
      %broadcast_in_dim3A_126 = vector.shape_cast %select_n3A_125 : vector<16xi32> to vector<16x1xi32>
      %gather3A_127 = vector.shape_cast %broadcast_in_dim3A_126 : vector<16x1xi32> to vector<16xi32>
      %gather3A_128 = tpu.dynamic_gather %min3A_112[%gather3A_127] in [0] : vector<16xf32>, vector<16xi32> -> vector<16xf32>
      %min3A_129 = arith.minimumf %min3A_112, %gather3A_128 : vector<16xf32>
      %add3A_130 = arith.constant 1 : i32
      %add3A_131 = vector.broadcast %add3A_130 : i32 to vector<16xi32>
      %add3A_132 = arith.addi %iota3A, %add3A_131 : vector<16xi32>
      %and3A_133 = arith.constant 15 : i32
      %and3A_134 = vector.broadcast %and3A_133 : i32 to vector<16xi32>
      %and3A_135 = arith.andi %add3A_132, %and3A_134 : vector<16xi32>
      %lt3A_136 = arith.constant 0 : i32
      %lt3A_137 = vector.broadcast %lt3A_136 : i32 to vector<16xi32>
      %lt3A_138 = arith.cmpi slt, %and3A_135, %lt3A_137 : vector<16xi32>
      %add3A_139 = arith.constant 16 : i32
      %add3A_140 = vector.broadcast %add3A_139 : i32 to vector<16xi32>
      %add3A_141 = arith.addi %and3A_135, %add3A_140 : vector<16xi32>
      %select_n3A_142 = arith.select %lt3A_138, %add3A_141, %and3A_135 : vector<16xi1>, vector<16xi32>
      %broadcast_in_dim3A_143 = vector.shape_cast %select_n3A_142 : vector<16xi32> to vector<16x1xi32>
      %gather3A_144 = vector.shape_cast %broadcast_in_dim3A_143 : vector<16x1xi32> to vector<16xi32>
      %gather3A_145 = tpu.dynamic_gather %min3A_129[%gather3A_144] in [0] : vector<16xf32>, vector<16xi32> -> vector<16xf32>
      %min3A_146 = arith.minimumf %min3A_129, %gather3A_145 : vector<16xf32>
      %mul3A_147 = arith.constant 6272 : i32
      %mul3A_148 = arith.muli %add3A_14, %mul3A_147 : i32
      %add3A_149 = arith.constant 6271 : i32
      %add3A_150 = arith.addi %mul3A_148, %add3A_149 : i32
      %broadcast_in_dim3A_151 = vector.broadcast %add3A_150 : i32 to vector<16xi32>
      %scan3A_152 = arith.constant 0 : i32
      %scan3A_153 = arith.constant 0 : i32
      %scan3A_154 = arith.constant 65 : i32
      %scan3A_155 = arith.addi %scan3A_153, %scan3A_154 : i32
      %scan3A_156 = arith.constant 1 : i32
      scf.for %scan3A_254 = %scan3A_153 to %scan3A_155 step %scan3A_156  : i32 {
        %mul3A_255 = arith.constant 16 : i32
        %mul3A_256 = arith.muli %scan3A_254, %mul3A_255 : i32
        %swap3A = arith.index_cast %mul3A_256 : i32 to index
        %swap3A_257 = tpu.vector_load %arg7[%swap3A] {strides = array<i32>} : memref<1056xi32, #tpu.memory_space<vmem>>, vector<16xi32>,
        tpu.vector_store %arg7[%swap3A], %broadcast_in_dim3A_151 {strides = array<i32>} : memref<1056xi32, #tpu.memory_space<vmem>>, vector<16xi32>,
      }
      %scan3A_157 = arith.constant 65 : i32
      %scan3A_158 = arith.constant 0 : i32
      %scan3A_159 = arith.constant 0 : i32
      %scan3A_160 = arith.constant 65 : i32
      %scan3A_161 = arith.addi %scan3A_159, %scan3A_160 : i32
      %scan3A_162 = arith.constant 1 : i32
      scf.for %scan3A_254 = %scan3A_159 to %scan3A_161 step %scan3A_162  : i32 {
        %mul3A_255 = arith.constant 16 : i32
        %mul3A_256 = arith.muli %scan3A_254, %mul3A_255 : i32
        %swap3A = arith.index_cast %mul3A_256 : i32 to index
        %swap3A_257 = tpu.vector_load %arg9[%swap3A] {strides = array<i32>} : memref<1056xf32, #tpu.memory_space<vmem>>, vector<16xf32>,
        tpu.vector_store %arg9[%swap3A], %broadcast_in_dim3A_4 {strides = array<i32>} : memref<1056xf32, #tpu.memory_space<vmem>>, vector<16xf32>,
      }
      %scan3A_163 = arith.constant 65 : i32
      %scan3A_164 = arith.constant 0 : i32
      %scan3A_165 = arith.constant 0 : i32
      %scan3A_166 = arith.constant 392 : i32
      %scan3A_167 = arith.addi %scan3A_165, %scan3A_166 : i32
      %scan3A_168 = arith.constant 2 : i32
      %scan3A_169 = scf.for %scan3A_254 = %scan3A_165 to %scan3A_167 step %scan3A_168 iter_args(%scan3A_255 = %scan3A_164) -> (i32)  : i32 {
        %mul3A_256 = arith.constant 16 : i32
        %mul3A_257 = arith.muli %scan3A_254, %mul3A_256 : i32
        %get3A_258 = arith.index_cast %mul3A_257 : i32 to index
        %get3A_259 = tpu.vector_load %arg6[%get3A_258] {strides = array<i32>} : memref<6272xf32, #tpu.memory_space<vmem>>, vector<16xf32>,
        %ge3A = arith.cmpf oge, %get3A_259, %min3A_146 : vector<16xf32>
        %mul3A_260 = arith.constant 6272 : i32
        %mul3A_261 = arith.muli %add3A_14, %mul3A_260 : i32
        %mul3A_262 = arith.constant 16 : i32
        %mul3A_263 = arith.muli %scan3A_254, %mul3A_262 : i32
        %add3A_264 = arith.addi %mul3A_261, %mul3A_263 : i32
        %add3A_265 = vector.broadcast %add3A_264 : i32 to vector<16xi32>
        %add3A_266 = arith.addi %add3A_265, %iota3A : vector<16xi32>
        %masked_sort3A = arith.constant -2147483648 : i32
        %masked_sort3A_267 = vector.broadcast %masked_sort3A : i32 to vector<16xi32>
        %masked_sort3A_268 = arith.xori %iota3A, %masked_sort3A_267 : vector<16xi32>
        %masked_sort3A_269, %masked_sort3A_270, %masked_sort3A_271 = tpu.sort %masked_sort3A_268, %add3A_266 masked %ge3A : (vector<16xi32>, vector<16xi32>, vector<16xi1>) -> (vector<16xi1>, vector<16xi32>, vector<16xi32>)
        %masked_sort3A_272 = arith.xori %masked_sort3A_270, %masked_sort3A_267 : vector<16xi32>
        %swap3A = arith.index_cast %scan3A_255 : i32 to index
        %swap3A_273 = tpu.vector_load %arg7[%swap3A] {strides = array<i32>} : memref<1056xi32, #tpu.memory_space<vmem>>, vector<16xi32>,
        tpu.vector_store %arg7[%swap3A], %masked_sort3A_271 {strides = array<i32>} : memref<1056xi32, #tpu.memory_space<vmem>>, vector<16xi32>,
        %all_reduce_population_count3A = tpu.all_reduce %ge3A {dim = 0 : i64, kind = #tpu.reduction_kind<sum>} : vector<16xi1> -> vector<16xi32>
        %slice3A = vector.extract_strided_slice %all_reduce_population_count3A {offsets = [0], sizes = [1], strides = [1]} : vector<16xi32> to vector<1xi32>
        %squeeze3A = vector.extract %slice3A[0] : i32 from vector<1xi32>
        %add3A_274 = arith.addi %scan3A_255, %squeeze3A : i32
        %min3A_275 = arith.constant 1024 : i32
        %min3A_276 = arith.minsi %add3A_274, %min3A_275 : i32
        %scan3A_277 = arith.constant 1 : i32
        %scan3A_278 = arith.addi %scan3A_254, %scan3A_277 : i32
        %mul3A_279 = arith.constant 16 : i32
        %mul3A_280 = arith.muli %scan3A_278, %mul3A_279 : i32
        %get3A_281 = arith.index_cast %mul3A_280 : i32 to index
        %get3A_282 = tpu.vector_load %arg6[%get3A_281] {strides = array<i32>} : memref<6272xf32, #tpu.memory_space<vmem>>, vector<16xf32>,
        %ge3A_283 = arith.cmpf oge, %get3A_282, %min3A_146 : vector<16xf32>
        %mul3A_284 = arith.constant 6272 : i32
        %mul3A_285 = arith.muli %add3A_14, %mul3A_284 : i32
        %mul3A_286 = arith.constant 16 : i32
        %mul3A_287 = arith.muli %scan3A_278, %mul3A_286 : i32
        %add3A_288 = arith.addi %mul3A_285, %mul3A_287 : i32
        %add3A_289 = vector.broadcast %add3A_288 : i32 to vector<16xi32>
        %add3A_290 = arith.addi %add3A_289, %iota3A : vector<16xi32>
        %masked_sort3A_291 = arith.constant -2147483648 : i32
        %masked_sort3A_292 = vector.broadcast %masked_sort3A_291 : i32 to vector<16xi32>
        %masked_sort3A_293 = arith.xori %iota3A, %masked_sort3A_292 : vector<16xi32>
        %masked_sort3A_294, %masked_sort3A_295, %masked_sort3A_296 = tpu.sort %masked_sort3A_293, %add3A_290 masked %ge3A_283 : (vector<16xi32>, vector<16xi32>, vector<16xi1>) -> (vector<16xi1>, vector<16xi32>, vector<16xi32>)
        %masked_sort3A_297 = arith.xori %masked_sort3A_295, %masked_sort3A_292 : vector<16xi32>
        %swap3A_298 = arith.index_cast %min3A_276 : i32 to index
        %swap3A_299 = tpu.vector_load %arg7[%swap3A_298] {strides = array<i32>} : memref<1056xi32, #tpu.memory_space<vmem>>, vector<16xi32>,
        tpu.vector_store %arg7[%swap3A_298], %masked_sort3A_296 {strides = array<i32>} : memref<1056xi32, #tpu.memory_space<vmem>>, vector<16xi32>,
        %all_reduce_population_count3A_300 = tpu.all_reduce %ge3A_283 {dim = 0 : i64, kind = #tpu.reduction_kind<sum>} : vector<16xi1> -> vector<16xi32>
        %slice3A_301 = vector.extract_strided_slice %all_reduce_population_count3A_300 {offsets = [0], sizes = [1], strides = [1]} : vector<16xi32> to vector<1xi32>
        %squeeze3A_302 = vector.extract %slice3A_301[0] : i32 from vector<1xi32>
        %add3A_303 = arith.addi %min3A_276, %squeeze3A_302 : i32
        %min3A_304 = arith.constant 1024 : i32
        %min3A_305 = arith.minsi %add3A_303, %min3A_304 : i32
        scf.yield %min3A_305 : i32
      }
      %scan3A_170 = arith.constant 392 : i32
      %add3A_171 = arith.constant 127 : i32
      %add3A_172 = arith.addi %scan3A_169, %add3A_171 : i32
      %jit3A = arith.constant 128 : i32
      %div3A = arith.divsi %add3A_172, %jit3A : i32
      %sign3A = arith.constant 0 : i32
      %sign3A_173 = arith.cmpi sgt, %add3A_172, %sign3A : i32
      %sign3A_174 = arith.extui %sign3A_173 : i1 to i32
      %sign3A_175 = arith.constant 0 : i32
      %sign3A_176 = arith.cmpi slt, %add3A_172, %sign3A_175 : i32
      %sign3A_177 = arith.extui %sign3A_176 : i1 to i32
      %sign3A_178 = arith.subi %sign3A_174, %sign3A_177 : i32
      %sign3A_179 = arith.constant 0 : i32
      %sign3A_180 = arith.cmpi sgt, %jit3A, %sign3A_179 : i32
      %sign3A_181 = arith.extui %sign3A_180 : i1 to i32
      %sign3A_182 = arith.constant 0 : i32
      %sign3A_183 = arith.cmpi slt, %jit3A, %sign3A_182 : i32
      %sign3A_184 = arith.extui %sign3A_183 : i1 to i32
      %sign3A_185 = arith.subi %sign3A_181, %sign3A_184 : i32
      %ne3A = arith.cmpi ne, %sign3A_178, %sign3A_185 : i32
      %rem3A = arith.remsi %add3A_172, %jit3A : i32
      %ne3A_186 = arith.constant 0 : i32
      %ne3A_187 = arith.cmpi ne, %rem3A, %ne3A_186 : i32
      %and3A_188 = arith.andi %ne3A, %ne3A_187 : i1
      %sub3A = arith.constant 1 : i32
      %sub3A_189 = arith.subi %div3A, %sub3A : i32
      %select_n3A_190 = arith.select %and3A_188, %sub3A_189, %div3A : i32
      %min3A_191 = arith.constant 8 : i32
      %min3A_192 = arith.minsi %select_n3A_190, %min3A_191 : i32
      %dma_start3A = arith.constant 0 : i32
      %dma_start3A_193 = arith.constant 0 : i32
      %dma_start3A_194 = arith.constant 0 : i32
      %dma_start3A_195 = tpu.memref_slice %arg8[%dma_start3A, %dma_start3A_193, %dma_start3A_194] : memref<2x128x16xf32, #tpu.memory_space<vmem>> -> memref<1x128x16xf32, #tpu.memory_space<vmem>>
      %dma_start3A_196 = tpu.memref_squeeze %dma_start3A_195 : memref<1x128x16xf32, #tpu.memory_space<vmem>> -> memref<128x16xf32, #tpu.memory_space<vmem>>
      %dma_start3A_197 = arith.constant 0 : i32
      %dma_start3A_198 = tpu.memref_slice %arg7[%dma_start3A_197] : memref<1056xi32, #tpu.memory_space<vmem>> -> memref<128xi32, #tpu.memory_space<vmem>>
      %dma_start3A_199 = arith.constant 0 : i32
      %dma_start3A_200 = arith.constant 0 : i32
      %dma_start3A_201 = tpu.memref_slice %arg3[%dma_start3A_199, %dma_start3A_200] : memref<1605632x16xf32, #tpu.memory_space<hbm>> -> memref<1605632x16xf32, #tpu.memory_space<hbm>>
      tpu.enqueue_indirect_dma source(%dma_start3A_201 : memref<1605632x16xf32, #tpu.memory_space<hbm>>) target(%dma_start3A_196 : memref<128x16xf32, #tpu.memory_space<vmem>>) offsets(%dma_start3A_198 : memref<128xi32, #tpu.memory_space<vmem>>) semaphore(%arg13 : memref<!tpu.dma_semaphore, #tpu.memory_space<semaphore_mem>>)
      %while3A = arith.constant 0 : i32
      %while3A_202 = arith.constant 0 : i32
      %while3A_203 = arith.subi %min3A_192, %while3A : i32
      %while3A_204 = arith.addi %while3A, %while3A_203 : i32
      %while3A_205 = arith.constant 1 : i32
      %while3A_206 = arith.divsi %while3A_203, %while3A_205 : i32
      %while3A_207 = arith.muli %while3A_206, %while3A_205 : i32
      %while3A_208 = arith.addi %while3A, %while3A_207 : i32
      %while3A_209 = arith.constant 1 : i32
      %while3A_210 = scf.for %while3A_254 = %while3A to %while3A_208 step %while3A_209 iter_args(%while3A_255 = %while3A_202) -> (i32)  : i32 {
        %add3A_256 = arith.constant 1 : i32
        %add3A_257 = arith.addi %while3A_254, %add3A_256 : i32
        %min3A_258 = arith.constant 7 : i32
        %min3A_259 = arith.minsi %add3A_257, %min3A_258 : i32
        %mul3A_260 = arith.constant 128 : i32
        %mul3A_261 = arith.muli %min3A_259, %mul3A_260 : i32
        %add3A_262 = arith.constant 1 : i32
        %add3A_263 = arith.addi %while3A_254, %add3A_262 : i32
        %jit3A_264 = arith.constant 2 : i32
        %eq3A = arith.constant 0 : i32
        %eq3A_265 = arith.cmpi eq, %jit3A_264, %eq3A : i32
        %jit3A_266 = arith.constant 1 : i32
        %select_n3A_267 = arith.select %eq3A_265, %jit3A_266, %jit3A_264 : i32
        %rem3A_268 = arith.remsi %add3A_263, %select_n3A_267 : i32
        %ne3A_269 = arith.constant 0 : i32
        %ne3A_270 = arith.cmpi ne, %rem3A_268, %ne3A_269 : i32
        %lt3A_271 = arith.constant 0 : i32
        %lt3A_272 = arith.cmpi slt, %rem3A_268, %lt3A_271 : i32
        %lt3A_273 = arith.constant 0 : i32
        %lt3A_274 = arith.cmpi slt, %select_n3A_267, %lt3A_273 : i32
        %ne3A_275 = arith.xori %lt3A_272, %lt3A_274 : i1
        %and3A_276 = arith.andi %ne3A_275, %ne3A_270 : i1
        %add3A_277 = arith.addi %rem3A_268, %select_n3A_267 : i32
        %select_n3A_278 = arith.select %and3A_276, %add3A_277, %rem3A_268 : i32
        %dma_start3A_279 = arith.constant 0 : i32
        %dma_start3A_280 = arith.constant 0 : i32
        %dma_start3A_281 = tpu.memref_slice %arg8[%select_n3A_278, %dma_start3A_279, %dma_start3A_280] : memref<2x128x16xf32, #tpu.memory_space<vmem>> -> memref<1x128x16xf32, #tpu.memory_space<vmem>>
        %dma_start3A_282 = tpu.memref_squeeze %dma_start3A_281 : memref<1x128x16xf32, #tpu.memory_space<vmem>> -> memref<128x16xf32, #tpu.memory_space<vmem>>
        %dma_start3A_283 = tpu.memref_slice %arg7[%mul3A_261] : memref<1056xi32, #tpu.memory_space<vmem>> -> memref<128xi32, #tpu.memory_space<vmem>>
        %dma_start3A_284 = arith.constant 0 : i32
        %dma_start3A_285 = arith.constant 0 : i32
        %dma_start3A_286 = tpu.memref_slice %arg3[%dma_start3A_284, %dma_start3A_285] : memref<1605632x16xf32, #tpu.memory_space<hbm>> -> memref<1605632x16xf32, #tpu.memory_space<hbm>>
        tpu.enqueue_indirect_dma source(%dma_start3A_286 : memref<1605632x16xf32, #tpu.memory_space<hbm>>) target(%dma_start3A_282 : memref<128x16xf32, #tpu.memory_space<vmem>>) offsets(%dma_start3A_283 : memref<128xi32, #tpu.memory_space<vmem>>) semaphore(%arg13 : memref<!tpu.dma_semaphore, #tpu.memory_space<semaphore_mem>>)
        %dma_wait3A_287 = arith.constant 0 : i32
        %dma_wait3A_288 = arith.constant 0 : i32
        %dma_wait3A_289 = arith.constant 0 : i32
        %dma_wait3A_290 = tpu.memref_slice %arg8[%dma_wait3A_287, %dma_wait3A_288, %dma_wait3A_289] : memref<2x128x16xf32, #tpu.memory_space<vmem>> -> memref<1x128x16xf32, #tpu.memory_space<vmem>>
        %dma_wait3A_291 = tpu.memref_squeeze %dma_wait3A_290 : memref<1x128x16xf32, #tpu.memory_space<vmem>> -> memref<128x16xf32, #tpu.memory_space<vmem>>
        %dma_wait3A_292 = arith.constant 0 : i32
        %dma_wait3A_293 = tpu.memref_slice %arg7[%dma_wait3A_292] : memref<1056xi32, #tpu.memory_space<vmem>> -> memref<128xi32, #tpu.memory_space<vmem>>
        %dma_wait3A_294 = arith.constant 0 : i32
        %dma_wait3A_295 = arith.constant 0 : i32
        %dma_wait3A_296 = tpu.memref_slice %arg3[%dma_wait3A_294, %dma_wait3A_295] : memref<1605632x16xf32, #tpu.memory_space<hbm>> -> memref<1605632x16xf32, #tpu.memory_space<hbm>>
        tpu.wait_indirect_dma semaphore(%arg13 : memref<!tpu.dma_semaphore, #tpu.memory_space<semaphore_mem>>) src(%dma_wait3A_296 : memref<1605632x16xf32, #tpu.memory_space<hbm>>) dst(%dma_wait3A_291 : memref<128x16xf32, #tpu.memory_space<vmem>>)
        %scan3A_297 = arith.constant 0 : i32
        %scan3A_298 = arith.constant 128 : i32
        %scan3A_299 = arith.addi %scan3A_297, %scan3A_298 : i32
        %scan3A_300 = arith.constant 1 : i32
        %scan3A_301 = scf.for %scan3A_303 = %scan3A_297 to %scan3A_299 step %scan3A_300 iter_args(%scan3A_304 = %while3A_255) -> (i32)  : i32 {
          %jit3A_305 = arith.constant 2 : i32
          %eq3A_306 = arith.constant 0 : i32
          %eq3A_307 = arith.cmpi eq, %jit3A_305, %eq3A_306 : i32
          %jit3A_308 = arith.constant 1 : i32
          %select_n3A_309 = arith.select %eq3A_307, %jit3A_308, %jit3A_305 : i32
          %rem3A_310 = arith.remsi %while3A_254, %select_n3A_309 : i32
          %ne3A_311 = arith.constant 0 : i32
          %ne3A_312 = arith.cmpi ne, %rem3A_310, %ne3A_311 : i32
          %lt3A_313 = arith.constant 0 : i32
          %lt3A_314 = arith.cmpi slt, %rem3A_310, %lt3A_313 : i32
          %lt3A_315 = arith.constant 0 : i32
          %lt3A_316 = arith.cmpi slt, %select_n3A_309, %lt3A_315 : i32
          %ne3A_317 = arith.xori %lt3A_314, %lt3A_316 : i1
          %and3A_318 = arith.andi %ne3A_317, %ne3A_312 : i1
          %add3A_319 = arith.addi %rem3A_310, %select_n3A_309 : i32
          %select_n3A_320 = arith.select %and3A_318, %add3A_319, %rem3A_310 : i32
          %get3A_321 = arith.index_cast %select_n3A_320 : i32 to index
          %get3A_322 = arith.index_cast %scan3A_303 : i32 to index
          %get3A_323 = arith.constant 0 : index
          %get3A_324 = tpu.vector_load %arg8[%get3A_321, %get3A_322, %get3A_323] {strides = array<i32>} : memref<2x128x16xf32, #tpu.memory_space<vmem>>, vector<16xf32>,
          %ge3A = arith.cmpf oge, %get3A_324, %min3A_146 : vector<16xf32>
          %mul3A_325 = arith.constant 128 : i32
          %mul3A_326 = arith.muli %while3A_254, %mul3A_325 : i32
          %add3A_327 = arith.addi %mul3A_326, %scan3A_303 : i32
          %jit3A_328 = arith.constant 16 : i32
          %div3A_329 = arith.divsi %add3A_327, %jit3A_328 : i32
          %sign3A_330 = arith.constant 0 : i32
          %sign3A_331 = arith.cmpi sgt, %add3A_327, %sign3A_330 : i32
          %sign3A_332 = arith.extui %sign3A_331 : i1 to i32
          %sign3A_333 = arith.constant 0 : i32
          %sign3A_334 = arith.cmpi slt, %add3A_327, %sign3A_333 : i32
          %sign3A_335 = arith.extui %sign3A_334 : i1 to i32
          %sign3A_336 = arith.subi %sign3A_332, %sign3A_335 : i32
          %sign3A_337 = arith.constant 0 : i32
          %sign3A_338 = arith.cmpi sgt, %jit3A_328, %sign3A_337 : i32
          %sign3A_339 = arith.extui %sign3A_338 : i1 to i32
          %sign3A_340 = arith.constant 0 : i32
          %sign3A_341 = arith.cmpi slt, %jit3A_328, %sign3A_340 : i32
          %sign3A_342 = arith.extui %sign3A_341 : i1 to i32
          %sign3A_343 = arith.subi %sign3A_339, %sign3A_342 : i32
          %ne3A_344 = arith.cmpi ne, %sign3A_336, %sign3A_343 : i32
          %rem3A_345 = arith.remsi %add3A_327, %jit3A_328 : i32
          %ne3A_346 = arith.constant 0 : i32
          %ne3A_347 = arith.cmpi ne, %rem3A_345, %ne3A_346 : i32
          %and3A_348 = arith.andi %ne3A_344, %ne3A_347 : i1
          %sub3A_349 = arith.constant 1 : i32
          %sub3A_350 = arith.subi %div3A_329, %sub3A_349 : i32
          %select_n3A_351 = arith.select %and3A_348, %sub3A_350, %div3A_329 : i32
          %mul3A_352 = arith.constant 16 : i32
          %mul3A_353 = arith.muli %select_n3A_351, %mul3A_352 : i32
          %get3A_354 = arith.index_cast %mul3A_353 : i32 to index
          %get3A_355 = tpu.vector_load %arg7[%get3A_354] {strides = array<i32>} : memref<1056xi32, #tpu.memory_space<vmem>>, vector<16xi32>,
          %sub3A_356 = arith.subi %add3A_327, %mul3A_353 : i32
          %mul3A_357 = vector.broadcast %sub3A_356 : i32 to vector<16xi32>
          %mul3A_358 = arith.muli %broadcast_in_dim3A_2, %mul3A_357 : vector<16xi32>
          %lt3A_359 = arith.constant 0 : i32
          %lt3A_360 = vector.broadcast %lt3A_359 : i32 to vector<16xi32>
          %lt3A_361 = arith.cmpi slt, %mul3A_358, %lt3A_360 : vector<16xi32>
          %add3A_362 = arith.constant 16 : i32
          %add3A_363 = vector.broadcast %add3A_362 : i32 to vector<16xi32>
          %add3A_364 = arith.addi %mul3A_358, %add3A_363 : vector<16xi32>
          %select_n3A_365 = arith.select %lt3A_361, %add3A_364, %mul3A_358 : vector<16xi1>, vector<16xi32>
          %broadcast_in_dim3A_366 = vector.shape_cast %select_n3A_365 : vector<16xi32> to vector<16x1xi32>
          %gather3A_367 = vector.shape_cast %broadcast_in_dim3A_366 : vector<16x1xi32> to vector<16xi32>
          %gather3A_368 = tpu.dynamic_gather %get3A_355[%gather3A_367] in [0] : vector<16xi32>, vector<16xi32> -> vector<16xi32>
          %mul3A_369 = arith.constant 6272 : i32
          %mul3A_370 = arith.muli %add3A_14, %mul3A_369 : i32
          %sub3A_371 = vector.broadcast %mul3A_370 : i32 to vector<16xi32>
          %sub3A_372 = arith.subi %gather3A_368, %sub3A_371 : vector<16xi32>
          %mul3A_373 = arith.constant 16 : i32
          %mul3A_374 = vector.broadcast %mul3A_373 : i32 to vector<16xi32>
          %mul3A_375 = arith.muli %sub3A_372, %mul3A_374 : vector<16xi32>
          %add3A_376 = arith.addi %mul3A_375, %iota3A : vector<16xi32>
          %masked_sort3A = arith.constant -2147483648 : i32
          %masked_sort3A_377 = vector.broadcast %masked_sort3A : i32 to vector<16xi32>
          %masked_sort3A_378 = arith.xori %iota3A, %masked_sort3A_377 : vector<16xi32>
          %masked_sort3A_379, %masked_sort3A_380, %masked_sort3A_381 = tpu.sort %masked_sort3A_378, %get3A_324 masked %ge3A : (vector<16xi32>, vector<16xf32>, vector<16xi1>) -> (vector<16xi1>, vector<16xi32>, vector<16xf32>)
          %masked_sort3A_382 = arith.xori %masked_sort3A_380, %masked_sort3A_377 : vector<16xi32>
          %masked_sort3A_383 = arith.constant -2147483648 : i32
          %masked_sort3A_384 = vector.broadcast %masked_sort3A_383 : i32 to vector<16xi32>
          %masked_sort3A_385 = arith.xori %iota3A, %masked_sort3A_384 : vector<16xi32>
          %masked_sort3A_386, %masked_sort3A_387, %masked_sort3A_388 = tpu.sort %masked_sort3A_385, %add3A_376 masked %ge3A : (vector<16xi32>, vector<16xi32>, vector<16xi1>) -> (vector<16xi1>, vector<16xi32>, vector<16xi32>)
          %masked_sort3A_389 = arith.xori %masked_sort3A_387, %masked_sort3A_384 : vector<16xi32>
          %swap3A = arith.index_cast %scan3A_304 : i32 to index
          %swap3A_390 = tpu.vector_load %arg9[%swap3A] {strides = array<i32>} : memref<1056xf32, #tpu.memory_space<vmem>>, vector<16xf32>,
          tpu.vector_store %arg9[%swap3A], %masked_sort3A_381 {strides = array<i32>} : memref<1056xf32, #tpu.memory_space<vmem>>, vector<16xf32>,
          %swap3A_391 = arith.index_cast %scan3A_304 : i32 to index
          %swap3A_392 = tpu.vector_load %arg10[%swap3A_391] {strides = array<i32>} : memref<1056xi32, #tpu.memory_space<vmem>>, vector<16xi32>,
          tpu.vector_store %arg10[%swap3A_391], %masked_sort3A_388 {strides = array<i32>} : memref<1056xi32, #tpu.memory_space<vmem>>, vector<16xi32>,
          %all_reduce_population_count3A = tpu.all_reduce %ge3A {dim = 0 : i64, kind = #tpu.reduction_kind<sum>} : vector<16xi1> -> vector<16xi32>
          %slice3A = vector.extract_strided_slice %all_reduce_population_count3A {offsets = [0], sizes = [1], strides = [1]} : vector<16xi32> to vector<1xi32>
          %squeeze3A = vector.extract %slice3A[0] : i32 from vector<1xi32>
          %add3A_393 = arith.addi %scan3A_304, %squeeze3A : i32
          %min3A_394 = arith.constant 1024 : i32
          %min3A_395 = arith.minsi %add3A_393, %min3A_394 : i32
          scf.yield %min3A_395 : i32
        }
        %scan3A_302 = arith.constant 128 : i32
        scf.yield %scan3A_301 : i32
      }
      %while3A_211 = arith.constant 1 : i32
      %while3A_212 = scf.for %while3A_254 = %while3A_208 to %while3A_204 step %while3A_211 iter_args(%while3A_255 = %while3A_210) -> (i32)  : i32 {
        %add3A_256 = arith.constant 1 : i32
        %add3A_257 = arith.addi %while3A_254, %add3A_256 : i32
        %min3A_258 = arith.constant 7 : i32
        %min3A_259 = arith.minsi %add3A_257, %min3A_258 : i32
        %mul3A_260 = arith.constant 128 : i32
        %mul3A_261 = arith.muli %min3A_259, %mul3A_260 : i32
        %add3A_262 = arith.constant 1 : i32
        %add3A_263 = arith.addi %while3A_254, %add3A_262 : i32
        %jit3A_264 = arith.constant 2 : i32
        %eq3A = arith.constant 0 : i32
        %eq3A_265 = arith.cmpi eq, %jit3A_264, %eq3A : i32
        %jit3A_266 = arith.constant 1 : i32
        %select_n3A_267 = arith.select %eq3A_265, %jit3A_266, %jit3A_264 : i32
        %rem3A_268 = arith.remsi %add3A_263, %select_n3A_267 : i32
        %ne3A_269 = arith.constant 0 : i32
        %ne3A_270 = arith.cmpi ne, %rem3A_268, %ne3A_269 : i32
        %lt3A_271 = arith.constant 0 : i32
        %lt3A_272 = arith.cmpi slt, %rem3A_268, %lt3A_271 : i32
        %lt3A_273 = arith.constant 0 : i32
        %lt3A_274 = arith.cmpi slt, %select_n3A_267, %lt3A_273 : i32
        %ne3A_275 = arith.xori %lt3A_272, %lt3A_274 : i1
        %and3A_276 = arith.andi %ne3A_275, %ne3A_270 : i1
        %add3A_277 = arith.addi %rem3A_268, %select_n3A_267 : i32
        %select_n3A_278 = arith.select %and3A_276, %add3A_277, %rem3A_268 : i32
        %dma_start3A_279 = arith.constant 0 : i32
        %dma_start3A_280 = arith.constant 0 : i32
        %dma_start3A_281 = tpu.memref_slice %arg8[%select_n3A_278, %dma_start3A_279, %dma_start3A_280] : memref<2x128x16xf32, #tpu.memory_space<vmem>> -> memref<1x128x16xf32, #tpu.memory_space<vmem>>
        %dma_start3A_282 = tpu.memref_squeeze %dma_start3A_281 : memref<1x128x16xf32, #tpu.memory_space<vmem>> -> memref<128x16xf32, #tpu.memory_space<vmem>>
        %dma_start3A_283 = tpu.memref_slice %arg7[%mul3A_261] : memref<1056xi32, #tpu.memory_space<vmem>> -> memref<128xi32, #tpu.memory_space<vmem>>
        %dma_start3A_284 = arith.constant 0 : i32
        %dma_start3A_285 = arith.constant 0 : i32
        %dma_start3A_286 = tpu.memref_slice %arg3[%dma_start3A_284, %dma_start3A_285] : memref<1605632x16xf32, #tpu.memory_space<hbm>> -> memref<1605632x16xf32, #tpu.memory_space<hbm>>
        tpu.enqueue_indirect_dma source(%dma_start3A_286 : memref<1605632x16xf32, #tpu.memory_space<hbm>>) target(%dma_start3A_282 : memref<128x16xf32, #tpu.memory_space<vmem>>) offsets(%dma_start3A_283 : memref<128xi32, #tpu.memory_space<vmem>>) semaphore(%arg13 : memref<!tpu.dma_semaphore, #tpu.memory_space<semaphore_mem>>)
        %dma_wait3A_287 = arith.constant 0 : i32
        %dma_wait3A_288 = arith.constant 0 : i32
        %dma_wait3A_289 = arith.constant 0 : i32
        %dma_wait3A_290 = tpu.memref_slice %arg8[%dma_wait3A_287, %dma_wait3A_288, %dma_wait3A_289] : memref<2x128x16xf32, #tpu.memory_space<vmem>> -> memref<1x128x16xf32, #tpu.memory_space<vmem>>
        %dma_wait3A_291 = tpu.memref_squeeze %dma_wait3A_290 : memref<1x128x16xf32, #tpu.memory_space<vmem>> -> memref<128x16xf32, #tpu.memory_space<vmem>>
        %dma_wait3A_292 = arith.constant 0 : i32
        %dma_wait3A_293 = tpu.memref_slice %arg7[%dma_wait3A_292] : memref<1056xi32, #tpu.memory_space<vmem>> -> memref<128xi32, #tpu.memory_space<vmem>>
        %dma_wait3A_294 = arith.constant 0 : i32
        %dma_wait3A_295 = arith.constant 0 : i32
        %dma_wait3A_296 = tpu.memref_slice %arg3[%dma_wait3A_294, %dma_wait3A_295] : memref<1605632x16xf32, #tpu.memory_space<hbm>> -> memref<1605632x16xf32, #tpu.memory_space<hbm>>
        tpu.wait_indirect_dma semaphore(%arg13 : memref<!tpu.dma_semaphore, #tpu.memory_space<semaphore_mem>>) src(%dma_wait3A_296 : memref<1605632x16xf32, #tpu.memory_space<hbm>>) dst(%dma_wait3A_291 : memref<128x16xf32, #tpu.memory_space<vmem>>)
        %scan3A_297 = arith.constant 0 : i32
        %scan3A_298 = arith.constant 128 : i32
        %scan3A_299 = arith.addi %scan3A_297, %scan3A_298 : i32
        %scan3A_300 = arith.constant 1 : i32
        %scan3A_301 = scf.for %scan3A_303 = %scan3A_297 to %scan3A_299 step %scan3A_300 iter_args(%scan3A_304 = %while3A_255) -> (i32)  : i32 {
          %jit3A_305 = arith.constant 2 : i32
          %eq3A_306 = arith.constant 0 : i32
          %eq3A_307 = arith.cmpi eq, %jit3A_305, %eq3A_306 : i32
          %jit3A_308 = arith.constant 1 : i32
          %select_n3A_309 = arith.select %eq3A_307, %jit3A_308, %jit3A_305 : i32
          %rem3A_310 = arith.remsi %while3A_254, %select_n3A_309 : i32
          %ne3A_311 = arith.constant 0 : i32
          %ne3A_312 = arith.cmpi ne, %rem3A_310, %ne3A_311 : i32
          %lt3A_313 = arith.constant 0 : i32
          %lt3A_314 = arith.cmpi slt, %rem3A_310, %lt3A_313 : i32
          %lt3A_315 = arith.constant 0 : i32
          %lt3A_316 = arith.cmpi slt, %select_n3A_309, %lt3A_315 : i32
          %ne3A_317 = arith.xori %lt3A_314, %lt3A_316 : i1
          %and3A_318 = arith.andi %ne3A_317, %ne3A_312 : i1
          %add3A_319 = arith.addi %rem3A_310, %select_n3A_309 : i32
          %select_n3A_320 = arith.select %and3A_318, %add3A_319, %rem3A_310 : i32
          %get3A_321 = arith.index_cast %select_n3A_320 : i32 to index
          %get3A_322 = arith.index_cast %scan3A_303 : i32 to index
          %get3A_323 = arith.constant 0 : index
          %get3A_324 = tpu.vector_load %arg8[%get3A_321, %get3A_322, %get3A_323] {strides = array<i32>} : memref<2x128x16xf32, #tpu.memory_space<vmem>>, vector<16xf32>,
          %ge3A = arith.cmpf oge, %get3A_324, %min3A_146 : vector<16xf32>
          %mul3A_325 = arith.constant 128 : i32
          %mul3A_326 = arith.muli %while3A_254, %mul3A_325 : i32
          %add3A_327 = arith.addi %mul3A_326, %scan3A_303 : i32
          %jit3A_328 = arith.constant 16 : i32
          %div3A_329 = arith.divsi %add3A_327, %jit3A_328 : i32
          %sign3A_330 = arith.constant 0 : i32
          %sign3A_331 = arith.cmpi sgt, %add3A_327, %sign3A_330 : i32
          %sign3A_332 = arith.extui %sign3A_331 : i1 to i32
          %sign3A_333 = arith.constant 0 : i32
          %sign3A_334 = arith.cmpi slt, %add3A_327, %sign3A_333 : i32
          %sign3A_335 = arith.extui %sign3A_334 : i1 to i32
          %sign3A_336 = arith.subi %sign3A_332, %sign3A_335 : i32
          %sign3A_337 = arith.constant 0 : i32
          %sign3A_338 = arith.cmpi sgt, %jit3A_328, %sign3A_337 : i32
          %sign3A_339 = arith.extui %sign3A_338 : i1 to i32
          %sign3A_340 = arith.constant 0 : i32
          %sign3A_341 = arith.cmpi slt, %jit3A_328, %sign3A_340 : i32
          %sign3A_342 = arith.extui %sign3A_341 : i1 to i32
          %sign3A_343 = arith.subi %sign3A_339, %sign3A_342 : i32
          %ne3A_344 = arith.cmpi ne, %sign3A_336, %sign3A_343 : i32
          %rem3A_345 = arith.remsi %add3A_327, %jit3A_328 : i32
          %ne3A_346 = arith.constant 0 : i32
          %ne3A_347 = arith.cmpi ne, %rem3A_345, %ne3A_346 : i32
          %and3A_348 = arith.andi %ne3A_344, %ne3A_347 : i1
          %sub3A_349 = arith.constant 1 : i32
          %sub3A_350 = arith.subi %div3A_329, %sub3A_349 : i32
          %select_n3A_351 = arith.select %and3A_348, %sub3A_350, %div3A_329 : i32
          %mul3A_352 = arith.constant 16 : i32
          %mul3A_353 = arith.muli %select_n3A_351, %mul3A_352 : i32
          %get3A_354 = arith.index_cast %mul3A_353 : i32 to index
          %get3A_355 = tpu.vector_load %arg7[%get3A_354] {strides = array<i32>} : memref<1056xi32, #tpu.memory_space<vmem>>, vector<16xi32>,
          %sub3A_356 = arith.subi %add3A_327, %mul3A_353 : i32
          %mul3A_357 = vector.broadcast %sub3A_356 : i32 to vector<16xi32>
          %mul3A_358 = arith.muli %broadcast_in_dim3A_2, %mul3A_357 : vector<16xi32>
          %lt3A_359 = arith.constant 0 : i32
          %lt3A_360 = vector.broadcast %lt3A_359 : i32 to vector<16xi32>
          %lt3A_361 = arith.cmpi slt, %mul3A_358, %lt3A_360 : vector<16xi32>
          %add3A_362 = arith.constant 16 : i32
          %add3A_363 = vector.broadcast %add3A_362 : i32 to vector<16xi32>
          %add3A_364 = arith.addi %mul3A_358, %add3A_363 : vector<16xi32>
          %select_n3A_365 = arith.select %lt3A_361, %add3A_364, %mul3A_358 : vector<16xi1>, vector<16xi32>
          %broadcast_in_dim3A_366 = vector.shape_cast %select_n3A_365 : vector<16xi32> to vector<16x1xi32>
          %gather3A_367 = vector.shape_cast %broadcast_in_dim3A_366 : vector<16x1xi32> to vector<16xi32>
          %gather3A_368 = tpu.dynamic_gather %get3A_355[%gather3A_367] in [0] : vector<16xi32>, vector<16xi32> -> vector<16xi32>
          %mul3A_369 = arith.constant 6272 : i32
          %mul3A_370 = arith.muli %add3A_14, %mul3A_369 : i32
          %sub3A_371 = vector.broadcast %mul3A_370 : i32 to vector<16xi32>
          %sub3A_372 = arith.subi %gather3A_368, %sub3A_371 : vector<16xi32>
          %mul3A_373 = arith.constant 16 : i32
          %mul3A_374 = vector.broadcast %mul3A_373 : i32 to vector<16xi32>
          %mul3A_375 = arith.muli %sub3A_372, %mul3A_374 : vector<16xi32>
          %add3A_376 = arith.addi %mul3A_375, %iota3A : vector<16xi32>
          %masked_sort3A = arith.constant -2147483648 : i32
          %masked_sort3A_377 = vector.broadcast %masked_sort3A : i32 to vector<16xi32>
          %masked_sort3A_378 = arith.xori %iota3A, %masked_sort3A_377 : vector<16xi32>
          %masked_sort3A_379, %masked_sort3A_380, %masked_sort3A_381 = tpu.sort %masked_sort3A_378, %get3A_324 masked %ge3A : (vector<16xi32>, vector<16xf32>, vector<16xi1>) -> (vector<16xi1>, vector<16xi32>, vector<16xf32>)
          %masked_sort3A_382 = arith.xori %masked_sort3A_380, %masked_sort3A_377 : vector<16xi32>
          %masked_sort3A_383 = arith.constant -2147483648 : i32
          %masked_sort3A_384 = vector.broadcast %masked_sort3A_383 : i32 to vector<16xi32>
          %masked_sort3A_385 = arith.xori %iota3A, %masked_sort3A_384 : vector<16xi32>
          %masked_sort3A_386, %masked_sort3A_387, %masked_sort3A_388 = tpu.sort %masked_sort3A_385, %add3A_376 masked %ge3A : (vector<16xi32>, vector<16xi32>, vector<16xi1>) -> (vector<16xi1>, vector<16xi32>, vector<16xi32>)
          %masked_sort3A_389 = arith.xori %masked_sort3A_387, %masked_sort3A_384 : vector<16xi32>
          %swap3A = arith.index_cast %scan3A_304 : i32 to index
          %swap3A_390 = tpu.vector_load %arg9[%swap3A] {strides = array<i32>} : memref<1056xf32, #tpu.memory_space<vmem>>, vector<16xf32>,
          tpu.vector_store %arg9[%swap3A], %masked_sort3A_381 {strides = array<i32>} : memref<1056xf32, #tpu.memory_space<vmem>>, vector<16xf32>,
          %swap3A_391 = arith.index_cast %scan3A_304 : i32 to index
          %swap3A_392 = tpu.vector_load %arg10[%swap3A_391] {strides = array<i32>} : memref<1056xi32, #tpu.memory_space<vmem>>, vector<16xi32>,
          tpu.vector_store %arg10[%swap3A_391], %masked_sort3A_388 {strides = array<i32>} : memref<1056xi32, #tpu.memory_space<vmem>>, vector<16xi32>,
          %all_reduce_population_count3A = tpu.all_reduce %ge3A {dim = 0 : i64, kind = #tpu.reduction_kind<sum>} : vector<16xi1> -> vector<16xi32>
          %slice3A = vector.extract_strided_slice %all_reduce_population_count3A {offsets = [0], sizes = [1], strides = [1]} : vector<16xi32> to vector<1xi32>
          %squeeze3A = vector.extract %slice3A[0] : i32 from vector<1xi32>
          %add3A_393 = arith.addi %scan3A_304, %squeeze3A : i32
          %min3A_394 = arith.constant 1024 : i32
          %min3A_395 = arith.minsi %add3A_393, %min3A_394 : i32
          scf.yield %min3A_395 : i32
        }
        %scan3A_302 = arith.constant 128 : i32
        scf.yield %scan3A_301 : i32
      }
      %dma_wait3A = arith.constant 0 : i32
      %dma_wait3A_213 = arith.constant 0 : i32
      %dma_wait3A_214 = arith.constant 0 : i32
      %dma_wait3A_215 = tpu.memref_slice %arg8[%dma_wait3A, %dma_wait3A_213, %dma_wait3A_214] : memref<2x128x16xf32, #tpu.memory_space<vmem>> -> memref<1x128x16xf32, #tpu.memory_space<vmem>>
      %dma_wait3A_216 = tpu.memref_squeeze %dma_wait3A_215 : memref<1x128x16xf32, #tpu.memory_space<vmem>> -> memref<128x16xf32, #tpu.memory_space<vmem>>
      %dma_wait3A_217 = arith.constant 0 : i32
      %dma_wait3A_218 = tpu.memref_slice %arg7[%dma_wait3A_217] : memref<1056xi32, #tpu.memory_space<vmem>> -> memref<128xi32, #tpu.memory_space<vmem>>
      %dma_wait3A_219 = arith.constant 0 : i32
      %dma_wait3A_220 = arith.constant 0 : i32
      %dma_wait3A_221 = tpu.memref_slice %arg3[%dma_wait3A_219, %dma_wait3A_220] : memref<1605632x16xf32, #tpu.memory_space<hbm>> -> memref<1605632x16xf32, #tpu.memory_space<hbm>>
      tpu.wait_indirect_dma semaphore(%arg13 : memref<!tpu.dma_semaphore, #tpu.memory_space<semaphore_mem>>) src(%dma_wait3A_221 : memref<1605632x16xf32, #tpu.memory_space<hbm>>) dst(%dma_wait3A_216 : memref<128x16xf32, #tpu.memory_space<vmem>>)
      %add3A_222 = arith.constant 15 : i32
      %add3A_223 = arith.addi %while3A_212, %add3A_222 : i32
      %jit3A_224 = arith.constant 16 : i32
      %div3A_225 = arith.divsi %add3A_223, %jit3A_224 : i32
      %sign3A_226 = arith.constant 0 : i32
      %sign3A_227 = arith.cmpi sgt, %add3A_223, %sign3A_226 : i32
      %sign3A_228 = arith.extui %sign3A_227 : i1 to i32
      %sign3A_229 = arith.constant 0 : i32
      %sign3A_230 = arith.cmpi slt, %add3A_223, %sign3A_229 : i32
      %sign3A_231 = arith.extui %sign3A_230 : i1 to i32
      %sign3A_232 = arith.subi %sign3A_228, %sign3A_231 : i32
      %sign3A_233 = arith.constant 0 : i32
      %sign3A_234 = arith.cmpi sgt, %jit3A_224, %sign3A_233 : i32
      %sign3A_235 = arith.extui %sign3A_234 : i1 to i32
      %sign3A_236 = arith.constant 0 : i32
      %sign3A_237 = arith.cmpi slt, %jit3A_224, %sign3A_236 : i32
      %sign3A_238 = arith.extui %sign3A_237 : i1 to i32
      %sign3A_239 = arith.subi %sign3A_235, %sign3A_238 : i32
      %ne3A_240 = arith.cmpi ne, %sign3A_232, %sign3A_239 : i32
      %rem3A_241 = arith.remsi %add3A_223, %jit3A_224 : i32
      %ne3A_242 = arith.constant 0 : i32
      %ne3A_243 = arith.cmpi ne, %rem3A_241, %ne3A_242 : i32
      %and3A_244 = arith.andi %ne3A_240, %ne3A_243 : i1
      %sub3A_245 = arith.constant 1 : i32
      %sub3A_246 = arith.subi %div3A_225, %sub3A_245 : i32
      %select_n3A_247 = arith.select %and3A_244, %sub3A_246, %div3A_225 : i32
      %scan3A_248 = arith.constant 0 : i32
      %scan3A_249 = arith.constant 0 : i32
      %scan3A_250 = arith.constant 64 : i32
      %scan3A_251 = arith.addi %scan3A_249, %scan3A_250 : i32
      %scan3A_252 = arith.constant 1 : i32
      scf.for %scan3A_254 = %scan3A_249 to %scan3A_251 step %scan3A_252  : i32 {
        %while3A_255 = arith.constant 0 : i32
        %while3A_256 = arith.subi %select_n3A_247, %while3A_255 : i32
        %while3A_257 = arith.addi %while3A_255, %while3A_256 : i32
        %while3A_258 = arith.constant 1 : i32
        %while3A_259 = arith.divsi %while3A_256, %while3A_258 : i32
        %while3A_260 = arith.muli %while3A_259, %while3A_258 : i32
        %while3A_261 = arith.addi %while3A_255, %while3A_260 : i32
        %while3A_262 = arith.constant 1 : i32
        %while3A_263:2 = scf.for %while3A_524 = %while3A_255 to %while3A_261 step %while3A_262 iter_args(%while3A_525 = %broadcast_in_dim3A_4, %while3A_526 = %broadcast_in_dim3A_0) -> (vector<16xf32>, vector<16xi32>)  : i32 {
          %mul3A_527 = arith.constant 16 : i32
          %mul3A_528 = arith.muli %while3A_524, %mul3A_527 : i32
          %get3A_529 = arith.index_cast %mul3A_528 : i32 to index
          %get3A_530 = tpu.vector_load %arg9[%get3A_529] {strides = array<i32>} : memref<1056xf32, #tpu.memory_space<vmem>>, vector<16xf32>,
          %gt3A = arith.cmpf ogt, %get3A_530, %while3A_525 : vector<16xf32>
          %mul3A_531 = vector.broadcast %while3A_524 : i32 to vector<16xi32>
          %mul3A_532 = arith.muli %broadcast_in_dim3A_2, %mul3A_531 : vector<16xi32>
          %select_n3A_533 = arith.select %gt3A, %mul3A_532, %while3A_526 : vector<16xi1>, vector<16xi32>
          %max3A_534 = arith.maximumf %while3A_525, %get3A_530 : vector<16xf32>
          scf.yield %max3A_534, %select_n3A_533 : vector<16xf32>, vector<16xi32>
        }
        %while3A_264 = arith.constant 1 : i32
        %while3A_265:2 = scf.for %while3A_524 = %while3A_261 to %while3A_257 step %while3A_264 iter_args(%while3A_525 = %while3A_263#0, %while3A_526 = %while3A_263#1) -> (vector<16xf32>, vector<16xi32>)  : i32 {
          %mul3A_527 = arith.constant 16 : i32
          %mul3A_528 = arith.muli %while3A_524, %mul3A_527 : i32
          %get3A_529 = arith.index_cast %mul3A_528 : i32 to index
          %get3A_530 = tpu.vector_load %arg9[%get3A_529] {strides = array<i32>} : memref<1056xf32, #tpu.memory_space<vmem>>, vector<16xf32>,
          %gt3A = arith.cmpf ogt, %get3A_530, %while3A_525 : vector<16xf32>
          %mul3A_531 = vector.broadcast %while3A_524 : i32 to vector<16xi32>
          %mul3A_532 = arith.muli %broadcast_in_dim3A_2, %mul3A_531 : vector<16xi32>
          %select_n3A_533 = arith.select %gt3A, %mul3A_532, %while3A_526 : vector<16xi1>, vector<16xi32>
          %max3A_534 = arith.maximumf %while3A_525, %get3A_530 : vector<16xf32>
          scf.yield %max3A_534, %select_n3A_533 : vector<16xf32>, vector<16xi32>
        }
        %add3A_266 = arith.constant 8 : i32
        %add3A_267 = vector.broadcast %add3A_266 : i32 to vector<16xi32>
        %add3A_268 = arith.addi %iota3A, %add3A_267 : vector<16xi32>
        %and3A_269 = arith.constant 15 : i32
        %and3A_270 = vector.broadcast %and3A_269 : i32 to vector<16xi32>
        %and3A_271 = arith.andi %add3A_268, %and3A_270 : vector<16xi32>
        %lt3A_272 = arith.constant 0 : i32
        %lt3A_273 = vector.broadcast %lt3A_272 : i32 to vector<16xi32>
        %lt3A_274 = arith.cmpi slt, %and3A_271, %lt3A_273 : vector<16xi32>
        %add3A_275 = arith.constant 16 : i32
        %add3A_276 = vector.broadcast %add3A_275 : i32 to vector<16xi32>
        %add3A_277 = arith.addi %and3A_271, %add3A_276 : vector<16xi32>
        %select_n3A_278 = arith.select %lt3A_274, %add3A_277, %and3A_271 : vector<16xi1>, vector<16xi32>
        %broadcast_in_dim3A_279 = vector.shape_cast %select_n3A_278 : vector<16xi32> to vector<16x1xi32>
        %gather3A_280 = vector.shape_cast %broadcast_in_dim3A_279 : vector<16x1xi32> to vector<16xi32>
        %gather3A_281 = tpu.dynamic_gather %while3A_265#0[%gather3A_280] in [0] : vector<16xf32>, vector<16xi32> -> vector<16xf32>
        %max3A_282 = arith.maximumf %while3A_265#0, %gather3A_281 : vector<16xf32>
        %add3A_283 = arith.constant 4 : i32
        %add3A_284 = vector.broadcast %add3A_283 : i32 to vector<16xi32>
        %add3A_285 = arith.addi %iota3A, %add3A_284 : vector<16xi32>
        %and3A_286 = arith.constant 15 : i32
        %and3A_287 = vector.broadcast %and3A_286 : i32 to vector<16xi32>
        %and3A_288 = arith.andi %add3A_285, %and3A_287 : vector<16xi32>
        %lt3A_289 = arith.constant 0 : i32
        %lt3A_290 = vector.broadcast %lt3A_289 : i32 to vector<16xi32>
        %lt3A_291 = arith.cmpi slt, %and3A_288, %lt3A_290 : vector<16xi32>
        %add3A_292 = arith.constant 16 : i32
        %add3A_293 = vector.broadcast %add3A_292 : i32 to vector<16xi32>
        %add3A_294 = arith.addi %and3A_288, %add3A_293 : vector<16xi32>
        %select_n3A_295 = arith.select %lt3A_291, %add3A_294, %and3A_288 : vector<16xi1>, vector<16xi32>
        %broadcast_in_dim3A_296 = vector.shape_cast %select_n3A_295 : vector<16xi32> to vector<16x1xi32>
        %gather3A_297 = vector.shape_cast %broadcast_in_dim3A_296 : vector<16x1xi32> to vector<16xi32>
        %gather3A_298 = tpu.dynamic_gather %max3A_282[%gather3A_297] in [0] : vector<16xf32>, vector<16xi32> -> vector<16xf32>
        %max3A_299 = arith.maximumf %max3A_282, %gather3A_298 : vector<16xf32>
        %add3A_300 = arith.constant 2 : i32
        %add3A_301 = vector.broadcast %add3A_300 : i32 to vector<16xi32>
        %add3A_302 = arith.addi %iota3A, %add3A_301 : vector<16xi32>
        %and3A_303 = arith.constant 15 : i32
        %and3A_304 = vector.broadcast %and3A_303 : i32 to vector<16xi32>
        %and3A_305 = arith.andi %add3A_302, %and3A_304 : vector<16xi32>
        %lt3A_306 = arith.constant 0 : i32
        %lt3A_307 = vector.broadcast %lt3A_306 : i32 to vector<16xi32>
        %lt3A_308 = arith.cmpi slt, %and3A_305, %lt3A_307 : vector<16xi32>
        %add3A_309 = arith.constant 16 : i32
        %add3A_310 = vector.broadcast %add3A_309 : i32 to vector<16xi32>
        %add3A_311 = arith.addi %and3A_305, %add3A_310 : vector<16xi32>
        %select_n3A_312 = arith.select %lt3A_308, %add3A_311, %and3A_305 : vector<16xi1>, vector<16xi32>
        %broadcast_in_dim3A_313 = vector.shape_cast %select_n3A_312 : vector<16xi32> to vector<16x1xi32>
        %gather3A_314 = vector.shape_cast %broadcast_in_dim3A_313 : vector<16x1xi32> to vector<16xi32>
        %gather3A_315 = tpu.dynamic_gather %max3A_299[%gather3A_314] in [0] : vector<16xf32>, vector<16xi32> -> vector<16xf32>
        %max3A_316 = arith.maximumf %max3A_299, %gather3A_315 : vector<16xf32>
        %add3A_317 = arith.constant 1 : i32
        %add3A_318 = vector.broadcast %add3A_317 : i32 to vector<16xi32>
        %add3A_319 = arith.addi %iota3A, %add3A_318 : vector<16xi32>
        %and3A_320 = arith.constant 15 : i32
        %and3A_321 = vector.broadcast %and3A_320 : i32 to vector<16xi32>
        %and3A_322 = arith.andi %add3A_319, %and3A_321 : vector<16xi32>
        %lt3A_323 = arith.constant 0 : i32
        %lt3A_324 = vector.broadcast %lt3A_323 : i32 to vector<16xi32>
        %lt3A_325 = arith.cmpi slt, %and3A_322, %lt3A_324 : vector<16xi32>
        %add3A_326 = arith.constant 16 : i32
        %add3A_327 = vector.broadcast %add3A_326 : i32 to vector<16xi32>
        %add3A_328 = arith.addi %and3A_322, %add3A_327 : vector<16xi32>
        %select_n3A_329 = arith.select %lt3A_325, %add3A_328, %and3A_322 : vector<16xi1>, vector<16xi32>
        %broadcast_in_dim3A_330 = vector.shape_cast %select_n3A_329 : vector<16xi32> to vector<16x1xi32>
        %gather3A_331 = vector.shape_cast %broadcast_in_dim3A_330 : vector<16x1xi32> to vector<16xi32>
        %gather3A_332 = tpu.dynamic_gather %max3A_316[%gather3A_331] in [0] : vector<16xf32>, vector<16xi32> -> vector<16xf32>
        %max3A_333 = arith.maximumf %max3A_316, %gather3A_332 : vector<16xf32>
        %eq3A = arith.cmpf oeq, %while3A_265#0, %max3A_333 : vector<16xf32>
        %mul3A_334 = arith.constant 16 : i32
        %mul3A_335 = vector.broadcast %mul3A_334 : i32 to vector<16xi32>
        %mul3A_336 = arith.muli %while3A_265#1, %mul3A_335 : vector<16xi32>
        %add3A_337 = arith.addi %mul3A_336, %iota3A : vector<16xi32>
        %broadcast_in_dim3A_338 = arith.constant 1073741824 : i32
        %broadcast_in_dim3A_339 = vector.broadcast %broadcast_in_dim3A_338 : i32 to vector<16xi32>
        %select_n3A_340 = arith.select %eq3A, %add3A_337, %broadcast_in_dim3A_339 : vector<16xi1>, vector<16xi32>
        %add3A_341 = arith.constant 8 : i32
        %add3A_342 = vector.broadcast %add3A_341 : i32 to vector<16xi32>
        %add3A_343 = arith.addi %iota3A, %add3A_342 : vector<16xi32>
        %and3A_344 = arith.constant 15 : i32
        %and3A_345 = vector.broadcast %and3A_344 : i32 to vector<16xi32>
        %and3A_346 = arith.andi %add3A_343, %and3A_345 : vector<16xi32>
        %lt3A_347 = arith.constant 0 : i32
        %lt3A_348 = vector.broadcast %lt3A_347 : i32 to vector<16xi32>
        %lt3A_349 = arith.cmpi slt, %and3A_346, %lt3A_348 : vector<16xi32>
        %add3A_350 = arith.constant 16 : i32
        %add3A_351 = vector.broadcast %add3A_350 : i32 to vector<16xi32>
        %add3A_352 = arith.addi %and3A_346, %add3A_351 : vector<16xi32>
        %select_n3A_353 = arith.select %lt3A_349, %add3A_352, %and3A_346 : vector<16xi1>, vector<16xi32>
        %broadcast_in_dim3A_354 = vector.shape_cast %select_n3A_353 : vector<16xi32> to vector<16x1xi32>
        %gather3A_355 = vector.shape_cast %broadcast_in_dim3A_354 : vector<16x1xi32> to vector<16xi32>
        %gather3A_356 = tpu.dynamic_gather %select_n3A_340[%gather3A_355] in [0] : vector<16xi32>, vector<16xi32> -> vector<16xi32>
        %min3A_357 = arith.minsi %select_n3A_340, %gather3A_356 : vector<16xi32>
        %add3A_358 = arith.constant 4 : i32
        %add3A_359 = vector.broadcast %add3A_358 : i32 to vector<16xi32>
        %add3A_360 = arith.addi %iota3A, %add3A_359 : vector<16xi32>
        %and3A_361 = arith.constant 15 : i32
        %and3A_362 = vector.broadcast %and3A_361 : i32 to vector<16xi32>
        %and3A_363 = arith.andi %add3A_360, %and3A_362 : vector<16xi32>
        %lt3A_364 = arith.constant 0 : i32
        %lt3A_365 = vector.broadcast %lt3A_364 : i32 to vector<16xi32>
        %lt3A_366 = arith.cmpi slt, %and3A_363, %lt3A_365 : vector<16xi32>
        %add3A_367 = arith.constant 16 : i32
        %add3A_368 = vector.broadcast %add3A_367 : i32 to vector<16xi32>
        %add3A_369 = arith.addi %and3A_363, %add3A_368 : vector<16xi32>
        %select_n3A_370 = arith.select %lt3A_366, %add3A_369, %and3A_363 : vector<16xi1>, vector<16xi32>
        %broadcast_in_dim3A_371 = vector.shape_cast %select_n3A_370 : vector<16xi32> to vector<16x1xi32>
        %gather3A_372 = vector.shape_cast %broadcast_in_dim3A_371 : vector<16x1xi32> to vector<16xi32>
        %gather3A_373 = tpu.dynamic_gather %min3A_357[%gather3A_372] in [0] : vector<16xi32>, vector<16xi32> -> vector<16xi32>
        %min3A_374 = arith.minsi %min3A_357, %gather3A_373 : vector<16xi32>
        %add3A_375 = arith.constant 2 : i32
        %add3A_376 = vector.broadcast %add3A_375 : i32 to vector<16xi32>
        %add3A_377 = arith.addi %iota3A, %add3A_376 : vector<16xi32>
        %and3A_378 = arith.constant 15 : i32
        %and3A_379 = vector.broadcast %and3A_378 : i32 to vector<16xi32>
        %and3A_380 = arith.andi %add3A_377, %and3A_379 : vector<16xi32>
        %lt3A_381 = arith.constant 0 : i32
        %lt3A_382 = vector.broadcast %lt3A_381 : i32 to vector<16xi32>
        %lt3A_383 = arith.cmpi slt, %and3A_380, %lt3A_382 : vector<16xi32>
        %add3A_384 = arith.constant 16 : i32
        %add3A_385 = vector.broadcast %add3A_384 : i32 to vector<16xi32>
        %add3A_386 = arith.addi %and3A_380, %add3A_385 : vector<16xi32>
        %select_n3A_387 = arith.select %lt3A_383, %add3A_386, %and3A_380 : vector<16xi1>, vector<16xi32>
        %broadcast_in_dim3A_388 = vector.shape_cast %select_n3A_387 : vector<16xi32> to vector<16x1xi32>
        %gather3A_389 = vector.shape_cast %broadcast_in_dim3A_388 : vector<16x1xi32> to vector<16xi32>
        %gather3A_390 = tpu.dynamic_gather %min3A_374[%gather3A_389] in [0] : vector<16xi32>, vector<16xi32> -> vector<16xi32>
        %min3A_391 = arith.minsi %min3A_374, %gather3A_390 : vector<16xi32>
        %add3A_392 = arith.constant 1 : i32
        %add3A_393 = vector.broadcast %add3A_392 : i32 to vector<16xi32>
        %add3A_394 = arith.addi %iota3A, %add3A_393 : vector<16xi32>
        %and3A_395 = arith.constant 15 : i32
        %and3A_396 = vector.broadcast %and3A_395 : i32 to vector<16xi32>
        %and3A_397 = arith.andi %add3A_394, %and3A_396 : vector<16xi32>
        %lt3A_398 = arith.constant 0 : i32
        %lt3A_399 = vector.broadcast %lt3A_398 : i32 to vector<16xi32>
        %lt3A_400 = arith.cmpi slt, %and3A_397, %lt3A_399 : vector<16xi32>
        %add3A_401 = arith.constant 16 : i32
        %add3A_402 = vector.broadcast %add3A_401 : i32 to vector<16xi32>
        %add3A_403 = arith.addi %and3A_397, %add3A_402 : vector<16xi32>
        %select_n3A_404 = arith.select %lt3A_400, %add3A_403, %and3A_397 : vector<16xi1>, vector<16xi32>
        %broadcast_in_dim3A_405 = vector.shape_cast %select_n3A_404 : vector<16xi32> to vector<16x1xi32>
        %gather3A_406 = vector.shape_cast %broadcast_in_dim3A_405 : vector<16x1xi32> to vector<16xi32>
        %gather3A_407 = tpu.dynamic_gather %min3A_391[%gather3A_406] in [0] : vector<16xi32>, vector<16xi32> -> vector<16xi32>
        %min3A_408 = arith.minsi %min3A_391, %gather3A_407 : vector<16xi32>
        %jit3A_409 = arith.constant 16 : i32
        %eq3A_410 = arith.constant 0 : i32
        %eq3A_411 = arith.cmpi eq, %jit3A_409, %eq3A_410 : i32
        %jit3A_412 = arith.constant 1 : i32
        %select_n3A_413 = arith.select %eq3A_411, %jit3A_412, %jit3A_409 : i32
        %rem3A_414 = vector.broadcast %select_n3A_413 : i32 to vector<16xi32>
        %rem3A_415 = arith.remsi %min3A_408, %rem3A_414 : vector<16xi32>
        %ne3A_416 = arith.constant 0 : i32
        %ne3A_417 = vector.broadcast %ne3A_416 : i32 to vector<16xi32>
        %ne3A_418 = arith.cmpi ne, %rem3A_415, %ne3A_417 : vector<16xi32>
        %lt3A_419 = arith.constant 0 : i32
        %lt3A_420 = vector.broadcast %lt3A_419 : i32 to vector<16xi32>
        %lt3A_421 = arith.cmpi slt, %rem3A_415, %lt3A_420 : vector<16xi32>
        %lt3A_422 = arith.constant 0 : i32
        %lt3A_423 = arith.cmpi slt, %select_n3A_413, %lt3A_422 : i32
        %ne3A_424 = vector.broadcast %lt3A_423 : i1 to vector<16xi1>
        %ne3A_425 = vector.broadcast %ne3A_424 : vector<16xi1> to vector<16xi1>
        %ne3A_426 = arith.xori %lt3A_421, %ne3A_425 : vector<16xi1>
        %and3A_427 = arith.andi %ne3A_426, %ne3A_418 : vector<16xi1>
        %add3A_428 = vector.broadcast %select_n3A_413 : i32 to vector<16xi32>
        %add3A_429 = arith.addi %rem3A_415, %add3A_428 : vector<16xi32>
        %select_n3A_430 = arith.select %and3A_427, %add3A_429, %rem3A_415 : vector<16xi1>, vector<16xi32>
        %jit3A_431 = arith.constant 16 : i32
        %div3A_432 = vector.broadcast %jit3A_431 : i32 to vector<16xi32>
        %div3A_433 = arith.divsi %min3A_408, %div3A_432 : vector<16xi32>
        %sign3A_434 = arith.constant 0 : i32
        %sign3A_435 = vector.broadcast %sign3A_434 : i32 to vector<16xi32>
        %sign3A_436 = arith.cmpi sgt, %min3A_408, %sign3A_435 : vector<16xi32>
        %sign3A_437 = arith.extui %sign3A_436 : vector<16xi1> to vector<16xi32>
        %sign3A_438 = arith.constant 0 : i32
        %sign3A_439 = vector.broadcast %sign3A_438 : i32 to vector<16xi32>
        %sign3A_440 = arith.cmpi slt, %min3A_408, %sign3A_439 : vector<16xi32>
        %sign3A_441 = arith.extui %sign3A_440 : vector<16xi1> to vector<16xi32>
        %sign3A_442 = arith.subi %sign3A_437, %sign3A_441 : vector<16xi32>
        %sign3A_443 = arith.constant 0 : i32
        %sign3A_444 = arith.cmpi sgt, %jit3A_431, %sign3A_443 : i32
        %sign3A_445 = arith.extui %sign3A_444 : i1 to i32
        %sign3A_446 = arith.constant 0 : i32
        %sign3A_447 = arith.cmpi slt, %jit3A_431, %sign3A_446 : i32
        %sign3A_448 = arith.extui %sign3A_447 : i1 to i32
        %sign3A_449 = arith.subi %sign3A_445, %sign3A_448 : i32
        %ne3A_450 = vector.broadcast %sign3A_449 : i32 to vector<16xi32>
        %ne3A_451 = arith.cmpi ne, %sign3A_442, %ne3A_450 : vector<16xi32>
        %rem3A_452 = vector.broadcast %jit3A_431 : i32 to vector<16xi32>
        %rem3A_453 = arith.remsi %min3A_408, %rem3A_452 : vector<16xi32>
        %ne3A_454 = arith.constant 0 : i32
        %ne3A_455 = vector.broadcast %ne3A_454 : i32 to vector<16xi32>
        %ne3A_456 = arith.cmpi ne, %rem3A_453, %ne3A_455 : vector<16xi32>
        %and3A_457 = arith.andi %ne3A_451, %ne3A_456 : vector<16xi1>
        %sub3A_458 = arith.constant 1 : i32
        %sub3A_459 = vector.broadcast %sub3A_458 : i32 to vector<16xi32>
        %sub3A_460 = arith.subi %div3A_433, %sub3A_459 : vector<16xi32>
        %select_n3A_461 = arith.select %and3A_457, %sub3A_460, %div3A_433 : vector<16xi1>, vector<16xi32>
        %slice3A = vector.extract_strided_slice %select_n3A_461 {offsets = [0], sizes = [1], strides = [1]} : vector<16xi32> to vector<1xi32>
        %squeeze3A = vector.extract %slice3A[0] : i32 from vector<1xi32>
        %mul3A_462 = arith.constant 16 : i32
        %mul3A_463 = arith.muli %squeeze3A, %mul3A_462 : i32
        %get3A_464 = arith.index_cast %mul3A_463 : i32 to index
        %get3A_465 = tpu.vector_load %arg10[%get3A_464] {strides = array<i32>} : memref<1056xi32, #tpu.memory_space<vmem>>, vector<16xi32>,
        %lt3A_466 = arith.constant 0 : i32
        %lt3A_467 = vector.broadcast %lt3A_466 : i32 to vector<16xi32>
        %lt3A_468 = arith.cmpi slt, %select_n3A_430, %lt3A_467 : vector<16xi32>
        %add3A_469 = arith.constant 16 : i32
        %add3A_470 = vector.broadcast %add3A_469 : i32 to vector<16xi32>
        %add3A_471 = arith.addi %select_n3A_430, %add3A_470 : vector<16xi32>
        %select_n3A_472 = arith.select %lt3A_468, %add3A_471, %select_n3A_430 : vector<16xi1>, vector<16xi32>
        %broadcast_in_dim3A_473 = vector.shape_cast %select_n3A_472 : vector<16xi32> to vector<16x1xi32>
        %gather3A_474 = vector.shape_cast %broadcast_in_dim3A_473 : vector<16x1xi32> to vector<16xi32>
        %gather3A_475 = tpu.dynamic_gather %get3A_465[%gather3A_474] in [0] : vector<16xi32>, vector<16xi32> -> vector<16xi32>
        %jit3A_476 = arith.constant 16 : i32
        %div3A_477 = arith.divsi %scan3A_254, %jit3A_476 : i32
        %sign3A_478 = arith.constant 0 : i32
        %sign3A_479 = arith.cmpi sgt, %scan3A_254, %sign3A_478 : i32
        %sign3A_480 = arith.extui %sign3A_479 : i1 to i32
        %sign3A_481 = arith.constant 0 : i32
        %sign3A_482 = arith.cmpi slt, %scan3A_254, %sign3A_481 : i32
        %sign3A_483 = arith.extui %sign3A_482 : i1 to i32
        %sign3A_484 = arith.subi %sign3A_480, %sign3A_483 : i32
        %sign3A_485 = arith.constant 0 : i32
        %sign3A_486 = arith.cmpi sgt, %jit3A_476, %sign3A_485 : i32
        %sign3A_487 = arith.extui %sign3A_486 : i1 to i32
        %sign3A_488 = arith.constant 0 : i32
        %sign3A_489 = arith.cmpi slt, %jit3A_476, %sign3A_488 : i32
        %sign3A_490 = arith.extui %sign3A_489 : i1 to i32
        %sign3A_491 = arith.subi %sign3A_487, %sign3A_490 : i32
        %ne3A_492 = arith.cmpi ne, %sign3A_484, %sign3A_491 : i32
        %rem3A_493 = arith.remsi %scan3A_254, %jit3A_476 : i32
        %ne3A_494 = arith.constant 0 : i32
        %ne3A_495 = arith.cmpi ne, %rem3A_493, %ne3A_494 : i32
        %and3A_496 = arith.andi %ne3A_492, %ne3A_495 : i1
        %sub3A_497 = arith.constant 1 : i32
        %sub3A_498 = arith.subi %div3A_477, %sub3A_497 : i32
        %select_n3A_499 = arith.select %and3A_496, %sub3A_498, %div3A_477 : i32
        %mul3A_500 = arith.constant 16 : i32
        %mul3A_501 = arith.muli %select_n3A_499, %mul3A_500 : i32
        %sub3A_502 = arith.subi %scan3A_254, %mul3A_501 : i32
        %eq3A_503 = vector.broadcast %sub3A_502 : i32 to vector<16xi32>
        %eq3A_504 = arith.cmpi eq, %iota3A, %eq3A_503 : vector<16xi32>
        %get3A_505 = arith.index_cast %mul3A_501 : i32 to index
        %get3A_506 = tpu.vector_load %arg11[%get3A_505] {strides = array<i32>} : memref<64xf32, #tpu.memory_space<vmem>>, vector<16xf32>,
        %select_n3A_507 = arith.select %eq3A_504, %max3A_333, %get3A_506 : vector<16xi1>, vector<16xf32>
        %swap3A = arith.index_cast %mul3A_501 : i32 to index
        %swap3A_508 = tpu.vector_load %arg11[%swap3A] {strides = array<i32>} : memref<64xf32, #tpu.memory_space<vmem>>, vector<16xf32>,
        tpu.vector_store %arg11[%swap3A], %select_n3A_507 {strides = array<i32>} : memref<64xf32, #tpu.memory_space<vmem>>, vector<16xf32>,
        %get3A_509 = arith.index_cast %mul3A_501 : i32 to index
        %get3A_510 = tpu.vector_load %arg12[%get3A_509] {strides = array<i32>} : memref<64xi32, #tpu.memory_space<vmem>>, vector<16xi32>,
        %select_n3A_511 = arith.select %eq3A_504, %gather3A_475, %get3A_510 : vector<16xi1>, vector<16xi32>
        %swap3A_512 = arith.index_cast %mul3A_501 : i32 to index
        %swap3A_513 = tpu.vector_load %arg12[%swap3A_512] {strides = array<i32>} : memref<64xi32, #tpu.memory_space<vmem>>, vector<16xi32>,
        tpu.vector_store %arg12[%swap3A_512], %select_n3A_511 {strides = array<i32>} : memref<64xi32, #tpu.memory_space<vmem>>, vector<16xi32>,
        %slice3A_514 = vector.extract_strided_slice %select_n3A_461 {offsets = [0], sizes = [1], strides = [1]} : vector<16xi32> to vector<1xi32>
        %squeeze3A_515 = vector.extract %slice3A_514[0] : i32 from vector<1xi32>
        %mul3A_516 = arith.constant 16 : i32
        %mul3A_517 = arith.muli %squeeze3A_515, %mul3A_516 : i32
        %eq3A_518 = arith.cmpi eq, %iota3A, %select_n3A_430 : vector<16xi32>
        %get3A_519 = arith.index_cast %mul3A_517 : i32 to index
        %get3A_520 = tpu.vector_load %arg9[%get3A_519] {strides = array<i32>} : memref<1056xf32, #tpu.memory_space<vmem>>, vector<16xf32>,
        %select_n3A_521 = arith.select %eq3A_518, %broadcast_in_dim3A_4, %get3A_520 : vector<16xi1>, vector<16xf32>
        %swap3A_522 = arith.index_cast %mul3A_517 : i32 to index
        %swap3A_523 = tpu.vector_load %arg9[%swap3A_522] {strides = array<i32>} : memref<1056xf32, #tpu.memory_space<vmem>>, vector<16xf32>,
        tpu.vector_store %arg9[%swap3A_522], %select_n3A_521 {strides = array<i32>} : memref<1056xf32, #tpu.memory_space<vmem>>, vector<16xf32>,
      }
      %scan3A_253 = arith.constant 64 : i32
      "tpu.region"() ({
        %run_scoped3A = tpu.sem_alloc : memref<!tpu.dma_semaphore, #tpu.memory_space<semaphore_mem>>
        %dma_start3A_254 = arith.constant 0 : i32
        %dma_start3A_255 = tpu.memref_slice %arg4[%add3A_14, %dma_start3A_254] : memref<256x64xf32, #tpu.memory_space<hbm>> -> memref<1x64xf32, #tpu.memory_space<hbm>>
        %dma_start3A_256 = tpu.memref_squeeze %dma_start3A_255 : memref<1x64xf32, #tpu.memory_space<hbm>> -> memref<64xf32, #tpu.memory_space<hbm>>
        %dma_start3A_257 = arith.constant 0 : i32
        %dma_start3A_258 = tpu.memref_slice %arg4[%add3A_14, %dma_start3A_257] : memref<256x64xf32, #tpu.memory_space<hbm>> -> memref<1x64xf32, #tpu.memory_space<hbm>>
        %dma_start3A_259 = tpu.memref_squeeze %dma_start3A_258 : memref<1x64xf32, #tpu.memory_space<hbm>> -> memref<64xf32, #tpu.memory_space<hbm>>
        tpu.enqueue_dma source(%arg11 : memref<64xf32, #tpu.memory_space<vmem>>) target(%dma_start3A_259 : memref<64xf32, #tpu.memory_space<hbm>>) target_semaphore(%run_scoped3A : memref<!tpu.dma_semaphore, #tpu.memory_space<semaphore_mem>>)
        %dma_wait3A_260 = arith.constant 0 : i32
        %dma_wait3A_261 = tpu.memref_slice %arg4[%add3A_14, %dma_wait3A_260] : memref<256x64xf32, #tpu.memory_space<hbm>> -> memref<1x64xf32, #tpu.memory_space<hbm>>
        %dma_wait3A_262 = tpu.memref_squeeze %dma_wait3A_261 : memref<1x64xf32, #tpu.memory_space<hbm>> -> memref<64xf32, #tpu.memory_space<hbm>>
        %dma_wait3A_263 = arith.constant 0 : i32
        %dma_wait3A_264 = tpu.memref_slice %arg4[%add3A_14, %dma_wait3A_263] : memref<256x64xf32, #tpu.memory_space<hbm>> -> memref<1x64xf32, #tpu.memory_space<hbm>>
        %dma_wait3A_265 = tpu.memref_squeeze %dma_wait3A_264 : memref<1x64xf32, #tpu.memory_space<hbm>> -> memref<64xf32, #tpu.memory_space<hbm>>
        tpu.wait_dma2 semaphore(%run_scoped3A : memref<!tpu.dma_semaphore, #tpu.memory_space<semaphore_mem>>) src(%arg11 : memref<64xf32, #tpu.memory_space<vmem>>) dst(%dma_wait3A_265 : memref<64xf32, #tpu.memory_space<hbm>>)
        tpu.yield
      }) : () -> ()
      "tpu.region"() ({
        %run_scoped3A = tpu.sem_alloc : memref<!tpu.dma_semaphore, #tpu.memory_space<semaphore_mem>>
        %dma_start3A_254 = arith.constant 0 : i32
        %dma_start3A_255 = tpu.memref_slice %arg5[%add3A_14, %dma_start3A_254] : memref<256x64xi32, #tpu.memory_space<hbm>> -> memref<1x64xi32, #tpu.memory_space<hbm>>
        %dma_start3A_256 = tpu.memref_squeeze %dma_start3A_255 : memref<1x64xi32, #tpu.memory_space<hbm>> -> memref<64xi32, #tpu.memory_space<hbm>>
        %dma_start3A_257 = arith.constant 0 : i32
        %dma_start3A_258 = tpu.memref_slice %arg5[%add3A_14, %dma_start3A_257] : memref<256x64xi32, #tpu.memory_space<hbm>> -> memref<1x64xi32, #tpu.memory_space<hbm>>
        %dma_start3A_259 = tpu.memref_squeeze %dma_start3A_258 : memref<1x64xi32, #tpu.memory_space<hbm>> -> memref<64xi32, #tpu.memory_space<hbm>>
        tpu.enqueue_dma source(%arg12 : memref<64xi32, #tpu.memory_space<vmem>>) target(%dma_start3A_259 : memref<64xi32, #tpu.memory_space<hbm>>) target_semaphore(%run_scoped3A : memref<!tpu.dma_semaphore, #tpu.memory_space<semaphore_mem>>)
        %dma_wait3A_260 = arith.constant 0 : i32
        %dma_wait3A_261 = tpu.memref_slice %arg5[%add3A_14, %dma_wait3A_260] : memref<256x64xi32, #tpu.memory_space<hbm>> -> memref<1x64xi32, #tpu.memory_space<hbm>>
        %dma_wait3A_262 = tpu.memref_squeeze %dma_wait3A_261 : memref<1x64xi32, #tpu.memory_space<hbm>> -> memref<64xi32, #tpu.memory_space<hbm>>
        %dma_wait3A_263 = arith.constant 0 : i32
        %dma_wait3A_264 = tpu.memref_slice %arg5[%add3A_14, %dma_wait3A_263] : memref<256x64xi32, #tpu.memory_space<hbm>> -> memref<1x64xi32, #tpu.memory_space<hbm>>
        %dma_wait3A_265 = tpu.memref_squeeze %dma_wait3A_264 : memref<1x64xi32, #tpu.memory_space<hbm>> -> memref<64xi32, #tpu.memory_space<hbm>>
        tpu.wait_dma2 semaphore(%run_scoped3A : memref<!tpu.dma_semaphore, #tpu.memory_space<semaphore_mem>>) src(%arg12 : memref<64xi32, #tpu.memory_space<vmem>>) dst(%dma_wait3A_265 : memref<64xi32, #tpu.memory_space<hbm>>)
        tpu.yield
      }) : () -> ()
    }
    %scan3A_10 = arith.constant 8 : i32
    return
  }
}

#map = affine_map<(d0, d1) -> (0, 0)>
module attributes {stable_mosaic.version = 14 : i64} {
  func.func @_sc_select(%arg0: i32, %arg1: i32, %arg2: memref<256x6272xf32, #tpu.memory_space<hbm>>, %arg3: memref<1605632x16xf32, #tpu.memory_space<hbm>>, %arg4: memref<256x64xf32, #tpu.memory_space<hbm>>, %arg5: memref<256x64xi32, #tpu.memory_space<hbm>>, %arg6: memref<6272xf32, #tpu.memory_space<vmem>>, %arg7: memref<1056xi32, #tpu.memory_space<vmem>>, %arg8: memref<2x128x16xf32, #tpu.memory_space<vmem>>, %arg9: memref<1056xf32, #tpu.memory_space<vmem>>, %arg10: memref<1056xi32, #tpu.memory_space<vmem>>, %arg11: memref<64xf32, #tpu.memory_space<vmem>>, %arg12: memref<64xi32, #tpu.memory_space<vmem>>, %arg13: memref<!tpu.dma_semaphore, #tpu.memory_space<semaphore_mem>>) attributes {dimension_semantics = [#tpu.dimension_semantics<core_parallel>, #tpu.dimension_semantics<subcore_parallel>], iteration_bounds = array<i64: 2, 16>, scalar_prefetch = 0 : i64, scratch_operands = 8 : i64, tpu.core_type = #tpu.core_type<sc_vector_subcore>, window_params = [{transform_indices = #map}, {transform_indices = #map}, {transform_indices = #map}, {transform_indices = #map}]} {
    %iota3A = tpu.iota {dimensions = array<i32: 0>} : vector<16xi32>
    %broadcast_in_dim3A = arith.constant 0 : i32
    %broadcast_in_dim3A_0 = vector.broadcast %broadcast_in_dim3A : i32 to vector<16xi32>
    %broadcast_in_dim3A_1 = arith.constant 1 : i32
    %broadcast_in_dim3A_2 = vector.broadcast %broadcast_in_dim3A_1 : i32 to vector<16xi32>
    %broadcast_in_dim3A_3 = arith.constant -3.000000e+38 : f32
    %broadcast_in_dim3A_4 = vector.broadcast %broadcast_in_dim3A_3 : f32 to vector<16xf32>
    %mul3A = arith.constant 2 : i32
    %mul3A_5 = arith.muli %arg1, %mul3A : i32
    %add3A = arith.addi %mul3A_5, %arg0 : i32
    %scan3A = arith.constant 0 : i32
    %scan3A_6 = arith.constant 0 : i32
    %scan3A_7 = arith.constant 8 : i32
    %scan3A_8 = arith.addi %scan3A_6, %scan3A_7 : i32
    %scan3A_9 = arith.constant 1 : i32
    scf.for %scan3A_11 = %scan3A_6 to %scan3A_8 step %scan3A_9  : i32 {
      %mul3A_12 = arith.constant 8 : i32
      %mul3A_13 = arith.muli %add3A, %mul3A_12 : i32
      %add3A_14 = arith.addi %mul3A_13, %scan3A_11 : i32
      "tpu.region"() ({
        %run_scoped3A = tpu.sem_alloc : memref<!tpu.dma_semaphore, #tpu.memory_space<semaphore_mem>>
        %dma_start3A_254 = arith.constant 0 : i32
        %dma_start3A_255 = tpu.memref_slice %arg2[%add3A_14, %dma_start3A_254] : memref<256x6272xf32, #tpu.memory_space<hbm>> -> memref<1x6272xf32, #tpu.memory_space<hbm>>
        %dma_start3A_256 = tpu.memref_squeeze %dma_start3A_255 : memref<1x6272xf32, #tpu.memory_space<hbm>> -> memref<6272xf32, #tpu.memory_space<hbm>>
        %dma_start3A_257 = arith.constant 0 : i32
        %dma_start3A_258 = tpu.memref_slice %arg2[%add3A_14, %dma_start3A_257] : memref<256x6272xf32, #tpu.memory_space<hbm>> -> memref<1x6272xf32, #tpu.memory_space<hbm>>
        %dma_start3A_259 = tpu.memref_squeeze %dma_start3A_258 : memref<1x6272xf32, #tpu.memory_space<hbm>> -> memref<6272xf32, #tpu.memory_space<hbm>>
        tpu.enqueue_dma source(%dma_start3A_259 : memref<6272xf32, #tpu.memory_space<hbm>>) target(%arg6 : memref<6272xf32, #tpu.memory_space<vmem>>) target_semaphore(%run_scoped3A : memref<!tpu.dma_semaphore, #tpu.memory_space<semaphore_mem>>)
        %dma_wait3A_260 = arith.constant 0 : i32
        %dma_wait3A_261 = tpu.memref_slice %arg2[%add3A_14, %dma_wait3A_260] : memref<256x6272xf32, #tpu.memory_space<hbm>> -> memref<1x6272xf32, #tpu.memory_space<hbm>>
        %dma_wait3A_262 = tpu.memref_squeeze %dma_wait3A_261 : memref<1x6272xf32, #tpu.memory_space<hbm>> -> memref<6272xf32, #tpu.memory_space<hbm>>
        %dma_wait3A_263 = arith.constant 0 : i32
        %dma_wait3A_264 = tpu.memref_slice %arg2[%add3A_14, %dma_wait3A_263] : memref<256x6272xf32, #tpu.memory_space<hbm>> -> memref<1x6272xf32, #tpu.memory_space<hbm>>
        %dma_wait3A_265 = tpu.memref_squeeze %dma_wait3A_264 : memref<1x6272xf32, #tpu.memory_space<hbm>> -> memref<6272xf32, #tpu.memory_space<hbm>>
        tpu.wait_dma2 semaphore(%run_scoped3A : memref<!tpu.dma_semaphore, #tpu.memory_space<semaphore_mem>>) src(%dma_wait3A_265 : memref<6272xf32, #tpu.memory_space<hbm>>) dst(%arg6 : memref<6272xf32, #tpu.memory_space<vmem>>)
        tpu.yield
      }) : () -> ()
      %get3A = arith.constant 0 : index
      %get3A_15 = tpu.vector_load %arg6[%get3A] {strides = array<i32>} : memref<6272xf32, #tpu.memory_space<vmem>>, vector<16xf32>,
      %scan3A_16 = arith.constant 1 : i32
      %scan3A_17 = arith.constant 96 : i32
      %scan3A_18 = arith.addi %scan3A_16, %scan3A_17 : i32
      %scan3A_19 = arith.constant 4 : i32
      %scan3A_20 = scf.for %scan3A_254 = %scan3A_16 to %scan3A_18 step %scan3A_19 iter_args(%scan3A_255 = %get3A_15) -> (vector<16xf32>)  : i32 {
        %add3A_256 = arith.constant 0 : i32
        %add3A_257 = arith.addi %add3A_256, %scan3A_254 : i32
        %mul3A_258 = arith.constant 16 : i32
        %mul3A_259 = arith.muli %add3A_257, %mul3A_258 : i32
        %get3A_260 = arith.index_cast %mul3A_259 : i32 to index
        %get3A_261 = tpu.vector_load %arg6[%get3A_260] {strides = array<i32>} : memref<6272xf32, #tpu.memory_space<vmem>>, vector<16xf32>,
        %max3A_262 = arith.maximumf %scan3A_255, %get3A_261 : vector<16xf32>
        %scan3A_263 = arith.constant 1 : i32
        %scan3A_264 = arith.addi %scan3A_254, %scan3A_263 : i32
        %add3A_265 = arith.constant 0 : i32
        %add3A_266 = arith.addi %add3A_265, %scan3A_264 : i32
        %mul3A_267 = arith.constant 16 : i32
        %mul3A_268 = arith.muli %add3A_266, %mul3A_267 : i32
        %get3A_269 = arith.index_cast %mul3A_268 : i32 to index
        %get3A_270 = tpu.vector_load %arg6[%get3A_269] {strides = array<i32>} : memref<6272xf32, #tpu.memory_space<vmem>>, vector<16xf32>,
        %max3A_271 = arith.maximumf %max3A_262, %get3A_270 : vector<16xf32>
        %scan3A_272 = arith.constant 2 : i32
        %scan3A_273 = arith.addi %scan3A_254, %scan3A_272 : i32
        %add3A_274 = arith.constant 0 : i32
        %add3A_275 = arith.addi %add3A_274, %scan3A_273 : i32
        %mul3A_276 = arith.constant 16 : i32
        %mul3A_277 = arith.muli %add3A_275, %mul3A_276 : i32
        %get3A_278 = arith.index_cast %mul3A_277 : i32 to index
        %get3A_279 = tpu.vector_load %arg6[%get3A_278] {strides = array<i32>} : memref<6272xf32, #tpu.memory_space<vmem>>, vector<16xf32>,
        %max3A_280 = arith.maximumf %max3A_271, %get3A_279 : vector<16xf32>
        %scan3A_281 = arith.constant 3 : i32
        %scan3A_282 = arith.addi %scan3A_254, %scan3A_281 : i32
        %add3A_283 = arith.constant 0 : i32
        %add3A_284 = arith.addi %add3A_283, %scan3A_282 : i32
        %mul3A_285 = arith.constant 16 : i32
        %mul3A_286 = arith.muli %add3A_284, %mul3A_285 : i32
        %get3A_287 = arith.index_cast %mul3A_286 : i32 to index
        %get3A_288 = tpu.vector_load %arg6[%get3A_287] {strides = array<i32>} : memref<6272xf32, #tpu.memory_space<vmem>>, vector<16xf32>,
        %max3A_289 = arith.maximumf %max3A_280, %get3A_288 : vector<16xf32>
        scf.yield %max3A_289 : vector<16xf32>
      }
      %scan3A_21 = arith.constant 96 : i32
      %scan3A_22 = arith.addi %scan3A_16, %scan3A_21 : i32
      %add3A_23 = arith.constant 0 : i32
      %add3A_24 = arith.addi %add3A_23, %scan3A_22 : i32
      %mul3A_25 = arith.constant 16 : i32
      %mul3A_26 = arith.muli %add3A_24, %mul3A_25 : i32
      %get3A_27 = arith.index_cast %mul3A_26 : i32 to index
      %get3A_28 = tpu.vector_load %arg6[%get3A_27] {strides = array<i32>} : memref<6272xf32, #tpu.memory_space<vmem>>, vector<16xf32>,
      %max3A = arith.maximumf %scan3A_20, %get3A_28 : vector<16xf32>
      %scan3A_29 = arith.constant 97 : i32
      %get3A_30 = arith.constant 1568 : index
      %get3A_31 = tpu.vector_load %arg6[%get3A_30] {strides = array<i32>} : memref<6272xf32, #tpu.memory_space<vmem>>, vector<16xf32>,
      %scan3A_32 = arith.constant 1 : i32
      %scan3A_33 = arith.constant 96 : i32
      %scan3A_34 = arith.addi %scan3A_32, %scan3A_33 : i32
      %scan3A_35 = arith.constant 4 : i32
      %scan3A_36 = scf.for %scan3A_254 = %scan3A_32 to %scan3A_34 step %scan3A_35 iter_args(%scan3A_255 = %get3A_31) -> (vector<16xf32>)  : i32 {
        %add3A_256 = arith.constant 98 : i32
        %add3A_257 = arith.addi %add3A_256, %scan3A_254 : i32
        %mul3A_258 = arith.constant 16 : i32
        %mul3A_259 = arith.muli %add3A_257, %mul3A_258 : i32
        %get3A_260 = arith.index_cast %mul3A_259 : i32 to index
        %get3A_261 = tpu.vector_load %arg6[%get3A_260] {strides = array<i32>} : memref<6272xf32, #tpu.memory_space<vmem>>, vector<16xf32>,
        %max3A_262 = arith.maximumf %scan3A_255, %get3A_261 : vector<16xf32>
        %scan3A_263 = arith.constant 1 : i32
        %scan3A_264 = arith.addi %scan3A_254, %scan3A_263 : i32
        %add3A_265 = arith.constant 98 : i32
        %add3A_266 = arith.addi %add3A_265, %scan3A_264 : i32
        %mul3A_267 = arith.constant 16 : i32
        %mul3A_268 = arith.muli %add3A_266, %mul3A_267 : i32
        %get3A_269 = arith.index_cast %mul3A_268 : i32 to index
        %get3A_270 = tpu.vector_load %arg6[%get3A_269] {strides = array<i32>} : memref<6272xf32, #tpu.memory_space<vmem>>, vector<16xf32>,
        %max3A_271 = arith.maximumf %max3A_262, %get3A_270 : vector<16xf32>
        %scan3A_272 = arith.constant 2 : i32
        %scan3A_273 = arith.addi %scan3A_254, %scan3A_272 : i32
        %add3A_274 = arith.constant 98 : i32
        %add3A_275 = arith.addi %add3A_274, %scan3A_273 : i32
        %mul3A_276 = arith.constant 16 : i32
        %mul3A_277 = arith.muli %add3A_275, %mul3A_276 : i32
        %get3A_278 = arith.index_cast %mul3A_277 : i32 to index
        %get3A_279 = tpu.vector_load %arg6[%get3A_278] {strides = array<i32>} : memref<6272xf32, #tpu.memory_space<vmem>>, vector<16xf32>,
        %max3A_280 = arith.maximumf %max3A_271, %get3A_279 : vector<16xf32>
        %scan3A_281 = arith.constant 3 : i32
        %scan3A_282 = arith.addi %scan3A_254, %scan3A_281 : i32
        %add3A_283 = arith.constant 98 : i32
        %add3A_284 = arith.addi %add3A_283, %scan3A_282 : i32
        %mul3A_285 = arith.constant 16 : i32
        %mul3A_286 = arith.muli %add3A_284, %mul3A_285 : i32
        %get3A_287 = arith.index_cast %mul3A_286 : i32 to index
        %get3A_288 = tpu.vector_load %arg6[%get3A_287] {strides = array<i32>} : memref<6272xf32, #tpu.memory_space<vmem>>, vector<16xf32>,
        %max3A_289 = arith.maximumf %max3A_280, %get3A_288 : vector<16xf32>
        scf.yield %max3A_289 : vector<16xf32>
      }
      %scan3A_37 = arith.constant 96 : i32
      %scan3A_38 = arith.addi %scan3A_32, %scan3A_37 : i32
      %add3A_39 = arith.constant 98 : i32
      %add3A_40 = arith.addi %add3A_39, %scan3A_38 : i32
      %mul3A_41 = arith.constant 16 : i32
      %mul3A_42 = arith.muli %add3A_40, %mul3A_41 : i32
      %get3A_43 = arith.index_cast %mul3A_42 : i32 to index
      %get3A_44 = tpu.vector_load %arg6[%get3A_43] {strides = array<i32>} : memref<6272xf32, #tpu.memory_space<vmem>>, vector<16xf32>,
      %max3A_45 = arith.maximumf %scan3A_36, %get3A_44 : vector<16xf32>
      %scan3A_46 = arith.constant 97 : i32
      %min3A = arith.minimumf %max3A, %max3A_45 : vector<16xf32>
      %get3A_47 = arith.constant 3136 : index
      %get3A_48 = tpu.vector_load %arg6[%get3A_47] {strides = array<i32>} : memref<6272xf32, #tpu.memory_space<vmem>>, vector<16xf32>,
      %scan3A_49 = arith.constant 1 : i32
      %scan3A_50 = arith.constant 96 : i32
      %scan3A_51 = arith.addi %scan3A_49, %scan3A_50 : i32
      %scan3A_52 = arith.constant 4 : i32
      %scan3A_53 = scf.for %scan3A_254 = %scan3A_49 to %scan3A_51 step %scan3A_52 iter_args(%scan3A_255 = %get3A_48) -> (vector<16xf32>)  : i32 {
        %add3A_256 = arith.constant 196 : i32
        %add3A_257 = arith.addi %add3A_256, %scan3A_254 : i32
        %mul3A_258 = arith.constant 16 : i32
        %mul3A_259 = arith.muli %add3A_257, %mul3A_258 : i32
        %get3A_260 = arith.index_cast %mul3A_259 : i32 to index
        %get3A_261 = tpu.vector_load %arg6[%get3A_260] {strides = array<i32>} : memref<6272xf32, #tpu.memory_space<vmem>>, vector<16xf32>,
        %max3A_262 = arith.maximumf %scan3A_255, %get3A_261 : vector<16xf32>
        %scan3A_263 = arith.constant 1 : i32
        %scan3A_264 = arith.addi %scan3A_254, %scan3A_263 : i32
        %add3A_265 = arith.constant 196 : i32
        %add3A_266 = arith.addi %add3A_265, %scan3A_264 : i32
        %mul3A_267 = arith.constant 16 : i32
        %mul3A_268 = arith.muli %add3A_266, %mul3A_267 : i32
        %get3A_269 = arith.index_cast %mul3A_268 : i32 to index
        %get3A_270 = tpu.vector_load %arg6[%get3A_269] {strides = array<i32>} : memref<6272xf32, #tpu.memory_space<vmem>>, vector<16xf32>,
        %max3A_271 = arith.maximumf %max3A_262, %get3A_270 : vector<16xf32>
        %scan3A_272 = arith.constant 2 : i32
        %scan3A_273 = arith.addi %scan3A_254, %scan3A_272 : i32
        %add3A_274 = arith.constant 196 : i32
        %add3A_275 = arith.addi %add3A_274, %scan3A_273 : i32
        %mul3A_276 = arith.constant 16 : i32
        %mul3A_277 = arith.muli %add3A_275, %mul3A_276 : i32
        %get3A_278 = arith.index_cast %mul3A_277 : i32 to index
        %get3A_279 = tpu.vector_load %arg6[%get3A_278] {strides = array<i32>} : memref<6272xf32, #tpu.memory_space<vmem>>, vector<16xf32>,
        %max3A_280 = arith.maximumf %max3A_271, %get3A_279 : vector<16xf32>
        %scan3A_281 = arith.constant 3 : i32
        %scan3A_282 = arith.addi %scan3A_254, %scan3A_281 : i32
        %add3A_283 = arith.constant 196 : i32
        %add3A_284 = arith.addi %add3A_283, %scan3A_282 : i32
        %mul3A_285 = arith.constant 16 : i32
        %mul3A_286 = arith.muli %add3A_284, %mul3A_285 : i32
        %get3A_287 = arith.index_cast %mul3A_286 : i32 to index
        %get3A_288 = tpu.vector_load %arg6[%get3A_287] {strides = array<i32>} : memref<6272xf32, #tpu.memory_space<vmem>>, vector<16xf32>,
        %max3A_289 = arith.maximumf %max3A_280, %get3A_288 : vector<16xf32>
        scf.yield %max3A_289 : vector<16xf32>
      }
      %scan3A_54 = arith.constant 96 : i32
      %scan3A_55 = arith.addi %scan3A_49, %scan3A_54 : i32
      %add3A_56 = arith.constant 196 : i32
      %add3A_57 = arith.addi %add3A_56, %scan3A_55 : i32
      %mul3A_58 = arith.constant 16 : i32
      %mul3A_59 = arith.muli %add3A_57, %mul3A_58 : i32
      %get3A_60 = arith.index_cast %mul3A_59 : i32 to index
      %get3A_61 = tpu.vector_load %arg6[%get3A_60] {strides = array<i32>} : memref<6272xf32, #tpu.memory_space<vmem>>, vector<16xf32>,
      %max3A_62 = arith.maximumf %scan3A_53, %get3A_61 : vector<16xf32>
      %scan3A_63 = arith.constant 97 : i32
      %get3A_64 = arith.constant 4704 : index
      %get3A_65 = tpu.vector_load %arg6[%get3A_64] {strides = array<i32>} : memref<6272xf32, #tpu.memory_space<vmem>>, vector<16xf32>,
      %scan3A_66 = arith.constant 1 : i32
      %scan3A_67 = arith.constant 96 : i32
      %scan3A_68 = arith.addi %scan3A_66, %scan3A_67 : i32
      %scan3A_69 = arith.constant 4 : i32
      %scan3A_70 = scf.for %scan3A_254 = %scan3A_66 to %scan3A_68 step %scan3A_69 iter_args(%scan3A_255 = %get3A_65) -> (vector<16xf32>)  : i32 {
        %add3A_256 = arith.constant 294 : i32
        %add3A_257 = arith.addi %add3A_256, %scan3A_254 : i32
        %mul3A_258 = arith.constant 16 : i32
        %mul3A_259 = arith.muli %add3A_257, %mul3A_258 : i32
        %get3A_260 = arith.index_cast %mul3A_259 : i32 to index
        %get3A_261 = tpu.vector_load %arg6[%get3A_260] {strides = array<i32>} : memref<6272xf32, #tpu.memory_space<vmem>>, vector<16xf32>,
        %max3A_262 = arith.maximumf %scan3A_255, %get3A_261 : vector<16xf32>
        %scan3A_263 = arith.constant 1 : i32
        %scan3A_264 = arith.addi %scan3A_254, %scan3A_263 : i32
        %add3A_265 = arith.constant 294 : i32
        %add3A_266 = arith.addi %add3A_265, %scan3A_264 : i32
        %mul3A_267 = arith.constant 16 : i32
        %mul3A_268 = arith.muli %add3A_266, %mul3A_267 : i32
        %get3A_269 = arith.index_cast %mul3A_268 : i32 to index
        %get3A_270 = tpu.vector_load %arg6[%get3A_269] {strides = array<i32>} : memref<6272xf32, #tpu.memory_space<vmem>>, vector<16xf32>,
        %max3A_271 = arith.maximumf %max3A_262, %get3A_270 : vector<16xf32>
        %scan3A_272 = arith.constant 2 : i32
        %scan3A_273 = arith.addi %scan3A_254, %scan3A_272 : i32
        %add3A_274 = arith.constant 294 : i32
        %add3A_275 = arith.addi %add3A_274, %scan3A_273 : i32
        %mul3A_276 = arith.constant 16 : i32
        %mul3A_277 = arith.muli %add3A_275, %mul3A_276 : i32
        %get3A_278 = arith.index_cast %mul3A_277 : i32 to index
        %get3A_279 = tpu.vector_load %arg6[%get3A_278] {strides = array<i32>} : memref<6272xf32, #tpu.memory_space<vmem>>, vector<16xf32>,
        %max3A_280 = arith.maximumf %max3A_271, %get3A_279 : vector<16xf32>
        %scan3A_281 = arith.constant 3 : i32
        %scan3A_282 = arith.addi %scan3A_254, %scan3A_281 : i32
        %add3A_283 = arith.constant 294 : i32
        %add3A_284 = arith.addi %add3A_283, %scan3A_282 : i32
        %mul3A_285 = arith.constant 16 : i32
        %mul3A_286 = arith.muli %add3A_284, %mul3A_285 : i32
        %get3A_287 = arith.index_cast %mul3A_286 : i32 to index
        %get3A_288 = tpu.vector_load %arg6[%get3A_287] {strides = array<i32>} : memref<6272xf32, #tpu.memory_space<vmem>>, vector<16xf32>,
        %max3A_289 = arith.maximumf %max3A_280, %get3A_288 : vector<16xf32>
        scf.yield %max3A_289 : vector<16xf32>
      }
      %scan3A_71 = arith.constant 96 : i32
      %scan3A_72 = arith.addi %scan3A_66, %scan3A_71 : i32
      %add3A_73 = arith.constant 294 : i32
      %add3A_74 = arith.addi %add3A_73, %scan3A_72 : i32
      %mul3A_75 = arith.constant 16 : i32
      %mul3A_76 = arith.muli %add3A_74, %mul3A_75 : i32
      %get3A_77 = arith.index_cast %mul3A_76 : i32 to index
      %get3A_78 = tpu.vector_load %arg6[%get3A_77] {strides = array<i32>} : memref<6272xf32, #tpu.memory_space<vmem>>, vector<16xf32>,
      %max3A_79 = arith.maximumf %scan3A_70, %get3A_78 : vector<16xf32>
      %scan3A_80 = arith.constant 97 : i32
      %min3A_81 = arith.minimumf %max3A_62, %max3A_79 : vector<16xf32>
      %min3A_82 = arith.minimumf %min3A, %min3A_81 : vector<16xf32>
      %add3A_83 = arith.constant 8 : i32
      %add3A_84 = vector.broadcast %add3A_83 : i32 to vector<16xi32>
      %add3A_85 = arith.addi %iota3A, %add3A_84 : vector<16xi32>
      %and3A = arith.constant 15 : i32
      %and3A_86 = vector.broadcast %and3A : i32 to vector<16xi32>
      %and3A_87 = arith.andi %add3A_85, %and3A_86 : vector<16xi32>
      %lt3A = arith.constant 0 : i32
      %lt3A_88 = vector.broadcast %lt3A : i32 to vector<16xi32>
      %lt3A_89 = arith.cmpi slt, %and3A_87, %lt3A_88 : vector<16xi32>
      %add3A_90 = arith.constant 16 : i32
      %add3A_91 = vector.broadcast %add3A_90 : i32 to vector<16xi32>
      %add3A_92 = arith.addi %and3A_87, %add3A_91 : vector<16xi32>
      %select_n3A = arith.select %lt3A_89, %add3A_92, %and3A_87 : vector<16xi1>, vector<16xi32>
      %broadcast_in_dim3A_93 = vector.shape_cast %select_n3A : vector<16xi32> to vector<16x1xi32>
      %gather3A = vector.shape_cast %broadcast_in_dim3A_93 : vector<16x1xi32> to vector<16xi32>
      %gather3A_94 = tpu.dynamic_gather %min3A_82[%gather3A] in [0] : vector<16xf32>, vector<16xi32> -> vector<16xf32>
      %min3A_95 = arith.minimumf %min3A_82, %gather3A_94 : vector<16xf32>
      %add3A_96 = arith.constant 4 : i32
      %add3A_97 = vector.broadcast %add3A_96 : i32 to vector<16xi32>
      %add3A_98 = arith.addi %iota3A, %add3A_97 : vector<16xi32>
      %and3A_99 = arith.constant 15 : i32
      %and3A_100 = vector.broadcast %and3A_99 : i32 to vector<16xi32>
      %and3A_101 = arith.andi %add3A_98, %and3A_100 : vector<16xi32>
      %lt3A_102 = arith.constant 0 : i32
      %lt3A_103 = vector.broadcast %lt3A_102 : i32 to vector<16xi32>
      %lt3A_104 = arith.cmpi slt, %and3A_101, %lt3A_103 : vector<16xi32>
      %add3A_105 = arith.constant 16 : i32
      %add3A_106 = vector.broadcast %add3A_105 : i32 to vector<16xi32>
      %add3A_107 = arith.addi %and3A_101, %add3A_106 : vector<16xi32>
      %select_n3A_108 = arith.select %lt3A_104, %add3A_107, %and3A_101 : vector<16xi1>, vector<16xi32>
      %broadcast_in_dim3A_109 = vector.shape_cast %select_n3A_108 : vector<16xi32> to vector<16x1xi32>
      %gather3A_110 = vector.shape_cast %broadcast_in_dim3A_109 : vector<16x1xi32> to vector<16xi32>
      %gather3A_111 = tpu.dynamic_gather %min3A_95[%gather3A_110] in [0] : vector<16xf32>, vector<16xi32> -> vector<16xf32>
      %min3A_112 = arith.minimumf %min3A_95, %gather3A_111 : vector<16xf32>
      %add3A_113 = arith.constant 2 : i32
      %add3A_114 = vector.broadcast %add3A_113 : i32 to vector<16xi32>
      %add3A_115 = arith.addi %iota3A, %add3A_114 : vector<16xi32>
      %and3A_116 = arith.constant 15 : i32
      %and3A_117 = vector.broadcast %and3A_116 : i32 to vector<16xi32>
      %and3A_118 = arith.andi %add3A_115, %and3A_117 : vector<16xi32>
      %lt3A_119 = arith.constant 0 : i32
      %lt3A_120 = vector.broadcast %lt3A_119 : i32 to vector<16xi32>
      %lt3A_121 = arith.cmpi slt, %and3A_118, %lt3A_120 : vector<16xi32>
      %add3A_122 = arith.constant 16 : i32
      %add3A_123 = vector.broadcast %add3A_122 : i32 to vector<16xi32>
      %add3A_124 = arith.addi %and3A_118, %add3A_123 : vector<16xi32>
      %select_n3A_125 = arith.select %lt3A_121, %add3A_124, %and3A_118 : vector<16xi1>, vector<16xi32>
      %broadcast_in_dim3A_126 = vector.shape_cast %select_n3A_125 : vector<16xi32> to vector<16x1xi32>
      %gather3A_127 = vector.shape_cast %broadcast_in_dim3A_126 : vector<16x1xi32> to vector<16xi32>
      %gather3A_128 = tpu.dynamic_gather %min3A_112[%gather3A_127] in [0] : vector<16xf32>, vector<16xi32> -> vector<16xf32>
      %min3A_129 = arith.minimumf %min3A_112, %gather3A_128 : vector<16xf32>
      %add3A_130 = arith.constant 1 : i32
      %add3A_131 = vector.broadcast %add3A_130 : i32 to vector<16xi32>
      %add3A_132 = arith.addi %iota3A, %add3A_131 : vector<16xi32>
      %and3A_133 = arith.constant 15 : i32
      %and3A_134 = vector.broadcast %and3A_133 : i32 to vector<16xi32>
      %and3A_135 = arith.andi %add3A_132, %and3A_134 : vector<16xi32>
      %lt3A_136 = arith.constant 0 : i32
      %lt3A_137 = vector.broadcast %lt3A_136 : i32 to vector<16xi32>
      %lt3A_138 = arith.cmpi slt, %and3A_135, %lt3A_137 : vector<16xi32>
      %add3A_139 = arith.constant 16 : i32
      %add3A_140 = vector.broadcast %add3A_139 : i32 to vector<16xi32>
      %add3A_141 = arith.addi %and3A_135, %add3A_140 : vector<16xi32>
      %select_n3A_142 = arith.select %lt3A_138, %add3A_141, %and3A_135 : vector<16xi1>, vector<16xi32>
      %broadcast_in_dim3A_143 = vector.shape_cast %select_n3A_142 : vector<16xi32> to vector<16x1xi32>
      %gather3A_144 = vector.shape_cast %broadcast_in_dim3A_143 : vector<16x1xi32> to vector<16xi32>
      %gather3A_145 = tpu.dynamic_gather %min3A_129[%gather3A_144] in [0] : vector<16xf32>, vector<16xi32> -> vector<16xf32>
      %min3A_146 = arith.minimumf %min3A_129, %gather3A_145 : vector<16xf32>
      %mul3A_147 = arith.constant 6272 : i32
      %mul3A_148 = arith.muli %add3A_14, %mul3A_147 : i32
      %add3A_149 = arith.constant 6271 : i32
      %add3A_150 = arith.addi %mul3A_148, %add3A_149 : i32
      %broadcast_in_dim3A_151 = vector.broadcast %add3A_150 : i32 to vector<16xi32>
      %scan3A_152 = arith.constant 0 : i32
      %scan3A_153 = arith.constant 0 : i32
      %scan3A_154 = arith.constant 65 : i32
      %scan3A_155 = arith.addi %scan3A_153, %scan3A_154 : i32
      %scan3A_156 = arith.constant 1 : i32
      scf.for %scan3A_254 = %scan3A_153 to %scan3A_155 step %scan3A_156  : i32 {
        %mul3A_255 = arith.constant 16 : i32
        %mul3A_256 = arith.muli %scan3A_254, %mul3A_255 : i32
        %swap3A = arith.index_cast %mul3A_256 : i32 to index
        %swap3A_257 = tpu.vector_load %arg7[%swap3A] {strides = array<i32>} : memref<1056xi32, #tpu.memory_space<vmem>>, vector<16xi32>,
        tpu.vector_store %arg7[%swap3A], %broadcast_in_dim3A_151 {strides = array<i32>} : memref<1056xi32, #tpu.memory_space<vmem>>, vector<16xi32>,
      }
      %scan3A_157 = arith.constant 65 : i32
      %scan3A_158 = arith.constant 0 : i32
      %scan3A_159 = arith.constant 0 : i32
      %scan3A_160 = arith.constant 65 : i32
      %scan3A_161 = arith.addi %scan3A_159, %scan3A_160 : i32
      %scan3A_162 = arith.constant 1 : i32
      scf.for %scan3A_254 = %scan3A_159 to %scan3A_161 step %scan3A_162  : i32 {
        %mul3A_255 = arith.constant 16 : i32
        %mul3A_256 = arith.muli %scan3A_254, %mul3A_255 : i32
        %swap3A = arith.index_cast %mul3A_256 : i32 to index
        %swap3A_257 = tpu.vector_load %arg9[%swap3A] {strides = array<i32>} : memref<1056xf32, #tpu.memory_space<vmem>>, vector<16xf32>,
        tpu.vector_store %arg9[%swap3A], %broadcast_in_dim3A_4 {strides = array<i32>} : memref<1056xf32, #tpu.memory_space<vmem>>, vector<16xf32>,
      }
      %scan3A_163 = arith.constant 65 : i32
      %scan3A_164 = arith.constant 0 : i32
      %scan3A_165 = arith.constant 0 : i32
      %scan3A_166 = arith.constant 392 : i32
      %scan3A_167 = arith.addi %scan3A_165, %scan3A_166 : i32
      %scan3A_168 = arith.constant 2 : i32
      %scan3A_169 = scf.for %scan3A_254 = %scan3A_165 to %scan3A_167 step %scan3A_168 iter_args(%scan3A_255 = %scan3A_164) -> (i32)  : i32 {
        %mul3A_256 = arith.constant 16 : i32
        %mul3A_257 = arith.muli %scan3A_254, %mul3A_256 : i32
        %get3A_258 = arith.index_cast %mul3A_257 : i32 to index
        %get3A_259 = tpu.vector_load %arg6[%get3A_258] {strides = array<i32>} : memref<6272xf32, #tpu.memory_space<vmem>>, vector<16xf32>,
        %ge3A = arith.cmpf oge, %get3A_259, %min3A_146 : vector<16xf32>
        %mul3A_260 = arith.constant 6272 : i32
        %mul3A_261 = arith.muli %add3A_14, %mul3A_260 : i32
        %mul3A_262 = arith.constant 16 : i32
        %mul3A_263 = arith.muli %scan3A_254, %mul3A_262 : i32
        %add3A_264 = arith.addi %mul3A_261, %mul3A_263 : i32
        %add3A_265 = vector.broadcast %add3A_264 : i32 to vector<16xi32>
        %add3A_266 = arith.addi %add3A_265, %iota3A : vector<16xi32>
        %masked_sort3A = arith.constant -2147483648 : i32
        %masked_sort3A_267 = vector.broadcast %masked_sort3A : i32 to vector<16xi32>
        %masked_sort3A_268 = arith.xori %iota3A, %masked_sort3A_267 : vector<16xi32>
        %masked_sort3A_269, %masked_sort3A_270, %masked_sort3A_271 = tpu.sort %masked_sort3A_268, %add3A_266 masked %ge3A : (vector<16xi32>, vector<16xi32>, vector<16xi1>) -> (vector<16xi1>, vector<16xi32>, vector<16xi32>)
        %masked_sort3A_272 = arith.xori %masked_sort3A_270, %masked_sort3A_267 : vector<16xi32>
        %swap3A = arith.index_cast %scan3A_255 : i32 to index
        %swap3A_273 = tpu.vector_load %arg7[%swap3A] {strides = array<i32>} : memref<1056xi32, #tpu.memory_space<vmem>>, vector<16xi32>,
        tpu.vector_store %arg7[%swap3A], %masked_sort3A_271 {strides = array<i32>} : memref<1056xi32, #tpu.memory_space<vmem>>, vector<16xi32>,
        %all_reduce_population_count3A = tpu.all_reduce %ge3A {dim = 0 : i64, kind = #tpu.reduction_kind<sum>} : vector<16xi1> -> vector<16xi32>
        %slice3A = vector.extract_strided_slice %all_reduce_population_count3A {offsets = [0], sizes = [1], strides = [1]} : vector<16xi32> to vector<1xi32>
        %squeeze3A = vector.extract %slice3A[0] : i32 from vector<1xi32>
        %add3A_274 = arith.addi %scan3A_255, %squeeze3A : i32
        %min3A_275 = arith.constant 1024 : i32
        %min3A_276 = arith.minsi %add3A_274, %min3A_275 : i32
        %scan3A_277 = arith.constant 1 : i32
        %scan3A_278 = arith.addi %scan3A_254, %scan3A_277 : i32
        %mul3A_279 = arith.constant 16 : i32
        %mul3A_280 = arith.muli %scan3A_278, %mul3A_279 : i32
        %get3A_281 = arith.index_cast %mul3A_280 : i32 to index
        %get3A_282 = tpu.vector_load %arg6[%get3A_281] {strides = array<i32>} : memref<6272xf32, #tpu.memory_space<vmem>>, vector<16xf32>,
        %ge3A_283 = arith.cmpf oge, %get3A_282, %min3A_146 : vector<16xf32>
        %mul3A_284 = arith.constant 6272 : i32
        %mul3A_285 = arith.muli %add3A_14, %mul3A_284 : i32
        %mul3A_286 = arith.constant 16 : i32
        %mul3A_287 = arith.muli %scan3A_278, %mul3A_286 : i32
        %add3A_288 = arith.addi %mul3A_285, %mul3A_287 : i32
        %add3A_289 = vector.broadcast %add3A_288 : i32 to vector<16xi32>
        %add3A_290 = arith.addi %add3A_289, %iota3A : vector<16xi32>
        %masked_sort3A_291 = arith.constant -2147483648 : i32
        %masked_sort3A_292 = vector.broadcast %masked_sort3A_291 : i32 to vector<16xi32>
        %masked_sort3A_293 = arith.xori %iota3A, %masked_sort3A_292 : vector<16xi32>
        %masked_sort3A_294, %masked_sort3A_295, %masked_sort3A_296 = tpu.sort %masked_sort3A_293, %add3A_290 masked %ge3A_283 : (vector<16xi32>, vector<16xi32>, vector<16xi1>) -> (vector<16xi1>, vector<16xi32>, vector<16xi32>)
        %masked_sort3A_297 = arith.xori %masked_sort3A_295, %masked_sort3A_292 : vector<16xi32>
        %swap3A_298 = arith.index_cast %min3A_276 : i32 to index
        %swap3A_299 = tpu.vector_load %arg7[%swap3A_298] {strides = array<i32>} : memref<1056xi32, #tpu.memory_space<vmem>>, vector<16xi32>,
        tpu.vector_store %arg7[%swap3A_298], %masked_sort3A_296 {strides = array<i32>} : memref<1056xi32, #tpu.memory_space<vmem>>, vector<16xi32>,
        %all_reduce_population_count3A_300 = tpu.all_reduce %ge3A_283 {dim = 0 : i64, kind = #tpu.reduction_kind<sum>} : vector<16xi1> -> vector<16xi32>
        %slice3A_301 = vector.extract_strided_slice %all_reduce_population_count3A_300 {offsets = [0], sizes = [1], strides = [1]} : vector<16xi32> to vector<1xi32>
        %squeeze3A_302 = vector.extract %slice3A_301[0] : i32 from vector<1xi32>
        %add3A_303 = arith.addi %min3A_276, %squeeze3A_302 : i32
        %min3A_304 = arith.constant 1024 : i32
        %min3A_305 = arith.minsi %add3A_303, %min3A_304 : i32
        scf.yield %min3A_305 : i32
      }
      %scan3A_170 = arith.constant 392 : i32
      %add3A_171 = arith.constant 127 : i32
      %add3A_172 = arith.addi %scan3A_169, %add3A_171 : i32
      %jit3A = arith.constant 128 : i32
      %div3A = arith.divsi %add3A_172, %jit3A : i32
      %sign3A = arith.constant 0 : i32
      %sign3A_173 = arith.cmpi sgt, %add3A_172, %sign3A : i32
      %sign3A_174 = arith.extui %sign3A_173 : i1 to i32
      %sign3A_175 = arith.constant 0 : i32
      %sign3A_176 = arith.cmpi slt, %add3A_172, %sign3A_175 : i32
      %sign3A_177 = arith.extui %sign3A_176 : i1 to i32
      %sign3A_178 = arith.subi %sign3A_174, %sign3A_177 : i32
      %sign3A_179 = arith.constant 0 : i32
      %sign3A_180 = arith.cmpi sgt, %jit3A, %sign3A_179 : i32
      %sign3A_181 = arith.extui %sign3A_180 : i1 to i32
      %sign3A_182 = arith.constant 0 : i32
      %sign3A_183 = arith.cmpi slt, %jit3A, %sign3A_182 : i32
      %sign3A_184 = arith.extui %sign3A_183 : i1 to i32
      %sign3A_185 = arith.subi %sign3A_181, %sign3A_184 : i32
      %ne3A = arith.cmpi ne, %sign3A_178, %sign3A_185 : i32
      %rem3A = arith.remsi %add3A_172, %jit3A : i32
      %ne3A_186 = arith.constant 0 : i32
      %ne3A_187 = arith.cmpi ne, %rem3A, %ne3A_186 : i32
      %and3A_188 = arith.andi %ne3A, %ne3A_187 : i1
      %sub3A = arith.constant 1 : i32
      %sub3A_189 = arith.subi %div3A, %sub3A : i32
      %select_n3A_190 = arith.select %and3A_188, %sub3A_189, %div3A : i32
      %min3A_191 = arith.constant 8 : i32
      %min3A_192 = arith.minsi %select_n3A_190, %min3A_191 : i32
      %dma_start3A = arith.constant 0 : i32
      %dma_start3A_193 = arith.constant 0 : i32
      %dma_start3A_194 = arith.constant 0 : i32
      %dma_start3A_195 = tpu.memref_slice %arg8[%dma_start3A, %dma_start3A_193, %dma_start3A_194] : memref<2x128x16xf32, #tpu.memory_space<vmem>> -> memref<1x128x16xf32, #tpu.memory_space<vmem>>
      %dma_start3A_196 = tpu.memref_squeeze %dma_start3A_195 : memref<1x128x16xf32, #tpu.memory_space<vmem>> -> memref<128x16xf32, #tpu.memory_space<vmem>>
      %dma_start3A_197 = arith.constant 0 : i32
      %dma_start3A_198 = tpu.memref_slice %arg7[%dma_start3A_197] : memref<1056xi32, #tpu.memory_space<vmem>> -> memref<128xi32, #tpu.memory_space<vmem>>
      %dma_start3A_199 = arith.constant 0 : i32
      %dma_start3A_200 = arith.constant 0 : i32
      %dma_start3A_201 = tpu.memref_slice %arg3[%dma_start3A_199, %dma_start3A_200] : memref<1605632x16xf32, #tpu.memory_space<hbm>> -> memref<1605632x16xf32, #tpu.memory_space<hbm>>
      tpu.enqueue_indirect_dma source(%dma_start3A_201 : memref<1605632x16xf32, #tpu.memory_space<hbm>>) target(%dma_start3A_196 : memref<128x16xf32, #tpu.memory_space<vmem>>) offsets(%dma_start3A_198 : memref<128xi32, #tpu.memory_space<vmem>>) semaphore(%arg13 : memref<!tpu.dma_semaphore, #tpu.memory_space<semaphore_mem>>)
      %while3A = arith.constant 0 : i32
      %while3A_202 = arith.constant 0 : i32
      %while3A_203 = arith.subi %min3A_192, %while3A : i32
      %while3A_204 = arith.addi %while3A, %while3A_203 : i32
      %while3A_205 = arith.constant 1 : i32
      %while3A_206 = arith.divsi %while3A_203, %while3A_205 : i32
      %while3A_207 = arith.muli %while3A_206, %while3A_205 : i32
      %while3A_208 = arith.addi %while3A, %while3A_207 : i32
      %while3A_209 = arith.constant 1 : i32
      %while3A_210 = scf.for %while3A_254 = %while3A to %while3A_208 step %while3A_209 iter_args(%while3A_255 = %while3A_202) -> (i32)  : i32 {
        %add3A_256 = arith.constant 1 : i32
        %add3A_257 = arith.addi %while3A_254, %add3A_256 : i32
        %min3A_258 = arith.constant 7 : i32
        %min3A_259 = arith.minsi %add3A_257, %min3A_258 : i32
        %mul3A_260 = arith.constant 128 : i32
        %mul3A_261 = arith.muli %min3A_259, %mul3A_260 : i32
        %add3A_262 = arith.constant 1 : i32
        %add3A_263 = arith.addi %while3A_254, %add3A_262 : i32
        %jit3A_264 = arith.constant 2 : i32
        %eq3A = arith.constant 0 : i32
        %eq3A_265 = arith.cmpi eq, %jit3A_264, %eq3A : i32
        %jit3A_266 = arith.constant 1 : i32
        %select_n3A_267 = arith.select %eq3A_265, %jit3A_266, %jit3A_264 : i32
        %rem3A_268 = arith.remsi %add3A_263, %select_n3A_267 : i32
        %ne3A_269 = arith.constant 0 : i32
        %ne3A_270 = arith.cmpi ne, %rem3A_268, %ne3A_269 : i32
        %lt3A_271 = arith.constant 0 : i32
        %lt3A_272 = arith.cmpi slt, %rem3A_268, %lt3A_271 : i32
        %lt3A_273 = arith.constant 0 : i32
        %lt3A_274 = arith.cmpi slt, %select_n3A_267, %lt3A_273 : i32
        %ne3A_275 = arith.xori %lt3A_272, %lt3A_274 : i1
        %and3A_276 = arith.andi %ne3A_275, %ne3A_270 : i1
        %add3A_277 = arith.addi %rem3A_268, %select_n3A_267 : i32
        %select_n3A_278 = arith.select %and3A_276, %add3A_277, %rem3A_268 : i32
        %dma_start3A_279 = arith.constant 0 : i32
        %dma_start3A_280 = arith.constant 0 : i32
        %dma_start3A_281 = tpu.memref_slice %arg8[%select_n3A_278, %dma_start3A_279, %dma_start3A_280] : memref<2x128x16xf32, #tpu.memory_space<vmem>> -> memref<1x128x16xf32, #tpu.memory_space<vmem>>
        %dma_start3A_282 = tpu.memref_squeeze %dma_start3A_281 : memref<1x128x16xf32, #tpu.memory_space<vmem>> -> memref<128x16xf32, #tpu.memory_space<vmem>>
        %dma_start3A_283 = tpu.memref_slice %arg7[%mul3A_261] : memref<1056xi32, #tpu.memory_space<vmem>> -> memref<128xi32, #tpu.memory_space<vmem>>
        %dma_start3A_284 = arith.constant 0 : i32
        %dma_start3A_285 = arith.constant 0 : i32
        %dma_start3A_286 = tpu.memref_slice %arg3[%dma_start3A_284, %dma_start3A_285] : memref<1605632x16xf32, #tpu.memory_space<hbm>> -> memref<1605632x16xf32, #tpu.memory_space<hbm>>
        tpu.enqueue_indirect_dma source(%dma_start3A_286 : memref<1605632x16xf32, #tpu.memory_space<hbm>>) target(%dma_start3A_282 : memref<128x16xf32, #tpu.memory_space<vmem>>) offsets(%dma_start3A_283 : memref<128xi32, #tpu.memory_space<vmem>>) semaphore(%arg13 : memref<!tpu.dma_semaphore, #tpu.memory_space<semaphore_mem>>)
        %dma_wait3A_287 = arith.constant 0 : i32
        %dma_wait3A_288 = arith.constant 0 : i32
        %dma_wait3A_289 = arith.constant 0 : i32
        %dma_wait3A_290 = tpu.memref_slice %arg8[%dma_wait3A_287, %dma_wait3A_288, %dma_wait3A_289] : memref<2x128x16xf32, #tpu.memory_space<vmem>> -> memref<1x128x16xf32, #tpu.memory_space<vmem>>
        %dma_wait3A_291 = tpu.memref_squeeze %dma_wait3A_290 : memref<1x128x16xf32, #tpu.memory_space<vmem>> -> memref<128x16xf32, #tpu.memory_space<vmem>>
        %dma_wait3A_292 = arith.constant 0 : i32
        %dma_wait3A_293 = tpu.memref_slice %arg7[%dma_wait3A_292] : memref<1056xi32, #tpu.memory_space<vmem>> -> memref<128xi32, #tpu.memory_space<vmem>>
        %dma_wait3A_294 = arith.constant 0 : i32
        %dma_wait3A_295 = arith.constant 0 : i32
        %dma_wait3A_296 = tpu.memref_slice %arg3[%dma_wait3A_294, %dma_wait3A_295] : memref<1605632x16xf32, #tpu.memory_space<hbm>> -> memref<1605632x16xf32, #tpu.memory_space<hbm>>
        tpu.wait_indirect_dma semaphore(%arg13 : memref<!tpu.dma_semaphore, #tpu.memory_space<semaphore_mem>>) src(%dma_wait3A_296 : memref<1605632x16xf32, #tpu.memory_space<hbm>>) dst(%dma_wait3A_291 : memref<128x16xf32, #tpu.memory_space<vmem>>)
        %scan3A_297 = arith.constant 0 : i32
        %scan3A_298 = arith.constant 128 : i32
        %scan3A_299 = arith.addi %scan3A_297, %scan3A_298 : i32
        %scan3A_300 = arith.constant 1 : i32
        %scan3A_301 = scf.for %scan3A_303 = %scan3A_297 to %scan3A_299 step %scan3A_300 iter_args(%scan3A_304 = %while3A_255) -> (i32)  : i32 {
          %jit3A_305 = arith.constant 2 : i32
          %eq3A_306 = arith.constant 0 : i32
          %eq3A_307 = arith.cmpi eq, %jit3A_305, %eq3A_306 : i32
          %jit3A_308 = arith.constant 1 : i32
          %select_n3A_309 = arith.select %eq3A_307, %jit3A_308, %jit3A_305 : i32
          %rem3A_310 = arith.remsi %while3A_254, %select_n3A_309 : i32
          %ne3A_311 = arith.constant 0 : i32
          %ne3A_312 = arith.cmpi ne, %rem3A_310, %ne3A_311 : i32
          %lt3A_313 = arith.constant 0 : i32
          %lt3A_314 = arith.cmpi slt, %rem3A_310, %lt3A_313 : i32
          %lt3A_315 = arith.constant 0 : i32
          %lt3A_316 = arith.cmpi slt, %select_n3A_309, %lt3A_315 : i32
          %ne3A_317 = arith.xori %lt3A_314, %lt3A_316 : i1
          %and3A_318 = arith.andi %ne3A_317, %ne3A_312 : i1
          %add3A_319 = arith.addi %rem3A_310, %select_n3A_309 : i32
          %select_n3A_320 = arith.select %and3A_318, %add3A_319, %rem3A_310 : i32
          %get3A_321 = arith.index_cast %select_n3A_320 : i32 to index
          %get3A_322 = arith.index_cast %scan3A_303 : i32 to index
          %get3A_323 = arith.constant 0 : index
          %get3A_324 = tpu.vector_load %arg8[%get3A_321, %get3A_322, %get3A_323] {strides = array<i32>} : memref<2x128x16xf32, #tpu.memory_space<vmem>>, vector<16xf32>,
          %ge3A = arith.cmpf oge, %get3A_324, %min3A_146 : vector<16xf32>
          %mul3A_325 = arith.constant 128 : i32
          %mul3A_326 = arith.muli %while3A_254, %mul3A_325 : i32
          %add3A_327 = arith.addi %mul3A_326, %scan3A_303 : i32
          %jit3A_328 = arith.constant 16 : i32
          %div3A_329 = arith.divsi %add3A_327, %jit3A_328 : i32
          %sign3A_330 = arith.constant 0 : i32
          %sign3A_331 = arith.cmpi sgt, %add3A_327, %sign3A_330 : i32
          %sign3A_332 = arith.extui %sign3A_331 : i1 to i32
          %sign3A_333 = arith.constant 0 : i32
          %sign3A_334 = arith.cmpi slt, %add3A_327, %sign3A_333 : i32
          %sign3A_335 = arith.extui %sign3A_334 : i1 to i32
          %sign3A_336 = arith.subi %sign3A_332, %sign3A_335 : i32
          %sign3A_337 = arith.constant 0 : i32
          %sign3A_338 = arith.cmpi sgt, %jit3A_328, %sign3A_337 : i32
          %sign3A_339 = arith.extui %sign3A_338 : i1 to i32
          %sign3A_340 = arith.constant 0 : i32
          %sign3A_341 = arith.cmpi slt, %jit3A_328, %sign3A_340 : i32
          %sign3A_342 = arith.extui %sign3A_341 : i1 to i32
          %sign3A_343 = arith.subi %sign3A_339, %sign3A_342 : i32
          %ne3A_344 = arith.cmpi ne, %sign3A_336, %sign3A_343 : i32
          %rem3A_345 = arith.remsi %add3A_327, %jit3A_328 : i32
          %ne3A_346 = arith.constant 0 : i32
          %ne3A_347 = arith.cmpi ne, %rem3A_345, %ne3A_346 : i32
          %and3A_348 = arith.andi %ne3A_344, %ne3A_347 : i1
          %sub3A_349 = arith.constant 1 : i32
          %sub3A_350 = arith.subi %div3A_329, %sub3A_349 : i32
          %select_n3A_351 = arith.select %and3A_348, %sub3A_350, %div3A_329 : i32
          %mul3A_352 = arith.constant 16 : i32
          %mul3A_353 = arith.muli %select_n3A_351, %mul3A_352 : i32
          %get3A_354 = arith.index_cast %mul3A_353 : i32 to index
          %get3A_355 = tpu.vector_load %arg7[%get3A_354] {strides = array<i32>} : memref<1056xi32, #tpu.memory_space<vmem>>, vector<16xi32>,
          %sub3A_356 = arith.subi %add3A_327, %mul3A_353 : i32
          %mul3A_357 = vector.broadcast %sub3A_356 : i32 to vector<16xi32>
          %mul3A_358 = arith.muli %broadcast_in_dim3A_2, %mul3A_357 : vector<16xi32>
          %lt3A_359 = arith.constant 0 : i32
          %lt3A_360 = vector.broadcast %lt3A_359 : i32 to vector<16xi32>
          %lt3A_361 = arith.cmpi slt, %mul3A_358, %lt3A_360 : vector<16xi32>
          %add3A_362 = arith.constant 16 : i32
          %add3A_363 = vector.broadcast %add3A_362 : i32 to vector<16xi32>
          %add3A_364 = arith.addi %mul3A_358, %add3A_363 : vector<16xi32>
          %select_n3A_365 = arith.select %lt3A_361, %add3A_364, %mul3A_358 : vector<16xi1>, vector<16xi32>
          %broadcast_in_dim3A_366 = vector.shape_cast %select_n3A_365 : vector<16xi32> to vector<16x1xi32>
          %gather3A_367 = vector.shape_cast %broadcast_in_dim3A_366 : vector<16x1xi32> to vector<16xi32>
          %gather3A_368 = tpu.dynamic_gather %get3A_355[%gather3A_367] in [0] : vector<16xi32>, vector<16xi32> -> vector<16xi32>
          %mul3A_369 = arith.constant 6272 : i32
          %mul3A_370 = arith.muli %add3A_14, %mul3A_369 : i32
          %sub3A_371 = vector.broadcast %mul3A_370 : i32 to vector<16xi32>
          %sub3A_372 = arith.subi %gather3A_368, %sub3A_371 : vector<16xi32>
          %mul3A_373 = arith.constant 16 : i32
          %mul3A_374 = vector.broadcast %mul3A_373 : i32 to vector<16xi32>
          %mul3A_375 = arith.muli %sub3A_372, %mul3A_374 : vector<16xi32>
          %add3A_376 = arith.addi %mul3A_375, %iota3A : vector<16xi32>
          %masked_sort3A = arith.constant -2147483648 : i32
          %masked_sort3A_377 = vector.broadcast %masked_sort3A : i32 to vector<16xi32>
          %masked_sort3A_378 = arith.xori %iota3A, %masked_sort3A_377 : vector<16xi32>
          %masked_sort3A_379, %masked_sort3A_380, %masked_sort3A_381 = tpu.sort %masked_sort3A_378, %get3A_324 masked %ge3A : (vector<16xi32>, vector<16xf32>, vector<16xi1>) -> (vector<16xi1>, vector<16xi32>, vector<16xf32>)
          %masked_sort3A_382 = arith.xori %masked_sort3A_380, %masked_sort3A_377 : vector<16xi32>
          %masked_sort3A_383 = arith.constant -2147483648 : i32
          %masked_sort3A_384 = vector.broadcast %masked_sort3A_383 : i32 to vector<16xi32>
          %masked_sort3A_385 = arith.xori %iota3A, %masked_sort3A_384 : vector<16xi32>
          %masked_sort3A_386, %masked_sort3A_387, %masked_sort3A_388 = tpu.sort %masked_sort3A_385, %add3A_376 masked %ge3A : (vector<16xi32>, vector<16xi32>, vector<16xi1>) -> (vector<16xi1>, vector<16xi32>, vector<16xi32>)
          %masked_sort3A_389 = arith.xori %masked_sort3A_387, %masked_sort3A_384 : vector<16xi32>
          %swap3A = arith.index_cast %scan3A_304 : i32 to index
          %swap3A_390 = tpu.vector_load %arg9[%swap3A] {strides = array<i32>} : memref<1056xf32, #tpu.memory_space<vmem>>, vector<16xf32>,
          tpu.vector_store %arg9[%swap3A], %masked_sort3A_381 {strides = array<i32>} : memref<1056xf32, #tpu.memory_space<vmem>>, vector<16xf32>,
          %swap3A_391 = arith.index_cast %scan3A_304 : i32 to index
          %swap3A_392 = tpu.vector_load %arg10[%swap3A_391] {strides = array<i32>} : memref<1056xi32, #tpu.memory_space<vmem>>, vector<16xi32>,
          tpu.vector_store %arg10[%swap3A_391], %masked_sort3A_388 {strides = array<i32>} : memref<1056xi32, #tpu.memory_space<vmem>>, vector<16xi32>,
          %all_reduce_population_count3A = tpu.all_reduce %ge3A {dim = 0 : i64, kind = #tpu.reduction_kind<sum>} : vector<16xi1> -> vector<16xi32>
          %slice3A = vector.extract_strided_slice %all_reduce_population_count3A {offsets = [0], sizes = [1], strides = [1]} : vector<16xi32> to vector<1xi32>
          %squeeze3A = vector.extract %slice3A[0] : i32 from vector<1xi32>
          %add3A_393 = arith.addi %scan3A_304, %squeeze3A : i32
          %min3A_394 = arith.constant 1024 : i32
          %min3A_395 = arith.minsi %add3A_393, %min3A_394 : i32
          scf.yield %min3A_395 : i32
        }
        %scan3A_302 = arith.constant 128 : i32
        scf.yield %scan3A_301 : i32
      }
      %while3A_211 = arith.constant 1 : i32
      %while3A_212 = scf.for %while3A_254 = %while3A_208 to %while3A_204 step %while3A_211 iter_args(%while3A_255 = %while3A_210) -> (i32)  : i32 {
        %add3A_256 = arith.constant 1 : i32
        %add3A_257 = arith.addi %while3A_254, %add3A_256 : i32
        %min3A_258 = arith.constant 7 : i32
        %min3A_259 = arith.minsi %add3A_257, %min3A_258 : i32
        %mul3A_260 = arith.constant 128 : i32
        %mul3A_261 = arith.muli %min3A_259, %mul3A_260 : i32
        %add3A_262 = arith.constant 1 : i32
        %add3A_263 = arith.addi %while3A_254, %add3A_262 : i32
        %jit3A_264 = arith.constant 2 : i32
        %eq3A = arith.constant 0 : i32
        %eq3A_265 = arith.cmpi eq, %jit3A_264, %eq3A : i32
        %jit3A_266 = arith.constant 1 : i32
        %select_n3A_267 = arith.select %eq3A_265, %jit3A_266, %jit3A_264 : i32
        %rem3A_268 = arith.remsi %add3A_263, %select_n3A_267 : i32
        %ne3A_269 = arith.constant 0 : i32
        %ne3A_270 = arith.cmpi ne, %rem3A_268, %ne3A_269 : i32
        %lt3A_271 = arith.constant 0 : i32
        %lt3A_272 = arith.cmpi slt, %rem3A_268, %lt3A_271 : i32
        %lt3A_273 = arith.constant 0 : i32
        %lt3A_274 = arith.cmpi slt, %select_n3A_267, %lt3A_273 : i32
        %ne3A_275 = arith.xori %lt3A_272, %lt3A_274 : i1
        %and3A_276 = arith.andi %ne3A_275, %ne3A_270 : i1
        %add3A_277 = arith.addi %rem3A_268, %select_n3A_267 : i32
        %select_n3A_278 = arith.select %and3A_276, %add3A_277, %rem3A_268 : i32
        %dma_start3A_279 = arith.constant 0 : i32
        %dma_start3A_280 = arith.constant 0 : i32
        %dma_start3A_281 = tpu.memref_slice %arg8[%select_n3A_278, %dma_start3A_279, %dma_start3A_280] : memref<2x128x16xf32, #tpu.memory_space<vmem>> -> memref<1x128x16xf32, #tpu.memory_space<vmem>>
        %dma_start3A_282 = tpu.memref_squeeze %dma_start3A_281 : memref<1x128x16xf32, #tpu.memory_space<vmem>> -> memref<128x16xf32, #tpu.memory_space<vmem>>
        %dma_start3A_283 = tpu.memref_slice %arg7[%mul3A_261] : memref<1056xi32, #tpu.memory_space<vmem>> -> memref<128xi32, #tpu.memory_space<vmem>>
        %dma_start3A_284 = arith.constant 0 : i32
        %dma_start3A_285 = arith.constant 0 : i32
        %dma_start3A_286 = tpu.memref_slice %arg3[%dma_start3A_284, %dma_start3A_285] : memref<1605632x16xf32, #tpu.memory_space<hbm>> -> memref<1605632x16xf32, #tpu.memory_space<hbm>>
        tpu.enqueue_indirect_dma source(%dma_start3A_286 : memref<1605632x16xf32, #tpu.memory_space<hbm>>) target(%dma_start3A_282 : memref<128x16xf32, #tpu.memory_space<vmem>>) offsets(%dma_start3A_283 : memref<128xi32, #tpu.memory_space<vmem>>) semaphore(%arg13 : memref<!tpu.dma_semaphore, #tpu.memory_space<semaphore_mem>>)
        %dma_wait3A_287 = arith.constant 0 : i32
        %dma_wait3A_288 = arith.constant 0 : i32
        %dma_wait3A_289 = arith.constant 0 : i32
        %dma_wait3A_290 = tpu.memref_slice %arg8[%dma_wait3A_287, %dma_wait3A_288, %dma_wait3A_289] : memref<2x128x16xf32, #tpu.memory_space<vmem>> -> memref<1x128x16xf32, #tpu.memory_space<vmem>>
        %dma_wait3A_291 = tpu.memref_squeeze %dma_wait3A_290 : memref<1x128x16xf32, #tpu.memory_space<vmem>> -> memref<128x16xf32, #tpu.memory_space<vmem>>
        %dma_wait3A_292 = arith.constant 0 : i32
        %dma_wait3A_293 = tpu.memref_slice %arg7[%dma_wait3A_292] : memref<1056xi32, #tpu.memory_space<vmem>> -> memref<128xi32, #tpu.memory_space<vmem>>
        %dma_wait3A_294 = arith.constant 0 : i32
        %dma_wait3A_295 = arith.constant 0 : i32
        %dma_wait3A_296 = tpu.memref_slice %arg3[%dma_wait3A_294, %dma_wait3A_295] : memref<1605632x16xf32, #tpu.memory_space<hbm>> -> memref<1605632x16xf32, #tpu.memory_space<hbm>>
        tpu.wait_indirect_dma semaphore(%arg13 : memref<!tpu.dma_semaphore, #tpu.memory_space<semaphore_mem>>) src(%dma_wait3A_296 : memref<1605632x16xf32, #tpu.memory_space<hbm>>) dst(%dma_wait3A_291 : memref<128x16xf32, #tpu.memory_space<vmem>>)
        %scan3A_297 = arith.constant 0 : i32
        %scan3A_298 = arith.constant 128 : i32
        %scan3A_299 = arith.addi %scan3A_297, %scan3A_298 : i32
        %scan3A_300 = arith.constant 1 : i32
        %scan3A_301 = scf.for %scan3A_303 = %scan3A_297 to %scan3A_299 step %scan3A_300 iter_args(%scan3A_304 = %while3A_255) -> (i32)  : i32 {
          %jit3A_305 = arith.constant 2 : i32
          %eq3A_306 = arith.constant 0 : i32
          %eq3A_307 = arith.cmpi eq, %jit3A_305, %eq3A_306 : i32
          %jit3A_308 = arith.constant 1 : i32
          %select_n3A_309 = arith.select %eq3A_307, %jit3A_308, %jit3A_305 : i32
          %rem3A_310 = arith.remsi %while3A_254, %select_n3A_309 : i32
          %ne3A_311 = arith.constant 0 : i32
          %ne3A_312 = arith.cmpi ne, %rem3A_310, %ne3A_311 : i32
          %lt3A_313 = arith.constant 0 : i32
          %lt3A_314 = arith.cmpi slt, %rem3A_310, %lt3A_313 : i32
          %lt3A_315 = arith.constant 0 : i32
          %lt3A_316 = arith.cmpi slt, %select_n3A_309, %lt3A_315 : i32
          %ne3A_317 = arith.xori %lt3A_314, %lt3A_316 : i1
          %and3A_318 = arith.andi %ne3A_317, %ne3A_312 : i1
          %add3A_319 = arith.addi %rem3A_310, %select_n3A_309 : i32
          %select_n3A_320 = arith.select %and3A_318, %add3A_319, %rem3A_310 : i32
          %get3A_321 = arith.index_cast %select_n3A_320 : i32 to index
          %get3A_322 = arith.index_cast %scan3A_303 : i32 to index
          %get3A_323 = arith.constant 0 : index
          %get3A_324 = tpu.vector_load %arg8[%get3A_321, %get3A_322, %get3A_323] {strides = array<i32>} : memref<2x128x16xf32, #tpu.memory_space<vmem>>, vector<16xf32>,
          %ge3A = arith.cmpf oge, %get3A_324, %min3A_146 : vector<16xf32>
          %mul3A_325 = arith.constant 128 : i32
          %mul3A_326 = arith.muli %while3A_254, %mul3A_325 : i32
          %add3A_327 = arith.addi %mul3A_326, %scan3A_303 : i32
          %jit3A_328 = arith.constant 16 : i32
          %div3A_329 = arith.divsi %add3A_327, %jit3A_328 : i32
          %sign3A_330 = arith.constant 0 : i32
          %sign3A_331 = arith.cmpi sgt, %add3A_327, %sign3A_330 : i32
          %sign3A_332 = arith.extui %sign3A_331 : i1 to i32
          %sign3A_333 = arith.constant 0 : i32
          %sign3A_334 = arith.cmpi slt, %add3A_327, %sign3A_333 : i32
          %sign3A_335 = arith.extui %sign3A_334 : i1 to i32
          %sign3A_336 = arith.subi %sign3A_332, %sign3A_335 : i32
          %sign3A_337 = arith.constant 0 : i32
          %sign3A_338 = arith.cmpi sgt, %jit3A_328, %sign3A_337 : i32
          %sign3A_339 = arith.extui %sign3A_338 : i1 to i32
          %sign3A_340 = arith.constant 0 : i32
          %sign3A_341 = arith.cmpi slt, %jit3A_328, %sign3A_340 : i32
          %sign3A_342 = arith.extui %sign3A_341 : i1 to i32
          %sign3A_343 = arith.subi %sign3A_339, %sign3A_342 : i32
          %ne3A_344 = arith.cmpi ne, %sign3A_336, %sign3A_343 : i32
          %rem3A_345 = arith.remsi %add3A_327, %jit3A_328 : i32
          %ne3A_346 = arith.constant 0 : i32
          %ne3A_347 = arith.cmpi ne, %rem3A_345, %ne3A_346 : i32
          %and3A_348 = arith.andi %ne3A_344, %ne3A_347 : i1
          %sub3A_349 = arith.constant 1 : i32
          %sub3A_350 = arith.subi %div3A_329, %sub3A_349 : i32
          %select_n3A_351 = arith.select %and3A_348, %sub3A_350, %div3A_329 : i32
          %mul3A_352 = arith.constant 16 : i32
          %mul3A_353 = arith.muli %select_n3A_351, %mul3A_352 : i32
          %get3A_354 = arith.index_cast %mul3A_353 : i32 to index
          %get3A_355 = tpu.vector_load %arg7[%get3A_354] {strides = array<i32>} : memref<1056xi32, #tpu.memory_space<vmem>>, vector<16xi32>,
          %sub3A_356 = arith.subi %add3A_327, %mul3A_353 : i32
          %mul3A_357 = vector.broadcast %sub3A_356 : i32 to vector<16xi32>
          %mul3A_358 = arith.muli %broadcast_in_dim3A_2, %mul3A_357 : vector<16xi32>
          %lt3A_359 = arith.constant 0 : i32
          %lt3A_360 = vector.broadcast %lt3A_359 : i32 to vector<16xi32>
          %lt3A_361 = arith.cmpi slt, %mul3A_358, %lt3A_360 : vector<16xi32>
          %add3A_362 = arith.constant 16 : i32
          %add3A_363 = vector.broadcast %add3A_362 : i32 to vector<16xi32>
          %add3A_364 = arith.addi %mul3A_358, %add3A_363 : vector<16xi32>
          %select_n3A_365 = arith.select %lt3A_361, %add3A_364, %mul3A_358 : vector<16xi1>, vector<16xi32>
          %broadcast_in_dim3A_366 = vector.shape_cast %select_n3A_365 : vector<16xi32> to vector<16x1xi32>
          %gather3A_367 = vector.shape_cast %broadcast_in_dim3A_366 : vector<16x1xi32> to vector<16xi32>
          %gather3A_368 = tpu.dynamic_gather %get3A_355[%gather3A_367] in [0] : vector<16xi32>, vector<16xi32> -> vector<16xi32>
          %mul3A_369 = arith.constant 6272 : i32
          %mul3A_370 = arith.muli %add3A_14, %mul3A_369 : i32
          %sub3A_371 = vector.broadcast %mul3A_370 : i32 to vector<16xi32>
          %sub3A_372 = arith.subi %gather3A_368, %sub3A_371 : vector<16xi32>
          %mul3A_373 = arith.constant 16 : i32
          %mul3A_374 = vector.broadcast %mul3A_373 : i32 to vector<16xi32>
          %mul3A_375 = arith.muli %sub3A_372, %mul3A_374 : vector<16xi32>
          %add3A_376 = arith.addi %mul3A_375, %iota3A : vector<16xi32>
          %masked_sort3A = arith.constant -2147483648 : i32
          %masked_sort3A_377 = vector.broadcast %masked_sort3A : i32 to vector<16xi32>
          %masked_sort3A_378 = arith.xori %iota3A, %masked_sort3A_377 : vector<16xi32>
          %masked_sort3A_379, %masked_sort3A_380, %masked_sort3A_381 = tpu.sort %masked_sort3A_378, %get3A_324 masked %ge3A : (vector<16xi32>, vector<16xf32>, vector<16xi1>) -> (vector<16xi1>, vector<16xi32>, vector<16xf32>)
          %masked_sort3A_382 = arith.xori %masked_sort3A_380, %masked_sort3A_377 : vector<16xi32>
          %masked_sort3A_383 = arith.constant -2147483648 : i32
          %masked_sort3A_384 = vector.broadcast %masked_sort3A_383 : i32 to vector<16xi32>
          %masked_sort3A_385 = arith.xori %iota3A, %masked_sort3A_384 : vector<16xi32>
          %masked_sort3A_386, %masked_sort3A_387, %masked_sort3A_388 = tpu.sort %masked_sort3A_385, %add3A_376 masked %ge3A : (vector<16xi32>, vector<16xi32>, vector<16xi1>) -> (vector<16xi1>, vector<16xi32>, vector<16xi32>)
          %masked_sort3A_389 = arith.xori %masked_sort3A_387, %masked_sort3A_384 : vector<16xi32>
          %swap3A = arith.index_cast %scan3A_304 : i32 to index
          %swap3A_390 = tpu.vector_load %arg9[%swap3A] {strides = array<i32>} : memref<1056xf32, #tpu.memory_space<vmem>>, vector<16xf32>,
          tpu.vector_store %arg9[%swap3A], %masked_sort3A_381 {strides = array<i32>} : memref<1056xf32, #tpu.memory_space<vmem>>, vector<16xf32>,
          %swap3A_391 = arith.index_cast %scan3A_304 : i32 to index
          %swap3A_392 = tpu.vector_load %arg10[%swap3A_391] {strides = array<i32>} : memref<1056xi32, #tpu.memory_space<vmem>>, vector<16xi32>,
          tpu.vector_store %arg10[%swap3A_391], %masked_sort3A_388 {strides = array<i32>} : memref<1056xi32, #tpu.memory_space<vmem>>, vector<16xi32>,
          %all_reduce_population_count3A = tpu.all_reduce %ge3A {dim = 0 : i64, kind = #tpu.reduction_kind<sum>} : vector<16xi1> -> vector<16xi32>
          %slice3A = vector.extract_strided_slice %all_reduce_population_count3A {offsets = [0], sizes = [1], strides = [1]} : vector<16xi32> to vector<1xi32>
          %squeeze3A = vector.extract %slice3A[0] : i32 from vector<1xi32>
          %add3A_393 = arith.addi %scan3A_304, %squeeze3A : i32
          %min3A_394 = arith.constant 1024 : i32
          %min3A_395 = arith.minsi %add3A_393, %min3A_394 : i32
          scf.yield %min3A_395 : i32
        }
        %scan3A_302 = arith.constant 128 : i32
        scf.yield %scan3A_301 : i32
      }
      %dma_wait3A = arith.constant 0 : i32
      %dma_wait3A_213 = arith.constant 0 : i32
      %dma_wait3A_214 = arith.constant 0 : i32
      %dma_wait3A_215 = tpu.memref_slice %arg8[%dma_wait3A, %dma_wait3A_213, %dma_wait3A_214] : memref<2x128x16xf32, #tpu.memory_space<vmem>> -> memref<1x128x16xf32, #tpu.memory_space<vmem>>
      %dma_wait3A_216 = tpu.memref_squeeze %dma_wait3A_215 : memref<1x128x16xf32, #tpu.memory_space<vmem>> -> memref<128x16xf32, #tpu.memory_space<vmem>>
      %dma_wait3A_217 = arith.constant 0 : i32
      %dma_wait3A_218 = tpu.memref_slice %arg7[%dma_wait3A_217] : memref<1056xi32, #tpu.memory_space<vmem>> -> memref<128xi32, #tpu.memory_space<vmem>>
      %dma_wait3A_219 = arith.constant 0 : i32
      %dma_wait3A_220 = arith.constant 0 : i32
      %dma_wait3A_221 = tpu.memref_slice %arg3[%dma_wait3A_219, %dma_wait3A_220] : memref<1605632x16xf32, #tpu.memory_space<hbm>> -> memref<1605632x16xf32, #tpu.memory_space<hbm>>
      tpu.wait_indirect_dma semaphore(%arg13 : memref<!tpu.dma_semaphore, #tpu.memory_space<semaphore_mem>>) src(%dma_wait3A_221 : memref<1605632x16xf32, #tpu.memory_space<hbm>>) dst(%dma_wait3A_216 : memref<128x16xf32, #tpu.memory_space<vmem>>)
      %add3A_222 = arith.constant 15 : i32
      %add3A_223 = arith.addi %while3A_212, %add3A_222 : i32
      %jit3A_224 = arith.constant 16 : i32
      %div3A_225 = arith.divsi %add3A_223, %jit3A_224 : i32
      %sign3A_226 = arith.constant 0 : i32
      %sign3A_227 = arith.cmpi sgt, %add3A_223, %sign3A_226 : i32
      %sign3A_228 = arith.extui %sign3A_227 : i1 to i32
      %sign3A_229 = arith.constant 0 : i32
      %sign3A_230 = arith.cmpi slt, %add3A_223, %sign3A_229 : i32
      %sign3A_231 = arith.extui %sign3A_230 : i1 to i32
      %sign3A_232 = arith.subi %sign3A_228, %sign3A_231 : i32
      %sign3A_233 = arith.constant 0 : i32
      %sign3A_234 = arith.cmpi sgt, %jit3A_224, %sign3A_233 : i32
      %sign3A_235 = arith.extui %sign3A_234 : i1 to i32
      %sign3A_236 = arith.constant 0 : i32
      %sign3A_237 = arith.cmpi slt, %jit3A_224, %sign3A_236 : i32
      %sign3A_238 = arith.extui %sign3A_237 : i1 to i32
      %sign3A_239 = arith.subi %sign3A_235, %sign3A_238 : i32
      %ne3A_240 = arith.cmpi ne, %sign3A_232, %sign3A_239 : i32
      %rem3A_241 = arith.remsi %add3A_223, %jit3A_224 : i32
      %ne3A_242 = arith.constant 0 : i32
      %ne3A_243 = arith.cmpi ne, %rem3A_241, %ne3A_242 : i32
      %and3A_244 = arith.andi %ne3A_240, %ne3A_243 : i1
      %sub3A_245 = arith.constant 1 : i32
      %sub3A_246 = arith.subi %div3A_225, %sub3A_245 : i32
      %select_n3A_247 = arith.select %and3A_244, %sub3A_246, %div3A_225 : i32
      %scan3A_248 = arith.constant 0 : i32
      %scan3A_249 = arith.constant 0 : i32
      %scan3A_250 = arith.constant 64 : i32
      %scan3A_251 = arith.addi %scan3A_249, %scan3A_250 : i32
      %scan3A_252 = arith.constant 1 : i32
      scf.for %scan3A_254 = %scan3A_249 to %scan3A_251 step %scan3A_252  : i32 {
        %while3A_255 = arith.constant 0 : i32
        %while3A_256 = arith.subi %select_n3A_247, %while3A_255 : i32
        %while3A_257 = arith.addi %while3A_255, %while3A_256 : i32
        %while3A_258 = arith.constant 1 : i32
        %while3A_259 = arith.divsi %while3A_256, %while3A_258 : i32
        %while3A_260 = arith.muli %while3A_259, %while3A_258 : i32
        %while3A_261 = arith.addi %while3A_255, %while3A_260 : i32
        %while3A_262 = arith.constant 1 : i32
        %while3A_263:2 = scf.for %while3A_524 = %while3A_255 to %while3A_261 step %while3A_262 iter_args(%while3A_525 = %broadcast_in_dim3A_4, %while3A_526 = %broadcast_in_dim3A_0) -> (vector<16xf32>, vector<16xi32>)  : i32 {
          %mul3A_527 = arith.constant 16 : i32
          %mul3A_528 = arith.muli %while3A_524, %mul3A_527 : i32
          %get3A_529 = arith.index_cast %mul3A_528 : i32 to index
          %get3A_530 = tpu.vector_load %arg9[%get3A_529] {strides = array<i32>} : memref<1056xf32, #tpu.memory_space<vmem>>, vector<16xf32>,
          %gt3A = arith.cmpf ogt, %get3A_530, %while3A_525 : vector<16xf32>
          %mul3A_531 = vector.broadcast %while3A_524 : i32 to vector<16xi32>
          %mul3A_532 = arith.muli %broadcast_in_dim3A_2, %mul3A_531 : vector<16xi32>
          %select_n3A_533 = arith.select %gt3A, %mul3A_532, %while3A_526 : vector<16xi1>, vector<16xi32>
          %max3A_534 = arith.maximumf %while3A_525, %get3A_530 : vector<16xf32>
          scf.yield %max3A_534, %select_n3A_533 : vector<16xf32>, vector<16xi32>
        }
        %while3A_264 = arith.constant 1 : i32
        %while3A_265:2 = scf.for %while3A_524 = %while3A_261 to %while3A_257 step %while3A_264 iter_args(%while3A_525 = %while3A_263#0, %while3A_526 = %while3A_263#1) -> (vector<16xf32>, vector<16xi32>)  : i32 {
          %mul3A_527 = arith.constant 16 : i32
          %mul3A_528 = arith.muli %while3A_524, %mul3A_527 : i32
          %get3A_529 = arith.index_cast %mul3A_528 : i32 to index
          %get3A_530 = tpu.vector_load %arg9[%get3A_529] {strides = array<i32>} : memref<1056xf32, #tpu.memory_space<vmem>>, vector<16xf32>,
          %gt3A = arith.cmpf ogt, %get3A_530, %while3A_525 : vector<16xf32>
          %mul3A_531 = vector.broadcast %while3A_524 : i32 to vector<16xi32>
          %mul3A_532 = arith.muli %broadcast_in_dim3A_2, %mul3A_531 : vector<16xi32>
          %select_n3A_533 = arith.select %gt3A, %mul3A_532, %while3A_526 : vector<16xi1>, vector<16xi32>
          %max3A_534 = arith.maximumf %while3A_525, %get3A_530 : vector<16xf32>
          scf.yield %max3A_534, %select_n3A_533 : vector<16xf32>, vector<16xi32>
        }
        %add3A_266 = arith.constant 8 : i32
        %add3A_267 = vector.broadcast %add3A_266 : i32 to vector<16xi32>
        %add3A_268 = arith.addi %iota3A, %add3A_267 : vector<16xi32>
        %and3A_269 = arith.constant 15 : i32
        %and3A_270 = vector.broadcast %and3A_269 : i32 to vector<16xi32>
        %and3A_271 = arith.andi %add3A_268, %and3A_270 : vector<16xi32>
        %lt3A_272 = arith.constant 0 : i32
        %lt3A_273 = vector.broadcast %lt3A_272 : i32 to vector<16xi32>
        %lt3A_274 = arith.cmpi slt, %and3A_271, %lt3A_273 : vector<16xi32>
        %add3A_275 = arith.constant 16 : i32
        %add3A_276 = vector.broadcast %add3A_275 : i32 to vector<16xi32>
        %add3A_277 = arith.addi %and3A_271, %add3A_276 : vector<16xi32>
        %select_n3A_278 = arith.select %lt3A_274, %add3A_277, %and3A_271 : vector<16xi1>, vector<16xi32>
        %broadcast_in_dim3A_279 = vector.shape_cast %select_n3A_278 : vector<16xi32> to vector<16x1xi32>
        %gather3A_280 = vector.shape_cast %broadcast_in_dim3A_279 : vector<16x1xi32> to vector<16xi32>
        %gather3A_281 = tpu.dynamic_gather %while3A_265#0[%gather3A_280] in [0] : vector<16xf32>, vector<16xi32> -> vector<16xf32>
        %max3A_282 = arith.maximumf %while3A_265#0, %gather3A_281 : vector<16xf32>
        %add3A_283 = arith.constant 4 : i32
        %add3A_284 = vector.broadcast %add3A_283 : i32 to vector<16xi32>
        %add3A_285 = arith.addi %iota3A, %add3A_284 : vector<16xi32>
        %and3A_286 = arith.constant 15 : i32
        %and3A_287 = vector.broadcast %and3A_286 : i32 to vector<16xi32>
        %and3A_288 = arith.andi %add3A_285, %and3A_287 : vector<16xi32>
        %lt3A_289 = arith.constant 0 : i32
        %lt3A_290 = vector.broadcast %lt3A_289 : i32 to vector<16xi32>
        %lt3A_291 = arith.cmpi slt, %and3A_288, %lt3A_290 : vector<16xi32>
        %add3A_292 = arith.constant 16 : i32
        %add3A_293 = vector.broadcast %add3A_292 : i32 to vector<16xi32>
        %add3A_294 = arith.addi %and3A_288, %add3A_293 : vector<16xi32>
        %select_n3A_295 = arith.select %lt3A_291, %add3A_294, %and3A_288 : vector<16xi1>, vector<16xi32>
        %broadcast_in_dim3A_296 = vector.shape_cast %select_n3A_295 : vector<16xi32> to vector<16x1xi32>
        %gather3A_297 = vector.shape_cast %broadcast_in_dim3A_296 : vector<16x1xi32> to vector<16xi32>
        %gather3A_298 = tpu.dynamic_gather %max3A_282[%gather3A_297] in [0] : vector<16xf32>, vector<16xi32> -> vector<16xf32>
        %max3A_299 = arith.maximumf %max3A_282, %gather3A_298 : vector<16xf32>
        %add3A_300 = arith.constant 2 : i32
        %add3A_301 = vector.broadcast %add3A_300 : i32 to vector<16xi32>
        %add3A_302 = arith.addi %iota3A, %add3A_301 : vector<16xi32>
        %and3A_303 = arith.constant 15 : i32
        %and3A_304 = vector.broadcast %and3A_303 : i32 to vector<16xi32>
        %and3A_305 = arith.andi %add3A_302, %and3A_304 : vector<16xi32>
        %lt3A_306 = arith.constant 0 : i32
        %lt3A_307 = vector.broadcast %lt3A_306 : i32 to vector<16xi32>
        %lt3A_308 = arith.cmpi slt, %and3A_305, %lt3A_307 : vector<16xi32>
        %add3A_309 = arith.constant 16 : i32
        %add3A_310 = vector.broadcast %add3A_309 : i32 to vector<16xi32>
        %add3A_311 = arith.addi %and3A_305, %add3A_310 : vector<16xi32>
        %select_n3A_312 = arith.select %lt3A_308, %add3A_311, %and3A_305 : vector<16xi1>, vector<16xi32>
        %broadcast_in_dim3A_313 = vector.shape_cast %select_n3A_312 : vector<16xi32> to vector<16x1xi32>
        %gather3A_314 = vector.shape_cast %broadcast_in_dim3A_313 : vector<16x1xi32> to vector<16xi32>
        %gather3A_315 = tpu.dynamic_gather %max3A_299[%gather3A_314] in [0] : vector<16xf32>, vector<16xi32> -> vector<16xf32>
        %max3A_316 = arith.maximumf %max3A_299, %gather3A_315 : vector<16xf32>
        %add3A_317 = arith.constant 1 : i32
        %add3A_318 = vector.broadcast %add3A_317 : i32 to vector<16xi32>
        %add3A_319 = arith.addi %iota3A, %add3A_318 : vector<16xi32>
        %and3A_320 = arith.constant 15 : i32
        %and3A_321 = vector.broadcast %and3A_320 : i32 to vector<16xi32>
        %and3A_322 = arith.andi %add3A_319, %and3A_321 : vector<16xi32>
        %lt3A_323 = arith.constant 0 : i32
        %lt3A_324 = vector.broadcast %lt3A_323 : i32 to vector<16xi32>
        %lt3A_325 = arith.cmpi slt, %and3A_322, %lt3A_324 : vector<16xi32>
        %add3A_326 = arith.constant 16 : i32
        %add3A_327 = vector.broadcast %add3A_326 : i32 to vector<16xi32>
        %add3A_328 = arith.addi %and3A_322, %add3A_327 : vector<16xi32>
        %select_n3A_329 = arith.select %lt3A_325, %add3A_328, %and3A_322 : vector<16xi1>, vector<16xi32>
        %broadcast_in_dim3A_330 = vector.shape_cast %select_n3A_329 : vector<16xi32> to vector<16x1xi32>
        %gather3A_331 = vector.shape_cast %broadcast_in_dim3A_330 : vector<16x1xi32> to vector<16xi32>
        %gather3A_332 = tpu.dynamic_gather %max3A_316[%gather3A_331] in [0] : vector<16xf32>, vector<16xi32> -> vector<16xf32>
        %max3A_333 = arith.maximumf %max3A_316, %gather3A_332 : vector<16xf32>
        %eq3A = arith.cmpf oeq, %while3A_265#0, %max3A_333 : vector<16xf32>
        %mul3A_334 = arith.constant 16 : i32
        %mul3A_335 = vector.broadcast %mul3A_334 : i32 to vector<16xi32>
        %mul3A_336 = arith.muli %while3A_265#1, %mul3A_335 : vector<16xi32>
        %add3A_337 = arith.addi %mul3A_336, %iota3A : vector<16xi32>
        %broadcast_in_dim3A_338 = arith.constant 1073741824 : i32
        %broadcast_in_dim3A_339 = vector.broadcast %broadcast_in_dim3A_338 : i32 to vector<16xi32>
        %select_n3A_340 = arith.select %eq3A, %add3A_337, %broadcast_in_dim3A_339 : vector<16xi1>, vector<16xi32>
        %add3A_341 = arith.constant 8 : i32
        %add3A_342 = vector.broadcast %add3A_341 : i32 to vector<16xi32>
        %add3A_343 = arith.addi %iota3A, %add3A_342 : vector<16xi32>
        %and3A_344 = arith.constant 15 : i32
        %and3A_345 = vector.broadcast %and3A_344 : i32 to vector<16xi32>
        %and3A_346 = arith.andi %add3A_343, %and3A_345 : vector<16xi32>
        %lt3A_347 = arith.constant 0 : i32
        %lt3A_348 = vector.broadcast %lt3A_347 : i32 to vector<16xi32>
        %lt3A_349 = arith.cmpi slt, %and3A_346, %lt3A_348 : vector<16xi32>
        %add3A_350 = arith.constant 16 : i32
        %add3A_351 = vector.broadcast %add3A_350 : i32 to vector<16xi32>
        %add3A_352 = arith.addi %and3A_346, %add3A_351 : vector<16xi32>
        %select_n3A_353 = arith.select %lt3A_349, %add3A_352, %and3A_346 : vector<16xi1>, vector<16xi32>
        %broadcast_in_dim3A_354 = vector.shape_cast %select_n3A_353 : vector<16xi32> to vector<16x1xi32>
        %gather3A_355 = vector.shape_cast %broadcast_in_dim3A_354 : vector<16x1xi32> to vector<16xi32>
        %gather3A_356 = tpu.dynamic_gather %select_n3A_340[%gather3A_355] in [0] : vector<16xi32>, vector<16xi32> -> vector<16xi32>
        %min3A_357 = arith.minsi %select_n3A_340, %gather3A_356 : vector<16xi32>
        %add3A_358 = arith.constant 4 : i32
        %add3A_359 = vector.broadcast %add3A_358 : i32 to vector<16xi32>
        %add3A_360 = arith.addi %iota3A, %add3A_359 : vector<16xi32>
        %and3A_361 = arith.constant 15 : i32
        %and3A_362 = vector.broadcast %and3A_361 : i32 to vector<16xi32>
        %and3A_363 = arith.andi %add3A_360, %and3A_362 : vector<16xi32>
        %lt3A_364 = arith.constant 0 : i32
        %lt3A_365 = vector.broadcast %lt3A_364 : i32 to vector<16xi32>
        %lt3A_366 = arith.cmpi slt, %and3A_363, %lt3A_365 : vector<16xi32>
        %add3A_367 = arith.constant 16 : i32
        %add3A_368 = vector.broadcast %add3A_367 : i32 to vector<16xi32>
        %add3A_369 = arith.addi %and3A_363, %add3A_368 : vector<16xi32>
        %select_n3A_370 = arith.select %lt3A_366, %add3A_369, %and3A_363 : vector<16xi1>, vector<16xi32>
        %broadcast_in_dim3A_371 = vector.shape_cast %select_n3A_370 : vector<16xi32> to vector<16x1xi32>
        %gather3A_372 = vector.shape_cast %broadcast_in_dim3A_371 : vector<16x1xi32> to vector<16xi32>
        %gather3A_373 = tpu.dynamic_gather %min3A_357[%gather3A_372] in [0] : vector<16xi32>, vector<16xi32> -> vector<16xi32>
        %min3A_374 = arith.minsi %min3A_357, %gather3A_373 : vector<16xi32>
        %add3A_375 = arith.constant 2 : i32
        %add3A_376 = vector.broadcast %add3A_375 : i32 to vector<16xi32>
        %add3A_377 = arith.addi %iota3A, %add3A_376 : vector<16xi32>
        %and3A_378 = arith.constant 15 : i32
        %and3A_379 = vector.broadcast %and3A_378 : i32 to vector<16xi32>
        %and3A_380 = arith.andi %add3A_377, %and3A_379 : vector<16xi32>
        %lt3A_381 = arith.constant 0 : i32
        %lt3A_382 = vector.broadcast %lt3A_381 : i32 to vector<16xi32>
        %lt3A_383 = arith.cmpi slt, %and3A_380, %lt3A_382 : vector<16xi32>
        %add3A_384 = arith.constant 16 : i32
        %add3A_385 = vector.broadcast %add3A_384 : i32 to vector<16xi32>
        %add3A_386 = arith.addi %and3A_380, %add3A_385 : vector<16xi32>
        %select_n3A_387 = arith.select %lt3A_383, %add3A_386, %and3A_380 : vector<16xi1>, vector<16xi32>
        %broadcast_in_dim3A_388 = vector.shape_cast %select_n3A_387 : vector<16xi32> to vector<16x1xi32>
        %gather3A_389 = vector.shape_cast %broadcast_in_dim3A_388 : vector<16x1xi32> to vector<16xi32>
        %gather3A_390 = tpu.dynamic_gather %min3A_374[%gather3A_389] in [0] : vector<16xi32>, vector<16xi32> -> vector<16xi32>
        %min3A_391 = arith.minsi %min3A_374, %gather3A_390 : vector<16xi32>
        %add3A_392 = arith.constant 1 : i32
        %add3A_393 = vector.broadcast %add3A_392 : i32 to vector<16xi32>
        %add3A_394 = arith.addi %iota3A, %add3A_393 : vector<16xi32>
        %and3A_395 = arith.constant 15 : i32
        %and3A_396 = vector.broadcast %and3A_395 : i32 to vector<16xi32>
        %and3A_397 = arith.andi %add3A_394, %and3A_396 : vector<16xi32>
        %lt3A_398 = arith.constant 0 : i32
        %lt3A_399 = vector.broadcast %lt3A_398 : i32 to vector<16xi32>
        %lt3A_400 = arith.cmpi slt, %and3A_397, %lt3A_399 : vector<16xi32>
        %add3A_401 = arith.constant 16 : i32
        %add3A_402 = vector.broadcast %add3A_401 : i32 to vector<16xi32>
        %add3A_403 = arith.addi %and3A_397, %add3A_402 : vector<16xi32>
        %select_n3A_404 = arith.select %lt3A_400, %add3A_403, %and3A_397 : vector<16xi1>, vector<16xi32>
        %broadcast_in_dim3A_405 = vector.shape_cast %select_n3A_404 : vector<16xi32> to vector<16x1xi32>
        %gather3A_406 = vector.shape_cast %broadcast_in_dim3A_405 : vector<16x1xi32> to vector<16xi32>
        %gather3A_407 = tpu.dynamic_gather %min3A_391[%gather3A_406] in [0] : vector<16xi32>, vector<16xi32> -> vector<16xi32>
        %min3A_408 = arith.minsi %min3A_391, %gather3A_407 : vector<16xi32>
        %jit3A_409 = arith.constant 16 : i32
        %eq3A_410 = arith.constant 0 : i32
        %eq3A_411 = arith.cmpi eq, %jit3A_409, %eq3A_410 : i32
        %jit3A_412 = arith.constant 1 : i32
        %select_n3A_413 = arith.select %eq3A_411, %jit3A_412, %jit3A_409 : i32
        %rem3A_414 = vector.broadcast %select_n3A_413 : i32 to vector<16xi32>
        %rem3A_415 = arith.remsi %min3A_408, %rem3A_414 : vector<16xi32>
        %ne3A_416 = arith.constant 0 : i32
        %ne3A_417 = vector.broadcast %ne3A_416 : i32 to vector<16xi32>
        %ne3A_418 = arith.cmpi ne, %rem3A_415, %ne3A_417 : vector<16xi32>
        %lt3A_419 = arith.constant 0 : i32
        %lt3A_420 = vector.broadcast %lt3A_419 : i32 to vector<16xi32>
        %lt3A_421 = arith.cmpi slt, %rem3A_415, %lt3A_420 : vector<16xi32>
        %lt3A_422 = arith.constant 0 : i32
        %lt3A_423 = arith.cmpi slt, %select_n3A_413, %lt3A_422 : i32
        %ne3A_424 = vector.broadcast %lt3A_423 : i1 to vector<16xi1>
        %ne3A_425 = vector.broadcast %ne3A_424 : vector<16xi1> to vector<16xi1>
        %ne3A_426 = arith.xori %lt3A_421, %ne3A_425 : vector<16xi1>
        %and3A_427 = arith.andi %ne3A_426, %ne3A_418 : vector<16xi1>
        %add3A_428 = vector.broadcast %select_n3A_413 : i32 to vector<16xi32>
        %add3A_429 = arith.addi %rem3A_415, %add3A_428 : vector<16xi32>
        %select_n3A_430 = arith.select %and3A_427, %add3A_429, %rem3A_415 : vector<16xi1>, vector<16xi32>
        %jit3A_431 = arith.constant 16 : i32
        %div3A_432 = vector.broadcast %jit3A_431 : i32 to vector<16xi32>
        %div3A_433 = arith.divsi %min3A_408, %div3A_432 : vector<16xi32>
        %sign3A_434 = arith.constant 0 : i32
        %sign3A_435 = vector.broadcast %sign3A_434 : i32 to vector<16xi32>
        %sign3A_436 = arith.cmpi sgt, %min3A_408, %sign3A_435 : vector<16xi32>
        %sign3A_437 = arith.extui %sign3A_436 : vector<16xi1> to vector<16xi32>
        %sign3A_438 = arith.constant 0 : i32
        %sign3A_439 = vector.broadcast %sign3A_438 : i32 to vector<16xi32>
        %sign3A_440 = arith.cmpi slt, %min3A_408, %sign3A_439 : vector<16xi32>
        %sign3A_441 = arith.extui %sign3A_440 : vector<16xi1> to vector<16xi32>
        %sign3A_442 = arith.subi %sign3A_437, %sign3A_441 : vector<16xi32>
        %sign3A_443 = arith.constant 0 : i32
        %sign3A_444 = arith.cmpi sgt, %jit3A_431, %sign3A_443 : i32
        %sign3A_445 = arith.extui %sign3A_444 : i1 to i32
        %sign3A_446 = arith.constant 0 : i32
        %sign3A_447 = arith.cmpi slt, %jit3A_431, %sign3A_446 : i32
        %sign3A_448 = arith.extui %sign3A_447 : i1 to i32
        %sign3A_449 = arith.subi %sign3A_445, %sign3A_448 : i32
        %ne3A_450 = vector.broadcast %sign3A_449 : i32 to vector<16xi32>
        %ne3A_451 = arith.cmpi ne, %sign3A_442, %ne3A_450 : vector<16xi32>
        %rem3A_452 = vector.broadcast %jit3A_431 : i32 to vector<16xi32>
        %rem3A_453 = arith.remsi %min3A_408, %rem3A_452 : vector<16xi32>
        %ne3A_454 = arith.constant 0 : i32
        %ne3A_455 = vector.broadcast %ne3A_454 : i32 to vector<16xi32>
        %ne3A_456 = arith.cmpi ne, %rem3A_453, %ne3A_455 : vector<16xi32>
        %and3A_457 = arith.andi %ne3A_451, %ne3A_456 : vector<16xi1>
        %sub3A_458 = arith.constant 1 : i32
        %sub3A_459 = vector.broadcast %sub3A_458 : i32 to vector<16xi32>
        %sub3A_460 = arith.subi %div3A_433, %sub3A_459 : vector<16xi32>
        %select_n3A_461 = arith.select %and3A_457, %sub3A_460, %div3A_433 : vector<16xi1>, vector<16xi32>
        %slice3A = vector.extract_strided_slice %select_n3A_461 {offsets = [0], sizes = [1], strides = [1]} : vector<16xi32> to vector<1xi32>
        %squeeze3A = vector.extract %slice3A[0] : i32 from vector<1xi32>
        %mul3A_462 = arith.constant 16 : i32
        %mul3A_463 = arith.muli %squeeze3A, %mul3A_462 : i32
        %get3A_464 = arith.index_cast %mul3A_463 : i32 to index
        %get3A_465 = tpu.vector_load %arg10[%get3A_464] {strides = array<i32>} : memref<1056xi32, #tpu.memory_space<vmem>>, vector<16xi32>,
        %lt3A_466 = arith.constant 0 : i32
        %lt3A_467 = vector.broadcast %lt3A_466 : i32 to vector<16xi32>
        %lt3A_468 = arith.cmpi slt, %select_n3A_430, %lt3A_467 : vector<16xi32>
        %add3A_469 = arith.constant 16 : i32
        %add3A_470 = vector.broadcast %add3A_469 : i32 to vector<16xi32>
        %add3A_471 = arith.addi %select_n3A_430, %add3A_470 : vector<16xi32>
        %select_n3A_472 = arith.select %lt3A_468, %add3A_471, %select_n3A_430 : vector<16xi1>, vector<16xi32>
        %broadcast_in_dim3A_473 = vector.shape_cast %select_n3A_472 : vector<16xi32> to vector<16x1xi32>
        %gather3A_474 = vector.shape_cast %broadcast_in_dim3A_473 : vector<16x1xi32> to vector<16xi32>
        %gather3A_475 = tpu.dynamic_gather %get3A_465[%gather3A_474] in [0] : vector<16xi32>, vector<16xi32> -> vector<16xi32>
        %jit3A_476 = arith.constant 16 : i32
        %div3A_477 = arith.divsi %scan3A_254, %jit3A_476 : i32
        %sign3A_478 = arith.constant 0 : i32
        %sign3A_479 = arith.cmpi sgt, %scan3A_254, %sign3A_478 : i32
        %sign3A_480 = arith.extui %sign3A_479 : i1 to i32
        %sign3A_481 = arith.constant 0 : i32
        %sign3A_482 = arith.cmpi slt, %scan3A_254, %sign3A_481 : i32
        %sign3A_483 = arith.extui %sign3A_482 : i1 to i32
        %sign3A_484 = arith.subi %sign3A_480, %sign3A_483 : i32
        %sign3A_485 = arith.constant 0 : i32
        %sign3A_486 = arith.cmpi sgt, %jit3A_476, %sign3A_485 : i32
        %sign3A_487 = arith.extui %sign3A_486 : i1 to i32
        %sign3A_488 = arith.constant 0 : i32
        %sign3A_489 = arith.cmpi slt, %jit3A_476, %sign3A_488 : i32
        %sign3A_490 = arith.extui %sign3A_489 : i1 to i32
        %sign3A_491 = arith.subi %sign3A_487, %sign3A_490 : i32
        %ne3A_492 = arith.cmpi ne, %sign3A_484, %sign3A_491 : i32
        %rem3A_493 = arith.remsi %scan3A_254, %jit3A_476 : i32
        %ne3A_494 = arith.constant 0 : i32
        %ne3A_495 = arith.cmpi ne, %rem3A_493, %ne3A_494 : i32
        %and3A_496 = arith.andi %ne3A_492, %ne3A_495 : i1
        %sub3A_497 = arith.constant 1 : i32
        %sub3A_498 = arith.subi %div3A_477, %sub3A_497 : i32
        %select_n3A_499 = arith.select %and3A_496, %sub3A_498, %div3A_477 : i32
        %mul3A_500 = arith.constant 16 : i32
        %mul3A_501 = arith.muli %select_n3A_499, %mul3A_500 : i32
        %sub3A_502 = arith.subi %scan3A_254, %mul3A_501 : i32
        %eq3A_503 = vector.broadcast %sub3A_502 : i32 to vector<16xi32>
        %eq3A_504 = arith.cmpi eq, %iota3A, %eq3A_503 : vector<16xi32>
        %get3A_505 = arith.index_cast %mul3A_501 : i32 to index
        %get3A_506 = tpu.vector_load %arg11[%get3A_505] {strides = array<i32>} : memref<64xf32, #tpu.memory_space<vmem>>, vector<16xf32>,
        %select_n3A_507 = arith.select %eq3A_504, %max3A_333, %get3A_506 : vector<16xi1>, vector<16xf32>
        %swap3A = arith.index_cast %mul3A_501 : i32 to index
        %swap3A_508 = tpu.vector_load %arg11[%swap3A] {strides = array<i32>} : memref<64xf32, #tpu.memory_space<vmem>>, vector<16xf32>,
        tpu.vector_store %arg11[%swap3A], %select_n3A_507 {strides = array<i32>} : memref<64xf32, #tpu.memory_space<vmem>>, vector<16xf32>,
        %get3A_509 = arith.index_cast %mul3A_501 : i32 to index
        %get3A_510 = tpu.vector_load %arg12[%get3A_509] {strides = array<i32>} : memref<64xi32, #tpu.memory_space<vmem>>, vector<16xi32>,
        %select_n3A_511 = arith.select %eq3A_504, %gather3A_475, %get3A_510 : vector<16xi1>, vector<16xi32>
        %swap3A_512 = arith.index_cast %mul3A_501 : i32 to index
        %swap3A_513 = tpu.vector_load %arg12[%swap3A_512] {strides = array<i32>} : memref<64xi32, #tpu.memory_space<vmem>>, vector<16xi32>,
        tpu.vector_store %arg12[%swap3A_512], %select_n3A_511 {strides = array<i32>} : memref<64xi32, #tpu.memory_space<vmem>>, vector<16xi32>,
        %slice3A_514 = vector.extract_strided_slice %select_n3A_461 {offsets = [0], sizes = [1], strides = [1]} : vector<16xi32> to vector<1xi32>
        %squeeze3A_515 = vector.extract %slice3A_514[0] : i32 from vector<1xi32>
        %mul3A_516 = arith.constant 16 : i32
        %mul3A_517 = arith.muli %squeeze3A_515, %mul3A_516 : i32
        %eq3A_518 = arith.cmpi eq, %iota3A, %select_n3A_430 : vector<16xi32>
        %get3A_519 = arith.index_cast %mul3A_517 : i32 to index
        %get3A_520 = tpu.vector_load %arg9[%get3A_519] {strides = array<i32>} : memref<1056xf32, #tpu.memory_space<vmem>>, vector<16xf32>,
        %select_n3A_521 = arith.select %eq3A_518, %broadcast_in_dim3A_4, %get3A_520 : vector<16xi1>, vector<16xf32>
        %swap3A_522 = arith.index_cast %mul3A_517 : i32 to index
        %swap3A_523 = tpu.vector_load %arg9[%swap3A_522] {strides = array<i32>} : memref<1056xf32, #tpu.memory_space<vmem>>, vector<16xf32>,
        tpu.vector_store %arg9[%swap3A_522], %select_n3A_521 {strides = array<i32>} : memref<1056xf32, #tpu.memory_space<vmem>>, vector<16xf32>,
      }
      %scan3A_253 = arith.constant 64 : i32
      "tpu.region"() ({
        %run_scoped3A = tpu.sem_alloc : memref<!tpu.dma_semaphore, #tpu.memory_space<semaphore_mem>>
        %dma_start3A_254 = arith.constant 0 : i32
        %dma_start3A_255 = tpu.memref_slice %arg4[%add3A_14, %dma_start3A_254] : memref<256x64xf32, #tpu.memory_space<hbm>> -> memref<1x64xf32, #tpu.memory_space<hbm>>
        %dma_start3A_256 = tpu.memref_squeeze %dma_start3A_255 : memref<1x64xf32, #tpu.memory_space<hbm>> -> memref<64xf32, #tpu.memory_space<hbm>>
        %dma_start3A_257 = arith.constant 0 : i32
        %dma_start3A_258 = tpu.memref_slice %arg4[%add3A_14, %dma_start3A_257] : memref<256x64xf32, #tpu.memory_space<hbm>> -> memref<1x64xf32, #tpu.memory_space<hbm>>
        %dma_start3A_259 = tpu.memref_squeeze %dma_start3A_258 : memref<1x64xf32, #tpu.memory_space<hbm>> -> memref<64xf32, #tpu.memory_space<hbm>>
        tpu.enqueue_dma source(%arg11 : memref<64xf32, #tpu.memory_space<vmem>>) target(%dma_start3A_259 : memref<64xf32, #tpu.memory_space<hbm>>) target_semaphore(%run_scoped3A : memref<!tpu.dma_semaphore, #tpu.memory_space<semaphore_mem>>)
        %dma_wait3A_260 = arith.constant 0 : i32
        %dma_wait3A_261 = tpu.memref_slice %arg4[%add3A_14, %dma_wait3A_260] : memref<256x64xf32, #tpu.memory_space<hbm>> -> memref<1x64xf32, #tpu.memory_space<hbm>>
        %dma_wait3A_262 = tpu.memref_squeeze %dma_wait3A_261 : memref<1x64xf32, #tpu.memory_space<hbm>> -> memref<64xf32, #tpu.memory_space<hbm>>
        %dma_wait3A_263 = arith.constant 0 : i32
        %dma_wait3A_264 = tpu.memref_slice %arg4[%add3A_14, %dma_wait3A_263] : memref<256x64xf32, #tpu.memory_space<hbm>> -> memref<1x64xf32, #tpu.memory_space<hbm>>
        %dma_wait3A_265 = tpu.memref_squeeze %dma_wait3A_264 : memref<1x64xf32, #tpu.memory_space<hbm>> -> memref<64xf32, #tpu.memory_space<hbm>>
        tpu.wait_dma2 semaphore(%run_scoped3A : memref<!tpu.dma_semaphore, #tpu.memory_space<semaphore_mem>>) src(%arg11 : memref<64xf32, #tpu.memory_space<vmem>>) dst(%dma_wait3A_265 : memref<64xf32, #tpu.memory_space<hbm>>)
        tpu.yield
      }) : () -> ()
      "tpu.region"() ({
        %run_scoped3A = tpu.sem_alloc : memref<!tpu.dma_semaphore, #tpu.memory_space<semaphore_mem>>
        %dma_start3A_254 = arith.constant 0 : i32
        %dma_start3A_255 = tpu.memref_slice %arg5[%add3A_14, %dma_start3A_254] : memref<256x64xi32, #tpu.memory_space<hbm>> -> memref<1x64xi32, #tpu.memory_space<hbm>>
        %dma_start3A_256 = tpu.memref_squeeze %dma_start3A_255 : memref<1x64xi32, #tpu.memory_space<hbm>> -> memref<64xi32, #tpu.memory_space<hbm>>
        %dma_start3A_257 = arith.constant 0 : i32
        %dma_start3A_258 = tpu.memref_slice %arg5[%add3A_14, %dma_start3A_257] : memref<256x64xi32, #tpu.memory_space<hbm>> -> memref<1x64xi32, #tpu.memory_space<hbm>>
        %dma_start3A_259 = tpu.memref_squeeze %dma_start3A_258 : memref<1x64xi32, #tpu.memory_space<hbm>> -> memref<64xi32, #tpu.memory_space<hbm>>
        tpu.enqueue_dma source(%arg12 : memref<64xi32, #tpu.memory_space<vmem>>) target(%dma_start3A_259 : memref<64xi32, #tpu.memory_space<hbm>>) target_semaphore(%run_scoped3A : memref<!tpu.dma_semaphore, #tpu.memory_space<semaphore_mem>>)
        %dma_wait3A_260 = arith.constant 0 : i32
        %dma_wait3A_261 = tpu.memref_slice %arg5[%add3A_14, %dma_wait3A_260] : memref<256x64xi32, #tpu.memory_space<hbm>> -> memref<1x64xi32, #tpu.memory_space<hbm>>
        %dma_wait3A_262 = tpu.memref_squeeze %dma_wait3A_261 : memref<1x64xi32, #tpu.memory_space<hbm>> -> memref<64xi32, #tpu.memory_space<hbm>>
        %dma_wait3A_263 = arith.constant 0 : i32
        %dma_wait3A_264 = tpu.memref_slice %arg5[%add3A_14, %dma_wait3A_263] : memref<256x64xi32, #tpu.memory_space<hbm>> -> memref<1x64xi32, #tpu.memory_space<hbm>>
        %dma_wait3A_265 = tpu.memref_squeeze %dma_wait3A_264 : memref<1x64xi32, #tpu.memory_space<hbm>> -> memref<64xi32, #tpu.memory_space<hbm>>
        tpu.wait_dma2 semaphore(%run_scoped3A : memref<!tpu.dma_semaphore, #tpu.memory_space<semaphore_mem>>) src(%arg12 : memref<64xi32, #tpu.memory_space<vmem>>) dst(%dma_wait3A_265 : memref<64xi32, #tpu.memory_space<hbm>>)
        tpu.yield
      }) : () -> ()
    }
    %scan3A_10 = arith.constant 8 : i32
    return
  }
}

module attributes {stable_mosaic.version = 14 : i64} {
  func.func @_phase1_body(%arg0: i32, %arg1: i32, %arg2: memref<256x128xf32, #tpu.memory_space<vmem>>, %arg3: memref<2048x128xf32, #tpu.memory_space<vmem>>, %arg4: memref<256x16x128xf32, #tpu.memory_space<vmem>>, %arg5: memref<128x256xf32, #tpu.memory_space<vmem>>) attributes {dimension_semantics = [#tpu.dimension_semantics<arbitrary>, #tpu.dimension_semantics<arbitrary>], iteration_bounds = array<i64: 1, 49>, scalar_prefetch = 0 : i64, scratch_operands = 0 : i64, tpu.core_type = #tpu.core_type<tc>, window_params = [{transform_indices = @transform_0, window_bounds = array<i64: 256, 128>}, {transform_indices = @transform_1, window_bounds = array<i64: 2048, 128>}, {transform_indices = @transform_2, window_bounds = array<i64: 256, 16, 128>}, {transform_indices = @transform_3, window_bounds = array<i64: 128, 256>}]} {
    %get3A = arith.constant 0 : index
    %get3A_0 = arith.constant 0 : index
    %get3A_1 = vector.load %arg2[%get3A, %get3A_0] : memref<256x128xf32, #tpu.memory_space<vmem>>, vector<256x128xf32>
    %get3A_2 = arith.constant 0 : index
    %get3A_3 = arith.constant 0 : index
    %get3A_4 = vector.load %arg3[%get3A_2, %get3A_3] : memref<2048x128xf32, #tpu.memory_space<vmem>>, vector<2048x128xf32>
    %dot_general3A = arith.constant dense<0.000000e+00> : vector<256x2048xf32>
    %dot_general3A_5 = tpu.matmul %get3A_1, %get3A_4, %dot_general3A {dimension_numbers = #tpu.dot_dimension_numbers<[1], [1], [0], [0], [0, 0, 1, 0], [], []>, transpose_lhs_hint = false} : vector<256x128xf32>, vector<2048x128xf32>, vector<256x2048xf32> -> vector<256x2048xf32>
    %mul3A = arith.constant 2048 : i32
    %mul3A_6 = arith.muli %arg1, %mul3A : i32
    %iota3A = tpu.iota {dimensions = array<i32: 1>} : vector<1x2048xi32>
    %add3A = vector.broadcast %mul3A_6 : i32 to vector<1x2048xi32>
    %add3A_7 = arith.addi %add3A, %iota3A : vector<1x2048xi32>
    %lt3A = arith.constant 100000 : i32
    %lt3A_8 = vector.broadcast %lt3A : i32 to vector<1x2048xi32>
    %lt3A_9 = arith.cmpi slt, %add3A_7, %lt3A_8 : vector<1x2048xi32>
    %jit3A = arith.constant -3.000000e+38 : f32
    %broadcast_in_dim3A = vector.shape_cast %lt3A_9 : vector<1x2048xi1> to vector<1x2048xi1>
    %broadcast_in_dim3A_10 = vector.broadcast %broadcast_in_dim3A : vector<1x2048xi1> to vector<256x2048xi1>
    %broadcast_in_dim3A_11 = vector.broadcast %jit3A : f32 to vector<256x2048xf32>
    %select_n3A = arith.select %broadcast_in_dim3A_10, %dot_general3A_5, %broadcast_in_dim3A_11 : vector<256x2048xi1>, vector<256x2048xf32>
    %reshape3A = vector.shape_cast %select_n3A : vector<256x2048xf32> to vector<256x16x128xf32>
    %swap3A = arith.constant 0 : index
    %swap3A_12 = arith.constant 0 : index
    %swap3A_13 = arith.constant 0 : index
    %swap3A_14 = vector.load %arg4[%swap3A, %swap3A_12, %swap3A_13] : memref<256x16x128xf32, #tpu.memory_space<vmem>>, vector<256x16x128xf32>
    tpu.vector_store %arg4[%swap3A, %swap3A_12, %swap3A_13], %reshape3A {strides = array<i32>} : memref<256x16x128xf32, #tpu.memory_space<vmem>>, vector<256x16x128xf32>,
    %get3A_15 = arith.constant 0 : index
    %get3A_16 = arith.constant 0 : index
    %get3A_17 = vector.load %arg3[%get3A_15, %get3A_16] : memref<2048x128xf32, #tpu.memory_space<vmem>>, vector<2048x128xf32>
    %get3A_18 = arith.constant 0 : index
    %get3A_19 = arith.constant 0 : index
    %get3A_20 = vector.load %arg2[%get3A_18, %get3A_19] : memref<256x128xf32, #tpu.memory_space<vmem>>, vector<256x128xf32>
    %dot_general3A_21 = arith.constant dense<0.000000e+00> : vector<2048x256xf32>
    %dot_general3A_22 = tpu.matmul %get3A_17, %get3A_20, %dot_general3A_21 {dimension_numbers = #tpu.dot_dimension_numbers<[1], [1], [0], [0], [0, 0, 1, 0], [], []>, transpose_lhs_hint = false} : vector<2048x128xf32>, vector<256x128xf32>, vector<2048x256xf32> -> vector<2048x256xf32>
    %mul3A_23 = arith.constant 2048 : i32
    %mul3A_24 = arith.muli %arg1, %mul3A_23 : i32
    %iota3A_25 = tpu.iota {dimensions = array<i32: 0>} : vector<2048x1xi32>
    %add3A_26 = vector.broadcast %mul3A_24 : i32 to vector<2048x1xi32>
    %add3A_27 = arith.addi %add3A_26, %iota3A_25 : vector<2048x1xi32>
    %lt3A_28 = arith.constant 100000 : i32
    %lt3A_29 = vector.broadcast %lt3A_28 : i32 to vector<2048x1xi32>
    %lt3A_30 = arith.cmpi slt, %add3A_27, %lt3A_29 : vector<2048x1xi32>
    %jit3A_31 = arith.constant -3.000000e+38 : f32
    %broadcast_in_dim3A_32 = vector.shape_cast %lt3A_30 : vector<2048x1xi1> to vector<2048x1xi1>
    %broadcast_in_dim3A_33 = vector.broadcast %broadcast_in_dim3A_32 : vector<2048x1xi1> to vector<2048x256xi1>
    %broadcast_in_dim3A_34 = vector.broadcast %jit3A_31 : f32 to vector<2048x256xf32>
    %select_n3A_35 = arith.select %broadcast_in_dim3A_33, %dot_general3A_22, %broadcast_in_dim3A_34 : vector<2048x256xi1>, vector<2048x256xf32>
    %reshape3A_36 = vector.shape_cast %select_n3A_35 : vector<2048x256xf32> to vector<128x16x256xf32>
    %reduce_max3A = arith.constant dense<0xFF800000> : vector<128x256xf32>
    %reduce_max3A_37 = vector.multi_reduction <maximumf>, %reshape3A_36, %reduce_max3A [1] : vector<128x16x256xf32> to vector<128x256xf32>
    %swap3A_38 = arith.constant 0 : index
    %swap3A_39 = arith.constant 0 : index
    %swap3A_40 = vector.load %arg5[%swap3A_38, %swap3A_39] : memref<128x256xf32, #tpu.memory_space<vmem>>, vector<128x256xf32>
    tpu.vector_store %arg5[%swap3A_38, %swap3A_39], %reduce_max3A_37 {strides = array<i32>} : memref<128x256xf32, #tpu.memory_space<vmem>>, vector<128x256xf32>,
    return
  }
  func.func @transform_0(%arg0: i32, %arg1: i32) -> (i32, i32) {
    %c0_i32 = arith.constant 0 : i32
    %c0_i32_0 = arith.constant 0 : i32
    return %arg0, %c0_i32 : i32, i32
  }
  func.func @transform_1(%arg0: i32, %arg1: i32) -> (i32, i32) {
    %c0_i32 = arith.constant 0 : i32
    %c0_i32_0 = arith.constant 0 : i32
    return %arg1, %c0_i32 : i32, i32
  }
  func.func @transform_2(%arg0: i32, %arg1: i32) -> (i32, i32, i32) {
    %c0_i32 = arith.constant 0 : i32
    %c0_i32_0 = arith.constant 0 : i32
    return %arg0, %arg1, %c0_i32 : i32, i32, i32
  }
  func.func @transform_3(%arg0: i32, %arg1: i32) -> (i32, i32) {
    %c0_i32 = arith.constant 0 : i32
    return %arg1, %arg0 : i32, i32
  }
}

</mosaic_0001>

<sc_bundles>
// kernel: _run.10.cloned.1.call-start
scs
__scs_entry_jumppad:
0x0: {  	(pc) =	sbr.rel $0x88, $3  }
0x1: {  	(tag) =	ssettag $0x0;
	lr =	simm.s32 $0x1  }
0x2: {  	[smem:$0x3F9F] =	sst lr;
	_ =	strace $0xD0000000  }
0x3: {  	_ = 	snop  }
0x4: {  	_ = 	snop  }
0x5: {  	_ = 	snop  }
0x6: {  	_ = 	snop  }
0x7: {  	_ = 	snop  }
__scs_overlays_trampoline_lowered:
0x8: {  	[smem:$0x3FAE] =	sst s0  }
0x9: {  	[smem:$0x3FAF] =	sst s1  }
0xa: {  	[smem:$0x3FB0] =	sst s2  }
0xb: {  	[smem:$0x3FB1] =	sst s3  }
0xc: {  	[smem:$0x3FB2] =	sst s4  }
0xd: {  	[smem:$0x3FB3] =	sst s5  }
0xe: {  	[smem:$0x3FB4] =	sst s6  }
0xf: {  	[smem:$0x3FB5] =	sst s7  }
0x10: {  	[smem:$0x3FB6] =	sst s8  }
0x11: {  	[smem:$0x3FB7] =	sst s9;
	s0 =	simm.s32 @!p0 $0x0  }
0x12: {  	s1 =	sld [smem:$0x3F9D];
	s0 =	simm.s32 @p0 $0x1  }
0x13: {  	[smem:$0x3FB8] =	sst s0;
	s0 =	simm.s32 @!p1 $0x0  }
0x14: {  	s2 =	sld [smem:$0x3F9C];
	s0 =	simm.s32 @p1 $0x1  }
0x15: {  	[smem:$0x3FB9] =	sst s0;
	s0 =	simm.s32 @!p2 $0x0  }
0x16: {  	s3 =	sld [smem:$0x3FDB];
	s0 =	simm.s32 @p2 $0x1  }
0x17: {  	s4 =	simm.s32 $0x1BF5;
	[smem:$0x3FBB] =	sst s0  }
0x18: {  	s0 =	sld [smem:$0x3F9E];
	_ =	swait.ge [sflag:s4], $0x0  }
0x19: {  	s7 =	sld [smem:$0x3F9F]  }
0x1a: {  	s8 =	sadd.s32 $0xFFFFE003, lr  }
0x1b: {  	s9 =	sadd.s32 $0xFFFFFEF7, lr;
	s5 =	simm.s32 $0xFFFFFFFF;
	p2 =	slt.u32 s8, $0xFFFFF086  }
0x1c: {  	p1 =	slt.u32 s9, $0xF7A;
	s5 =	simm.s32 @!p2 $0x0  }
0x1d: {  	s5 =	simm.s32 @p1 $0x1;
	p0 =	seq.s32 s7, s2  }
0x1e: {  	s7 =	smul.u32 @!p0 $0xF7A, s2;
	p2 =	seq.s32 @!p0 s5, $0x0  }
0x1f: {  	s9 =	smul.u32 $0xF7A, s1;
	s8 =	simm.s32 @!p0 $0x1BF5;
	p2 =	por !p2, p0  }
0x20: {  	[sflag:s8] =	ssyncset.s32 @!p0 $0xFFFFF086;
	s6 =	sadd.s32 @!p0 s3, s7;
	s7 =	simm.s32 @!p0 $0x108  }
0x21: {  	s3 =	sadd.s32 s3, s9;
	s6 =	sadd.s32 @!p0 $0x88, s6;
	s7 =	simm.s32 @p2 $0x1082  }
0x22: {  	[simem:s7], [sflag:s8] =	dma.local @!p0 [hbm:s6], $0xF7A  }
0x23: {  	s9 =	sor.u32 $0xD0000000, s2;
	s6 =	simm.s32 $0x108;
	_ =	swait.ge @!p0 [sflag:s8], $0x0  }
0x24: {  	s3 =	sadd.s32 $0x88, s3;
	s6 =	simm.s32 @!p1 $0x1082;
	[sflag:s4] =	ssyncset.s32 $0xFFFFF086  }
0x25: {  	[simem:s6], [sflag:s4] =	dma.local [hbm:s3], $0xF7A  }
0x26: {  	[smem:$0x3F9F] =	sst s1;
	(tag) =	ssettag s2;
	_ =	strace s9  }
0x27: {  	s1 =	sld [smem:$0x3FAF]  }
0x28: {  	s2 =	sld [smem:$0x3FB0]  }
0x29: {  	s4 =	sld [smem:$0x3FB2]  }
0x2a: {  	p0 =	seq.s32 s5, $0x0;
	s5 =	sld [smem:$0x3FB3]  }
0x2b: {  	s6 =	sld [smem:$0x3FB4]  }
0x2c: {  	s7 =	sld [smem:$0x3FB5]  }
0x2d: {  	s3 =	simm.s32 $0x108;
	s8 =	sld [smem:$0x3FB6]  }
0x2e: {  	s3 =	simm.s32 @!p0 $0x1082;
	s9 =	sld [smem:$0x3FB7]  }
0x2f: {  	lr =	sadd.s32 s0, s3;
	s0 =	sld [smem:$0x3FAE]  }
0x30: {  	s3 =	sld [smem:$0x3FB1]  }
0x31: {  	[smem:$0x3FBA] =	sst s10  }
0x32: {  	s10 =	sld [smem:$0x3FB8];
	_ =	sdelay $0x3  }
0x33: {  	p0 =	seq.s32 s10, $0x1;
	s10 =	sld [smem:$0x3FBA];
	_ =	sdelay $0x3  }
0x34: {  	[smem:$0x3FBA] =	sst s10  }
0x35: {  	s10 =	sld [smem:$0x3FB9];
	_ =	sdelay $0x3  }
0x36: {  	p1 =	seq.s32 s10, $0x1;
	s10 =	sld [smem:$0x3FBA];
	_ =	sdelay $0x3  }
0x37: {  	[smem:$0x3FBA] =	sst s10  }
0x38: {  	s10 =	sld [smem:$0x3FBB]  }
0x39: {  	_ = 	snop;
	(pc) =	sbr.ind lr, $3  }
0x3a: {  	_ = 	snop  }
0x3b: {  	_ = 	snop  }
0x3c: {  	p2 =	seq.s32 s10, $0x1;
	s10 =	sld [smem:$0x3FBA]  }
0x3d: {  	_ =	shalt  }
0x3e: {  	_ =	shalt  }
0x3f: {  	_ =	shalt  }
0x40: {  	_ =	shalt  }
0x41: {  	_ =	shalt  }
0x42: {  	_ =	shalt  }
0x43: {  	_ =	shalt  }
0x44: {  	_ =	shalt  }
0x45: {  	_ =	shalt  }
0x46: {  	_ =	shalt  }
0x47: {  	_ =	shalt  }
0x48: {  	_ =	shalt  }
0x49: {  	_ =	shalt  }
0x4a: {  	_ =	shalt  }
0x4b: {  	_ =	shalt  }
0x4c: {  	_ =	shalt  }
0x4d: {  	_ =	shalt  }
0x4e: {  	_ =	shalt  }
0x4f: {  	_ =	shalt  }
0x50: {  	_ =	shalt  }
0x51: {  	_ =	shalt  }
0x52: {  	_ =	shalt  }
0x53: {  	_ =	shalt  }
0x54: {  	_ =	shalt  }
0x55: {  	_ =	shalt  }
0x56: {  	_ =	shalt  }
0x57: {  	_ =	shalt  }
0x58: {  	_ =	shalt  }
0x59: {  	_ =	shalt  }
0x5a: {  	_ =	shalt  }
0x5b: {  	_ =	shalt  }
0x5c: {  	_ =	shalt  }
0x5d: {  	_ =	shalt  }
0x5e: {  	_ =	shalt  }
0x5f: {  	_ =	shalt  }
0x60: {  	_ =	shalt  }
0x61: {  	_ =	shalt  }
0x62: {  	_ =	shalt  }
0x63: {  	_ =	shalt  }
0x64: {  	_ =	shalt  }
0x65: {  	_ =	shalt  }
0x66: {  	_ =	shalt  }
0x67: {  	_ =	shalt  }
0x68: {  	_ =	shalt  }
0x69: {  	_ =	shalt  }
0x6a: {  	_ =	shalt  }
0x6b: {  	_ =	shalt  }
0x6c: {  	_ =	shalt  }
0x6d: {  	_ =	shalt  }
0x6e: {  	_ =	shalt  }
0x6f: {  	_ =	shalt  }
0x70: {  	_ =	shalt  }
0x71: {  	_ =	shalt  }
0x72: {  	_ =	shalt  }
0x73: {  	_ =	shalt  }
0x74: {  	_ =	shalt  }
0x75: {  	_ =	shalt  }
0x76: {  	_ =	shalt  }
0x77: {  	_ =	shalt  }
0x78: {  	_ =	shalt  }
0x79: {  	_ =	shalt  }
0x7a: {  	_ =	shalt  }
0x7b: {  	_ =	shalt  }
0x7c: {  	_ =	shalt  }
0x7d: {  	_ =	shalt  }
0x7e: {  	_ =	shalt  }
0x7f: {  	_ =	shalt  }
0x80: {  	_ =	shalt  }
0x81: {  	_ =	shalt  }
0x82: {  	_ =	shalt  }
0x83: {  	_ =	shalt  }
0x84: {  	_ =	shalt  }
0x85: {  	_ =	shalt  }
0x86: {  	_ =	shalt  }
0x87: {  	_ =	shalt  }
.Lfunc_end0:
.L_simem_size_0:
called_computation_lowered:
.L_overlay_start_0:
0x88: {  	s2 =	sld [smem:$0x3FD9]  }
0x89: {  	s3 =	sld [smem:$0x3FFE];
	_ =	sdelay $0x1  }
0x8a: {  	s1 =	srdreg.scid  }
0x8b: {  	s0 =	sand.u32 $0x1, s1  }
0x8c: {  	s17 =	sshll.u32 s0, $0xA;
	s2 =	sadd.s32 s3, s2  }
0x8d: {  	s2 =	sadd.s32 s2, s17  }
0x8e: {  	[smem:$0x3FC6] =	sst s2  }
0x8f: {  	_ = 	snop  }
0x90: {  	(tm) =	ssettm $0x1  }
0x91: {  	s18 =	sld [smem:$0x3FFB];
	_ =	sdelay $0x3  }
0x92: {  	_ =	strace s18  }
0x93: {  	s2 =	sld [smem:$0x3FFC];
	_ =	sdelay $0x3  }
0x94: {  	_ =	strace s2  }
0x95: {  	s2 =	sld [smem:$0x3FFD];
	_ =	sdelay $0x3  }
0x96: {  	_ =	strace s2  }
0x97: {  	_ =	strace $0x8FFFFFFF  }
0x98: {  	s19 =	sld [smem:$0x3FDB];
	_ =	sdelay $0x1  }
0x99: {  	s20 =	simm.s32 $_scs_section_size  }
0x9a: {  	s4 =	simm.s32 $_size__tile_overlayer_lowered;
	s5 =	simm.s32 $_tile_overlayer_lowered  }
0x9b: {  	s6 =	simm.s32 $0x1BFF;
	s21 =	sshll.u32 s5, $0x1;
	s3 =	sadd.s32 s20, s19  }
0x9c: {  	s22 =	simm.s32 $0x0;
	s4 =	sshll.u32 s4, $0x1;
	s5 =	sadd.s32 s21, s3  }
0x9d: {  	[timem:s22], [sflag:s6] =	dma.local [hbm:s5], s4  }
0x9e: {  	_ =	swait.ge [sflag:s6], s4  }
0x9f: {  	s4 =	ssub.s32 $0x0, s4;
	[sflag:s6] =	ssyncset.done $0x0  }
0xa0: {  	[sflag:s6] =	ssyncadd.s32 s4;
	_ =	sdelay $0x1  }
0xa1: {  	s23 =	simm.s32 $0x1B8B  }
0xa2: {  	_ =	swait.ge [sflag:s23], $0x1  }
0xa3: {  	[sflag:s23] =	ssyncset.done $0x0  }
0xa4: {  	[sflag:s23] =	ssyncadd.s32 $0xFFFFFFFF  }
0xa5: {  	s4 =	sld [smem:$0x0]  }
0xa6: {  	s5 =	sand.u32 $0xFFFFFFFE, s1  }
0xa7: {  	p0 =	sne.s32 s1, s5  }
0xa8: {  	s5 =	sshll.u32 @p0 s5, $0xE  }
0xa9: {  	s5 =	sadd.s32 @p0 $0x11B8D, s5;
	s6 =	sshll.u32 @p0 s4, $0x11  }
0xaa: {  	s5 =	sor.u32 @p0 s6, s5  }
0xab: {  	[sflag:s5] =	ssyncadd.remote.s32 @p0 $0x1;
	_ =	sdelay $0x1  }
0xac: {  	s5 =	simm.s32 @p0 $0x1B8D  }
0xad: {  	_ =	swait.eq @p0 [sflag:s5], $0x1  }
0xae: {  	[sflag:s5] =	ssyncadd.s32 @p0 $0xFFFFFFFF  }
0xaf: {  	s6 =	sshll.u32 @!p0 s1, $0xE  }
0xb0: {  	s6 =	sor.u32 @!p0 $0x4000, s6;
	s5 =	simm.s32 @!p0 $0x1B8D  }
0xb1: {  	s4 =	sshll.u32 @!p0 s4, $0x11;
	s6 =	sadd.s32 @!p0 $0x11B8D, s6;
	_ =	swait.eq @!p0 [sflag:s5], $0x1  }
0xb2: {  	s4 =	sor.u32 @!p0 s4, s6;
	[sflag:s5] =	ssyncadd.s32 @!p0 $0xFFFFFFFF  }
0xb3: {  	s25 =	simm.s32 $0x1B8E;
	s24 =	sld [smem:$0x3FFE];
	[sflag:s4] =	ssyncadd.remote.s32 @!p0 $0x1  }
0xb4: {  	s26 =	simm.s32 $execute0_lowered;
	[smem:$0x3FD2] =	sst s25  }
0xb5: {  	s5 =	sshll.u32 s26, $0x1;
	_ =	strace $0x80000049;
	[dreg:$0x1] =	wrdreg $0xFFFFFFFF  }
0xb6: {  	s28 =	simm.s32 $_size_execute0_lowered;
	s3 =	sadd.s32 s3, s5;
	[dreg:$0x0] =	wrdreg $0x0  }
0xb7: {  	s5 =	sshll.u32 s28, $0x1;
	[dreg:$0x2] =	wrdreg s3  }
0xb8: {  	[dreg:$0x3] =	wrdreg s5  }
0xb9: {  	[dreg:$0x4] =	wrdreg $0xC0  }
0xba: {  	_ =	task [dreg:s22], $0x5FFFF  }
0xbb: {  	[dreg:$0x1] =	wrdreg $0xFFFFFFFF  }
0xbc: {  	[dreg:$0x0] =	wrdreg $0x60  }
0xbd: {  	[dreg:$0x2] =	wrdreg s24  }
0xbe: {  	[dreg:$0x3] =	wrdreg $0x9  }
0xbf: {  	_ =	task.clear_ibuf [dreg:s22], $0x4FFFF;
	_ =	strace $0x90000049  }
0xc0: {  	s29 =	simm.s32 $0x9;
	_ =	strace $0x8000004B  }
0xc1: {  	_ =	swait.ge [sflag:s29], $0x1  }
0xc2: {  	[sflag:s29] =	ssyncadd.s32 $0xFFFFFFFF  }
0xc3: {  	_ =	strace $0x9000004B  }
0xc4: {  	_ =	sfence  }
0xc5: {  	s30 =	sld [smem:$0x0];
	_ =	sdelay $0x2  }
0xc6: {  	s31 =	sshll.u32 s1, $0xD;
	s1 =	sshrl.u32 s1, $0x2  }
0xc7: {  	s4 =	sand.u32 $0x4000, s31;
	s1 =	sadd.s32 s1, s30  }
0xc8: {  	s0 =	sor.u32 s4, s0;
	s1 =	sshll.u32 s1, $0x11  }
0xc9: {  	s0 =	sor.u32 s1, s0  }
0xca: {  	s0 =	sadd.s32 $0x8F2B, s0  }
0xcb: {  	[sflag:s0] =	ssyncadd.remote.s32 $0x1  }
0xcc: {  	_ =	sfence.sel $0xFFFF  }
0xcd: {  	[dreg:$0x0] =	wrdreg $0xFFFFFFFF;
	(pc) =	sbr.abs _section_cstart, $3  }
0xce: {  	[dreg:$0x1] =	wrdreg $0xFFFFFFFF  }
0xcf: {  	_ =	task.clear_ibuf [dreg:s22], $0x2FFFF;
	_ =	strace $0x9FFFFFFF  }
0xd0: {  	(tm) =	ssettm $0x7FFFFFFF  }
0xd1: {  	_ =	shalt  }
tec
execute0_lowered:
.L_overlay_start_1:
0x0: {  	(tag) =	ssettag $0x1  }
0x1: {  	v0 =	vimm.s32 $0xFEDCBA98;
	v1 =	vimm.s32 $0x76543210  }
0x2: {  	s0 =	rddreg [dreg:$0x0];
	s1 =	simm.s32 $0x0;
	v2 =	vimm.s32 $0x3210FEDC;
	v3 =	vimm.s32 $0xBA987654;
	v4 =	vimm.s32 $0x10FEDCBA;
	s4 =	srdreg.scid  }
0x3: {  	s10 =	stileid.u32;
	v5 =	vimm.s32 $0x98765432;
	v6 =	vimm.s32 $0xFEDCBA9;
	v7 =	vimm.s32 $0x87654321;
	s11 =	simm.s32 $0x1;
	s12 =	simm.s32 $0x80  }
0x4: {  	s13 =	simm.s32 $0x1880;
	s14 =	simm.s32 $0x1CA0;
	s15 =	simm.s32 $0x34E0;
	v0 =	vunpack.c.l.s4.s8 v0;
	v1 =	vunpack.c.l.s4.s8 v1;
	v2 =	vunpack.c.l.s4.s8 v2  }
0x5: {  	s16 =	simm.s32 $0x3520;
	s17 =	simm.s32 $0x0;
	[smem:$0x7FF] =	sst s1;
	v3 =	vunpack.c.l.s4.s8 v3;
	v4 =	vunpack.c.l.s4.s8 v4;
	v5 =	vunpack.c.l.s4.s8 v5  }
0x6: {  	s2 =	sadd.s32 $0x7DCE00, s0;
	s4 =	sand.u32 $0x1, s4;
	s8 =	smul.u32 $0x18800, s10;
	v6 =	vunpack.c.l.s4.s8 v6;
	v7 =	vunpack.c.l.s4.s8 v7;
	v0 =	vunpack.c.0.s8.s32 v0  }
0x7: {  	s3 =	sadd.s32 $0x4CCE00, s0;
	s7 =	ssub.s32 $0x2, s4;
	s9 =	smul.u32 $0xC400, s4;
	v2 =	vunpack.c.0.s8.s32 v2;
	v3 =	vunpack.c.0.s8.s32 v3;
	v4 =	vunpack.c.0.s8.s32 v4  }
.Ltmp0:
0x8: {  	s5 =	sadd.s32 $0x80E600, s0;
	s29 =	sshrl.u32 s7, $0x1;
	v5 =	vunpack.c.0.s8.s32 v5;
	v6 =	vunpack.c.0.s8.s32 v6;
	v7 =	vunpack.c.0.s8.s32 v7;
	(pc) =	sbr.rel .LBB2_1-.Ltmp0, $4  }
0x9: {  	s6 =	sadd.s32 $0x80DE00, s0;
	s30 =	sshll.u32 s10, $0x4;
	v8 =	vunpack.c.0.s8.s32 v1;
	s0 =	ssub.s32 s7, s29;
	v9 =	vand.u32 $0xF, v0;
	v0 =	vcombine.low v3, v2  }
0xa: {  	_ =	strace $0x8000004A;
	s31 =	sadd.s32 s9, s8;
	s0 =	smax.u32 s0, $0x1;
	v1 =	vcombine.low v5, v4;
	v2 =	vcombine.low v7, v6;
	v3 =	vlaneseq.u32  }
0xb: {  	s4 =	sshll.u32 s4, $0x3;
	v5 =	vimm.f32 $-3.000000010e+38;
	[dreg:$0x2] =	wrdreg s0;
	s0 =	sor.u32 $0x10, s31;
	v4 =	vcombine.low v9, v8;
	v6 =	vor.u32 $0x80000000, v3  }
0xc: {  	s10 =	simm.s32 $0x2;
	s7 =	sor.u32 s4, s30;
	[dreg:$0x3] =	wrdreg s0;
	v7 =	vand.u32 $0xF, v0;
	v8 =	vand.u32 $0xF, v1;
	v9 =	vand.u32 $0xF, v2  }
.LBB2_34:
0xd: {  	s17 =	sadd.s32 $0x1, s17;
	s0 =	rddreg [dreg:$0x2]  }
0xe: {  	p0 =	sne.s32 s17, s0  }
.Ltmp1:
0xf: {  	_ = 	snop;
	(pc) =	sbr.rel @!p0 .LBB2_35-.Ltmp1, $1  }
0x10: {  	_ =	sdelay $0x3  }
.LBB2_1:
.Ltmp2:
0x11: {  	(pc) =	sbr.rel .LBB2_2-.Ltmp2, $2  }
0x12: {  	_ =	sdelay $0x2  }
0x13: {  	s18 =	rddreg [dreg:$0x3];
	s19 =	simm.s32 $0x0  }
.LBB2_33:
0x14: {  	s0 =	sshll.u32 s20, $0x3  }
0x15: {  	s4 =	sadd.s32 s5, s0  }
0x16: {  	[hbm4b:s4+s1] =	stream.linear.scatter [tilespmem:s15], [sflag:$0x2], $0x40, $0x38;
	[tilespmem:$0x3560] =	vst v63  }
0x17: {  	s19 =	sadd.s32 $0x1, s19;
	_ =	swait.ge [sflag:s10], $0x40  }
0x18: {  	p0 =	sne.s32 s19, $0x8;
	[sflag:s10] =	ssyncset.done $0x0  }
.Ltmp3:
0x19: {  	s0 =	sadd.s32 s6, s0;
	[sflag:s10] =	ssyncadd.s32 $0xFFFFFFC0;
	(pc) =	sbr.rel @!p0 .LBB2_34-.Ltmp3, $4  }
0x1a: {  	[hbm4b:s0+s1] =	stream.linear.scatter [tilespmem:s16], [sflag:$0x2], $0x40, $0x38;
	[tilespmem:$0x3560] =	vst v63  }
0x1b: {  	_ =	swait.ge [sflag:s10], $0x40  }
0x1c: {  	[sflag:s10] =	ssyncset.done $0x0  }
0x1d: {  	s18 =	sadd.s32 $0x1880, s18;
	[sflag:s10] =	ssyncadd.s32 $0xFFFFFFC0  }
.LBB2_2:
0x1e: {  	s20 =	sadd.s32 s7, s19  }
0x1f: {  	s21 =	smul.u32 $0x1880, s20;
	_ =	sdelay $0x1  }
0x20: {  	s0 =	sshrl.u32 s21, $0x3  }
0x21: {  	s0 =	sadd.s32 s2, s0  }
0x22: {  	[tilespmem:s1], [sflag:$0x2] =	stream.linear.gather [hbm4b:s0+s1], $0x1880, $0x38;
	[tilespmem:$0x3560] =	vst v63  }
0x23: {  	_ =	swait.ge [sflag:s10], $0x1880  }
0x24: {  	[sflag:s10] =	ssyncset.done $0x0  }
0x25: {  	[sflag:s10] =	ssyncadd.s32 $0xFFFFE780  }
0x26: {  	s4 =	simm.s32 $0x40;
	v12 =	vld [tilespmem:$0x0]  }
0x27: {  	v13 =	vld [tilespmem:s4+$0xFFFFFFD0]  }
0x28: {  	v14 =	vld [tilespmem:s4+$0xFFFFFFE0]  }
0x29: {  	v15 =	vld [tilespmem:s4+$0xFFFFFFF0];
	_ =	sdelay $0x1  }
0x2a: {  	s0 =	simm.s32 $0x80;
	v10 =	vld [tilespmem:s4+$0x0]  }
0x2b: {  	v11 =	vld [tilespmem:s0+$0xFFFFFFF0];
	v13 =	vmax.f32 v12, v13  }
0x2c: {  	v12 =	vld [tilespmem:s0+$0xFFFFFFD0];
	v13 =	vmax.f32 v13, v14  }
0x2d: {  	s22 =	simm.s32 $0xC0;
	s4 =	simm.s32 $0x5;
	v14 =	vld [tilespmem:s0+$0xFFFFFFE0];
	v13 =	vmax.f32 v13, v15  }
.LBB2_3:
0x2e: {  	s4 =	sadd.s32 $0x4, s4  }
0x2f: {  	v15 =	vld [tilespmem:s22+$0xFFFFFFF0];
	v13 =	vmax.f32 v13, v10;
	p0 =	slt.u32 s4, $0x5D  }
.Ltmp4:
0x30: {  	v10 =	vld [tilespmem:s0+$0x0];
	s0 =	smov.u32 s22;
	(pc) =	sbr.rel @p0 .LBB2_3-.Ltmp4, $4  }
0x31: {  	_ = 	snop  }
0x32: {  	v13 =	vmax.f32 v13, v12  }
0x33: {  	v12 =	vld [tilespmem:s22+$0xFFFFFFD0];
	v13 =	vmax.f32 v13, v14  }
0x34: {  	s22 =	sadd.s32 $0x40, s22;
	v14 =	vld [tilespmem:s0+$0xFFFFFFE0];
	v13 =	vmax.f32 v13, v11;
	v11 =	vmov v15  }
0x35: {  	v15 =	vld [tilespmem:s0+$0x0]  }
0x36: {  	s4 =	simm.s32 $0x660;
	v16 =	vld [tilespmem:$0x620]  }
0x37: {  	v17 =	vld [tilespmem:s4+$0xFFFFFFD0]  }
0x38: {  	v18 =	vld [tilespmem:s4+$0xFFFFFFE0]  }
0x39: {  	v13 =	vmax.f32 v13, v10;
	v19 =	vld [tilespmem:s4+$0xFFFFFFF0]  }
0x3a: {  	v10 =	vld [tilespmem:$0x610];
	v12 =	vmax.f32 v13, v12  }
0x3b: {  	s0 =	simm.s32 $0x6A0;
	v14 =	vmax.f32 v12, v14;
	v12 =	vld [tilespmem:s4+$0x0]  }
0x3c: {  	v13 =	vld [tilespmem:s0+$0xFFFFFFF0];
	v16 =	vmax.f32 v16, v17  }
0x3d: {  	v11 =	vmax.f32 v14, v11;
	v14 =	vld [tilespmem:s0+$0xFFFFFFD0];
	v16 =	vmax.f32 v16, v18  }
0x3e: {  	s22 =	simm.s32 $0x6E0;
	s4 =	simm.s32 $0x5;
	v11 =	vmax.f32 v11, v15;
	v15 =	vld [tilespmem:s0+$0xFFFFFFE0];
	v16 =	vmax.f32 v16, v19  }
.LBB2_5:
0x3f: {  	s4 =	sadd.s32 $0x4, s4  }
0x40: {  	v17 =	vld [tilespmem:s22+$0xFFFFFFF0];
	v16 =	vmax.f32 v16, v12;
	p0 =	slt.u32 s4, $0x5D  }
.Ltmp5:
0x41: {  	v12 =	vld [tilespmem:s0+$0x0];
	s0 =	smov.u32 s22;
	(pc) =	sbr.rel @p0 .LBB2_5-.Ltmp5, $4  }
0x42: {  	_ = 	snop  }
0x43: {  	v16 =	vmax.f32 v16, v14  }
0x44: {  	v14 =	vld [tilespmem:s22+$0xFFFFFFD0];
	v16 =	vmax.f32 v16, v15  }
0x45: {  	s22 =	sadd.s32 $0x40, s22;
	v15 =	vld [tilespmem:s0+$0xFFFFFFE0];
	v16 =	vmax.f32 v16, v13;
	v13 =	vmov v17  }
0x46: {  	v17 =	vld [tilespmem:s0+$0x0]  }
0x47: {  	s4 =	simm.s32 $0xC80;
	v18 =	vld [tilespmem:$0xC40]  }
0x48: {  	v19 =	vld [tilespmem:s4+$0xFFFFFFD0]  }
0x49: {  	v20 =	vld [tilespmem:s4+$0xFFFFFFE0]  }
0x4a: {  	v16 =	vmax.f32 v16, v12;
	v21 =	vld [tilespmem:s4+$0xFFFFFFF0]  }
0x4b: {  	v12 =	vld [tilespmem:$0xC30];
	v16 =	vmax.f32 v16, v14  }
0x4c: {  	s0 =	simm.s32 $0xCC0;
	v16 =	vmax.f32 v16, v15;
	v15 =	vld [tilespmem:s4+$0x0]  }
0x4d: {  	v14 =	vld [tilespmem:s0+$0xFFFFFFF0];
	v18 =	vmax.f32 v18, v19  }
0x4e: {  	v13 =	vmax.f32 v16, v13;
	v16 =	vld [tilespmem:s0+$0xFFFFFFD0];
	v18 =	vmax.f32 v18, v20  }
0x4f: {  	s22 =	simm.s32 $0xD00;
	s4 =	simm.s32 $0x5;
	v13 =	vmax.f32 v13, v17;
	v17 =	vld [tilespmem:s0+$0xFFFFFFE0];
	v18 =	vmax.f32 v18, v21  }
.LBB2_7:
0x50: {  	s4 =	sadd.s32 $0x4, s4  }
0x51: {  	v19 =	vld [tilespmem:s22+$0xFFFFFFF0];
	v18 =	vmax.f32 v18, v15;
	p0 =	slt.u32 s4, $0x5D  }
.Ltmp6:
0x52: {  	v15 =	vld [tilespmem:s0+$0x0];
	s0 =	smov.u32 s22;
	(pc) =	sbr.rel @p0 .LBB2_7-.Ltmp6, $4  }
0x53: {  	_ = 	snop  }
0x54: {  	v18 =	vmax.f32 v18, v16  }
0x55: {  	v16 =	vld [tilespmem:s22+$0xFFFFFFD0];
	v18 =	vmax.f32 v18, v17  }
0x56: {  	s22 =	sadd.s32 $0x40, s22;
	v17 =	vld [tilespmem:s0+$0xFFFFFFE0];
	v18 =	vmax.f32 v18, v14;
	v14 =	vmov v19  }
0x57: {  	v19 =	vld [tilespmem:s0+$0x0]  }
0x58: {  	s4 =	simm.s32 $0x12A0;
	v20 =	vld [tilespmem:$0x1260]  }
0x59: {  	v21 =	vld [tilespmem:s4+$0xFFFFFFD0]  }
0x5a: {  	v22 =	vld [tilespmem:s4+$0xFFFFFFE0]  }
0x5b: {  	v18 =	vmax.f32 v18, v15;
	v23 =	vld [tilespmem:s4+$0xFFFFFFF0]  }
0x5c: {  	v15 =	vld [tilespmem:$0x1250];
	v18 =	vmax.f32 v18, v16  }
0x5d: {  	s0 =	simm.s32 $0x12E0;
	v18 =	vmax.f32 v18, v17;
	v17 =	vld [tilespmem:s4+$0x0]  }
0x5e: {  	v16 =	vld [tilespmem:s0+$0xFFFFFFF0];
	v20 =	vmax.f32 v20, v21  }
0x5f: {  	v14 =	vmax.f32 v18, v14;
	v18 =	vld [tilespmem:s0+$0xFFFFFFD0];
	v20 =	vmax.f32 v20, v22  }
0x60: {  	s22 =	simm.s32 $0x1320;
	s4 =	simm.s32 $0x5;
	v14 =	vmax.f32 v14, v19;
	v19 =	vld [tilespmem:s0+$0xFFFFFFE0];
	v20 =	vmax.f32 v20, v23  }
.LBB2_9:
0x61: {  	s4 =	sadd.s32 $0x4, s4  }
0x62: {  	v21 =	vld [tilespmem:s22+$0xFFFFFFF0];
	v20 =	vmax.f32 v20, v17;
	p0 =	slt.u32 s4, $0x5D  }
.Ltmp7:
0x63: {  	v17 =	vld [tilespmem:s0+$0x0];
	s0 =	smov.u32 s22;
	(pc) =	sbr.rel @p0 .LBB2_9-.Ltmp7, $4  }
0x64: {  	_ = 	snop  }
0x65: {  	v20 =	vmax.f32 v20, v18  }
0x66: {  	v18 =	vld [tilespmem:s22+$0xFFFFFFD0];
	v20 =	vmax.f32 v20, v19  }
0x67: {  	s22 =	sadd.s32 $0x40, s22;
	v19 =	vld [tilespmem:s0+$0xFFFFFFE0];
	v20 =	vmax.f32 v20, v16;
	v16 =	vmov v21  }
0x68: {  	_ = 	snop  }
0x69: {  	v21 =	vld [tilespmem:s0+$0x0]  }
0x6a: {  	v17 =	vmax.f32 v20, v17;
	v63 =	vld [tilespmem:$0x1870]  }
0x6b: {  	v17 =	vmax.f32 v17, v18  }
0x6c: {  	v17 =	vmax.f32 v17, v19  }
0x6d: {  	v16 =	vmax.f32 v17, v16  }
0x6e: {  	v10 =	vmax.f32 v11, v10;
	v16 =	vmax.f32 v16, v21  }
0x6f: {  	v11 =	vmax.f32 v13, v12;
	v12 =	vmax.f32 v14, v15;
	v13 =	vmax.f32 v16, v63  }
0x70: {  	v10 =	vmin.f32 v10, v11;
	v11 =	vmin.f32 v12, v13  }
0x71: {  	v10 =	vmin.f32 v10, v11  }
0x72: {  	v11 =	vperm.xlane v10, v4;
	_ =	sdelay $0x1  }
0x73: {  	v10 =	vmin.f32 v10, v11  }
0x74: {  	v11 =	vperm.xlane v10, v0;
	_ =	sdelay $0x1  }
0x75: {  	v10 =	vmin.f32 v10, v11  }
0x76: {  	v11 =	vperm.xlane v10, v1;
	_ =	sdelay $0x1  }
0x77: {  	s31 =	sadd.s32 $0x187F, s21;
	v10 =	vmin.f32 v10, v11  }
0x78: {  	s0 =	simm.s32 $0x40;
	s4 =	simm.s32 $0x0;
	v12 =	vmov s31;
	v11 =	vperm.xlane v10, v2  }
.LBB2_11:
0x79: {  	p0 =	sne.s32 s0, $0x1000;
	[tilespmem:s4+$0x1880] =	vst v12;
	s4 =	smov.u32 s0;
	s0 =	sadd.s32 $0x40, s0  }
.Ltmp8:
0x7a: {  	(pc) =	sbr.rel @p0 .LBB2_11-.Ltmp8, $2  }
0x7b: {  	_ =	sdelay $0x2  }
0x7c: {  	s4 =	sshra.s32 s4, $0x2  }
0x7d: {  	[tilespmem:s4+$0x1880] =	vst v12;
	s0 =	simm.s32 $0x40;
	s4 =	simm.s32 $0x0  }
.LBB2_13:
0x7e: {  	p0 =	sne.s32 s0, $0x1000;
	[tilespmem:s4+$0x2CA0] =	vst v5;
	s4 =	smov.u32 s0;
	s0 =	sadd.s32 $0x40, s0  }
.Ltmp9:
0x7f: {  	(pc) =	sbr.rel @p0 .LBB2_13-.Ltmp9, $2  }
0x80: {  	_ =	sdelay $0x2  }
0x81: {  	s4 =	sshra.s32 s4, $0x2  }
0x82: {  	[tilespmem:s4+$0x2CA0] =	vst v5;
	s0 =	simm.s32 $0x10  }
0x83: {  	v12 =	vld [tilespmem:s0+$0xFFFFFFF0];
	_ =	sdelay $0x3  }
0x84: {  	v10 =	vmin.f32 v10, v11;
	s28 =	sadd.s32 $0xFFFFFFF0, s18  }
0x85: {  	v11 =	vor.u32 s28, v3;
	vm0 =	vge.f32 v12, v10  }
0x86: {  	(xrf1) =	vsort.ascd.msk.u32 vm0, v6, v11;
	_ =	sdelay $0xd  }
0x87: {  	s29 =	simm.s32 $0x0;
	_, v11, _ =	vpop (xrf1)  }
0x88: {  	[tilespmem:s29+$0x1880] =	vst v11  }
0x89: {  	v12 =	vmpcnt.ones.xlane vm0;
	v11 =	vld [tilespmem:s0+$0x0];
	_ =	sdelay $0x1  }
0x8a: {  	(v2sf) =	vpush v12, $0x0;
	_ =	sdelay $0x2  }
0x8b: {  	v63 =	vor.u32 s18, v3;
	vm15 =	vge.f32 v11, v10  }
0x8c: {  	v11 =	vmpcnt.ones.xlane vm15;
	(xrf1) =	vsort.ascd.msk.u32 vm15, v6, v63;
	_ =	sdelay $0x1  }
0x8d: {  	(v2sf) =	vpush v11, $0x0;
	_ =	sdelay $0x8  }
0x8e: {  	s30 =	spop (v2sf)  }
0x8f: {  	s0 =	sadd.s32 $0x0, s30  }
0x90: {  	p0 =	slt.s32 s0, $0x400  }
0x91: {  	s0 =	simm.s32 @!p0 $0x400;
	_, v11, _ =	vpop (xrf1)  }
0x92: {  	s23 =	simm.s32 $0x30;
	[tilespmem:s0+$0x1880] =	vst v11  }
0x93: {  	v11 =	vld [tilespmem:s23+$0xFFFFFFF0]  }
0x94: {  	s31 =	spop (v2sf)  }
0x95: {  	s0 =	sadd.s32 s0, s31  }
0x96: {  	s24 =	simm.s32 $0x2;
	s22 =	sadd.s32 $0x20, s18;
	p1 =	slt.s32 s0, $0x400  }
.LBB2_15:
0x97: {  	s24 =	sadd.s32 $0x2, s24;
	s4 =	sadd.s32 $0xFFFFFFF0, s22;
	s0 =	simm.s32 @!p1 $0x400  }
0x98: {  	p0 =	slt.u32 s24, $0x186;
	vm0 =	vge.f32 v11, v10;
	v11 =	vor.u32 s4, v3  }
0x99: {  	v12 =	vmpcnt.ones.xlane vm0;
	(xrf1) =	vsort.ascd.msk.u32 vm0, v6, v11;
	_ =	sdelay $0x1  }
0x9a: {  	(v2sf) =	vpush v12, $0x0;
	_ =	sdelay $0xb  }
0x9b: {  	_, v11, _ =	vpop (xrf1)  }
0x9c: {  	[tilespmem:s0+$0x1880] =	vst v11  }
0x9d: {  	v11 =	vld [tilespmem:s23+$0x0]  }
0x9e: {  	s4 =	spop (v2sf)  }
0x9f: {  	s0 =	sadd.s32 s0, s4  }
0xa0: {  	p1 =	slt.s32 s0, $0x400;
	_ =	sdelay $0x1  }
0xa1: {  	vm0 =	vge.f32 v11, v10;
	v11 =	vor.u32 s22, v3  }
0xa2: {  	v12 =	vmpcnt.ones.xlane vm0;
	(xrf1) =	vsort.ascd.msk.u32 vm0, v6, v11;
	_ =	sdelay $0x1  }
0xa3: {  	(v2sf) =	vpush v12, $0x0;
	_ =	sdelay $0xb  }
0xa4: {  	s0 =	simm.s32 @!p1 $0x400;
	_, v11, _ =	vpop (xrf1)  }
.Ltmp10:
0xa5: {  	s23 =	sadd.s32 $0x20, s23;
	[tilespmem:s0+$0x1880] =	vst v11;
	(pc) =	sbr.rel @p0 .LBB2_15-.Ltmp10, $4  }
0xa6: {  	v11 =	vld [tilespmem:s23+$0xFFFFFFF0]  }
0xa7: {  	s4 =	spop (v2sf)  }
0xa8: {  	s0 =	sadd.s32 s0, s4  }
0xa9: {  	s22 =	sadd.s32 $0x20, s22;
	p1 =	slt.s32 s0, $0x400  }
0xaa: {  	s4 =	sadd.s32 $0xFFFFFFF0, s22  }
0xab: {  	vm0 =	vge.f32 v11, v10;
	v11 =	vor.u32 s4, v3  }
0xac: {  	(xrf1) =	vsort.ascd.msk.u32 vm0, v6, v11;
	_ =	sdelay $0xd  }
0xad: {  	s0 =	simm.s32 @!p1 $0x400;
	_, v11, _ =	vpop (xrf1)  }
0xae: {  	[tilespmem:s0+$0x1880] =	vst v11  }
0xaf: {  	v11 =	vld [tilespmem:s23+$0x0];
	_ =	sdelay $0x2  }
0xb0: {  	v12 =	vmpcnt.ones.xlane vm0;
	_ =	sdelay $0x1  }
0xb1: {  	(v2sf) =	vpush v12, $0x0;
	vm15 =	vge.f32 v11, v10  }
0xb2: {  	v11 =	vmpcnt.ones.xlane vm15;
	_ =	sdelay $0x1  }
0xb3: {  	(v2sf) =	vpush v11, $0x0;
	_ =	sdelay $0xb  }
0xb4: {  	s28 =	spop (v2sf)  }
0xb5: {  	s0 =	sadd.s32 s0, s28  }
0xb6: {  	p0 =	slt.s32 s0, $0x400;
	v11 =	vor.u32 s22, v3  }
0xb7: {  	s0 =	simm.s32 @!p0 $0x400;
	(xrf1) =	vsort.ascd.msk.u32 vm15, v6, v11;
	s30 =	spop (v2sf)  }
0xb8: {  	s4 =	sadd.s32 s0, s30  }
0xb9: {  	p0 =	slt.s32 s4, $0x400  }
0xba: {  	p5 =	slt.s32 s4, $0xFFFFFF82;
	s4 =	simm.s32 @!p0 $0x400  }
0xbb: {  	s4 =	sadd.s32 $0x7F, s4  }
0xbc: {  	s8 =	sand.u32 $0x7F, s4  }
0xbd: {  	s9 =	sshra.s32 s4, $0x1F;
	p6 =	sne.s32 s8, $0x0  }
0xbe: {  	s31 =	sshrl.u32 s9, $0x19;
	p0 =	por !p5, !p6  }
0xbf: {  	s8 =	simm.s32 $0x1;
	s4 =	sadd.s32 s31, s4;
	p0 =	por !p0, !p0  }
0xc0: {  	s4 =	sshra.s32 s4, $0x7;
	s8 =	simm.s32 @!p0 $0x0  }
0xc1: {  	s23 =	ssub.s32 s4, s8  }
0xc2: {  	p0 =	slt.s32 s23, $0x1  }
.Ltmp11:
0xc3: {  	_ = 	snop;
	(pc) =	sbr.rel @p0 .LBB2_22-.Ltmp11, $4  }
0xc4: {  	_ = 	snop  }
0xc5: {  	_, v11, _ =	vpop (xrf1)  }
0xc6: {  	s29 =	simm.s32 $0x0;
	s22 =	simm.s32 $0x0;
	[tilespmem:s0+$0x1880] =	vst v11  }
0xc7: {  	[tilespmem:s14], [sflag:$0x1] =	stream.indirect.gather [hbm4b:s3+s12], $0x10, s13, s12, $0xb8;
	[tilespmem:$0x3560] =	vst v63  }
0xc8: {  	s24 =	simm.s32 $0x0;
	s25 =	simm.s32 $0x0  }
0xc9: {  	v11 =	vmov s21;
	s21 =	simm.s32 $0x0;
	s29 =	simm.s32 $0x0;
	s26 =	simm.s32 $0x0  }
.LBB2_19:
0xca: {  	s26 =	sadd.s32 $0x1, s26  }
0xcb: {  	p0 =	slt.s32 s26, $0x7;
	s0 =	smov.u32 s26  }
0xcc: {  	s0 =	simm.s32 @!p0 $0x7  }
0xcd: {  	s4 =	sshll.u32 s26, $0xB;
	s0 =	sshll.u32 s0, $0x7  }
0xce: {  	s4 =	sand.u32 $0x800, s4;
	s0 =	sand.u32 $0x3FFFFF80, s0  }
0xcf: {  	s4 =	sadd.s32 $0x1CA0, s4;
	s0 =	sadd.s32 $0x1880, s0  }
0xd0: {  	[tilespmem:s4], [sflag:$0x1] =	stream.indirect.gather [hbm4b:s3+s12], $0x10, s0, s12, $0xb8;
	[tilespmem:$0x3560] =	vst v63  }
0xd1: {  	s9 =	sand.u32 $0xF, s24;
	s0 =	sadd.s32 $0x0, s25  }
0xd2: {  	p1 =	sne.s32 s9, $0x0;
	p4 =	seq.s32 s0, $0x0  }
0xd3: {  	p0 =	por !p4, !p1  }
0xd4: {  	s4 =	simm.s32 $0xFFFFFFFF;
	p0 =	por !p0, !p0  }
0xd5: {  	s4 =	simm.s32 @!p0 $0x0  }
0xd6: {  	_ =	swait.ge [sflag:s11], $0x800;
	s4 =	sshll.u32 s4, $0x4  }
0xd7: {  	[sflag:s11] =	ssyncset.done $0x0;
	s8 =	sadd.s32 s4, s0  }
0xd8: {  	s9 =	sand.u32 $0x800, s21;
	[sflag:s11] =	ssyncadd.s32 $0xFFFFF800;
	s8 =	sand.u32 $0xFFFFFFF0, s8  }
0xd9: {  	s9 =	sadd.s32 $0x1CA0, s9;
	s4 =	sadd.s32 s4, s25;
	v12 =	vld [tilespmem:s8+$0x1880]  }
0xda: {  	v13 =	vld [tilespmem:s9+$0x0];
	s4 =	sand.u32 $0xFFFFFFF0, s4  }
0xdb: {  	s0 =	ssub.s32 s0, s4  }
0xdc: {  	v14 =	vmov s0  }
0xdd: {  	v14 =	vadd.s32 $0x10, v14  }
0xde: {  	v12 =	vperm.xlane v12, v14  }
0xdf: {  	vm0 =	vge.f32 v13, v10  }
0xe0: {  	v61 =	vmpcnt.ones.xlane vm0;
	v12 =	vsub.s32 v12, v11  }
0xe1: {  	v12 =	vshll.u32 v12, $0x4  }
0xe2: {  	(xrf1) =	vsort.ascd.msk.u32 vm0, v6, v13;
	(v2sf) =	vpush v61, $0x0;
	v12 =	vor.u32 v3, v12  }
0xe3: {  	(xrf1) =	vsort.ascd.msk.u32 vm0, v6, v12;
	_ =	sdelay $0x6  }
0xe4: {  	s8 =	simm.s32 $0x1  }
0xe5: {  	s4 =	sadd.s32 $0x1, s25;
	s0 =	sand.u32 $0xF, s8  }
0xe6: {  	p5 =	seq.s32 s4, $0x0;
	p6 =	sne.s32 s0, $0x0  }
0xe7: {  	p0 =	por !p5, !p6  }
0xe8: {  	s0 =	simm.s32 $0xFFFFFFFF;
	p0 =	por !p0, !p0  }
0xe9: {  	s30 =	simm.s32 $0x2;
	s0 =	simm.s32 @!p0 $0x0  }
0xea: {  	s31 =	sadd.s32 $0x10, s9;
	s8 =	sshll.u32 s0, $0x4;
	s0 =	sadd.s32 $0x1, s25;
	_, v62, _ =	vpop (xrf1)  }
0xeb: {  	s9 =	sadd.s32 s8, s4;
	s8 =	sadd.s32 s8, s0;
	[tilespmem:s29+$0x2CA0] =	vst v62;
	s28 =	spop (v2sf);
	_, v63, _ =	vpop (xrf1)  }
0xec: {  	s9 =	sand.u32 $0xFFFFFFF0, s9;
	s8 =	sand.u32 $0xFFFFFFF0, s8;
	s28 =	sadd.s32 s29, s28;
	[tilespmem:s29+$0x30C0] =	vst v63  }
.LBB2_20:
0xed: {  	p0 =	seq.s32 s30, $0x7F  }
0xee: {  	v12 =	vld [tilespmem:s9+$0x1880];
	p1 =	slt.s32 s28, $0x400;
	s9 =	smov.u32 s30;
	s30 =	sadd.s32 $0x1, s30  }
0xef: {  	v13 =	vld [tilespmem:s31+$0x0];
	s28 =	simm.s32 @!p1 $0x400  }
0xf0: {  	s4 =	ssub.s32 s4, s8  }
0xf1: {  	v14 =	vmov s4  }
0xf2: {  	v14 =	vadd.s32 $0x10, v14  }
0xf3: {  	v12 =	vperm.xlane v12, v14  }
0xf4: {  	vm0 =	vge.f32 v13, v10  }
0xf5: {  	v12 =	vsub.s32 v12, v11;
	v14 =	vmpcnt.ones.xlane vm0;
	(xrf1) =	vsort.ascd.msk.u32 vm0, v6, v13  }
0xf6: {  	v12 =	vshll.u32 v12, $0x4  }
0xf7: {  	v12 =	vor.u32 v3, v12;
	(v2sf) =	vpush v14, $0x0  }
0xf8: {  	(xrf1) =	vsort.ascd.msk.u32 vm0, v6, v12;
	_ =	sdelay $0x7  }
0xf9: {  	s4 =	sadd.s32 s9, s25;
	s8 =	sand.u32 $0xF, s9  }
0xfa: {  	p1 =	seq.s32 s4, $0x0;
	p2 =	sne.s32 s8, $0x0  }
0xfb: {  	p1 =	por !p1, !p2  }
.Ltmp12:
0xfc: {  	s8 =	simm.s32 $0xFFFFFFFF;
	p1 =	por !p1, !p1;
	_, v12, _ =	vpop (xrf1);
	(pc) =	sbr.rel @!p0 .LBB2_20-.Ltmp12, $4  }
0xfd: {  	s8 =	simm.s32 @!p1 $0x0;
	[tilespmem:s28+$0x2CA0] =	vst v12  }
0xfe: {  	s0 =	sadd.s32 $0x1, s0;
	s31 =	sadd.s32 $0x10, s31;
	s8 =	sshll.u32 s8, $0x4  }
0xff: {  	s9 =	sadd.s32 s8, s4;
	s8 =	sadd.s32 s8, s0;
	_, v12, _ =	vpop (xrf1);
	s29 =	spop (v2sf)  }
0x100: {  	s9 =	sand.u32 $0xFFFFFFF0, s9;
	s8 =	sand.u32 $0xFFFFFFF0, s8;
	[tilespmem:s28+$0x30C0] =	vst v12;
	s28 =	sadd.s32 s28, s29  }
0x101: {  	v12 =	vld [tilespmem:s31+$0x0]  }
0x102: {  	v13 =	vld [tilespmem:s9+$0x1880];
	_ =	sdelay $0x1  }
0x103: {  	s0 =	ssub.s32 s4, s8  }
0x104: {  	v14 =	vmov s0  }
0x105: {  	v14 =	vadd.s32 $0x10, v14;
	vm0 =	vge.f32 v12, v10  }
0x106: {  	v13 =	vperm.xlane v13, v14;
	v60 =	vmpcnt.ones.xlane vm0;
	_ =	sdelay $0x1  }
0x107: {  	v13 =	vsub.s32 v13, v11;
	(v2sf) =	vpush v60, $0x0  }
0x108: {  	v13 =	vshll.u32 v13, $0x4  }
0x109: {  	(xrf1) =	vsort.ascd.msk.u32 vm0, v6, v12;
	v61 =	vor.u32 v3, v13  }
0x10a: {  	(xrf1) =	vsort.ascd.msk.u32 vm0, v6, v61;
	_ =	sdelay $0xa  }
0x10b: {  	p0 =	slt.s32 s28, $0x400  }
0x10c: {  	s28 =	simm.s32 @!p0 $0x400;
	s31 =	spop (v2sf)  }
0x10d: {  	_, v62, _ =	vpop (xrf1);
	s29 =	sadd.s32 s28, s31  }
0x10e: {  	[tilespmem:s28+$0x2CA0] =	vst v62;
	_, v63, _ =	vpop (xrf1);
	p0 =	slt.s32 s29, $0x400  }
0x10f: {  	[tilespmem:s28+$0x30C0] =	vst v63;
	s29 =	simm.s32 @!p0 $0x400  }
0x110: {  	p0 =	seq.s32 s26, s23  }
.Ltmp13:
0x111: {  	_ = 	snop;
	(pc) =	sbr.rel @!p0 .LBB2_19-.Ltmp13, $2  }
0x112: {  	_ =	sdelay $0x2  }
0x113: {  	s21 =	sadd.s32 $0x800, s21;
	s25 =	sadd.s32 $0x80, s25  }
.LBB2_22:
0x114: {  	s0 =	sadd.s32 $0xF, s29  }
0x115: {  	s4 =	sand.u32 $0xF, s0  }
0x116: {  	p0 =	slt.s32 s29, $0xFFFFFFF2;
	s8 =	sshra.s32 s0, $0x1F;
	p1 =	sne.s32 s4, $0x0  }
.Ltmp14:
0x117: {  	s31 =	sshrl.u32 s8, $0x1C;
	p0 =	por !p0, !p1;
	(pc) =	sbr.rel .LBB2_23-.Ltmp14, $4  }
0x118: {  	s4 =	simm.s32 $0x1;
	s0 =	sadd.s32 s31, s0;
	p0 =	por !p0, !p0  }
0x119: {  	_ =	swait.ge [sflag:s11], $0x800;
	s0 =	sshra.s32 s0, $0x4;
	s4 =	simm.s32 @!p0 $0x0  }
0x11a: {  	[sflag:s11] =	ssyncset.done $0x0;
	s21 =	ssub.s32 s0, s4  }
0x11b: {  	[sflag:s11] =	ssyncadd.s32 $0xFFFFF800;
	p0 =	slt.s32 s21, $0x1  }
.LBB2_24:
0x11c: {  	v11 =	vlaneseq.u32  }
.LBB2_32:
0x11d: {  	v12 =	vperm.xlane v10, v4;
	_ =	sdelay $0x1  }
0x11e: {  	v12 =	vmax.f32 v10, v12  }
0x11f: {  	v13 =	vperm.xlane v12, v7;
	_ =	sdelay $0x1  }
0x120: {  	v12 =	vmax.f32 v12, v13  }
0x121: {  	v13 =	vperm.xlane v12, v8;
	_ =	sdelay $0x1  }
0x122: {  	v12 =	vmax.f32 v12, v13  }
0x123: {  	v13 =	vperm.xlane v12, v9;
	_ =	sdelay $0x1  }
0x124: {  	v12 =	vmax.f32 v12, v13  }
0x125: {  	vm0 =	veq.f32 v10, v12  }
0x126: {  	v10 =	vnsel vm0, $0x40000000, v11  }
0x127: {  	v11 =	vperm.xlane v10, v4;
	_ =	sdelay $0x1  }
0x128: {  	vm0 =	vlt.s32 v10, v11  }
0x129: {  	v10 =	vsel vm0, v10, v11  }
0x12a: {  	v11 =	vperm.xlane v10, v7;
	_ =	sdelay $0x1  }
0x12b: {  	vm0 =	vlt.s32 v10, v11  }
0x12c: {  	v10 =	vsel vm0, v10, v11  }
0x12d: {  	v11 =	vperm.xlane v10, v8;
	_ =	sdelay $0x1  }
0x12e: {  	vm0 =	vlt.s32 v10, v11  }
0x12f: {  	v10 =	vsel vm0, v10, v11  }
0x130: {  	v11 =	vperm.xlane v10, v9;
	_ =	sdelay $0x1  }
0x131: {  	vm0 =	vlt.s32 v10, v11  }
0x132: {  	v10 =	vsel vm0, v10, v11  }
0x133: {  	v11 =	vshra.s32 v10, $0x1F  }
0x134: {  	v11 =	vshrl.u32 v11, $0x1C  }
0x135: {  	v11 =	vadd.s32 v11, v10  }
0x136: {  	v11 =	vshrl.u32 v11, $0x4  }
0x137: {  	v11 =	vshll.u32 v11, $0x4  }
0x138: {  	(v2sf) =	vpush v10, $0x0;
	v11 =	vsub.s32 v10, v11  }
0x139: {  	(v2sf) =	vpush v11, $0x0;
	_ =	sdelay $0xd  }
0x13a: {  	s0 =	spop (v2sf)  }
0x13b: {  	s4 =	spop (v2sf)  }
0x13c: {  	s8 =	sshra.s32 s0, $0x1F;
	p1 =	slt.s32 s0, $0x1;
	p2 =	sne.s32 s4, $0x0  }
0x13d: {  	s29 =	sshrl.u32 s8, $0x1C;
	p1 =	por !p1, !p2  }
0x13e: {  	s0 =	sadd.s32 s29, s0;
	s4 =	simm.s32 $0x1;
	p1 =	por !p1, !p1  }
0x13f: {  	s0 =	sshrl.u32 s0, $0x4;
	s4 =	simm.s32 @!p1 $0x0  }
0x140: {  	s0 =	ssub.s32 s0, s4  }
0x141: {  	s0 =	sshll.u32 s0, $0x4  }
0x142: {  	s30 =	sand.u32 $0x30, s22;
	v10 =	vld [tilespmem:s0+$0x30C0]  }
0x143: {  	v63 =	vld [tilespmem:s30+$0x34E0]  }
0x144: {  	v14 =	vld [tilespmem:s30+$0x3520]  }
0x145: {  	s31 =	sand.u32 $0xF, s22  }
0x146: {  	v15 =	vmov s31;
	v11 =	vand.u32 $0xF, v11  }
0x147: {  	vm14 =	veq.s32 v15, v3;
	v10 =	vperm.xlane v10, v11  }
0x148: {  	v12 =	vsel vm14, v12, v63  }
0x149: {  	[tilespmem:s30+$0x34E0] =	vst v12;
	v10 =	vsel vm14, v10, v14  }
0x14a: {  	[tilespmem:s30+$0x3520] =	vst v10  }
0x14b: {  	s22 =	sadd.s32 $0x1, s22;
	v10 =	vld [tilespmem:s0+$0x2CA0]  }
0x14c: {  	p1 =	sne.s32 s22, $0x40  }
.Ltmp15:
0x14d: {  	_ = 	snop;
	(pc) =	sbr.rel @!p1 .LBB2_33-.Ltmp15, $4  }
0x14e: {  	_ = 	snop  }
0x14f: {  	vm15 =	veq.s32 v11, v3  }
0x150: {  	v10 =	vsel vm15, $0xFF61B1E6, v10  }
0x151: {  	[tilespmem:s0+$0x2CA0] =	vst v10  }
.LBB2_23:
.Ltmp16:
0x152: {  	(pc) =	sbr.rel @p0 .LBB2_24-.Ltmp16, $2  }
0x153: {  	_ =	sdelay $0x2  }
0x154: {  	v10 =	vimm.f32 $-3.000000010e+38  }
0x155: {  	p2 =	sne.s32 s21, $0x1  }
.Ltmp17:
0x156: {  	_ = 	snop;
	(pc) =	sbr.rel @!p2 .LBB2_26-.Ltmp17, $3  }
0x157: {  	_ =	sdelay $0x1  }
0x158: {  	s0 =	simm.s32 $0x0  }
0x159: {  	v11 =	vimm.s32 $0x0;
	s4 =	simm.s32 $0x2CA0;
	s23 =	simm.s32 $0x1;
	p1 =	por $0x0, $0x0  }
0x15a: {  	v12 =	vld [tilespmem:s4+$0x0];
	p2 =	sne.s32 s21, $0x2  }
.Ltmp18:
0x15b: {  	_ = 	snop;
	(pc) =	sbr.rel @!p2 .LBB2_28-.Ltmp18, $2  }
0x15c: {  	_ =	sdelay $0x2  }
0x15d: {  	s24 =	simm.s32 $0x2;
	s4 =	simm.s32 $0x2CB0;
	p1 =	por $0x1, $0x1;
	vm0 =	vgt.f32 v12, v10;
	v10 =	vmax.f32 v10, v12;
	v12 =	vimm.s32 $0x0  }
.LBB2_29:
0x15e: {  	v12 =	vsel vm0, s0, v12;
	s0 =	smov.u32 s23;
	s23 =	smov.u32 s24;
	s24 =	sadd.s32 $0x1, s24  }
0x15f: {  	v13 =	vld [tilespmem:s4+$0x0];
	p2 =	sne.s32 s21, s24  }
.Ltmp19:
0x160: {  	(pc) =	sbr.rel @p2 .LBB2_29-.Ltmp19, $2  }
0x161: {  	_ =	sdelay $0x2  }
0x162: {  	s4 =	sadd.s32 $0x10, s4;
	vm0 =	vgt.f32 v13, v10;
	v10 =	vmax.f32 v10, v13  }
0x163: {  	s8 =	smov.u32 s0;
	s0 =	smov.u32 s23  }
.LBB2_31:
0x164: {  	v13 =	vld [tilespmem:s4+$0x0];
	_ =	sdelay $0x3  }
.Ltmp20:
0x165: {  	v12 =	vsel @p1 vm0, s8, v12;
	(pc) =	sbr.rel .LBB2_32-.Ltmp20, $4  }
0x166: {  	v11 =	vpsel p1, v12, v11;
	vm15 =	vgt.f32 v13, v10  }
0x167: {  	v11 =	vsel vm15, s0, v11  }
0x168: {  	v11 =	vshll.u32 v11, $0x4  }
0x169: {  	v10 =	vmax.f32 v10, v13;
	v11 =	vor.u32 v3, v11  }
.LBB2_26:
.Ltmp21:
0x16a: {  	(pc) =	sbr.rel .LBB2_31-.Ltmp21, $2  }
0x16b: {  	_ =	sdelay $0x2  }
0x16c: {  	v12 =	vimm.s32 $0x0  }
.LBB2_28:
.Ltmp22:
0x16d: {  	(pc) =	sbr.rel .LBB2_31-.Ltmp22, $2  }
0x16e: {  	_ =	sdelay $0x2  }
0x16f: {  	s8 =	simm.s32 $0x0;
	v12 =	vimm.s32 $0x0;
	s0 =	simm.s32 $0x1  }
.LBB2_35:
0x170: {  	_ =	sfence.sel $0x180000  }
0x171: {  	[bflag:$0x0] =	sbarrier.arrive $0xFFFF  }
0x172: {  	_ =	strace $0x9000004A  }
0x173: {  	s0 =	stileid.u32;
	[bflag:$0x2] =	sbarrier.arrive $0xFFFF  }
0x174: {  	p0 =	sne.s32 s0, $0x0;
	s0 =	rddreg [dreg:$0x1]  }
0x175: {  	s0 =	sadd.s32 @!p0 $0x100000, s0  }
0x176: {  	[sflag:s0] =	ssyncadd.tile.s32 @!p0 $0x1;
	_ =	shalt  }
.Lfunc_end2:
_tile_overlayer_lowered:
.L_overlay_start_2:
0x177: {  	(tag) =	ssettag $0x2  }
0x178: {  	s0 =	rddreg [dreg:$0x0];
	s2 =	stileid.u32  }
0x179: {  	s1 =	rddreg [dreg:$0x1];
	p0 =	sne.s32 s2, $0x0  }
0x17a: {  	s3 =	rddreg [dreg:$0x2];
	[bflag:$0x3] =	sbarrier.arrive $0xFFFF;
	s2 =	simm.s32 @!p0 $0x1C02  }
0x17b: {  	[timem:s3], [sflag:s2] =	dma.local @!p0 [hbm:s0], s1  }
0x17c: {  	s0 =	simm.s32 @!p0 $0x2  }
0x17d: {  	_ =	swait.ge @!p0 [sflag:s0], s1  }
0x17e: {  	s1 =	ssub.s32 @!p0 $0x0, s1;
	[sflag:s0] =	ssyncset.done @!p0 $0x0  }
0x17f: {  	[sflag:s0] =	ssyncadd.s32 @!p0 s1  }
0x180: {  	[bflag:$0x3] =	sbarrier.arrive $0xFFFF  }
0x181: {  	_ =	shalt  }

// kernel: _run.13.cloned.1.call-start
scs
__scs_entry_jumppad:
0x0: {  	(pc) =	sbr.rel $0x88, $3  }
0x1: {  	(tag) =	ssettag $0x0;
	lr =	simm.s32 $0x1  }
0x2: {  	[smem:$0x3F9F] =	sst lr;
	_ =	strace $0xD0000000  }
0x3: {  	_ = 	snop  }
0x4: {  	_ = 	snop  }
0x5: {  	_ = 	snop  }
0x6: {  	_ = 	snop  }
0x7: {  	_ = 	snop  }
__scs_overlays_trampoline_lowered:
0x8: {  	[smem:$0x3FAE] =	sst s0  }
0x9: {  	[smem:$0x3FAF] =	sst s1  }
0xa: {  	[smem:$0x3FB0] =	sst s2  }
0xb: {  	[smem:$0x3FB1] =	sst s3  }
0xc: {  	[smem:$0x3FB2] =	sst s4  }
0xd: {  	[smem:$0x3FB3] =	sst s5  }
0xe: {  	[smem:$0x3FB4] =	sst s6  }
0xf: {  	[smem:$0x3FB5] =	sst s7  }
0x10: {  	[smem:$0x3FB6] =	sst s8  }
0x11: {  	[smem:$0x3FB7] =	sst s9;
	s0 =	simm.s32 @!p0 $0x0  }
0x12: {  	s1 =	sld [smem:$0x3F9D];
	s0 =	simm.s32 @p0 $0x1  }
0x13: {  	[smem:$0x3FB8] =	sst s0;
	s0 =	simm.s32 @!p1 $0x0  }
0x14: {  	s2 =	sld [smem:$0x3F9C];
	s0 =	simm.s32 @p1 $0x1  }
0x15: {  	[smem:$0x3FB9] =	sst s0;
	s0 =	simm.s32 @!p2 $0x0  }
0x16: {  	s3 =	sld [smem:$0x3FDB];
	s0 =	simm.s32 @p2 $0x1  }
0x17: {  	s4 =	simm.s32 $0x1BF5;
	[smem:$0x3FBB] =	sst s0  }
0x18: {  	s0 =	sld [smem:$0x3F9E];
	_ =	swait.ge [sflag:s4], $0x0  }
0x19: {  	s7 =	sld [smem:$0x3F9F]  }
0x1a: {  	s8 =	sadd.s32 $0xFFFFE003, lr  }
0x1b: {  	s9 =	sadd.s32 $0xFFFFFEF7, lr;
	s5 =	simm.s32 $0xFFFFFFFF;
	p2 =	slt.u32 s8, $0xFFFFF086  }
0x1c: {  	p1 =	slt.u32 s9, $0xF7A;
	s5 =	simm.s32 @!p2 $0x0  }
0x1d: {  	s5 =	simm.s32 @p1 $0x1;
	p0 =	seq.s32 s7, s2  }
0x1e: {  	s7 =	smul.u32 @!p0 $0xF7A, s2;
	p2 =	seq.s32 @!p0 s5, $0x0  }
0x1f: {  	s9 =	smul.u32 $0xF7A, s1;
	s8 =	simm.s32 @!p0 $0x1BF5;
	p2 =	por !p2, p0  }
0x20: {  	[sflag:s8] =	ssyncset.s32 @!p0 $0xFFFFF086;
	s6 =	sadd.s32 @!p0 s3, s7;
	s7 =	simm.s32 @!p0 $0x108  }
0x21: {  	s3 =	sadd.s32 s3, s9;
	s6 =	sadd.s32 @!p0 $0x88, s6;
	s7 =	simm.s32 @p2 $0x1082  }
0x22: {  	[simem:s7], [sflag:s8] =	dma.local @!p0 [hbm:s6], $0xF7A  }
0x23: {  	s9 =	sor.u32 $0xD0000000, s2;
	s6 =	simm.s32 $0x108;
	_ =	swait.ge @!p0 [sflag:s8], $0x0  }
0x24: {  	s3 =	sadd.s32 $0x88, s3;
	s6 =	simm.s32 @!p1 $0x1082;
	[sflag:s4] =	ssyncset.s32 $0xFFFFF086  }
0x25: {  	[simem:s6], [sflag:s4] =	dma.local [hbm:s3], $0xF7A  }
0x26: {  	[smem:$0x3F9F] =	sst s1;
	(tag) =	ssettag s2;
	_ =	strace s9  }
0x27: {  	s1 =	sld [smem:$0x3FAF]  }
0x28: {  	s2 =	sld [smem:$0x3FB0]  }
0x29: {  	s4 =	sld [smem:$0x3FB2]  }
0x2a: {  	p0 =	seq.s32 s5, $0x0;
	s5 =	sld [smem:$0x3FB3]  }
0x2b: {  	s6 =	sld [smem:$0x3FB4]  }
0x2c: {  	s7 =	sld [smem:$0x3FB5]  }
0x2d: {  	s3 =	simm.s32 $0x108;
	s8 =	sld [smem:$0x3FB6]  }
0x2e: {  	s3 =	simm.s32 @!p0 $0x1082;
	s9 =	sld [smem:$0x3FB7]  }
0x2f: {  	lr =	sadd.s32 s0, s3;
	s0 =	sld [smem:$0x3FAE]  }
0x30: {  	s3 =	sld [smem:$0x3FB1]  }
0x31: {  	[smem:$0x3FBA] =	sst s10  }
0x32: {  	s10 =	sld [smem:$0x3FB8];
	_ =	sdelay $0x3  }
0x33: {  	p0 =	seq.s32 s10, $0x1;
	s10 =	sld [smem:$0x3FBA];
	_ =	sdelay $0x3  }
0x34: {  	[smem:$0x3FBA] =	sst s10  }
0x35: {  	s10 =	sld [smem:$0x3FB9];
	_ =	sdelay $0x3  }
0x36: {  	p1 =	seq.s32 s10, $0x1;
	s10 =	sld [smem:$0x3FBA];
	_ =	sdelay $0x3  }
0x37: {  	[smem:$0x3FBA] =	sst s10  }
0x38: {  	s10 =	sld [smem:$0x3FBB]  }
0x39: {  	_ = 	snop;
	(pc) =	sbr.ind lr, $3  }
0x3a: {  	_ = 	snop  }
0x3b: {  	_ = 	snop  }
0x3c: {  	p2 =	seq.s32 s10, $0x1;
	s10 =	sld [smem:$0x3FBA]  }
0x3d: {  	_ =	shalt  }
0x3e: {  	_ =	shalt  }
0x3f: {  	_ =	shalt  }
0x40: {  	_ =	shalt  }
0x41: {  	_ =	shalt  }
0x42: {  	_ =	shalt  }
0x43: {  	_ =	shalt  }
0x44: {  	_ =	shalt  }
0x45: {  	_ =	shalt  }
0x46: {  	_ =	shalt  }
0x47: {  	_ =	shalt  }
0x48: {  	_ =	shalt  }
0x49: {  	_ =	shalt  }
0x4a: {  	_ =	shalt  }
0x4b: {  	_ =	shalt  }
0x4c: {  	_ =	shalt  }
0x4d: {  	_ =	shalt  }
0x4e: {  	_ =	shalt  }
0x4f: {  	_ =	shalt  }
0x50: {  	_ =	shalt  }
0x51: {  	_ =	shalt  }
0x52: {  	_ =	shalt  }
0x53: {  	_ =	shalt  }
0x54: {  	_ =	shalt  }
0x55: {  	_ =	shalt  }
0x56: {  	_ =	shalt  }
0x57: {  	_ =	shalt  }
0x58: {  	_ =	shalt  }
0x59: {  	_ =	shalt  }
0x5a: {  	_ =	shalt  }
0x5b: {  	_ =	shalt  }
0x5c: {  	_ =	shalt  }
0x5d: {  	_ =	shalt  }
0x5e: {  	_ =	shalt  }
0x5f: {  	_ =	shalt  }
0x60: {  	_ =	shalt  }
0x61: {  	_ =	shalt  }
0x62: {  	_ =	shalt  }
0x63: {  	_ =	shalt  }
0x64: {  	_ =	shalt  }
0x65: {  	_ =	shalt  }
0x66: {  	_ =	shalt  }
0x67: {  	_ =	shalt  }
0x68: {  	_ =	shalt  }
0x69: {  	_ =	shalt  }
0x6a: {  	_ =	shalt  }
0x6b: {  	_ =	shalt  }
0x6c: {  	_ =	shalt  }
0x6d: {  	_ =	shalt  }
0x6e: {  	_ =	shalt  }
0x6f: {  	_ =	shalt  }
0x70: {  	_ =	shalt  }
0x71: {  	_ =	shalt  }
0x72: {  	_ =	shalt  }
0x73: {  	_ =	shalt  }
0x74: {  	_ =	shalt  }
0x75: {  	_ =	shalt  }
0x76: {  	_ =	shalt  }
0x77: {  	_ =	shalt  }
0x78: {  	_ =	shalt  }
0x79: {  	_ =	shalt  }
0x7a: {  	_ =	shalt  }
0x7b: {  	_ =	shalt  }
0x7c: {  	_ =	shalt  }
0x7d: {  	_ =	shalt  }
0x7e: {  	_ =	shalt  }
0x7f: {  	_ =	shalt  }
0x80: {  	_ =	shalt  }
0x81: {  	_ =	shalt  }
0x82: {  	_ =	shalt  }
0x83: {  	_ =	shalt  }
0x84: {  	_ =	shalt  }
0x85: {  	_ =	shalt  }
0x86: {  	_ =	shalt  }
0x87: {  	_ =	shalt  }
.Lfunc_end0:
.L_simem_size_0:
called_computation.1_lowered:
.L_overlay_start_0:
0x88: {  	s2 =	sld [smem:$0x3FD9]  }
0x89: {  	s3 =	sld [smem:$0x3FFE];
	_ =	sdelay $0x1  }
0x8a: {  	s1 =	srdreg.scid  }
0x8b: {  	s0 =	sand.u32 $0x1, s1  }
0x8c: {  	s16 =	sshll.u32 s0, $0xA;
	s2 =	sadd.s32 s3, s2  }
0x8d: {  	s2 =	sadd.s32 s2, s16  }
0x8e: {  	[smem:$0x3FC6] =	sst s2  }
0x8f: {  	_ = 	snop  }
0x90: {  	(tm) =	ssettm $0x1  }
0x91: {  	s17 =	sld [smem:$0x3FFB];
	_ =	sdelay $0x3  }
0x92: {  	_ =	strace s17  }
0x93: {  	s2 =	sld [smem:$0x3FFC];
	_ =	sdelay $0x3  }
0x94: {  	_ =	strace s2  }
0x95: {  	s2 =	sld [smem:$0x3FFD];
	_ =	sdelay $0x3  }
0x96: {  	_ =	strace s2  }
0x97: {  	_ =	strace $0x8FFFFFFF  }
0x98: {  	s18 =	sld [smem:$0x3FDB];
	_ =	sdelay $0x1  }
0x99: {  	s19 =	simm.s32 $_scs_section_size  }
0x9a: {  	s4 =	simm.s32 $_size__tile_overlayer_lowered;
	s5 =	simm.s32 $_tile_overlayer_lowered  }
0x9b: {  	s22 =	simm.s32 $0x1BFF;
	s21 =	sshll.u32 s5, $0x1;
	s2 =	sadd.s32 s19, s18  }
0x9c: {  	s6 =	simm.s32 $0x0;
	s20 =	sshll.u32 s4, $0x1;
	s4 =	sadd.s32 s21, s2  }
0x9d: {  	[timem:s6], [sflag:s22] =	dma.local [hbm:s4], s20  }
0x9e: {  	_ =	swait.ge [sflag:s22], s20  }
0x9f: {  	s3 =	ssub.s32 $0x0, s20;
	[sflag:s22] =	ssyncset.done $0x0  }
0xa0: {  	[sflag:s22] =	ssyncadd.s32 s3;
	_ =	sdelay $0x1  }
0xa1: {  	s23 =	simm.s32 $0x1B8B  }
0xa2: {  	_ =	swait.ge [sflag:s23], $0x1  }
0xa3: {  	[sflag:s23] =	ssyncset.done $0x0  }
0xa4: {  	s25 =	simm.s32 $0x1B8E;
	s24 =	sld [smem:$0x3FFE];
	[sflag:s23] =	ssyncadd.s32 $0xFFFFFFFF  }
0xa5: {  	s26 =	simm.s32 $execute0_lowered;
	[smem:$0x3FD2] =	sst s25  }
0xa6: {  	s4 =	sshll.u32 s26, $0x1;
	_ =	strace $0x80000046;
	[dreg:$0x1] =	wrdreg $0xFFFFFFFF  }
0xa7: {  	s28 =	simm.s32 $_size_execute0_lowered;
	s2 =	sadd.s32 s2, s4;
	[dreg:$0x0] =	wrdreg $0x0  }
0xa8: {  	s4 =	sshll.u32 s28, $0x1;
	[dreg:$0x2] =	wrdreg s2  }
0xa9: {  	[dreg:$0x3] =	wrdreg s4  }
0xaa: {  	[dreg:$0x4] =	wrdreg $0xC0  }
0xab: {  	_ =	task [dreg:s6], $0x5FFFF  }
0xac: {  	[dreg:$0x1] =	wrdreg $0xFFFFFFFF  }
0xad: {  	[dreg:$0x0] =	wrdreg $0x60  }
0xae: {  	[dreg:$0x2] =	wrdreg s24  }
0xaf: {  	[dreg:$0x3] =	wrdreg $0xA  }
0xb0: {  	_ =	task.clear_ibuf [dreg:s6], $0x4FFFF;
	_ =	strace $0x90000046  }
0xb1: {  	s29 =	simm.s32 $0xA;
	_ =	strace $0x80000048  }
0xb2: {  	_ =	swait.ge [sflag:s29], $0x1  }
0xb3: {  	[sflag:s29] =	ssyncadd.s32 $0xFFFFFFFF  }
0xb4: {  	_ =	strace $0x90000048  }
0xb5: {  	_ =	sfence  }
0xb6: {  	s30 =	sld [smem:$0x0];
	_ =	sdelay $0x2  }
0xb7: {  	s31 =	sshll.u32 s1, $0xD;
	s1 =	sshrl.u32 s1, $0x2  }
0xb8: {  	s3 =	sand.u32 $0x4000, s31;
	s1 =	sadd.s32 s1, s30  }
0xb9: {  	s0 =	sor.u32 s3, s0;
	s1 =	sshll.u32 s1, $0x11  }
0xba: {  	s0 =	sor.u32 s1, s0  }
0xbb: {  	s0 =	sadd.s32 $0x8F2B, s0  }
0xbc: {  	[sflag:s0] =	ssyncadd.remote.s32 $0x1  }
0xbd: {  	_ =	sfence.sel $0xFFFF  }
0xbe: {  	[dreg:$0x0] =	wrdreg $0xFFFFFFFF;
	(pc) =	sbr.abs _section_cstart, $3  }
0xbf: {  	[dreg:$0x1] =	wrdreg $0xFFFFFFFF  }
0xc0: {  	_ =	task.clear_ibuf [dreg:s6], $0x2FFFF;
	_ =	strace $0x9FFFFFFF  }
0xc1: {  	(tm) =	ssettm $0x7FFFFFFF  }
tec
execute0_lowered:
.L_overlay_start_1:
0x0: {  	(tag) =	ssettag $0x1  }
0x1: {  	v0 =	vimm.s32 $0xFEDCBA98;
	v1 =	vimm.s32 $0x76543210  }
0x2: {  	s0 =	rddreg [dreg:$0x0];
	s1 =	simm.s32 $0x0;
	v2 =	vimm.s32 $0x3210FEDC;
	v3 =	vimm.s32 $0xBA987654;
	v4 =	vimm.s32 $0x10FEDCBA;
	s4 =	srdreg.scid  }
0x3: {  	s10 =	stileid.u32;
	v5 =	vimm.s32 $0x98765432;
	v6 =	vimm.s32 $0xFEDCBA9;
	v7 =	vimm.s32 $0x87654321;
	s11 =	simm.s32 $0x1;
	s12 =	simm.s32 $0x80  }
0x4: {  	s13 =	simm.s32 $0x1880;
	s14 =	simm.s32 $0x1CA0;
	s15 =	simm.s32 $0x34E0;
	v0 =	vunpack.c.l.s4.s8 v0;
	v1 =	vunpack.c.l.s4.s8 v1;
	v2 =	vunpack.c.l.s4.s8 v2  }
0x5: {  	s16 =	simm.s32 $0x3520;
	s17 =	simm.s32 $0x0;
	[smem:$0x7FF] =	sst s1;
	v3 =	vunpack.c.l.s4.s8 v3;
	v4 =	vunpack.c.l.s4.s8 v4;
	v5 =	vunpack.c.l.s4.s8 v5  }
0x6: {  	s2 =	sadd.s32 $0x49AE00, s0;
	s4 =	sand.u32 $0x1, s4;
	s8 =	smul.u32 $0x18800, s10;
	v6 =	vunpack.c.l.s4.s8 v6;
	v7 =	vunpack.c.l.s4.s8 v7;
	v0 =	vunpack.c.0.s8.s32 v0  }
0x7: {  	s3 =	sadd.s32 $0x18AE00, s0;
	s7 =	ssub.s32 $0x2, s4;
	s9 =	smul.u32 $0xC400, s4;
	v2 =	vunpack.c.0.s8.s32 v2;
	v3 =	vunpack.c.0.s8.s32 v3;
	v4 =	vunpack.c.0.s8.s32 v4  }
.Ltmp0:
0x8: {  	s5 =	sadd.s32 $0x4CC600, s0;
	s29 =	sshrl.u32 s7, $0x1;
	v5 =	vunpack.c.0.s8.s32 v5;
	v6 =	vunpack.c.0.s8.s32 v6;
	v7 =	vunpack.c.0.s8.s32 v7;
	(pc) =	sbr.rel .LBB2_1-.Ltmp0, $4  }
0x9: {  	s6 =	sadd.s32 $0x4CBE00, s0;
	s30 =	sshll.u32 s10, $0x4;
	v8 =	vunpack.c.0.s8.s32 v1;
	s0 =	ssub.s32 s7, s29;
	v9 =	vand.u32 $0xF, v0;
	v0 =	vcombine.low v3, v2  }
0xa: {  	_ =	strace $0x80000047;
	s31 =	sadd.s32 s9, s8;
	s0 =	smax.u32 s0, $0x1;
	v1 =	vcombine.low v5, v4;
	v2 =	vcombine.low v7, v6;
	v3 =	vlaneseq.u32  }
0xb: {  	s4 =	sshll.u32 s4, $0x3;
	v5 =	vimm.f32 $-3.000000010e+38;
	[dreg:$0x2] =	wrdreg s0;
	s0 =	sor.u32 $0x10, s31;
	v4 =	vcombine.low v9, v8;
	v6 =	vor.u32 $0x80000000, v3  }
0xc: {  	s10 =	simm.s32 $0x2;
	s7 =	sor.u32 s4, s30;
	[dreg:$0x3] =	wrdreg s0;
	v7 =	vand.u32 $0xF, v0;
	v8 =	vand.u32 $0xF, v1;
	v9 =	vand.u32 $0xF, v2  }
.LBB2_34:
0xd: {  	s17 =	sadd.s32 $0x1, s17;
	s0 =	rddreg [dreg:$0x2]  }
0xe: {  	p0 =	sne.s32 s17, s0  }
.Ltmp1:
0xf: {  	_ = 	snop;
	(pc) =	sbr.rel @!p0 .LBB2_35-.Ltmp1, $1  }
0x10: {  	_ =	sdelay $0x3  }
.LBB2_1:
.Ltmp2:
0x11: {  	(pc) =	sbr.rel .LBB2_2-.Ltmp2, $2  }
0x12: {  	_ =	sdelay $0x2  }
0x13: {  	s18 =	rddreg [dreg:$0x3];
	s19 =	simm.s32 $0x0  }
.LBB2_33:
0x14: {  	s0 =	sshll.u32 s20, $0x3  }
0x15: {  	s4 =	sadd.s32 s5, s0  }
0x16: {  	[hbm4b:s4+s1] =	stream.linear.scatter [tilespmem:s15], [sflag:$0x2], $0x40, $0x38;
	[tilespmem:$0x3560] =	vst v63  }
0x17: {  	s19 =	sadd.s32 $0x1, s19;
	_ =	swait.ge [sflag:s10], $0x40  }
0x18: {  	p0 =	sne.s32 s19, $0x8;
	[sflag:s10] =	ssyncset.done $0x0  }
.Ltmp3:
0x19: {  	s0 =	sadd.s32 s6, s0;
	[sflag:s10] =	ssyncadd.s32 $0xFFFFFFC0;
	(pc) =	sbr.rel @!p0 .LBB2_34-.Ltmp3, $4  }
0x1a: {  	[hbm4b:s0+s1] =	stream.linear.scatter [tilespmem:s16], [sflag:$0x2], $0x40, $0x38;
	[tilespmem:$0x3560] =	vst v63  }
0x1b: {  	_ =	swait.ge [sflag:s10], $0x40  }
0x1c: {  	[sflag:s10] =	ssyncset.done $0x0  }
0x1d: {  	s18 =	sadd.s32 $0x1880, s18;
	[sflag:s10] =	ssyncadd.s32 $0xFFFFFFC0  }
.LBB2_2:
0x1e: {  	s20 =	sadd.s32 s7, s19  }
0x1f: {  	s21 =	smul.u32 $0x1880, s20;
	_ =	sdelay $0x1  }
0x20: {  	s0 =	sshrl.u32 s21, $0x3  }
0x21: {  	s0 =	sadd.s32 s2, s0  }
0x22: {  	[tilespmem:s1], [sflag:$0x2] =	stream.linear.gather [hbm4b:s0+s1], $0x1880, $0x38;
	[tilespmem:$0x3560] =	vst v63  }
0x23: {  	_ =	swait.ge [sflag:s10], $0x1880  }
0x24: {  	[sflag:s10] =	ssyncset.done $0x0  }
0x25: {  	[sflag:s10] =	ssyncadd.s32 $0xFFFFE780  }
0x26: {  	s4 =	simm.s32 $0x40;
	v12 =	vld [tilespmem:$0x0]  }
0x27: {  	v13 =	vld [tilespmem:s4+$0xFFFFFFD0]  }
0x28: {  	v14 =	vld [tilespmem:s4+$0xFFFFFFE0]  }
0x29: {  	v15 =	vld [tilespmem:s4+$0xFFFFFFF0];
	_ =	sdelay $0x1  }
0x2a: {  	s0 =	simm.s32 $0x80;
	v10 =	vld [tilespmem:s4+$0x0]  }
0x2b: {  	v11 =	vld [tilespmem:s0+$0xFFFFFFF0];
	v13 =	vmax.f32 v12, v13  }
0x2c: {  	v12 =	vld [tilespmem:s0+$0xFFFFFFD0];
	v13 =	vmax.f32 v13, v14  }
0x2d: {  	s22 =	simm.s32 $0xC0;
	s4 =	simm.s32 $0x5;
	v14 =	vld [tilespmem:s0+$0xFFFFFFE0];
	v13 =	vmax.f32 v13, v15  }
.LBB2_3:
0x2e: {  	s4 =	sadd.s32 $0x4, s4  }
0x2f: {  	v15 =	vld [tilespmem:s22+$0xFFFFFFF0];
	v13 =	vmax.f32 v13, v10;
	p0 =	slt.u32 s4, $0x5D  }
.Ltmp4:
0x30: {  	v10 =	vld [tilespmem:s0+$0x0];
	s0 =	smov.u32 s22;
	(pc) =	sbr.rel @p0 .LBB2_3-.Ltmp4, $4  }
0x31: {  	_ = 	snop  }
0x32: {  	v13 =	vmax.f32 v13, v12  }
0x33: {  	v12 =	vld [tilespmem:s22+$0xFFFFFFD0];
	v13 =	vmax.f32 v13, v14  }
0x34: {  	s22 =	sadd.s32 $0x40, s22;
	v14 =	vld [tilespmem:s0+$0xFFFFFFE0];
	v13 =	vmax.f32 v13, v11;
	v11 =	vmov v15  }
0x35: {  	v15 =	vld [tilespmem:s0+$0x0]  }
0x36: {  	s4 =	simm.s32 $0x660;
	v16 =	vld [tilespmem:$0x620]  }
0x37: {  	v17 =	vld [tilespmem:s4+$0xFFFFFFD0]  }
0x38: {  	v18 =	vld [tilespmem:s4+$0xFFFFFFE0]  }
0x39: {  	v13 =	vmax.f32 v13, v10;
	v19 =	vld [tilespmem:s4+$0xFFFFFFF0]  }
0x3a: {  	v10 =	vld [tilespmem:$0x610];
	v12 =	vmax.f32 v13, v12  }
0x3b: {  	s0 =	simm.s32 $0x6A0;
	v14 =	vmax.f32 v12, v14;
	v12 =	vld [tilespmem:s4+$0x0]  }
0x3c: {  	v13 =	vld [tilespmem:s0+$0xFFFFFFF0];
	v16 =	vmax.f32 v16, v17  }
0x3d: {  	v11 =	vmax.f32 v14, v11;
	v14 =	vld [tilespmem:s0+$0xFFFFFFD0];
	v16 =	vmax.f32 v16, v18  }
0x3e: {  	s22 =	simm.s32 $0x6E0;
	s4 =	simm.s32 $0x5;
	v11 =	vmax.f32 v11, v15;
	v15 =	vld [tilespmem:s0+$0xFFFFFFE0];
	v16 =	vmax.f32 v16, v19  }
.LBB2_5:
0x3f: {  	s4 =	sadd.s32 $0x4, s4  }
0x40: {  	v17 =	vld [tilespmem:s22+$0xFFFFFFF0];
	v16 =	vmax.f32 v16, v12;
	p0 =	slt.u32 s4, $0x5D  }
.Ltmp5:
0x41: {  	v12 =	vld [tilespmem:s0+$0x0];
	s0 =	smov.u32 s22;
	(pc) =	sbr.rel @p0 .LBB2_5-.Ltmp5, $4  }
0x42: {  	_ = 	snop  }
0x43: {  	v16 =	vmax.f32 v16, v14  }
0x44: {  	v14 =	vld [tilespmem:s22+$0xFFFFFFD0];
	v16 =	vmax.f32 v16, v15  }
0x45: {  	s22 =	sadd.s32 $0x40, s22;
	v15 =	vld [tilespmem:s0+$0xFFFFFFE0];
	v16 =	vmax.f32 v16, v13;
	v13 =	vmov v17  }
0x46: {  	v17 =	vld [tilespmem:s0+$0x0]  }
0x47: {  	s4 =	simm.s32 $0xC80;
	v18 =	vld [tilespmem:$0xC40]  }
0x48: {  	v19 =	vld [tilespmem:s4+$0xFFFFFFD0]  }
0x49: {  	v20 =	vld [tilespmem:s4+$0xFFFFFFE0]  }
0x4a: {  	v16 =	vmax.f32 v16, v12;
	v21 =	vld [tilespmem:s4+$0xFFFFFFF0]  }
0x4b: {  	v12 =	vld [tilespmem:$0xC30];
	v16 =	vmax.f32 v16, v14  }
0x4c: {  	s0 =	simm.s32 $0xCC0;
	v16 =	vmax.f32 v16, v15;
	v15 =	vld [tilespmem:s4+$0x0]  }
0x4d: {  	v14 =	vld [tilespmem:s0+$0xFFFFFFF0];
	v18 =	vmax.f32 v18, v19  }
0x4e: {  	v13 =	vmax.f32 v16, v13;
	v16 =	vld [tilespmem:s0+$0xFFFFFFD0];
	v18 =	vmax.f32 v18, v20  }
0x4f: {  	s22 =	simm.s32 $0xD00;
	s4 =	simm.s32 $0x5;
	v13 =	vmax.f32 v13, v17;
	v17 =	vld [tilespmem:s0+$0xFFFFFFE0];
	v18 =	vmax.f32 v18, v21  }
.LBB2_7:
0x50: {  	s4 =	sadd.s32 $0x4, s4  }
0x51: {  	v19 =	vld [tilespmem:s22+$0xFFFFFFF0];
	v18 =	vmax.f32 v18, v15;
	p0 =	slt.u32 s4, $0x5D  }
.Ltmp6:
0x52: {  	v15 =	vld [tilespmem:s0+$0x0];
	s0 =	smov.u32 s22;
	(pc) =	sbr.rel @p0 .LBB2_7-.Ltmp6, $4  }
0x53: {  	_ = 	snop  }
0x54: {  	v18 =	vmax.f32 v18, v16  }
0x55: {  	v16 =	vld [tilespmem:s22+$0xFFFFFFD0];
	v18 =	vmax.f32 v18, v17  }
0x56: {  	s22 =	sadd.s32 $0x40, s22;
	v17 =	vld [tilespmem:s0+$0xFFFFFFE0];
	v18 =	vmax.f32 v18, v14;
	v14 =	vmov v19  }
0x57: {  	v19 =	vld [tilespmem:s0+$0x0]  }
0x58: {  	s4 =	simm.s32 $0x12A0;
	v20 =	vld [tilespmem:$0x1260]  }
0x59: {  	v21 =	vld [tilespmem:s4+$0xFFFFFFD0]  }
0x5a: {  	v22 =	vld [tilespmem:s4+$0xFFFFFFE0]  }
0x5b: {  	v18 =	vmax.f32 v18, v15;
	v23 =	vld [tilespmem:s4+$0xFFFFFFF0]  }
0x5c: {  	v15 =	vld [tilespmem:$0x1250];
	v18 =	vmax.f32 v18, v16  }
0x5d: {  	s0 =	simm.s32 $0x12E0;
	v18 =	vmax.f32 v18, v17;
	v17 =	vld [tilespmem:s4+$0x0]  }
0x5e: {  	v16 =	vld [tilespmem:s0+$0xFFFFFFF0];
	v20 =	vmax.f32 v20, v21  }
0x5f: {  	v14 =	vmax.f32 v18, v14;
	v18 =	vld [tilespmem:s0+$0xFFFFFFD0];
	v20 =	vmax.f32 v20, v22  }
0x60: {  	s22 =	simm.s32 $0x1320;
	s4 =	simm.s32 $0x5;
	v14 =	vmax.f32 v14, v19;
	v19 =	vld [tilespmem:s0+$0xFFFFFFE0];
	v20 =	vmax.f32 v20, v23  }
.LBB2_9:
0x61: {  	s4 =	sadd.s32 $0x4, s4  }
0x62: {  	v21 =	vld [tilespmem:s22+$0xFFFFFFF0];
	v20 =	vmax.f32 v20, v17;
	p0 =	slt.u32 s4, $0x5D  }
.Ltmp7:
0x63: {  	v17 =	vld [tilespmem:s0+$0x0];
	s0 =	smov.u32 s22;
	(pc) =	sbr.rel @p0 .LBB2_9-.Ltmp7, $4  }
0x64: {  	_ = 	snop  }
0x65: {  	v20 =	vmax.f32 v20, v18  }
0x66: {  	v18 =	vld [tilespmem:s22+$0xFFFFFFD0];
	v20 =	vmax.f32 v20, v19  }
0x67: {  	s22 =	sadd.s32 $0x40, s22;
	v19 =	vld [tilespmem:s0+$0xFFFFFFE0];
	v20 =	vmax.f32 v20, v16;
	v16 =	vmov v21  }
0x68: {  	_ = 	snop  }
0x69: {  	v21 =	vld [tilespmem:s0+$0x0]  }
0x6a: {  	v17 =	vmax.f32 v20, v17;
	v63 =	vld [tilespmem:$0x1870]  }
0x6b: {  	v17 =	vmax.f32 v17, v18  }
0x6c: {  	v17 =	vmax.f32 v17, v19  }
0x6d: {  	v16 =	vmax.f32 v17, v16  }
0x6e: {  	v10 =	vmax.f32 v11, v10;
	v16 =	vmax.f32 v16, v21  }
0x6f: {  	v11 =	vmax.f32 v13, v12;
	v12 =	vmax.f32 v14, v15;
	v13 =	vmax.f32 v16, v63  }
0x70: {  	v10 =	vmin.f32 v10, v11;
	v11 =	vmin.f32 v12, v13  }
0x71: {  	v10 =	vmin.f32 v10, v11  }
0x72: {  	v11 =	vperm.xlane v10, v4;
	_ =	sdelay $0x1  }
0x73: {  	v10 =	vmin.f32 v10, v11  }
0x74: {  	v11 =	vperm.xlane v10, v0;
	_ =	sdelay $0x1  }
0x75: {  	v10 =	vmin.f32 v10, v11  }
0x76: {  	v11 =	vperm.xlane v10, v1;
	_ =	sdelay $0x1  }
0x77: {  	s31 =	sadd.s32 $0x187F, s21;
	v10 =	vmin.f32 v10, v11  }
0x78: {  	s0 =	simm.s32 $0x40;
	s4 =	simm.s32 $0x0;
	v12 =	vmov s31;
	v11 =	vperm.xlane v10, v2  }
.LBB2_11:
0x79: {  	p0 =	sne.s32 s0, $0x1000;
	[tilespmem:s4+$0x1880] =	vst v12;
	s4 =	smov.u32 s0;
	s0 =	sadd.s32 $0x40, s0  }
.Ltmp8:
0x7a: {  	(pc) =	sbr.rel @p0 .LBB2_11-.Ltmp8, $2  }
0x7b: {  	_ =	sdelay $0x2  }
0x7c: {  	s4 =	sshra.s32 s4, $0x2  }
0x7d: {  	[tilespmem:s4+$0x1880] =	vst v12;
	s0 =	simm.s32 $0x40;
	s4 =	simm.s32 $0x0  }
.LBB2_13:
0x7e: {  	p0 =	sne.s32 s0, $0x1000;
	[tilespmem:s4+$0x2CA0] =	vst v5;
	s4 =	smov.u32 s0;
	s0 =	sadd.s32 $0x40, s0  }
.Ltmp9:
0x7f: {  	(pc) =	sbr.rel @p0 .LBB2_13-.Ltmp9, $2  }
0x80: {  	_ =	sdelay $0x2  }
0x81: {  	s4 =	sshra.s32 s4, $0x2  }
0x82: {  	[tilespmem:s4+$0x2CA0] =	vst v5;
	s0 =	simm.s32 $0x10  }
0x83: {  	v12 =	vld [tilespmem:s0+$0xFFFFFFF0];
	_ =	sdelay $0x3  }
0x84: {  	v10 =	vmin.f32 v10, v11;
	s28 =	sadd.s32 $0xFFFFFFF0, s18  }
0x85: {  	v11 =	vor.u32 s28, v3;
	vm0 =	vge.f32 v12, v10  }
0x86: {  	(xrf1) =	vsort.ascd.msk.u32 vm0, v6, v11;
	_ =	sdelay $0xd  }
0x87: {  	s29 =	simm.s32 $0x0;
	_, v11, _ =	vpop (xrf1)  }
0x88: {  	[tilespmem:s29+$0x1880] =	vst v11  }
0x89: {  	v12 =	vmpcnt.ones.xlane vm0;
	v11 =	vld [tilespmem:s0+$0x0];
	_ =	sdelay $0x1  }
0x8a: {  	(v2sf) =	vpush v12, $0x0;
	_ =	sdelay $0x2  }
0x8b: {  	v63 =	vor.u32 s18, v3;
	vm15 =	vge.f32 v11, v10  }
0x8c: {  	v11 =	vmpcnt.ones.xlane vm15;
	(xrf1) =	vsort.ascd.msk.u32 vm15, v6, v63;
	_ =	sdelay $0x1  }
0x8d: {  	(v2sf) =	vpush v11, $0x0;
	_ =	sdelay $0x8  }
0x8e: {  	s30 =	spop (v2sf)  }
0x8f: {  	s0 =	sadd.s32 $0x0, s30  }
0x90: {  	p0 =	slt.s32 s0, $0x400  }
0x91: {  	s0 =	simm.s32 @!p0 $0x400;
	_, v11, _ =	vpop (xrf1)  }
0x92: {  	s23 =	simm.s32 $0x30;
	[tilespmem:s0+$0x1880] =	vst v11  }
0x93: {  	v11 =	vld [tilespmem:s23+$0xFFFFFFF0]  }
0x94: {  	s31 =	spop (v2sf)  }
0x95: {  	s0 =	sadd.s32 s0, s31  }
0x96: {  	s24 =	simm.s32 $0x2;
	s22 =	sadd.s32 $0x20, s18;
	p1 =	slt.s32 s0, $0x400  }
.LBB2_15:
0x97: {  	s24 =	sadd.s32 $0x2, s24;
	s4 =	sadd.s32 $0xFFFFFFF0, s22;
	s0 =	simm.s32 @!p1 $0x400  }
0x98: {  	p0 =	slt.u32 s24, $0x186;
	vm0 =	vge.f32 v11, v10;
	v11 =	vor.u32 s4, v3  }
0x99: {  	v12 =	vmpcnt.ones.xlane vm0;
	(xrf1) =	vsort.ascd.msk.u32 vm0, v6, v11;
	_ =	sdelay $0x1  }
0x9a: {  	(v2sf) =	vpush v12, $0x0;
	_ =	sdelay $0xb  }
0x9b: {  	_, v11, _ =	vpop (xrf1)  }
0x9c: {  	[tilespmem:s0+$0x1880] =	vst v11  }
0x9d: {  	v11 =	vld [tilespmem:s23+$0x0]  }
0x9e: {  	s4 =	spop (v2sf)  }
0x9f: {  	s0 =	sadd.s32 s0, s4  }
0xa0: {  	p1 =	slt.s32 s0, $0x400;
	_ =	sdelay $0x1  }
0xa1: {  	vm0 =	vge.f32 v11, v10;
	v11 =	vor.u32 s22, v3  }
0xa2: {  	v12 =	vmpcnt.ones.xlane vm0;
	(xrf1) =	vsort.ascd.msk.u32 vm0, v6, v11;
	_ =	sdelay $0x1  }
0xa3: {  	(v2sf) =	vpush v12, $0x0;
	_ =	sdelay $0xb  }
0xa4: {  	s0 =	simm.s32 @!p1 $0x400;
	_, v11, _ =	vpop (xrf1)  }
.Ltmp10:
0xa5: {  	s23 =	sadd.s32 $0x20, s23;
	[tilespmem:s0+$0x1880] =	vst v11;
	(pc) =	sbr.rel @p0 .LBB2_15-.Ltmp10, $4  }
0xa6: {  	v11 =	vld [tilespmem:s23+$0xFFFFFFF0]  }
0xa7: {  	s4 =	spop (v2sf)  }
0xa8: {  	s0 =	sadd.s32 s0, s4  }
0xa9: {  	s22 =	sadd.s32 $0x20, s22;
	p1 =	slt.s32 s0, $0x400  }
0xaa: {  	s4 =	sadd.s32 $0xFFFFFFF0, s22  }
0xab: {  	vm0 =	vge.f32 v11, v10;
	v11 =	vor.u32 s4, v3  }
0xac: {  	(xrf1) =	vsort.ascd.msk.u32 vm0, v6, v11;
	_ =	sdelay $0xd  }
0xad: {  	s0 =	simm.s32 @!p1 $0x400;
	_, v11, _ =	vpop (xrf1)  }
0xae: {  	[tilespmem:s0+$0x1880] =	vst v11  }
0xaf: {  	v11 =	vld [tilespmem:s23+$0x0];
	_ =	sdelay $0x2  }
0xb0: {  	v12 =	vmpcnt.ones.xlane vm0;
	_ =	sdelay $0x1  }
0xb1: {  	(v2sf) =	vpush v12, $0x0;
	vm15 =	vge.f32 v11, v10  }
0xb2: {  	v11 =	vmpcnt.ones.xlane vm15;
	_ =	sdelay $0x1  }
0xb3: {  	(v2sf) =	vpush v11, $0x0;
	_ =	sdelay $0xb  }
0xb4: {  	s28 =	spop (v2sf)  }
0xb5: {  	s0 =	sadd.s32 s0, s28  }
0xb6: {  	p0 =	slt.s32 s0, $0x400;
	v11 =	vor.u32 s22, v3  }
0xb7: {  	s0 =	simm.s32 @!p0 $0x400;
	(xrf1) =	vsort.ascd.msk.u32 vm15, v6, v11;
	s30 =	spop (v2sf)  }
0xb8: {  	s4 =	sadd.s32 s0, s30  }
0xb9: {  	p0 =	slt.s32 s4, $0x400  }
0xba: {  	p5 =	slt.s32 s4, $0xFFFFFF82;
	s4 =	simm.s32 @!p0 $0x400  }
0xbb: {  	s4 =	sadd.s32 $0x7F, s4  }
0xbc: {  	s8 =	sand.u32 $0x7F, s4  }
0xbd: {  	s9 =	sshra.s32 s4, $0x1F;
	p6 =	sne.s32 s8, $0x0  }
0xbe: {  	s31 =	sshrl.u32 s9, $0x19;
	p0 =	por !p5, !p6  }
0xbf: {  	s8 =	simm.s32 $0x1;
	s4 =	sadd.s32 s31, s4;
	p0 =	por !p0, !p0  }
0xc0: {  	s4 =	sshra.s32 s4, $0x7;
	s8 =	simm.s32 @!p0 $0x0  }
0xc1: {  	s23 =	ssub.s32 s4, s8  }
0xc2: {  	p0 =	slt.s32 s23, $0x1  }
.Ltmp11:
0xc3: {  	_ = 	snop;
	(pc) =	sbr.rel @p0 .LBB2_22-.Ltmp11, $4  }
0xc4: {  	_ = 	snop  }
0xc5: {  	_, v11, _ =	vpop (xrf1)  }
0xc6: {  	s29 =	simm.s32 $0x0;
	s22 =	simm.s32 $0x0;
	[tilespmem:s0+$0x1880] =	vst v11  }
0xc7: {  	[tilespmem:s14], [sflag:$0x1] =	stream.indirect.gather [hbm4b:s3+s12], $0x10, s13, s12, $0xb8;
	[tilespmem:$0x3560] =	vst v63  }
0xc8: {  	s24 =	simm.s32 $0x0;
	s25 =	simm.s32 $0x0  }
0xc9: {  	v11 =	vmov s21;
	s21 =	simm.s32 $0x0;
	s29 =	simm.s32 $0x0;
	s26 =	simm.s32 $0x0  }
.LBB2_19:
0xca: {  	s26 =	sadd.s32 $0x1, s26  }
0xcb: {  	p0 =	slt.s32 s26, $0x7;
	s0 =	smov.u32 s26  }
0xcc: {  	s0 =	simm.s32 @!p0 $0x7  }
0xcd: {  	s4 =	sshll.u32 s26, $0xB;
	s0 =	sshll.u32 s0, $0x7  }
0xce: {  	s4 =	sand.u32 $0x800, s4;
	s0 =	sand.u32 $0x3FFFFF80, s0  }
0xcf: {  	s4 =	sadd.s32 $0x1CA0, s4;
	s0 =	sadd.s32 $0x1880, s0  }
0xd0: {  	[tilespmem:s4], [sflag:$0x1] =	stream.indirect.gather [hbm4b:s3+s12], $0x10, s0, s12, $0xb8;
	[tilespmem:$0x3560] =	vst v63  }
0xd1: {  	s9 =	sand.u32 $0xF, s24;
	s0 =	sadd.s32 $0x0, s25  }
0xd2: {  	p1 =	sne.s32 s9, $0x0;
	p4 =	seq.s32 s0, $0x0  }
0xd3: {  	p0 =	por !p4, !p1  }
0xd4: {  	s4 =	simm.s32 $0xFFFFFFFF;
	p0 =	por !p0, !p0  }
0xd5: {  	s4 =	simm.s32 @!p0 $0x0  }
0xd6: {  	_ =	swait.ge [sflag:s11], $0x800;
	s4 =	sshll.u32 s4, $0x4  }
0xd7: {  	[sflag:s11] =	ssyncset.done $0x0;
	s8 =	sadd.s32 s4, s0  }
0xd8: {  	s9 =	sand.u32 $0x800, s21;
	[sflag:s11] =	ssyncadd.s32 $0xFFFFF800;
	s8 =	sand.u32 $0xFFFFFFF0, s8  }
0xd9: {  	s9 =	sadd.s32 $0x1CA0, s9;
	s4 =	sadd.s32 s4, s25;
	v12 =	vld [tilespmem:s8+$0x1880]  }
0xda: {  	v13 =	vld [tilespmem:s9+$0x0];
	s4 =	sand.u32 $0xFFFFFFF0, s4  }
0xdb: {  	s0 =	ssub.s32 s0, s4  }
0xdc: {  	v14 =	vmov s0  }
0xdd: {  	v14 =	vadd.s32 $0x10, v14  }
0xde: {  	v12 =	vperm.xlane v12, v14  }
0xdf: {  	vm0 =	vge.f32 v13, v10  }
0xe0: {  	v61 =	vmpcnt.ones.xlane vm0;
	v12 =	vsub.s32 v12, v11  }
0xe1: {  	v12 =	vshll.u32 v12, $0x4  }
0xe2: {  	(xrf1) =	vsort.ascd.msk.u32 vm0, v6, v13;
	(v2sf) =	vpush v61, $0x0;
	v12 =	vor.u32 v3, v12  }
0xe3: {  	(xrf1) =	vsort.ascd.msk.u32 vm0, v6, v12;
	_ =	sdelay $0x6  }
0xe4: {  	s8 =	simm.s32 $0x1  }
0xe5: {  	s4 =	sadd.s32 $0x1, s25;
	s0 =	sand.u32 $0xF, s8  }
0xe6: {  	p5 =	seq.s32 s4, $0x0;
	p6 =	sne.s32 s0, $0x0  }
0xe7: {  	p0 =	por !p5, !p6  }
0xe8: {  	s0 =	simm.s32 $0xFFFFFFFF;
	p0 =	por !p0, !p0  }
0xe9: {  	s30 =	simm.s32 $0x2;
	s0 =	simm.s32 @!p0 $0x0  }
0xea: {  	s31 =	sadd.s32 $0x10, s9;
	s8 =	sshll.u32 s0, $0x4;
	s0 =	sadd.s32 $0x1, s25;
	_, v62, _ =	vpop (xrf1)  }
0xeb: {  	s9 =	sadd.s32 s8, s4;
	s8 =	sadd.s32 s8, s0;
	[tilespmem:s29+$0x2CA0] =	vst v62;
	s28 =	spop (v2sf);
	_, v63, _ =	vpop (xrf1)  }
0xec: {  	s9 =	sand.u32 $0xFFFFFFF0, s9;
	s8 =	sand.u32 $0xFFFFFFF0, s8;
	s28 =	sadd.s32 s29, s28;
	[tilespmem:s29+$0x30C0] =	vst v63  }
.LBB2_20:
0xed: {  	p0 =	seq.s32 s30, $0x7F  }
0xee: {  	v12 =	vld [tilespmem:s9+$0x1880];
	p1 =	slt.s32 s28, $0x400;
	s9 =	smov.u32 s30;
	s30 =	sadd.s32 $0x1, s30  }
0xef: {  	v13 =	vld [tilespmem:s31+$0x0];
	s28 =	simm.s32 @!p1 $0x400  }
0xf0: {  	s4 =	ssub.s32 s4, s8  }
0xf1: {  	v14 =	vmov s4  }
0xf2: {  	v14 =	vadd.s32 $0x10, v14  }
0xf3: {  	v12 =	vperm.xlane v12, v14  }
0xf4: {  	vm0 =	vge.f32 v13, v10  }
0xf5: {  	v12 =	vsub.s32 v12, v11;
	v14 =	vmpcnt.ones.xlane vm0;
	(xrf1) =	vsort.ascd.msk.u32 vm0, v6, v13  }
0xf6: {  	v12 =	vshll.u32 v12, $0x4  }
0xf7: {  	v12 =	vor.u32 v3, v12;
	(v2sf) =	vpush v14, $0x0  }
0xf8: {  	(xrf1) =	vsort.ascd.msk.u32 vm0, v6, v12;
	_ =	sdelay $0x7  }
0xf9: {  	s4 =	sadd.s32 s9, s25;
	s8 =	sand.u32 $0xF, s9  }
0xfa: {  	p1 =	seq.s32 s4, $0x0;
	p2 =	sne.s32 s8, $0x0  }
0xfb: {  	p1 =	por !p1, !p2  }
.Ltmp12:
0xfc: {  	s8 =	simm.s32 $0xFFFFFFFF;
	p1 =	por !p1, !p1;
	_, v12, _ =	vpop (xrf1);
	(pc) =	sbr.rel @!p0 .LBB2_20-.Ltmp12, $4  }
0xfd: {  	s8 =	simm.s32 @!p1 $0x0;
	[tilespmem:s28+$0x2CA0] =	vst v12  }
0xfe: {  	s0 =	sadd.s32 $0x1, s0;
	s31 =	sadd.s32 $0x10, s31;
	s8 =	sshll.u32 s8, $0x4  }
0xff: {  	s9 =	sadd.s32 s8, s4;
	s8 =	sadd.s32 s8, s0;
	_, v12, _ =	vpop (xrf1);
	s29 =	spop (v2sf)  }
0x100: {  	s9 =	sand.u32 $0xFFFFFFF0, s9;
	s8 =	sand.u32 $0xFFFFFFF0, s8;
	[tilespmem:s28+$0x30C0] =	vst v12;
	s28 =	sadd.s32 s28, s29  }
0x101: {  	v12 =	vld [tilespmem:s31+$0x0]  }
0x102: {  	v13 =	vld [tilespmem:s9+$0x1880];
	_ =	sdelay $0x1  }
0x103: {  	s0 =	ssub.s32 s4, s8  }
0x104: {  	v14 =	vmov s0  }
0x105: {  	v14 =	vadd.s32 $0x10, v14;
	vm0 =	vge.f32 v12, v10  }
0x106: {  	v13 =	vperm.xlane v13, v14;
	v60 =	vmpcnt.ones.xlane vm0;
	_ =	sdelay $0x1  }
0x107: {  	v13 =	vsub.s32 v13, v11;
	(v2sf) =	vpush v60, $0x0  }
0x108: {  	v13 =	vshll.u32 v13, $0x4  }
0x109: {  	(xrf1) =	vsort.ascd.msk.u32 vm0, v6, v12;
	v61 =	vor.u32 v3, v13  }
0x10a: {  	(xrf1) =	vsort.ascd.msk.u32 vm0, v6, v61;
	_ =	sdelay $0xa  }
0x10b: {  	p0 =	slt.s32 s28, $0x400  }
0x10c: {  	s28 =	simm.s32 @!p0 $0x400;
	s31 =	spop (v2sf)  }
0x10d: {  	_, v62, _ =	vpop (xrf1);
	s29 =	sadd.s32 s28, s31  }
0x10e: {  	[tilespmem:s28+$0x2CA0] =	vst v62;
	_, v63, _ =	vpop (xrf1);
	p0 =	slt.s32 s29, $0x400  }
0x10f: {  	[tilespmem:s28+$0x30C0] =	vst v63;
	s29 =	simm.s32 @!p0 $0x400  }
0x110: {  	p0 =	seq.s32 s26, s23  }
.Ltmp13:
0x111: {  	_ = 	snop;
	(pc) =	sbr.rel @!p0 .LBB2_19-.Ltmp13, $2  }
0x112: {  	_ =	sdelay $0x2  }
0x113: {  	s21 =	sadd.s32 $0x800, s21;
	s25 =	sadd.s32 $0x80, s25  }
.LBB2_22:
0x114: {  	s0 =	sadd.s32 $0xF, s29  }
0x115: {  	s4 =	sand.u32 $0xF, s0  }
0x116: {  	p0 =	slt.s32 s29, $0xFFFFFFF2;
	s8 =	sshra.s32 s0, $0x1F;
	p1 =	sne.s32 s4, $0x0  }
.Ltmp14:
0x117: {  	s31 =	sshrl.u32 s8, $0x1C;
	p0 =	por !p0, !p1;
	(pc) =	sbr.rel .LBB2_23-.Ltmp14, $4  }
0x118: {  	s4 =	simm.s32 $0x1;
	s0 =	sadd.s32 s31, s0;
	p0 =	por !p0, !p0  }
0x119: {  	_ =	swait.ge [sflag:s11], $0x800;
	s0 =	sshra.s32 s0, $0x4;
	s4 =	simm.s32 @!p0 $0x0  }
0x11a: {  	[sflag:s11] =	ssyncset.done $0x0;
	s21 =	ssub.s32 s0, s4  }
0x11b: {  	[sflag:s11] =	ssyncadd.s32 $0xFFFFF800;
	p0 =	slt.s32 s21, $0x1  }
.LBB2_24:
0x11c: {  	v11 =	vlaneseq.u32  }
.LBB2_32:
0x11d: {  	v12 =	vperm.xlane v10, v4;
	_ =	sdelay $0x1  }
0x11e: {  	v12 =	vmax.f32 v10, v12  }
0x11f: {  	v13 =	vperm.xlane v12, v7;
	_ =	sdelay $0x1  }
0x120: {  	v12 =	vmax.f32 v12, v13  }
0x121: {  	v13 =	vperm.xlane v12, v8;
	_ =	sdelay $0x1  }
0x122: {  	v12 =	vmax.f32 v12, v13  }
0x123: {  	v13 =	vperm.xlane v12, v9;
	_ =	sdelay $0x1  }
0x124: {  	v12 =	vmax.f32 v12, v13  }
0x125: {  	vm0 =	veq.f32 v10, v12  }
0x126: {  	v10 =	vnsel vm0, $0x40000000, v11  }
0x127: {  	v11 =	vperm.xlane v10, v4;
	_ =	sdelay $0x1  }
0x128: {  	vm0 =	vlt.s32 v10, v11  }
0x129: {  	v10 =	vsel vm0, v10, v11  }
0x12a: {  	v11 =	vperm.xlane v10, v7;
	_ =	sdelay $0x1  }
0x12b: {  	vm0 =	vlt.s32 v10, v11  }
0x12c: {  	v10 =	vsel vm0, v10, v11  }
0x12d: {  	v11 =	vperm.xlane v10, v8;
	_ =	sdelay $0x1  }
0x12e: {  	vm0 =	vlt.s32 v10, v11  }
0x12f: {  	v10 =	vsel vm0, v10, v11  }
0x130: {  	v11 =	vperm.xlane v10, v9;
	_ =	sdelay $0x1  }
0x131: {  	vm0 =	vlt.s32 v10, v11  }
0x132: {  	v10 =	vsel vm0, v10, v11  }
0x133: {  	v11 =	vshra.s32 v10, $0x1F  }
0x134: {  	v11 =	vshrl.u32 v11, $0x1C  }
0x135: {  	v11 =	vadd.s32 v11, v10  }
0x136: {  	v11 =	vshrl.u32 v11, $0x4  }
0x137: {  	v11 =	vshll.u32 v11, $0x4  }
0x138: {  	(v2sf) =	vpush v10, $0x0;
	v11 =	vsub.s32 v10, v11  }
0x139: {  	(v2sf) =	vpush v11, $0x0;
	_ =	sdelay $0xd  }
0x13a: {  	s0 =	spop (v2sf)  }
0x13b: {  	s4 =	spop (v2sf)  }
0x13c: {  	s8 =	sshra.s32 s0, $0x1F;
	p1 =	slt.s32 s0, $0x1;
	p2 =	sne.s32 s4, $0x0  }
0x13d: {  	s29 =	sshrl.u32 s8, $0x1C;
	p1 =	por !p1, !p2  }
0x13e: {  	s0 =	sadd.s32 s29, s0;
	s4 =	simm.s32 $0x1;
	p1 =	por !p1, !p1  }
0x13f: {  	s0 =	sshrl.u32 s0, $0x4;
	s4 =	simm.s32 @!p1 $0x0  }
0x140: {  	s0 =	ssub.s32 s0, s4  }
0x141: {  	s0 =	sshll.u32 s0, $0x4  }
0x142: {  	s30 =	sand.u32 $0x30, s22;
	v10 =	vld [tilespmem:s0+$0x30C0]  }
0x143: {  	v63 =	vld [tilespmem:s30+$0x34E0]  }
0x144: {  	v14 =	vld [tilespmem:s30+$0x3520]  }
0x145: {  	s31 =	sand.u32 $0xF, s22  }
0x146: {  	v15 =	vmov s31;
	v11 =	vand.u32 $0xF, v11  }
0x147: {  	vm14 =	veq.s32 v15, v3;
	v10 =	vperm.xlane v10, v11  }
0x148: {  	v12 =	vsel vm14, v12, v63  }
0x149: {  	[tilespmem:s30+$0x34E0] =	vst v12;
	v10 =	vsel vm14, v10, v14  }
0x14a: {  	[tilespmem:s30+$0x3520] =	vst v10  }
0x14b: {  	s22 =	sadd.s32 $0x1, s22;
	v10 =	vld [tilespmem:s0+$0x2CA0]  }
0x14c: {  	p1 =	sne.s32 s22, $0x40  }
.Ltmp15:
0x14d: {  	_ = 	snop;
	(pc) =	sbr.rel @!p1 .LBB2_33-.Ltmp15, $4  }
0x14e: {  	_ = 	snop  }
0x14f: {  	vm15 =	veq.s32 v11, v3  }
0x150: {  	v10 =	vsel vm15, $0xFF61B1E6, v10  }
0x151: {  	[tilespmem:s0+$0x2CA0] =	vst v10  }
.LBB2_23:
.Ltmp16:
0x152: {  	(pc) =	sbr.rel @p0 .LBB2_24-.Ltmp16, $2  }
0x153: {  	_ =	sdelay $0x2  }
0x154: {  	v10 =	vimm.f32 $-3.000000010e+38  }
0x155: {  	p2 =	sne.s32 s21, $0x1  }
.Ltmp17:
0x156: {  	_ = 	snop;
	(pc) =	sbr.rel @!p2 .LBB2_26-.Ltmp17, $3  }
0x157: {  	_ =	sdelay $0x1  }
0x158: {  	s0 =	simm.s32 $0x0  }
0x159: {  	v11 =	vimm.s32 $0x0;
	s4 =	simm.s32 $0x2CA0;
	s23 =	simm.s32 $0x1;
	p1 =	por $0x0, $0x0  }
0x15a: {  	v12 =	vld [tilespmem:s4+$0x0];
	p2 =	sne.s32 s21, $0x2  }
.Ltmp18:
0x15b: {  	_ = 	snop;
	(pc) =	sbr.rel @!p2 .LBB2_28-.Ltmp18, $2  }
0x15c: {  	_ =	sdelay $0x2  }
0x15d: {  	s24 =	simm.s32 $0x2;
	s4 =	simm.s32 $0x2CB0;
	p1 =	por $0x1, $0x1;
	vm0 =	vgt.f32 v12, v10;
	v10 =	vmax.f32 v10, v12;
	v12 =	vimm.s32 $0x0  }
.LBB2_29:
0x15e: {  	v12 =	vsel vm0, s0, v12;
	s0 =	smov.u32 s23;
	s23 =	smov.u32 s24;
	s24 =	sadd.s32 $0x1, s24  }
0x15f: {  	v13 =	vld [tilespmem:s4+$0x0];
	p2 =	sne.s32 s21, s24  }
.Ltmp19:
0x160: {  	(pc) =	sbr.rel @p2 .LBB2_29-.Ltmp19, $2  }
0x161: {  	_ =	sdelay $0x2  }
0x162: {  	s4 =	sadd.s32 $0x10, s4;
	vm0 =	vgt.f32 v13, v10;
	v10 =	vmax.f32 v10, v13  }
0x163: {  	s8 =	smov.u32 s0;
	s0 =	smov.u32 s23  }
.LBB2_31:
0x164: {  	v13 =	vld [tilespmem:s4+$0x0];
	_ =	sdelay $0x3  }
.Ltmp20:
0x165: {  	v12 =	vsel @p1 vm0, s8, v12;
	(pc) =	sbr.rel .LBB2_32-.Ltmp20, $4  }
0x166: {  	v11 =	vpsel p1, v12, v11;
	vm15 =	vgt.f32 v13, v10  }
0x167: {  	v11 =	vsel vm15, s0, v11  }
0x168: {  	v11 =	vshll.u32 v11, $0x4  }
0x169: {  	v10 =	vmax.f32 v10, v13;
	v11 =	vor.u32 v3, v11  }
.LBB2_26:
.Ltmp21:
0x16a: {  	(pc) =	sbr.rel .LBB2_31-.Ltmp21, $2  }
0x16b: {  	_ =	sdelay $0x2  }
0x16c: {  	v12 =	vimm.s32 $0x0  }
.LBB2_28:
.Ltmp22:
0x16d: {  	(pc) =	sbr.rel .LBB2_31-.Ltmp22, $2  }
0x16e: {  	_ =	sdelay $0x2  }
0x16f: {  	s8 =	simm.s32 $0x0;
	v12 =	vimm.s32 $0x0;
	s0 =	simm.s32 $0x1  }
.LBB2_35:
0x170: {  	_ =	sfence.sel $0x180000  }
0x171: {  	[bflag:$0x0] =	sbarrier.arrive $0xFFFF  }
0x172: {  	_ =	strace $0x90000047  }
0x173: {  	s0 =	stileid.u32;
	[bflag:$0x2] =	sbarrier.arrive $0xFFFF  }
0x174: {  	p0 =	sne.s32 s0, $0x0;
	s0 =	rddreg [dreg:$0x1]  }
0x175: {  	s0 =	sadd.s32 @!p0 $0x100000, s0  }
0x176: {  	[sflag:s0] =	ssyncadd.tile.s32 @!p0 $0x1;
	_ =	shalt  }
.Lfunc_end2:
_tile_overlayer_lowered:
.L_overlay_start_2:
0x177: {  	(tag) =	ssettag $0x2  }
0x178: {  	s0 =	rddreg [dreg:$0x0];
	s2 =	stileid.u32  }
0x179: {  	s1 =	rddreg [dreg:$0x1];
	p0 =	sne.s32 s2, $0x0  }
0x17a: {  	s3 =	rddreg [dreg:$0x2];
	[bflag:$0x3] =	sbarrier.arrive $0xFFFF;
	s2 =	simm.s32 @!p0 $0x1C02  }
0x17b: {  	[timem:s3], [sflag:s2] =	dma.local @!p0 [hbm:s0], s1  }
0x17c: {  	s0 =	simm.s32 @!p0 $0x2  }
0x17d: {  	_ =	swait.ge @!p0 [sflag:s0], s1  }
0x17e: {  	s1 =	ssub.s32 @!p0 $0x0, s1;
	[sflag:s0] =	ssyncset.done @!p0 $0x0  }
0x17f: {  	[sflag:s0] =	ssyncadd.s32 @!p0 s1  }
0x180: {  	[bflag:$0x3] =	sbarrier.arrive $0xFFFF  }
0x181: {  	_ =	shalt  }

// kernel: _run.16.cloned.1.call-start
scs
__scs_entry_jumppad:
0x0: {  	(pc) =	sbr.rel $0x88, $3  }
0x1: {  	(tag) =	ssettag $0x0;
	lr =	simm.s32 $0x1  }
0x2: {  	[smem:$0x3F9F] =	sst lr;
	_ =	strace $0xD0000000  }
0x3: {  	_ = 	snop  }
0x4: {  	_ = 	snop  }
0x5: {  	_ = 	snop  }
0x6: {  	_ = 	snop  }
0x7: {  	_ = 	snop  }
__scs_overlays_trampoline_lowered:
0x8: {  	[smem:$0x3FAE] =	sst s0  }
0x9: {  	[smem:$0x3FAF] =	sst s1  }
0xa: {  	[smem:$0x3FB0] =	sst s2  }
0xb: {  	[smem:$0x3FB1] =	sst s3  }
0xc: {  	[smem:$0x3FB2] =	sst s4  }
0xd: {  	[smem:$0x3FB3] =	sst s5  }
0xe: {  	[smem:$0x3FB4] =	sst s6  }
0xf: {  	[smem:$0x3FB5] =	sst s7  }
0x10: {  	[smem:$0x3FB6] =	sst s8  }
0x11: {  	[smem:$0x3FB7] =	sst s9;
	s0 =	simm.s32 @!p0 $0x0  }
0x12: {  	s1 =	sld [smem:$0x3F9D];
	s0 =	simm.s32 @p0 $0x1  }
0x13: {  	[smem:$0x3FB8] =	sst s0;
	s0 =	simm.s32 @!p1 $0x0  }
0x14: {  	s2 =	sld [smem:$0x3F9C];
	s0 =	simm.s32 @p1 $0x1  }
0x15: {  	[smem:$0x3FB9] =	sst s0;
	s0 =	simm.s32 @!p2 $0x0  }
0x16: {  	s3 =	sld [smem:$0x3FDB];
	s0 =	simm.s32 @p2 $0x1  }
0x17: {  	s4 =	simm.s32 $0x1BF5;
	[smem:$0x3FBB] =	sst s0  }
0x18: {  	s0 =	sld [smem:$0x3F9E];
	_ =	swait.ge [sflag:s4], $0x0  }
0x19: {  	s7 =	sld [smem:$0x3F9F]  }
0x1a: {  	s8 =	sadd.s32 $0xFFFFE003, lr  }
0x1b: {  	s9 =	sadd.s32 $0xFFFFFEF7, lr;
	s5 =	simm.s32 $0xFFFFFFFF;
	p2 =	slt.u32 s8, $0xFFFFF086  }
0x1c: {  	p1 =	slt.u32 s9, $0xF7A;
	s5 =	simm.s32 @!p2 $0x0  }
0x1d: {  	s5 =	simm.s32 @p1 $0x1;
	p0 =	seq.s32 s7, s2  }
0x1e: {  	s7 =	smul.u32 @!p0 $0xF7A, s2;
	p2 =	seq.s32 @!p0 s5, $0x0  }
0x1f: {  	s9 =	smul.u32 $0xF7A, s1;
	s8 =	simm.s32 @!p0 $0x1BF5;
	p2 =	por !p2, p0  }
0x20: {  	[sflag:s8] =	ssyncset.s32 @!p0 $0xFFFFF086;
	s6 =	sadd.s32 @!p0 s3, s7;
	s7 =	simm.s32 @!p0 $0x108  }
0x21: {  	s3 =	sadd.s32 s3, s9;
	s6 =	sadd.s32 @!p0 $0x88, s6;
	s7 =	simm.s32 @p2 $0x1082  }
0x22: {  	[simem:s7], [sflag:s8] =	dma.local @!p0 [hbm:s6], $0xF7A  }
0x23: {  	s9 =	sor.u32 $0xD0000000, s2;
	s6 =	simm.s32 $0x108;
	_ =	swait.ge @!p0 [sflag:s8], $0x0  }
0x24: {  	s3 =	sadd.s32 $0x88, s3;
	s6 =	simm.s32 @!p1 $0x1082;
	[sflag:s4] =	ssyncset.s32 $0xFFFFF086  }
0x25: {  	[simem:s6], [sflag:s4] =	dma.local [hbm:s3], $0xF7A  }
0x26: {  	[smem:$0x3F9F] =	sst s1;
	(tag) =	ssettag s2;
	_ =	strace s9  }
0x27: {  	s1 =	sld [smem:$0x3FAF]  }
0x28: {  	s2 =	sld [smem:$0x3FB0]  }
0x29: {  	s4 =	sld [smem:$0x3FB2]  }
0x2a: {  	p0 =	seq.s32 s5, $0x0;
	s5 =	sld [smem:$0x3FB3]  }
0x2b: {  	s6 =	sld [smem:$0x3FB4]  }
0x2c: {  	s7 =	sld [smem:$0x3FB5]  }
0x2d: {  	s3 =	simm.s32 $0x108;
	s8 =	sld [smem:$0x3FB6]  }
0x2e: {  	s3 =	simm.s32 @!p0 $0x1082;
	s9 =	sld [smem:$0x3FB7]  }
0x2f: {  	lr =	sadd.s32 s0, s3;
	s0 =	sld [smem:$0x3FAE]  }
0x30: {  	s3 =	sld [smem:$0x3FB1]  }
0x31: {  	[smem:$0x3FBA] =	sst s10  }
0x32: {  	s10 =	sld [smem:$0x3FB8];
	_ =	sdelay $0x3  }
0x33: {  	p0 =	seq.s32 s10, $0x1;
	s10 =	sld [smem:$0x3FBA];
	_ =	sdelay $0x3  }
0x34: {  	[smem:$0x3FBA] =	sst s10  }
0x35: {  	s10 =	sld [smem:$0x3FB9];
	_ =	sdelay $0x3  }
0x36: {  	p1 =	seq.s32 s10, $0x1;
	s10 =	sld [smem:$0x3FBA];
	_ =	sdelay $0x3  }
0x37: {  	[smem:$0x3FBA] =	sst s10  }
0x38: {  	s10 =	sld [smem:$0x3FBB]  }
0x39: {  	_ = 	snop;
	(pc) =	sbr.ind lr, $3  }
0x3a: {  	_ = 	snop  }
0x3b: {  	_ = 	snop  }
0x3c: {  	p2 =	seq.s32 s10, $0x1;
	s10 =	sld [smem:$0x3FBA]  }
0x3d: {  	_ =	shalt  }
0x3e: {  	_ =	shalt  }
0x3f: {  	_ =	shalt  }
0x40: {  	_ =	shalt  }
0x41: {  	_ =	shalt  }
0x42: {  	_ =	shalt  }
0x43: {  	_ =	shalt  }
0x44: {  	_ =	shalt  }
0x45: {  	_ =	shalt  }
0x46: {  	_ =	shalt  }
0x47: {  	_ =	shalt  }
0x48: {  	_ =	shalt  }
0x49: {  	_ =	shalt  }
0x4a: {  	_ =	shalt  }
0x4b: {  	_ =	shalt  }
0x4c: {  	_ =	shalt  }
0x4d: {  	_ =	shalt  }
0x4e: {  	_ =	shalt  }
0x4f: {  	_ =	shalt  }
0x50: {  	_ =	shalt  }
0x51: {  	_ =	shalt  }
0x52: {  	_ =	shalt  }
0x53: {  	_ =	shalt  }
0x54: {  	_ =	shalt  }
0x55: {  	_ =	shalt  }
0x56: {  	_ =	shalt  }
0x57: {  	_ =	shalt  }
0x58: {  	_ =	shalt  }
0x59: {  	_ =	shalt  }
0x5a: {  	_ =	shalt  }
0x5b: {  	_ =	shalt  }
0x5c: {  	_ =	shalt  }
0x5d: {  	_ =	shalt  }
0x5e: {  	_ =	shalt  }
0x5f: {  	_ =	shalt  }
0x60: {  	_ =	shalt  }
0x61: {  	_ =	shalt  }
0x62: {  	_ =	shalt  }
0x63: {  	_ =	shalt  }
0x64: {  	_ =	shalt  }
0x65: {  	_ =	shalt  }
0x66: {  	_ =	shalt  }
0x67: {  	_ =	shalt  }
0x68: {  	_ =	shalt  }
0x69: {  	_ =	shalt  }
0x6a: {  	_ =	shalt  }
0x6b: {  	_ =	shalt  }
0x6c: {  	_ =	shalt  }
0x6d: {  	_ =	shalt  }
0x6e: {  	_ =	shalt  }
0x6f: {  	_ =	shalt  }
0x70: {  	_ =	shalt  }
0x71: {  	_ =	shalt  }
0x72: {  	_ =	shalt  }
0x73: {  	_ =	shalt  }
0x74: {  	_ =	shalt  }
0x75: {  	_ =	shalt  }
0x76: {  	_ =	shalt  }
0x77: {  	_ =	shalt  }
0x78: {  	_ =	shalt  }
0x79: {  	_ =	shalt  }
0x7a: {  	_ =	shalt  }
0x7b: {  	_ =	shalt  }
0x7c: {  	_ =	shalt  }
0x7d: {  	_ =	shalt  }
0x7e: {  	_ =	shalt  }
0x7f: {  	_ =	shalt  }
0x80: {  	_ =	shalt  }
0x81: {  	_ =	shalt  }
0x82: {  	_ =	shalt  }
0x83: {  	_ =	shalt  }
0x84: {  	_ =	shalt  }
0x85: {  	_ =	shalt  }
0x86: {  	_ =	shalt  }
0x87: {  	_ =	shalt  }
.Lfunc_end0:
.L_simem_size_0:
called_computation.2_lowered:
.L_overlay_start_0:
0x88: {  	s2 =	sld [smem:$0x3FD9]  }
0x89: {  	s3 =	sld [smem:$0x3FFE];
	_ =	sdelay $0x1  }
0x8a: {  	s1 =	srdreg.scid  }
0x8b: {  	s0 =	sand.u32 $0x1, s1  }
0x8c: {  	s17 =	sshll.u32 s0, $0xA;
	s2 =	sadd.s32 s3, s2  }
0x8d: {  	s2 =	sadd.s32 s2, s17  }
0x8e: {  	[smem:$0x3FC6] =	sst s2  }
0x8f: {  	_ = 	snop  }
0x90: {  	(tm) =	ssettm $0x1  }
0x91: {  	s18 =	sld [smem:$0x3FFB];
	_ =	sdelay $0x3  }
0x92: {  	_ =	strace s18  }
0x93: {  	s2 =	sld [smem:$0x3FFC];
	_ =	sdelay $0x3  }
0x94: {  	_ =	strace s2  }
0x95: {  	s2 =	sld [smem:$0x3FFD];
	_ =	sdelay $0x3  }
0x96: {  	_ =	strace s2  }
0x97: {  	_ =	strace $0x8FFFFFFF  }
0x98: {  	s19 =	sld [smem:$0x3FDB];
	_ =	sdelay $0x1  }
0x99: {  	s20 =	simm.s32 $_scs_section_size  }
0x9a: {  	s4 =	simm.s32 $_size__tile_overlayer_lowered;
	s5 =	simm.s32 $_tile_overlayer_lowered  }
0x9b: {  	s6 =	simm.s32 $0x1BFF;
	s21 =	sshll.u32 s5, $0x1;
	s3 =	sadd.s32 s20, s19  }
0x9c: {  	s22 =	simm.s32 $0x0;
	s4 =	sshll.u32 s4, $0x1;
	s5 =	sadd.s32 s21, s3  }
0x9d: {  	[timem:s22], [sflag:s6] =	dma.local [hbm:s5], s4  }
0x9e: {  	_ =	swait.ge [sflag:s6], s4  }
0x9f: {  	s4 =	ssub.s32 $0x0, s4;
	[sflag:s6] =	ssyncset.done $0x0  }
0xa0: {  	[sflag:s6] =	ssyncadd.s32 s4;
	_ =	sdelay $0x1  }
0xa1: {  	s23 =	simm.s32 $0x1B8B  }
0xa2: {  	_ =	swait.ge [sflag:s23], $0x1  }
0xa3: {  	[sflag:s23] =	ssyncset.done $0x0  }
0xa4: {  	[sflag:s23] =	ssyncadd.s32 $0xFFFFFFFF  }
0xa5: {  	s4 =	sld [smem:$0x0]  }
0xa6: {  	s5 =	sand.u32 $0xFFFFFFFE, s1  }
0xa7: {  	p0 =	sne.s32 s1, s5  }
0xa8: {  	s5 =	sshll.u32 @p0 s5, $0xE  }
0xa9: {  	s5 =	sadd.s32 @p0 $0x11B8D, s5;
	s6 =	sshll.u32 @p0 s4, $0x11  }
0xaa: {  	s5 =	sor.u32 @p0 s6, s5  }
0xab: {  	[sflag:s5] =	ssyncadd.remote.s32 @p0 $0x1;
	_ =	sdelay $0x1  }
0xac: {  	s5 =	simm.s32 @p0 $0x1B8D  }
0xad: {  	_ =	swait.eq @p0 [sflag:s5], $0x1  }
0xae: {  	[sflag:s5] =	ssyncadd.s32 @p0 $0xFFFFFFFF  }
0xaf: {  	s6 =	sshll.u32 @!p0 s1, $0xE  }
0xb0: {  	s6 =	sor.u32 @!p0 $0x4000, s6;
	s5 =	simm.s32 @!p0 $0x1B8D  }
0xb1: {  	s4 =	sshll.u32 @!p0 s4, $0x11;
	s6 =	sadd.s32 @!p0 $0x11B8D, s6;
	_ =	swait.eq @!p0 [sflag:s5], $0x1  }
0xb2: {  	s4 =	sor.u32 @!p0 s4, s6;
	[sflag:s5] =	ssyncadd.s32 @!p0 $0xFFFFFFFF  }
0xb3: {  	s25 =	simm.s32 $0x1B8E;
	s24 =	sld [smem:$0x3FFE];
	[sflag:s4] =	ssyncadd.remote.s32 @!p0 $0x1  }
0xb4: {  	s26 =	simm.s32 $execute0_lowered;
	[smem:$0x3FD2] =	sst s25  }
0xb5: {  	s5 =	sshll.u32 s26, $0x1;
	_ =	strace $0x8000004C;
	[dreg:$0x1] =	wrdreg $0xFFFFFFFF  }
0xb6: {  	s28 =	simm.s32 $_size_execute0_lowered;
	s3 =	sadd.s32 s3, s5;
	[dreg:$0x0] =	wrdreg $0x0  }
0xb7: {  	s5 =	sshll.u32 s28, $0x1;
	[dreg:$0x2] =	wrdreg s3  }
0xb8: {  	[dreg:$0x3] =	wrdreg s5  }
0xb9: {  	[dreg:$0x4] =	wrdreg $0xC0  }
0xba: {  	_ =	task [dreg:s22], $0x5FFFF  }
0xbb: {  	[dreg:$0x1] =	wrdreg $0xFFFFFFFF  }
0xbc: {  	[dreg:$0x0] =	wrdreg $0x60  }
0xbd: {  	[dreg:$0x2] =	wrdreg s24  }
0xbe: {  	[dreg:$0x3] =	wrdreg $0xB  }
0xbf: {  	_ =	task.clear_ibuf [dreg:s22], $0x4FFFF;
	_ =	strace $0x9000004C  }
0xc0: {  	s29 =	simm.s32 $0xB;
	_ =	strace $0x8000004E  }
0xc1: {  	_ =	swait.ge [sflag:s29], $0x1  }
0xc2: {  	[sflag:s29] =	ssyncadd.s32 $0xFFFFFFFF  }
0xc3: {  	_ =	strace $0x9000004E  }
0xc4: {  	_ =	sfence  }
0xc5: {  	s30 =	sld [smem:$0x0];
	_ =	sdelay $0x2  }
0xc6: {  	s31 =	sshll.u32 s1, $0xD;
	s1 =	sshrl.u32 s1, $0x2  }
0xc7: {  	s4 =	sand.u32 $0x4000, s31;
	s1 =	sadd.s32 s1, s30  }
0xc8: {  	s0 =	sor.u32 s4, s0;
	s1 =	sshll.u32 s1, $0x11  }
0xc9: {  	s0 =	sor.u32 s1, s0  }
0xca: {  	s0 =	sadd.s32 $0x8F2B, s0  }
0xcb: {  	[sflag:s0] =	ssyncadd.remote.s32 $0x1  }
0xcc: {  	_ =	sfence.sel $0xFFFF  }
0xcd: {  	[dreg:$0x0] =	wrdreg $0xFFFFFFFF;
	(pc) =	sbr.abs _section_cstart, $3  }
0xce: {  	[dreg:$0x1] =	wrdreg $0xFFFFFFFF  }
0xcf: {  	_ =	task.clear_ibuf [dreg:s22], $0x2FFFF;
	_ =	strace $0x9FFFFFFF  }
0xd0: {  	(tm) =	ssettm $0x7FFFFFFF  }
0xd1: {  	_ =	shalt  }
tec
execute0_lowered:
.L_overlay_start_1:
0x0: {  	(tag) =	ssettag $0x1  }
0x1: {  	v0 =	vimm.s32 $0xFEDCBA98;
	v1 =	vimm.s32 $0x76543210  }
0x2: {  	s0 =	rddreg [dreg:$0x0];
	s1 =	simm.s32 $0x0;
	v2 =	vimm.s32 $0x3210FEDC;
	v3 =	vimm.s32 $0xBA987654;
	v4 =	vimm.s32 $0x10FEDCBA;
	s4 =	srdreg.scid  }
0x3: {  	s10 =	stileid.u32;
	v5 =	vimm.s32 $0x98765432;
	v6 =	vimm.s32 $0xFEDCBA9;
	v7 =	vimm.s32 $0x87654321;
	s11 =	simm.s32 $0x1;
	s12 =	simm.s32 $0x80  }
0x4: {  	s13 =	simm.s32 $0x1880;
	s14 =	simm.s32 $0x1CA0;
	s15 =	simm.s32 $0x34E0;
	v0 =	vunpack.c.l.s4.s8 v0;
	v1 =	vunpack.c.l.s4.s8 v1;
	v2 =	vunpack.c.l.s4.s8 v2  }
0x5: {  	s16 =	simm.s32 $0x3520;
	s17 =	simm.s32 $0x0;
	[smem:$0x7FF] =	sst s1;
	v3 =	vunpack.c.l.s4.s8 v3;
	v4 =	vunpack.c.l.s4.s8 v4;
	v5 =	vunpack.c.l.s4.s8 v5  }
0x6: {  	s2 =	sadd.s32 $0xB1EE00, s0;
	s4 =	sand.u32 $0x1, s4;
	s8 =	smul.u32 $0x18800, s10;
	v6 =	vunpack.c.l.s4.s8 v6;
	v7 =	vunpack.c.l.s4.s8 v7;
	v0 =	vunpack.c.0.s8.s32 v0  }
0x7: {  	s3 =	sadd.s32 $0x80EE00, s0;
	s7 =	ssub.s32 $0x2, s4;
	s9 =	smul.u32 $0xC400, s4;
	v2 =	vunpack.c.0.s8.s32 v2;
	v3 =	vunpack.c.0.s8.s32 v3;
	v4 =	vunpack.c.0.s8.s32 v4  }
.Ltmp0:
0x8: {  	s5 =	sadd.s32 $0xB50600, s0;
	s29 =	sshrl.u32 s7, $0x1;
	v5 =	vunpack.c.0.s8.s32 v5;
	v6 =	vunpack.c.0.s8.s32 v6;
	v7 =	vunpack.c.0.s8.s32 v7;
	(pc) =	sbr.rel .LBB2_1-.Ltmp0, $4  }
0x9: {  	s6 =	sadd.s32 $0xB4FE00, s0;
	s30 =	sshll.u32 s10, $0x4;
	v8 =	vunpack.c.0.s8.s32 v1;
	s0 =	ssub.s32 s7, s29;
	v9 =	vand.u32 $0xF, v0;
	v0 =	vcombine.low v3, v2  }
0xa: {  	_ =	strace $0x8000004D;
	s31 =	sadd.s32 s9, s8;
	s0 =	smax.u32 s0, $0x1;
	v1 =	vcombine.low v5, v4;
	v2 =	vcombine.low v7, v6;
	v3 =	vlaneseq.u32  }
0xb: {  	s4 =	sshll.u32 s4, $0x3;
	v5 =	vimm.f32 $-3.000000010e+38;
	[dreg:$0x2] =	wrdreg s0;
	s0 =	sor.u32 $0x10, s31;
	v4 =	vcombine.low v9, v8;
	v6 =	vor.u32 $0x80000000, v3  }
0xc: {  	s10 =	simm.s32 $0x2;
	s7 =	sor.u32 s4, s30;
	[dreg:$0x3] =	wrdreg s0;
	v7 =	vand.u32 $0xF, v0;
	v8 =	vand.u32 $0xF, v1;
	v9 =	vand.u32 $0xF, v2  }
.LBB2_34:
0xd: {  	s17 =	sadd.s32 $0x1, s17;
	s0 =	rddreg [dreg:$0x2]  }
0xe: {  	p0 =	sne.s32 s17, s0  }
.Ltmp1:
0xf: {  	_ = 	snop;
	(pc) =	sbr.rel @!p0 .LBB2_35-.Ltmp1, $1  }
0x10: {  	_ =	sdelay $0x3  }
.LBB2_1:
.Ltmp2:
0x11: {  	(pc) =	sbr.rel .LBB2_2-.Ltmp2, $2  }
0x12: {  	_ =	sdelay $0x2  }
0x13: {  	s18 =	rddreg [dreg:$0x3];
	s19 =	simm.s32 $0x0  }
.LBB2_33:
0x14: {  	s0 =	sshll.u32 s20, $0x3  }
0x15: {  	s4 =	sadd.s32 s5, s0  }
0x16: {  	[hbm4b:s4+s1] =	stream.linear.scatter [tilespmem:s15], [sflag:$0x2], $0x40, $0x38;
	[tilespmem:$0x3560] =	vst v63  }
0x17: {  	s19 =	sadd.s32 $0x1, s19;
	_ =	swait.ge [sflag:s10], $0x40  }
0x18: {  	p0 =	sne.s32 s19, $0x8;
	[sflag:s10] =	ssyncset.done $0x0  }
.Ltmp3:
0x19: {  	s0 =	sadd.s32 s6, s0;
	[sflag:s10] =	ssyncadd.s32 $0xFFFFFFC0;
	(pc) =	sbr.rel @!p0 .LBB2_34-.Ltmp3, $4  }
0x1a: {  	[hbm4b:s0+s1] =	stream.linear.scatter [tilespmem:s16], [sflag:$0x2], $0x40, $0x38;
	[tilespmem:$0x3560] =	vst v63  }
0x1b: {  	_ =	swait.ge [sflag:s10], $0x40  }
0x1c: {  	[sflag:s10] =	ssyncset.done $0x0  }
0x1d: {  	s18 =	sadd.s32 $0x1880, s18;
	[sflag:s10] =	ssyncadd.s32 $0xFFFFFFC0  }
.LBB2_2:
0x1e: {  	s20 =	sadd.s32 s7, s19  }
0x1f: {  	s21 =	smul.u32 $0x1880, s20;
	_ =	sdelay $0x1  }
0x20: {  	s0 =	sshrl.u32 s21, $0x3  }
0x21: {  	s0 =	sadd.s32 s2, s0  }
0x22: {  	[tilespmem:s1], [sflag:$0x2] =	stream.linear.gather [hbm4b:s0+s1], $0x1880, $0x38;
	[tilespmem:$0x3560] =	vst v63  }
0x23: {  	_ =	swait.ge [sflag:s10], $0x1880  }
0x24: {  	[sflag:s10] =	ssyncset.done $0x0  }
0x25: {  	[sflag:s10] =	ssyncadd.s32 $0xFFFFE780  }
0x26: {  	s4 =	simm.s32 $0x40;
	v12 =	vld [tilespmem:$0x0]  }
0x27: {  	v13 =	vld [tilespmem:s4+$0xFFFFFFD0]  }
0x28: {  	v14 =	vld [tilespmem:s4+$0xFFFFFFE0]  }
0x29: {  	v15 =	vld [tilespmem:s4+$0xFFFFFFF0];
	_ =	sdelay $0x1  }
0x2a: {  	s0 =	simm.s32 $0x80;
	v10 =	vld [tilespmem:s4+$0x0]  }
0x2b: {  	v11 =	vld [tilespmem:s0+$0xFFFFFFF0];
	v13 =	vmax.f32 v12, v13  }
0x2c: {  	v12 =	vld [tilespmem:s0+$0xFFFFFFD0];
	v13 =	vmax.f32 v13, v14  }
0x2d: {  	s22 =	simm.s32 $0xC0;
	s4 =	simm.s32 $0x5;
	v14 =	vld [tilespmem:s0+$0xFFFFFFE0];
	v13 =	vmax.f32 v13, v15  }
.LBB2_3:
0x2e: {  	s4 =	sadd.s32 $0x4, s4  }
0x2f: {  	v15 =	vld [tilespmem:s22+$0xFFFFFFF0];
	v13 =	vmax.f32 v13, v10;
	p0 =	slt.u32 s4, $0x5D  }
.Ltmp4:
0x30: {  	v10 =	vld [tilespmem:s0+$0x0];
	s0 =	smov.u32 s22;
	(pc) =	sbr.rel @p0 .LBB2_3-.Ltmp4, $4  }
0x31: {  	_ = 	snop  }
0x32: {  	v13 =	vmax.f32 v13, v12  }
0x33: {  	v12 =	vld [tilespmem:s22+$0xFFFFFFD0];
	v13 =	vmax.f32 v13, v14  }
0x34: {  	s22 =	sadd.s32 $0x40, s22;
	v14 =	vld [tilespmem:s0+$0xFFFFFFE0];
	v13 =	vmax.f32 v13, v11;
	v11 =	vmov v15  }
0x35: {  	v15 =	vld [tilespmem:s0+$0x0]  }
0x36: {  	s4 =	simm.s32 $0x660;
	v16 =	vld [tilespmem:$0x620]  }
0x37: {  	v17 =	vld [tilespmem:s4+$0xFFFFFFD0]  }
0x38: {  	v18 =	vld [tilespmem:s4+$0xFFFFFFE0]  }
0x39: {  	v13 =	vmax.f32 v13, v10;
	v19 =	vld [tilespmem:s4+$0xFFFFFFF0]  }
0x3a: {  	v10 =	vld [tilespmem:$0x610];
	v12 =	vmax.f32 v13, v12  }
0x3b: {  	s0 =	simm.s32 $0x6A0;
	v14 =	vmax.f32 v12, v14;
	v12 =	vld [tilespmem:s4+$0x0]  }
0x3c: {  	v13 =	vld [tilespmem:s0+$0xFFFFFFF0];
	v16 =	vmax.f32 v16, v17  }
0x3d: {  	v11 =	vmax.f32 v14, v11;
	v14 =	vld [tilespmem:s0+$0xFFFFFFD0];
	v16 =	vmax.f32 v16, v18  }
0x3e: {  	s22 =	simm.s32 $0x6E0;
	s4 =	simm.s32 $0x5;
	v11 =	vmax.f32 v11, v15;
	v15 =	vld [tilespmem:s0+$0xFFFFFFE0];
	v16 =	vmax.f32 v16, v19  }
.LBB2_5:
0x3f: {  	s4 =	sadd.s32 $0x4, s4  }
0x40: {  	v17 =	vld [tilespmem:s22+$0xFFFFFFF0];
	v16 =	vmax.f32 v16, v12;
	p0 =	slt.u32 s4, $0x5D  }
.Ltmp5:
0x41: {  	v12 =	vld [tilespmem:s0+$0x0];
	s0 =	smov.u32 s22;
	(pc) =	sbr.rel @p0 .LBB2_5-.Ltmp5, $4  }
0x42: {  	_ = 	snop  }
0x43: {  	v16 =	vmax.f32 v16, v14  }
0x44: {  	v14 =	vld [tilespmem:s22+$0xFFFFFFD0];
	v16 =	vmax.f32 v16, v15  }
0x45: {  	s22 =	sadd.s32 $0x40, s22;
	v15 =	vld [tilespmem:s0+$0xFFFFFFE0];
	v16 =	vmax.f32 v16, v13;
	v13 =	vmov v17  }
0x46: {  	v17 =	vld [tilespmem:s0+$0x0]  }
0x47: {  	s4 =	simm.s32 $0xC80;
	v18 =	vld [tilespmem:$0xC40]  }
0x48: {  	v19 =	vld [tilespmem:s4+$0xFFFFFFD0]  }
0x49: {  	v20 =	vld [tilespmem:s4+$0xFFFFFFE0]  }
0x4a: {  	v16 =	vmax.f32 v16, v12;
	v21 =	vld [tilespmem:s4+$0xFFFFFFF0]  }
0x4b: {  	v12 =	vld [tilespmem:$0xC30];
	v16 =	vmax.f32 v16, v14  }
0x4c: {  	s0 =	simm.s32 $0xCC0;
	v16 =	vmax.f32 v16, v15;
	v15 =	vld [tilespmem:s4+$0x0]  }
0x4d: {  	v14 =	vld [tilespmem:s0+$0xFFFFFFF0];
	v18 =	vmax.f32 v18, v19  }
0x4e: {  	v13 =	vmax.f32 v16, v13;
	v16 =	vld [tilespmem:s0+$0xFFFFFFD0];
	v18 =	vmax.f32 v18, v20  }
0x4f: {  	s22 =	simm.s32 $0xD00;
	s4 =	simm.s32 $0x5;
	v13 =	vmax.f32 v13, v17;
	v17 =	vld [tilespmem:s0+$0xFFFFFFE0];
	v18 =	vmax.f32 v18, v21  }
.LBB2_7:
0x50: {  	s4 =	sadd.s32 $0x4, s4  }
0x51: {  	v19 =	vld [tilespmem:s22+$0xFFFFFFF0];
	v18 =	vmax.f32 v18, v15;
	p0 =	slt.u32 s4, $0x5D  }
.Ltmp6:
0x52: {  	v15 =	vld [tilespmem:s0+$0x0];
	s0 =	smov.u32 s22;
	(pc) =	sbr.rel @p0 .LBB2_7-.Ltmp6, $4  }
0x53: {  	_ = 	snop  }
0x54: {  	v18 =	vmax.f32 v18, v16  }
0x55: {  	v16 =	vld [tilespmem:s22+$0xFFFFFFD0];
	v18 =	vmax.f32 v18, v17  }
0x56: {  	s22 =	sadd.s32 $0x40, s22;
	v17 =	vld [tilespmem:s0+$0xFFFFFFE0];
	v18 =	vmax.f32 v18, v14;
	v14 =	vmov v19  }
0x57: {  	v19 =	vld [tilespmem:s0+$0x0]  }
0x58: {  	s4 =	simm.s32 $0x12A0;
	v20 =	vld [tilespmem:$0x1260]  }
0x59: {  	v21 =	vld [tilespmem:s4+$0xFFFFFFD0]  }
0x5a: {  	v22 =	vld [tilespmem:s4+$0xFFFFFFE0]  }
0x5b: {  	v18 =	vmax.f32 v18, v15;
	v23 =	vld [tilespmem:s4+$0xFFFFFFF0]  }
0x5c: {  	v15 =	vld [tilespmem:$0x1250];
	v18 =	vmax.f32 v18, v16  }
0x5d: {  	s0 =	simm.s32 $0x12E0;
	v18 =	vmax.f32 v18, v17;
	v17 =	vld [tilespmem:s4+$0x0]  }
0x5e: {  	v16 =	vld [tilespmem:s0+$0xFFFFFFF0];
	v20 =	vmax.f32 v20, v21  }
0x5f: {  	v14 =	vmax.f32 v18, v14;
	v18 =	vld [tilespmem:s0+$0xFFFFFFD0];
	v20 =	vmax.f32 v20, v22  }
0x60: {  	s22 =	simm.s32 $0x1320;
	s4 =	simm.s32 $0x5;
	v14 =	vmax.f32 v14, v19;
	v19 =	vld [tilespmem:s0+$0xFFFFFFE0];
	v20 =	vmax.f32 v20, v23  }
.LBB2_9:
0x61: {  	s4 =	sadd.s32 $0x4, s4  }
0x62: {  	v21 =	vld [tilespmem:s22+$0xFFFFFFF0];
	v20 =	vmax.f32 v20, v17;
	p0 =	slt.u32 s4, $0x5D  }
.Ltmp7:
0x63: {  	v17 =	vld [tilespmem:s0+$0x0];
	s0 =	smov.u32 s22;
	(pc) =	sbr.rel @p0 .LBB2_9-.Ltmp7, $4  }
0x64: {  	_ = 	snop  }
0x65: {  	v20 =	vmax.f32 v20, v18  }
0x66: {  	v18 =	vld [tilespmem:s22+$0xFFFFFFD0];
	v20 =	vmax.f32 v20, v19  }
0x67: {  	s22 =	sadd.s32 $0x40, s22;
	v19 =	vld [tilespmem:s0+$0xFFFFFFE0];
	v20 =	vmax.f32 v20, v16;
	v16 =	vmov v21  }
0x68: {  	_ = 	snop  }
0x69: {  	v21 =	vld [tilespmem:s0+$0x0]  }
0x6a: {  	v17 =	vmax.f32 v20, v17;
	v63 =	vld [tilespmem:$0x1870]  }
0x6b: {  	v17 =	vmax.f32 v17, v18  }
0x6c: {  	v17 =	vmax.f32 v17, v19  }
0x6d: {  	v16 =	vmax.f32 v17, v16  }
0x6e: {  	v10 =	vmax.f32 v11, v10;
	v16 =	vmax.f32 v16, v21  }
0x6f: {  	v11 =	vmax.f32 v13, v12;
	v12 =	vmax.f32 v14, v15;
	v13 =	vmax.f32 v16, v63  }
0x70: {  	v10 =	vmin.f32 v10, v11;
	v11 =	vmin.f32 v12, v13  }
0x71: {  	v10 =	vmin.f32 v10, v11  }
0x72: {  	v11 =	vperm.xlane v10, v4;
	_ =	sdelay $0x1  }
0x73: {  	v10 =	vmin.f32 v10, v11  }
0x74: {  	v11 =	vperm.xlane v10, v0;
	_ =	sdelay $0x1  }
0x75: {  	v10 =	vmin.f32 v10, v11  }
0x76: {  	v11 =	vperm.xlane v10, v1;
	_ =	sdelay $0x1  }
0x77: {  	s31 =	sadd.s32 $0x187F, s21;
	v10 =	vmin.f32 v10, v11  }
0x78: {  	s0 =	simm.s32 $0x40;
	s4 =	simm.s32 $0x0;
	v12 =	vmov s31;
	v11 =	vperm.xlane v10, v2  }
.LBB2_11:
0x79: {  	p0 =	sne.s32 s0, $0x1000;
	[tilespmem:s4+$0x1880] =	vst v12;
	s4 =	smov.u32 s0;
	s0 =	sadd.s32 $0x40, s0  }
.Ltmp8:
0x7a: {  	(pc) =	sbr.rel @p0 .LBB2_11-.Ltmp8, $2  }
0x7b: {  	_ =	sdelay $0x2  }
0x7c: {  	s4 =	sshra.s32 s4, $0x2  }
0x7d: {  	[tilespmem:s4+$0x1880] =	vst v12;
	s0 =	simm.s32 $0x40;
	s4 =	simm.s32 $0x0  }
.LBB2_13:
0x7e: {  	p0 =	sne.s32 s0, $0x1000;
	[tilespmem:s4+$0x2CA0] =	vst v5;
	s4 =	smov.u32 s0;
	s0 =	sadd.s32 $0x40, s0  }
.Ltmp9:
0x7f: {  	(pc) =	sbr.rel @p0 .LBB2_13-.Ltmp9, $2  }
0x80: {  	_ =	sdelay $0x2  }
0x81: {  	s4 =	sshra.s32 s4, $0x2  }
0x82: {  	[tilespmem:s4+$0x2CA0] =	vst v5;
	s0 =	simm.s32 $0x10  }
0x83: {  	v12 =	vld [tilespmem:s0+$0xFFFFFFF0];
	_ =	sdelay $0x3  }
0x84: {  	v10 =	vmin.f32 v10, v11;
	s28 =	sadd.s32 $0xFFFFFFF0, s18  }
0x85: {  	v11 =	vor.u32 s28, v3;
	vm0 =	vge.f32 v12, v10  }
0x86: {  	(xrf1) =	vsort.ascd.msk.u32 vm0, v6, v11;
	_ =	sdelay $0xd  }
0x87: {  	s29 =	simm.s32 $0x0;
	_, v11, _ =	vpop (xrf1)  }
0x88: {  	[tilespmem:s29+$0x1880] =	vst v11  }
0x89: {  	v12 =	vmpcnt.ones.xlane vm0;
	v11 =	vld [tilespmem:s0+$0x0];
	_ =	sdelay $0x1  }
0x8a: {  	(v2sf) =	vpush v12, $0x0;
	_ =	sdelay $0x2  }
0x8b: {  	v63 =	vor.u32 s18, v3;
	vm15 =	vge.f32 v11, v10  }
0x8c: {  	v11 =	vmpcnt.ones.xlane vm15;
	(xrf1) =	vsort.ascd.msk.u32 vm15, v6, v63;
	_ =	sdelay $0x1  }
0x8d: {  	(v2sf) =	vpush v11, $0x0;
	_ =	sdelay $0x8  }
0x8e: {  	s30 =	spop (v2sf)  }
0x8f: {  	s0 =	sadd.s32 $0x0, s30  }
0x90: {  	p0 =	slt.s32 s0, $0x400  }
0x91: {  	s0 =	simm.s32 @!p0 $0x400;
	_, v11, _ =	vpop (xrf1)  }
0x92: {  	s23 =	simm.s32 $0x30;
	[tilespmem:s0+$0x1880] =	vst v11  }
0x93: {  	v11 =	vld [tilespmem:s23+$0xFFFFFFF0]  }
0x94: {  	s31 =	spop (v2sf)  }
0x95: {  	s0 =	sadd.s32 s0, s31  }
0x96: {  	s24 =	simm.s32 $0x2;
	s22 =	sadd.s32 $0x20, s18;
	p1 =	slt.s32 s0, $0x400  }
.LBB2_15:
0x97: {  	s24 =	sadd.s32 $0x2, s24;
	s4 =	sadd.s32 $0xFFFFFFF0, s22;
	s0 =	simm.s32 @!p1 $0x400  }
0x98: {  	p0 =	slt.u32 s24, $0x186;
	vm0 =	vge.f32 v11, v10;
	v11 =	vor.u32 s4, v3  }
0x99: {  	v12 =	vmpcnt.ones.xlane vm0;
	(xrf1) =	vsort.ascd.msk.u32 vm0, v6, v11;
	_ =	sdelay $0x1  }
0x9a: {  	(v2sf) =	vpush v12, $0x0;
	_ =	sdelay $0xb  }
0x9b: {  	_, v11, _ =	vpop (xrf1)  }
0x9c: {  	[tilespmem:s0+$0x1880] =	vst v11  }
0x9d: {  	v11 =	vld [tilespmem:s23+$0x0]  }
0x9e: {  	s4 =	spop (v2sf)  }
0x9f: {  	s0 =	sadd.s32 s0, s4  }
0xa0: {  	p1 =	slt.s32 s0, $0x400;
	_ =	sdelay $0x1  }
0xa1: {  	vm0 =	vge.f32 v11, v10;
	v11 =	vor.u32 s22, v3  }
0xa2: {  	v12 =	vmpcnt.ones.xlane vm0;
	(xrf1) =	vsort.ascd.msk.u32 vm0, v6, v11;
	_ =	sdelay $0x1  }
0xa3: {  	(v2sf) =	vpush v12, $0x0;
	_ =	sdelay $0xb  }
0xa4: {  	s0 =	simm.s32 @!p1 $0x400;
	_, v11, _ =	vpop (xrf1)  }
.Ltmp10:
0xa5: {  	s23 =	sadd.s32 $0x20, s23;
	[tilespmem:s0+$0x1880] =	vst v11;
	(pc) =	sbr.rel @p0 .LBB2_15-.Ltmp10, $4  }
0xa6: {  	v11 =	vld [tilespmem:s23+$0xFFFFFFF0]  }
0xa7: {  	s4 =	spop (v2sf)  }
0xa8: {  	s0 =	sadd.s32 s0, s4  }
0xa9: {  	s22 =	sadd.s32 $0x20, s22;
	p1 =	slt.s32 s0, $0x400  }
0xaa: {  	s4 =	sadd.s32 $0xFFFFFFF0, s22  }
0xab: {  	vm0 =	vge.f32 v11, v10;
	v11 =	vor.u32 s4, v3  }
0xac: {  	(xrf1) =	vsort.ascd.msk.u32 vm0, v6, v11;
	_ =	sdelay $0xd  }
0xad: {  	s0 =	simm.s32 @!p1 $0x400;
	_, v11, _ =	vpop (xrf1)  }
0xae: {  	[tilespmem:s0+$0x1880] =	vst v11  }
0xaf: {  	v11 =	vld [tilespmem:s23+$0x0];
	_ =	sdelay $0x2  }
0xb0: {  	v12 =	vmpcnt.ones.xlane vm0;
	_ =	sdelay $0x1  }
0xb1: {  	(v2sf) =	vpush v12, $0x0;
	vm15 =	vge.f32 v11, v10  }
0xb2: {  	v11 =	vmpcnt.ones.xlane vm15;
	_ =	sdelay $0x1  }
0xb3: {  	(v2sf) =	vpush v11, $0x0;
	_ =	sdelay $0xb  }
0xb4: {  	s28 =	spop (v2sf)  }
0xb5: {  	s0 =	sadd.s32 s0, s28  }
0xb6: {  	p0 =	slt.s32 s0, $0x400;
	v11 =	vor.u32 s22, v3  }
0xb7: {  	s0 =	simm.s32 @!p0 $0x400;
	(xrf1) =	vsort.ascd.msk.u32 vm15, v6, v11;
	s30 =	spop (v2sf)  }
0xb8: {  	s4 =	sadd.s32 s0, s30  }
0xb9: {  	p0 =	slt.s32 s4, $0x400  }
0xba: {  	p5 =	slt.s32 s4, $0xFFFFFF82;
	s4 =	simm.s32 @!p0 $0x400  }
0xbb: {  	s4 =	sadd.s32 $0x7F, s4  }
0xbc: {  	s8 =	sand.u32 $0x7F, s4  }
0xbd: {  	s9 =	sshra.s32 s4, $0x1F;
	p6 =	sne.s32 s8, $0x0  }
0xbe: {  	s31 =	sshrl.u32 s9, $0x19;
	p0 =	por !p5, !p6  }
0xbf: {  	s8 =	simm.s32 $0x1;
	s4 =	sadd.s32 s31, s4;
	p0 =	por !p0, !p0  }
0xc0: {  	s4 =	sshra.s32 s4, $0x7;
	s8 =	simm.s32 @!p0 $0x0  }
0xc1: {  	s23 =	ssub.s32 s4, s8  }
0xc2: {  	p0 =	slt.s32 s23, $0x1  }
.Ltmp11:
0xc3: {  	_ = 	snop;
	(pc) =	sbr.rel @p0 .LBB2_22-.Ltmp11, $4  }
0xc4: {  	_ = 	snop  }
0xc5: {  	_, v11, _ =	vpop (xrf1)  }
0xc6: {  	s29 =	simm.s32 $0x0;
	s22 =	simm.s32 $0x0;
	[tilespmem:s0+$0x1880] =	vst v11  }
0xc7: {  	[tilespmem:s14], [sflag:$0x1] =	stream.indirect.gather [hbm4b:s3+s12], $0x10, s13, s12, $0xb8;
	[tilespmem:$0x3560] =	vst v63  }
0xc8: {  	s24 =	simm.s32 $0x0;
	s25 =	simm.s32 $0x0  }
0xc9: {  	v11 =	vmov s21;
	s21 =	simm.s32 $0x0;
	s29 =	simm.s32 $0x0;
	s26 =	simm.s32 $0x0  }
.LBB2_19:
0xca: {  	s26 =	sadd.s32 $0x1, s26  }
0xcb: {  	p0 =	slt.s32 s26, $0x7;
	s0 =	smov.u32 s26  }
0xcc: {  	s0 =	simm.s32 @!p0 $0x7  }
0xcd: {  	s4 =	sshll.u32 s26, $0xB;
	s0 =	sshll.u32 s0, $0x7  }
0xce: {  	s4 =	sand.u32 $0x800, s4;
	s0 =	sand.u32 $0x3FFFFF80, s0  }
0xcf: {  	s4 =	sadd.s32 $0x1CA0, s4;
	s0 =	sadd.s32 $0x1880, s0  }
0xd0: {  	[tilespmem:s4], [sflag:$0x1] =	stream.indirect.gather [hbm4b:s3+s12], $0x10, s0, s12, $0xb8;
	[tilespmem:$0x3560] =	vst v63  }
0xd1: {  	s9 =	sand.u32 $0xF, s24;
	s0 =	sadd.s32 $0x0, s25  }
0xd2: {  	p1 =	sne.s32 s9, $0x0;
	p4 =	seq.s32 s0, $0x0  }
0xd3: {  	p0 =	por !p4, !p1  }
0xd4: {  	s4 =	simm.s32 $0xFFFFFFFF;
	p0 =	por !p0, !p0  }
0xd5: {  	s4 =	simm.s32 @!p0 $0x0  }
0xd6: {  	_ =	swait.ge [sflag:s11], $0x800;
	s4 =	sshll.u32 s4, $0x4  }
0xd7: {  	[sflag:s11] =	ssyncset.done $0x0;
	s8 =	sadd.s32 s4, s0  }
0xd8: {  	s9 =	sand.u32 $0x800, s21;
	[sflag:s11] =	ssyncadd.s32 $0xFFFFF800;
	s8 =	sand.u32 $0xFFFFFFF0, s8  }
0xd9: {  	s9 =	sadd.s32 $0x1CA0, s9;
	s4 =	sadd.s32 s4, s25;
	v12 =	vld [tilespmem:s8+$0x1880]  }
0xda: {  	v13 =	vld [tilespmem:s9+$0x0];
	s4 =	sand.u32 $0xFFFFFFF0, s4  }
0xdb: {  	s0 =	ssub.s32 s0, s4  }
0xdc: {  	v14 =	vmov s0  }
0xdd: {  	v14 =	vadd.s32 $0x10, v14  }
0xde: {  	v12 =	vperm.xlane v12, v14  }
0xdf: {  	vm0 =	vge.f32 v13, v10  }
0xe0: {  	v61 =	vmpcnt.ones.xlane vm0;
	v12 =	vsub.s32 v12, v11  }
0xe1: {  	v12 =	vshll.u32 v12, $0x4  }
0xe2: {  	(xrf1) =	vsort.ascd.msk.u32 vm0, v6, v13;
	(v2sf) =	vpush v61, $0x0;
	v12 =	vor.u32 v3, v12  }
0xe3: {  	(xrf1) =	vsort.ascd.msk.u32 vm0, v6, v12;
	_ =	sdelay $0x6  }
0xe4: {  	s8 =	simm.s32 $0x1  }
0xe5: {  	s4 =	sadd.s32 $0x1, s25;
	s0 =	sand.u32 $0xF, s8  }
0xe6: {  	p5 =	seq.s32 s4, $0x0;
	p6 =	sne.s32 s0, $0x0  }
0xe7: {  	p0 =	por !p5, !p6  }
0xe8: {  	s0 =	simm.s32 $0xFFFFFFFF;
	p0 =	por !p0, !p0  }
0xe9: {  	s30 =	simm.s32 $0x2;
	s0 =	simm.s32 @!p0 $0x0  }
0xea: {  	s31 =	sadd.s32 $0x10, s9;
	s8 =	sshll.u32 s0, $0x4;
	s0 =	sadd.s32 $0x1, s25;
	_, v62, _ =	vpop (xrf1)  }
0xeb: {  	s9 =	sadd.s32 s8, s4;
	s8 =	sadd.s32 s8, s0;
	[tilespmem:s29+$0x2CA0] =	vst v62;
	s28 =	spop (v2sf);
	_, v63, _ =	vpop (xrf1)  }
0xec: {  	s9 =	sand.u32 $0xFFFFFFF0, s9;
	s8 =	sand.u32 $0xFFFFFFF0, s8;
	s28 =	sadd.s32 s29, s28;
	[tilespmem:s29+$0x30C0] =	vst v63  }
.LBB2_20:
0xed: {  	p0 =	seq.s32 s30, $0x7F  }
0xee: {  	v12 =	vld [tilespmem:s9+$0x1880];
	p1 =	slt.s32 s28, $0x400;
	s9 =	smov.u32 s30;
	s30 =	sadd.s32 $0x1, s30  }
0xef: {  	v13 =	vld [tilespmem:s31+$0x0];
	s28 =	simm.s32 @!p1 $0x400  }
0xf0: {  	s4 =	ssub.s32 s4, s8  }
0xf1: {  	v14 =	vmov s4  }
0xf2: {  	v14 =	vadd.s32 $0x10, v14  }
0xf3: {  	v12 =	vperm.xlane v12, v14  }
0xf4: {  	vm0 =	vge.f32 v13, v10  }
0xf5: {  	v12 =	vsub.s32 v12, v11;
	v14 =	vmpcnt.ones.xlane vm0;
	(xrf1) =	vsort.ascd.msk.u32 vm0, v6, v13  }
0xf6: {  	v12 =	vshll.u32 v12, $0x4  }
0xf7: {  	v12 =	vor.u32 v3, v12;
	(v2sf) =	vpush v14, $0x0  }
0xf8: {  	(xrf1) =	vsort.ascd.msk.u32 vm0, v6, v12;
	_ =	sdelay $0x7  }
0xf9: {  	s4 =	sadd.s32 s9, s25;
	s8 =	sand.u32 $0xF, s9  }
0xfa: {  	p1 =	seq.s32 s4, $0x0;
	p2 =	sne.s32 s8, $0x0  }
0xfb: {  	p1 =	por !p1, !p2  }
.Ltmp12:
0xfc: {  	s8 =	simm.s32 $0xFFFFFFFF;
	p1 =	por !p1, !p1;
	_, v12, _ =	vpop (xrf1);
	(pc) =	sbr.rel @!p0 .LBB2_20-.Ltmp12, $4  }
0xfd: {  	s8 =	simm.s32 @!p1 $0x0;
	[tilespmem:s28+$0x2CA0] =	vst v12  }
0xfe: {  	s0 =	sadd.s32 $0x1, s0;
	s31 =	sadd.s32 $0x10, s31;
	s8 =	sshll.u32 s8, $0x4  }
0xff: {  	s9 =	sadd.s32 s8, s4;
	s8 =	sadd.s32 s8, s0;
	_, v12, _ =	vpop (xrf1);
	s29 =	spop (v2sf)  }
0x100: {  	s9 =	sand.u32 $0xFFFFFFF0, s9;
	s8 =	sand.u32 $0xFFFFFFF0, s8;
	[tilespmem:s28+$0x30C0] =	vst v12;
	s28 =	sadd.s32 s28, s29  }
0x101: {  	v12 =	vld [tilespmem:s31+$0x0]  }
0x102: {  	v13 =	vld [tilespmem:s9+$0x1880];
	_ =	sdelay $0x1  }
0x103: {  	s0 =	ssub.s32 s4, s8  }
0x104: {  	v14 =	vmov s0  }
0x105: {  	v14 =	vadd.s32 $0x10, v14;
	vm0 =	vge.f32 v12, v10  }
0x106: {  	v13 =	vperm.xlane v13, v14;
	v60 =	vmpcnt.ones.xlane vm0;
	_ =	sdelay $0x1  }
0x107: {  	v13 =	vsub.s32 v13, v11;
	(v2sf) =	vpush v60, $0x0  }
0x108: {  	v13 =	vshll.u32 v13, $0x4  }
0x109: {  	(xrf1) =	vsort.ascd.msk.u32 vm0, v6, v12;
	v61 =	vor.u32 v3, v13  }
0x10a: {  	(xrf1) =	vsort.ascd.msk.u32 vm0, v6, v61;
	_ =	sdelay $0xa  }
0x10b: {  	p0 =	slt.s32 s28, $0x400  }
0x10c: {  	s28 =	simm.s32 @!p0 $0x400;
	s31 =	spop (v2sf)  }
0x10d: {  	_, v62, _ =	vpop (xrf1);
	s29 =	sadd.s32 s28, s31  }
0x10e: {  	[tilespmem:s28+$0x2CA0] =	vst v62;
	_, v63, _ =	vpop (xrf1);
	p0 =	slt.s32 s29, $0x400  }
0x10f: {  	[tilespmem:s28+$0x30C0] =	vst v63;
	s29 =	simm.s32 @!p0 $0x400  }
0x110: {  	p0 =	seq.s32 s26, s23  }
.Ltmp13:
0x111: {  	_ = 	snop;
	(pc) =	sbr.rel @!p0 .LBB2_19-.Ltmp13, $2  }
0x112: {  	_ =	sdelay $0x2  }
0x113: {  	s21 =	sadd.s32 $0x800, s21;
	s25 =	sadd.s32 $0x80, s25  }
.LBB2_22:
0x114: {  	s0 =	sadd.s32 $0xF, s29  }
0x115: {  	s4 =	sand.u32 $0xF, s0  }
0x116: {  	p0 =	slt.s32 s29, $0xFFFFFFF2;
	s8 =	sshra.s32 s0, $0x1F;
	p1 =	sne.s32 s4, $0x0  }
.Ltmp14:
0x117: {  	s31 =	sshrl.u32 s8, $0x1C;
	p0 =	por !p0, !p1;
	(pc) =	sbr.rel .LBB2_23-.Ltmp14, $4  }
0x118: {  	s4 =	simm.s32 $0x1;
	s0 =	sadd.s32 s31, s0;
	p0 =	por !p0, !p0  }
0x119: {  	_ =	swait.ge [sflag:s11], $0x800;
	s0 =	sshra.s32 s0, $0x4;
	s4 =	simm.s32 @!p0 $0x0  }
0x11a: {  	[sflag:s11] =	ssyncset.done $0x0;
	s21 =	ssub.s32 s0, s4  }
0x11b: {  	[sflag:s11] =	ssyncadd.s32 $0xFFFFF800;
	p0 =	slt.s32 s21, $0x1  }
.LBB2_24:
0x11c: {  	v11 =	vlaneseq.u32  }
.LBB2_32:
0x11d: {  	v12 =	vperm.xlane v10, v4;
	_ =	sdelay $0x1  }
0x11e: {  	v12 =	vmax.f32 v10, v12  }
0x11f: {  	v13 =	vperm.xlane v12, v7;
	_ =	sdelay $0x1  }
0x120: {  	v12 =	vmax.f32 v12, v13  }
0x121: {  	v13 =	vperm.xlane v12, v8;
	_ =	sdelay $0x1  }
0x122: {  	v12 =	vmax.f32 v12, v13  }
0x123: {  	v13 =	vperm.xlane v12, v9;
	_ =	sdelay $0x1  }
0x124: {  	v12 =	vmax.f32 v12, v13  }
0x125: {  	vm0 =	veq.f32 v10, v12  }
0x126: {  	v10 =	vnsel vm0, $0x40000000, v11  }
0x127: {  	v11 =	vperm.xlane v10, v4;
	_ =	sdelay $0x1  }
0x128: {  	vm0 =	vlt.s32 v10, v11  }
0x129: {  	v10 =	vsel vm0, v10, v11  }
0x12a: {  	v11 =	vperm.xlane v10, v7;
	_ =	sdelay $0x1  }
0x12b: {  	vm0 =	vlt.s32 v10, v11  }
0x12c: {  	v10 =	vsel vm0, v10, v11  }
0x12d: {  	v11 =	vperm.xlane v10, v8;
	_ =	sdelay $0x1  }
0x12e: {  	vm0 =	vlt.s32 v10, v11  }
0x12f: {  	v10 =	vsel vm0, v10, v11  }
0x130: {  	v11 =	vperm.xlane v10, v9;
	_ =	sdelay $0x1  }
0x131: {  	vm0 =	vlt.s32 v10, v11  }
0x132: {  	v10 =	vsel vm0, v10, v11  }
0x133: {  	v11 =	vshra.s32 v10, $0x1F  }
0x134: {  	v11 =	vshrl.u32 v11, $0x1C  }
0x135: {  	v11 =	vadd.s32 v11, v10  }
0x136: {  	v11 =	vshrl.u32 v11, $0x4  }
0x137: {  	v11 =	vshll.u32 v11, $0x4  }
0x138: {  	(v2sf) =	vpush v10, $0x0;
	v11 =	vsub.s32 v10, v11  }
0x139: {  	(v2sf) =	vpush v11, $0x0;
	_ =	sdelay $0xd  }
0x13a: {  	s0 =	spop (v2sf)  }
0x13b: {  	s4 =	spop (v2sf)  }
0x13c: {  	s8 =	sshra.s32 s0, $0x1F;
	p1 =	slt.s32 s0, $0x1;
	p2 =	sne.s32 s4, $0x0  }
0x13d: {  	s29 =	sshrl.u32 s8, $0x1C;
	p1 =	por !p1, !p2  }
0x13e: {  	s0 =	sadd.s32 s29, s0;
	s4 =	simm.s32 $0x1;
	p1 =	por !p1, !p1  }
0x13f: {  	s0 =	sshrl.u32 s0, $0x4;
	s4 =	simm.s32 @!p1 $0x0  }
0x140: {  	s0 =	ssub.s32 s0, s4  }
0x141: {  	s0 =	sshll.u32 s0, $0x4  }
0x142: {  	s30 =	sand.u32 $0x30, s22;
	v10 =	vld [tilespmem:s0+$0x30C0]  }
0x143: {  	v63 =	vld [tilespmem:s30+$0x34E0]  }
0x144: {  	v14 =	vld [tilespmem:s30+$0x3520]  }
0x145: {  	s31 =	sand.u32 $0xF, s22  }
0x146: {  	v15 =	vmov s31;
	v11 =	vand.u32 $0xF, v11  }
0x147: {  	vm14 =	veq.s32 v15, v3;
	v10 =	vperm.xlane v10, v11  }
0x148: {  	v12 =	vsel vm14, v12, v63  }
0x149: {  	[tilespmem:s30+$0x34E0] =	vst v12;
	v10 =	vsel vm14, v10, v14  }
0x14a: {  	[tilespmem:s30+$0x3520] =	vst v10  }
0x14b: {  	s22 =	sadd.s32 $0x1, s22;
	v10 =	vld [tilespmem:s0+$0x2CA0]  }
0x14c: {  	p1 =	sne.s32 s22, $0x40  }
.Ltmp15:
0x14d: {  	_ = 	snop;
	(pc) =	sbr.rel @!p1 .LBB2_33-.Ltmp15, $4  }
0x14e: {  	_ = 	snop  }
0x14f: {  	vm15 =	veq.s32 v11, v3  }
0x150: {  	v10 =	vsel vm15, $0xFF61B1E6, v10  }
0x151: {  	[tilespmem:s0+$0x2CA0] =	vst v10  }
.LBB2_23:
.Ltmp16:
0x152: {  	(pc) =	sbr.rel @p0 .LBB2_24-.Ltmp16, $2  }
0x153: {  	_ =	sdelay $0x2  }
0x154: {  	v10 =	vimm.f32 $-3.000000010e+38  }
0x155: {  	p2 =	sne.s32 s21, $0x1  }
.Ltmp17:
0x156: {  	_ = 	snop;
	(pc) =	sbr.rel @!p2 .LBB2_26-.Ltmp17, $3  }
0x157: {  	_ =	sdelay $0x1  }
0x158: {  	s0 =	simm.s32 $0x0  }
0x159: {  	v11 =	vimm.s32 $0x0;
	s4 =	simm.s32 $0x2CA0;
	s23 =	simm.s32 $0x1;
	p1 =	por $0x0, $0x0  }
0x15a: {  	v12 =	vld [tilespmem:s4+$0x0];
	p2 =	sne.s32 s21, $0x2  }
.Ltmp18:
0x15b: {  	_ = 	snop;
	(pc) =	sbr.rel @!p2 .LBB2_28-.Ltmp18, $2  }
0x15c: {  	_ =	sdelay $0x2  }
0x15d: {  	s24 =	simm.s32 $0x2;
	s4 =	simm.s32 $0x2CB0;
	p1 =	por $0x1, $0x1;
	vm0 =	vgt.f32 v12, v10;
	v10 =	vmax.f32 v10, v12;
	v12 =	vimm.s32 $0x0  }
.LBB2_29:
0x15e: {  	v12 =	vsel vm0, s0, v12;
	s0 =	smov.u32 s23;
	s23 =	smov.u32 s24;
	s24 =	sadd.s32 $0x1, s24  }
0x15f: {  	v13 =	vld [tilespmem:s4+$0x0];
	p2 =	sne.s32 s21, s24  }
.Ltmp19:
0x160: {  	(pc) =	sbr.rel @p2 .LBB2_29-.Ltmp19, $2  }
0x161: {  	_ =	sdelay $0x2  }
0x162: {  	s4 =	sadd.s32 $0x10, s4;
	vm0 =	vgt.f32 v13, v10;
	v10 =	vmax.f32 v10, v13  }
0x163: {  	s8 =	smov.u32 s0;
	s0 =	smov.u32 s23  }
.LBB2_31:
0x164: {  	v13 =	vld [tilespmem:s4+$0x0];
	_ =	sdelay $0x3  }
.Ltmp20:
0x165: {  	v12 =	vsel @p1 vm0, s8, v12;
	(pc) =	sbr.rel .LBB2_32-.Ltmp20, $4  }
0x166: {  	v11 =	vpsel p1, v12, v11;
	vm15 =	vgt.f32 v13, v10  }
0x167: {  	v11 =	vsel vm15, s0, v11  }
0x168: {  	v11 =	vshll.u32 v11, $0x4  }
0x169: {  	v10 =	vmax.f32 v10, v13;
	v11 =	vor.u32 v3, v11  }
.LBB2_26:
.Ltmp21:
0x16a: {  	(pc) =	sbr.rel .LBB2_31-.Ltmp21, $2  }
0x16b: {  	_ =	sdelay $0x2  }
0x16c: {  	v12 =	vimm.s32 $0x0  }
.LBB2_28:
.Ltmp22:
0x16d: {  	(pc) =	sbr.rel .LBB2_31-.Ltmp22, $2  }
0x16e: {  	_ =	sdelay $0x2  }
0x16f: {  	s8 =	simm.s32 $0x0;
	v12 =	vimm.s32 $0x0;
	s0 =	simm.s32 $0x1  }
.LBB2_35:
0x170: {  	_ =	sfence.sel $0x180000  }
0x171: {  	[bflag:$0x0] =	sbarrier.arrive $0xFFFF  }
0x172: {  	_ =	strace $0x9000004D  }
0x173: {  	s0 =	stileid.u32;
	[bflag:$0x2] =	sbarrier.arrive $0xFFFF  }
0x174: {  	p0 =	sne.s32 s0, $0x0;
	s0 =	rddreg [dreg:$0x1]  }
0x175: {  	s0 =	sadd.s32 @!p0 $0x100000, s0  }
0x176: {  	[sflag:s0] =	ssyncadd.tile.s32 @!p0 $0x1;
	_ =	shalt  }
.Lfunc_end2:
_tile_overlayer_lowered:
.L_overlay_start_2:
0x177: {  	(tag) =	ssettag $0x2  }
0x178: {  	s0 =	rddreg [dreg:$0x0];
	s2 =	stileid.u32  }
0x179: {  	s1 =	rddreg [dreg:$0x1];
	p0 =	sne.s32 s2, $0x0  }
0x17a: {  	s3 =	rddreg [dreg:$0x2];
	[bflag:$0x3] =	sbarrier.arrive $0xFFFF;
	s2 =	simm.s32 @!p0 $0x1C02  }
0x17b: {  	[timem:s3], [sflag:s2] =	dma.local @!p0 [hbm:s0], s1  }
0x17c: {  	s0 =	simm.s32 @!p0 $0x2  }
0x17d: {  	_ =	swait.ge @!p0 [sflag:s0], s1  }
0x17e: {  	s1 =	ssub.s32 @!p0 $0x0, s1;
	[sflag:s0] =	ssyncset.done @!p0 $0x0  }
0x17f: {  	[sflag:s0] =	ssyncadd.s32 @!p0 s1  }
0x180: {  	[bflag:$0x3] =	sbarrier.arrive $0xFFFF  }
0x181: {  	_ =	shalt  }

// kernel: _run.19.cloned.1.call-start
scs
__scs_entry_jumppad:
0x0: {  	(pc) =	sbr.rel $0x88, $3  }
0x1: {  	(tag) =	ssettag $0x0;
	lr =	simm.s32 $0x1  }
0x2: {  	[smem:$0x3F9F] =	sst lr;
	_ =	strace $0xD0000000  }
0x3: {  	_ = 	snop  }
0x4: {  	_ = 	snop  }
0x5: {  	_ = 	snop  }
0x6: {  	_ = 	snop  }
0x7: {  	_ = 	snop  }
__scs_overlays_trampoline_lowered:
0x8: {  	[smem:$0x3FAE] =	sst s0  }
0x9: {  	[smem:$0x3FAF] =	sst s1  }
0xa: {  	[smem:$0x3FB0] =	sst s2  }
0xb: {  	[smem:$0x3FB1] =	sst s3  }
0xc: {  	[smem:$0x3FB2] =	sst s4  }
0xd: {  	[smem:$0x3FB3] =	sst s5  }
0xe: {  	[smem:$0x3FB4] =	sst s6  }
0xf: {  	[smem:$0x3FB5] =	sst s7  }
0x10: {  	[smem:$0x3FB6] =	sst s8  }
0x11: {  	[smem:$0x3FB7] =	sst s9;
	s0 =	simm.s32 @!p0 $0x0  }
0x12: {  	s1 =	sld [smem:$0x3F9D];
	s0 =	simm.s32 @p0 $0x1  }
0x13: {  	[smem:$0x3FB8] =	sst s0;
	s0 =	simm.s32 @!p1 $0x0  }
0x14: {  	s2 =	sld [smem:$0x3F9C];
	s0 =	simm.s32 @p1 $0x1  }
0x15: {  	[smem:$0x3FB9] =	sst s0;
	s0 =	simm.s32 @!p2 $0x0  }
0x16: {  	s3 =	sld [smem:$0x3FDB];
	s0 =	simm.s32 @p2 $0x1  }
0x17: {  	s4 =	simm.s32 $0x1BF5;
	[smem:$0x3FBB] =	sst s0  }
0x18: {  	s0 =	sld [smem:$0x3F9E];
	_ =	swait.ge [sflag:s4], $0x0  }
0x19: {  	s7 =	sld [smem:$0x3F9F]  }
0x1a: {  	s8 =	sadd.s32 $0xFFFFE003, lr  }
0x1b: {  	s9 =	sadd.s32 $0xFFFFFEF7, lr;
	s5 =	simm.s32 $0xFFFFFFFF;
	p2 =	slt.u32 s8, $0xFFFFF086  }
0x1c: {  	p1 =	slt.u32 s9, $0xF7A;
	s5 =	simm.s32 @!p2 $0x0  }
0x1d: {  	s5 =	simm.s32 @p1 $0x1;
	p0 =	seq.s32 s7, s2  }
0x1e: {  	s7 =	smul.u32 @!p0 $0xF7A, s2;
	p2 =	seq.s32 @!p0 s5, $0x0  }
0x1f: {  	s9 =	smul.u32 $0xF7A, s1;
	s8 =	simm.s32 @!p0 $0x1BF5;
	p2 =	por !p2, p0  }
0x20: {  	[sflag:s8] =	ssyncset.s32 @!p0 $0xFFFFF086;
	s6 =	sadd.s32 @!p0 s3, s7;
	s7 =	simm.s32 @!p0 $0x108  }
0x21: {  	s3 =	sadd.s32 s3, s9;
	s6 =	sadd.s32 @!p0 $0x88, s6;
	s7 =	simm.s32 @p2 $0x1082  }
0x22: {  	[simem:s7], [sflag:s8] =	dma.local @!p0 [hbm:s6], $0xF7A  }
0x23: {  	s9 =	sor.u32 $0xD0000000, s2;
	s6 =	simm.s32 $0x108;
	_ =	swait.ge @!p0 [sflag:s8], $0x0  }
0x24: {  	s3 =	sadd.s32 $0x88, s3;
	s6 =	simm.s32 @!p1 $0x1082;
	[sflag:s4] =	ssyncset.s32 $0xFFFFF086  }
0x25: {  	[simem:s6], [sflag:s4] =	dma.local [hbm:s3], $0xF7A  }
0x26: {  	[smem:$0x3F9F] =	sst s1;
	(tag) =	ssettag s2;
	_ =	strace s9  }
0x27: {  	s1 =	sld [smem:$0x3FAF]  }
0x28: {  	s2 =	sld [smem:$0x3FB0]  }
0x29: {  	s4 =	sld [smem:$0x3FB2]  }
0x2a: {  	p0 =	seq.s32 s5, $0x0;
	s5 =	sld [smem:$0x3FB3]  }
0x2b: {  	s6 =	sld [smem:$0x3FB4]  }
0x2c: {  	s7 =	sld [smem:$0x3FB5]  }
0x2d: {  	s3 =	simm.s32 $0x108;
	s8 =	sld [smem:$0x3FB6]  }
0x2e: {  	s3 =	simm.s32 @!p0 $0x1082;
	s9 =	sld [smem:$0x3FB7]  }
0x2f: {  	lr =	sadd.s32 s0, s3;
	s0 =	sld [smem:$0x3FAE]  }
0x30: {  	s3 =	sld [smem:$0x3FB1]  }
0x31: {  	[smem:$0x3FBA] =	sst s10  }
0x32: {  	s10 =	sld [smem:$0x3FB8];
	_ =	sdelay $0x3  }
0x33: {  	p0 =	seq.s32 s10, $0x1;
	s10 =	sld [smem:$0x3FBA];
	_ =	sdelay $0x3  }
0x34: {  	[smem:$0x3FBA] =	sst s10  }
0x35: {  	s10 =	sld [smem:$0x3FB9];
	_ =	sdelay $0x3  }
0x36: {  	p1 =	seq.s32 s10, $0x1;
	s10 =	sld [smem:$0x3FBA];
	_ =	sdelay $0x3  }
0x37: {  	[smem:$0x3FBA] =	sst s10  }
0x38: {  	s10 =	sld [smem:$0x3FBB]  }
0x39: {  	_ = 	snop;
	(pc) =	sbr.ind lr, $3  }
0x3a: {  	_ = 	snop  }
0x3b: {  	_ = 	snop  }
0x3c: {  	p2 =	seq.s32 s10, $0x1;
	s10 =	sld [smem:$0x3FBA]  }
0x3d: {  	_ =	shalt  }
0x3e: {  	_ =	shalt  }
0x3f: {  	_ =	shalt  }
0x40: {  	_ =	shalt  }
0x41: {  	_ =	shalt  }
0x42: {  	_ =	shalt  }
0x43: {  	_ =	shalt  }
0x44: {  	_ =	shalt  }
0x45: {  	_ =	shalt  }
0x46: {  	_ =	shalt  }
0x47: {  	_ =	shalt  }
0x48: {  	_ =	shalt  }
0x49: {  	_ =	shalt  }
0x4a: {  	_ =	shalt  }
0x4b: {  	_ =	shalt  }
0x4c: {  	_ =	shalt  }
0x4d: {  	_ =	shalt  }
0x4e: {  	_ =	shalt  }
0x4f: {  	_ =	shalt  }
0x50: {  	_ =	shalt  }
0x51: {  	_ =	shalt  }
0x52: {  	_ =	shalt  }
0x53: {  	_ =	shalt  }
0x54: {  	_ =	shalt  }
0x55: {  	_ =	shalt  }
0x56: {  	_ =	shalt  }
0x57: {  	_ =	shalt  }
0x58: {  	_ =	shalt  }
0x59: {  	_ =	shalt  }
0x5a: {  	_ =	shalt  }
0x5b: {  	_ =	shalt  }
0x5c: {  	_ =	shalt  }
0x5d: {  	_ =	shalt  }
0x5e: {  	_ =	shalt  }
0x5f: {  	_ =	shalt  }
0x60: {  	_ =	shalt  }
0x61: {  	_ =	shalt  }
0x62: {  	_ =	shalt  }
0x63: {  	_ =	shalt  }
0x64: {  	_ =	shalt  }
0x65: {  	_ =	shalt  }
0x66: {  	_ =	shalt  }
0x67: {  	_ =	shalt  }
0x68: {  	_ =	shalt  }
0x69: {  	_ =	shalt  }
0x6a: {  	_ =	shalt  }
0x6b: {  	_ =	shalt  }
0x6c: {  	_ =	shalt  }
0x6d: {  	_ =	shalt  }
0x6e: {  	_ =	shalt  }
0x6f: {  	_ =	shalt  }
0x70: {  	_ =	shalt  }
0x71: {  	_ =	shalt  }
0x72: {  	_ =	shalt  }
0x73: {  	_ =	shalt  }
0x74: {  	_ =	shalt  }
0x75: {  	_ =	shalt  }
0x76: {  	_ =	shalt  }
0x77: {  	_ =	shalt  }
0x78: {  	_ =	shalt  }
0x79: {  	_ =	shalt  }
0x7a: {  	_ =	shalt  }
0x7b: {  	_ =	shalt  }
0x7c: {  	_ =	shalt  }
0x7d: {  	_ =	shalt  }
0x7e: {  	_ =	shalt  }
0x7f: {  	_ =	shalt  }
0x80: {  	_ =	shalt  }
0x81: {  	_ =	shalt  }
0x82: {  	_ =	shalt  }
0x83: {  	_ =	shalt  }
0x84: {  	_ =	shalt  }
0x85: {  	_ =	shalt  }
0x86: {  	_ =	shalt  }
0x87: {  	_ =	shalt  }
.Lfunc_end0:
.L_simem_size_0:
called_computation.3_lowered:
.L_overlay_start_0:
0x88: {  	s2 =	sld [smem:$0x3FD9]  }
0x89: {  	s3 =	sld [smem:$0x3FFE];
	_ =	sdelay $0x1  }
0x8a: {  	s1 =	srdreg.scid  }
0x8b: {  	s0 =	sand.u32 $0x1, s1  }
0x8c: {  	s15 =	sshll.u32 s0, $0xA;
	s2 =	sadd.s32 s3, s2  }
0x8d: {  	s2 =	sadd.s32 s2, s15  }
0x8e: {  	[smem:$0x3FC6] =	sst s2  }
0x8f: {  	_ = 	snop  }
0x90: {  	s2 =	sld [smem:$0x3FD0];
	_ =	sdelay $0x2  }
0x91: {  	s4 =	simm.s32 $0xD;
	s16 =	simm.s32 $0x10  }
0x92: {  	[smem:s16], [sflag:s4] =	dma.local [hbm:s2], $0x1  }
0x93: {  	_ =	swait.eq [sflag:s4], $0x1  }
0x94: {  	[sflag:s4] =	ssyncset.done $0x0  }
0x95: {  	s17 =	sld [smem:$0x10];
	[sflag:s4] =	ssyncadd.s32 $0xFFFFFFFF  }
0x96: {  	s18 =	sld [smem:$0x11];
	(tm) =	ssettm $0x1  }
0x97: {  	s19 =	sld [smem:$0x3FFB];
	_ =	sdelay $0x3  }
0x98: {  	_ =	strace s19  }
0x99: {  	s2 =	sld [smem:$0x3FFC];
	_ =	sdelay $0x3  }
0x9a: {  	_ =	strace s2  }
0x9b: {  	s2 =	sld [smem:$0x3FFD];
	_ =	sdelay $0x3  }
0x9c: {  	_ =	strace s2  }
0x9d: {  	_ =	strace $0x8FFFFFFF  }
0x9e: {  	s20 =	sld [smem:$0x3FDB];
	_ =	sdelay $0x1  }
0x9f: {  	s5 =	simm.s32 $_scs_section_size  }
0xa0: {  	s6 =	simm.s32 $_size__tile_overlayer_lowered;
	s7 =	simm.s32 $_tile_overlayer_lowered  }
0xa1: {  	s8 =	simm.s32 $0x1BFF;
	s21 =	sshll.u32 s7, $0x1;
	s5 =	sadd.s32 s5, s20  }
0xa2: {  	s22 =	simm.s32 $0x0;
	s6 =	sshll.u32 s6, $0x1;
	s7 =	sadd.s32 s21, s5  }
0xa3: {  	[timem:s22], [sflag:s8] =	dma.local [hbm:s7], s6  }
0xa4: {  	_ =	swait.ge [sflag:s8], s6  }
0xa5: {  	s6 =	ssub.s32 $0x0, s6;
	[sflag:s8] =	ssyncset.done $0x0  }
0xa6: {  	[sflag:s8] =	ssyncadd.s32 s6;
	_ =	sdelay $0x1  }
0xa7: {  	s23 =	simm.s32 $0x1B8B  }
0xa8: {  	_ =	swait.ge [sflag:s23], $0x1  }
0xa9: {  	[sflag:s23] =	ssyncset.done $0x0  }
0xaa: {  	[sflag:s23] =	ssyncadd.s32 $0xFFFFFFFF  }
0xab: {  	s6 =	sld [smem:$0x0]  }
0xac: {  	s7 =	sand.u32 $0xFFFFFFFE, s1  }
0xad: {  	p0 =	sne.s32 s1, s7  }
0xae: {  	s7 =	sshll.u32 @p0 s7, $0xE  }
0xaf: {  	s7 =	sadd.s32 @p0 $0x11B8D, s7;
	s8 =	sshll.u32 @p0 s6, $0x11  }
0xb0: {  	s7 =	sor.u32 @p0 s8, s7  }
0xb1: {  	[sflag:s7] =	ssyncadd.remote.s32 @p0 $0x1;
	_ =	sdelay $0x1  }
0xb2: {  	s7 =	simm.s32 @p0 $0x1B8D  }
0xb3: {  	_ =	swait.eq @p0 [sflag:s7], $0x1  }
0xb4: {  	[sflag:s7] =	ssyncadd.s32 @p0 $0xFFFFFFFF  }
0xb5: {  	s8 =	sshll.u32 @!p0 s1, $0xE  }
0xb6: {  	s8 =	sor.u32 @!p0 $0x4000, s8;
	s7 =	simm.s32 @!p0 $0x1B8D  }
0xb7: {  	s6 =	sshll.u32 @!p0 s6, $0x11;
	s8 =	sadd.s32 @!p0 $0x11B8D, s8;
	_ =	swait.eq @!p0 [sflag:s7], $0x1  }
0xb8: {  	s6 =	sor.u32 @!p0 s6, s8;
	[sflag:s7] =	ssyncadd.s32 @!p0 $0xFFFFFFFF  }
0xb9: {  	s25 =	simm.s32 $0x1B8E;
	s24 =	sld [smem:$0x3FFE];
	[sflag:s6] =	ssyncadd.remote.s32 @!p0 $0x1  }
0xba: {  	s26 =	simm.s32 $execute0_lowered;
	[smem:$0x3FD2] =	sst s25  }
0xbb: {  	s7 =	sshll.u32 s26, $0x1;
	_ =	strace $0x8000004F;
	[dreg:$0x1] =	wrdreg $0xFFFFFFFF  }
0xbc: {  	s28 =	simm.s32 $_size_execute0_lowered;
	s5 =	sadd.s32 s5, s7;
	[dreg:$0x0] =	wrdreg $0x0  }
0xbd: {  	s7 =	sshll.u32 s28, $0x1;
	[dreg:$0x2] =	wrdreg s5  }
0xbe: {  	[dreg:$0x3] =	wrdreg s7  }
0xbf: {  	[dreg:$0x4] =	wrdreg $0xC0  }
0xc0: {  	_ =	task [dreg:s22], $0x5FFFF  }
0xc1: {  	[dreg:$0x1] =	wrdreg $0xFFFFFFFF  }
0xc2: {  	[dreg:$0x0] =	wrdreg $0x60  }
0xc3: {  	[dreg:$0x2] =	wrdreg s24  }
0xc4: {  	[dreg:$0x3] =	wrdreg s17  }
0xc5: {  	[dreg:$0x4] =	wrdreg s18  }
0xc6: {  	[dreg:$0x5] =	wrdreg $0xC  }
0xc7: {  	_ =	task.clear_ibuf [dreg:s22], $0x6FFFF;
	_ =	strace $0x9000004F  }
0xc8: {  	s29 =	simm.s32 $0xC;
	_ =	strace $0x80000051  }
0xc9: {  	_ =	swait.ge [sflag:s29], $0x1  }
0xca: {  	[sflag:s29] =	ssyncadd.s32 $0xFFFFFFFF  }
0xcb: {  	_ =	strace $0x90000051  }
0xcc: {  	_ =	sfence  }
0xcd: {  	s30 =	sld [smem:$0x0];
	_ =	sdelay $0x2  }
0xce: {  	s31 =	sshll.u32 s1, $0xD;
	s1 =	sshrl.u32 s1, $0x2  }
0xcf: {  	s4 =	sand.u32 $0x4000, s31;
	s1 =	sadd.s32 s1, s30  }
0xd0: {  	s0 =	sor.u32 s4, s0;
	s1 =	sshll.u32 s1, $0x11  }
0xd1: {  	s0 =	sor.u32 s1, s0  }
0xd2: {  	s0 =	sadd.s32 $0x8F2B, s0  }
0xd3: {  	[sflag:s0] =	ssyncadd.remote.s32 $0x1  }
0xd4: {  	_ =	sfence.sel $0xFFFF  }
0xd5: {  	[dreg:$0x0] =	wrdreg $0xFFFFFFFF;
	(pc) =	sbr.abs _section_cstart, $3  }
0xd6: {  	[dreg:$0x1] =	wrdreg $0xFFFFFFFF  }
0xd7: {  	_ =	task.clear_ibuf [dreg:s22], $0x2FFFF;
	_ =	strace $0x9FFFFFFF  }
0xd8: {  	(tm) =	ssettm $0x7FFFFFFF  }
0xd9: {  	_ =	shalt  }
tec
execute0_lowered:
.L_overlay_start_1:
0x0: {  	(tag) =	ssettag $0x1  }
0x1: {  	s1 =	rddreg [dreg:$0x0]  }
0x2: {  	v0 =	vimm.s32 $0xFEDCBA98;
	s0 =	rddreg [dreg:$0x1];
	v1 =	vimm.s32 $0x76543210  }
0x3: {  	s2 =	rddreg [dreg:$0x2];
	v2 =	vimm.s32 $0x3210FEDC;
	v3 =	vimm.s32 $0xBA987654;
	v4 =	vimm.s32 $0x10FEDCBA  }
0x4: {  	s3 =	simm.s32 $0x0;
	s4 =	srdreg.scid;
	s10 =	stileid.u32;
	v5 =	vimm.s32 $0x98765432;
	v6 =	vimm.s32 $0xFEDCBA9;
	v7 =	vimm.s32 $0x87654321  }
0x5: {  	s11 =	simm.s32 $0x1;
	s12 =	simm.s32 $0x80;
	s13 =	simm.s32 $0x1880;
	v0 =	vunpack.c.l.s4.s8 v0;
	v1 =	vunpack.c.l.s4.s8 v1;
	v2 =	vunpack.c.l.s4.s8 v2  }
0x6: {  	s14 =	simm.s32 $0x1CA0;
	s15 =	simm.s32 $0x34E0;
	s16 =	simm.s32 $0x3520;
	v3 =	vunpack.c.l.s4.s8 v3;
	v4 =	vunpack.c.l.s4.s8 v4;
	v5 =	vunpack.c.l.s4.s8 v5  }
0x7: {  	s17 =	simm.s32 $0x0;
	s4 =	sand.u32 $0x1, s4;
	s8 =	smul.u32 $0x18800, s10;
	v6 =	vunpack.c.l.s4.s8 v6;
	v7 =	vunpack.c.l.s4.s8 v7;
	v0 =	vunpack.c.0.s8.s32 v0  }
0x8: {  	[smem:$0x7FF] =	sst s3;
	s7 =	ssub.s32 $0x2, s4;
	s9 =	smul.u32 $0xC400, s4;
	v2 =	vunpack.c.0.s8.s32 v2;
	v3 =	vunpack.c.0.s8.s32 v3;
	v4 =	vunpack.c.0.s8.s32 v4  }
.Ltmp0:
0x9: {  	s5 =	sadd.s32 $0x2E00, s1;
	s29 =	sshrl.u32 s7, $0x1;
	v5 =	vunpack.c.0.s8.s32 v5;
	v6 =	vunpack.c.0.s8.s32 v6;
	v7 =	vunpack.c.0.s8.s32 v7;
	(pc) =	sbr.rel .LBB2_1-.Ltmp0, $4  }
0xa: {  	s6 =	sadd.s32 $0xB50E00, s1;
	s30 =	sshll.u32 s10, $0x4;
	v8 =	vunpack.c.0.s8.s32 v1;
	s1 =	ssub.s32 s7, s29;
	v9 =	vand.u32 $0xF, v0;
	v0 =	vcombine.low v3, v2  }
0xb: {  	_ =	strace $0x80000050;
	s31 =	sadd.s32 s9, s8;
	s1 =	smax.u32 s1, $0x1;
	v1 =	vcombine.low v5, v4;
	v2 =	vcombine.low v7, v6;
	v3 =	vlaneseq.u32  }
0xc: {  	s4 =	sshll.u32 s4, $0x3;
	v5 =	vimm.f32 $-3.000000010e+38;
	[dreg:$0x4] =	wrdreg s1;
	s1 =	sor.u32 $0x10, s31;
	v4 =	vcombine.low v9, v8;
	v6 =	vor.u32 $0x80000000, v3  }
0xd: {  	s10 =	simm.s32 $0x2;
	s7 =	sor.u32 s4, s30;
	[dreg:$0x5] =	wrdreg s1;
	v7 =	vand.u32 $0xF, v0;
	v8 =	vand.u32 $0xF, v1;
	v9 =	vand.u32 $0xF, v2  }
.LBB2_34:
0xe: {  	s17 =	sadd.s32 $0x1, s17;
	s1 =	rddreg [dreg:$0x4]  }
0xf: {  	p0 =	sne.s32 s17, s1  }
.Ltmp1:
0x10: {  	_ = 	snop;
	(pc) =	sbr.rel @!p0 .LBB2_35-.Ltmp1, $1  }
0x11: {  	_ =	sdelay $0x3  }
.LBB2_1:
.Ltmp2:
0x12: {  	(pc) =	sbr.rel .LBB2_2-.Ltmp2, $2  }
0x13: {  	_ =	sdelay $0x2  }
0x14: {  	s18 =	rddreg [dreg:$0x5];
	s19 =	simm.s32 $0x0  }
.LBB2_33:
0x15: {  	s1 =	sshll.u32 s20, $0x3  }
0x16: {  	s4 =	sadd.s32 s0, s1  }
0x17: {  	[hbm4b:s4+s3] =	stream.linear.scatter [tilespmem:s15], [sflag:$0x2], $0x40, $0x38;
	[tilespmem:$0x3560] =	vst v63  }
0x18: {  	s19 =	sadd.s32 $0x1, s19;
	_ =	swait.ge [sflag:s10], $0x40  }
0x19: {  	p0 =	sne.s32 s19, $0x8;
	[sflag:s10] =	ssyncset.done $0x0  }
.Ltmp3:
0x1a: {  	s1 =	sadd.s32 s2, s1;
	[sflag:s10] =	ssyncadd.s32 $0xFFFFFFC0;
	(pc) =	sbr.rel @!p0 .LBB2_34-.Ltmp3, $4  }
0x1b: {  	[hbm4b:s1+s3] =	stream.linear.scatter [tilespmem:s16], [sflag:$0x2], $0x40, $0x38;
	[tilespmem:$0x3560] =	vst v63  }
0x1c: {  	_ =	swait.ge [sflag:s10], $0x40  }
0x1d: {  	[sflag:s10] =	ssyncset.done $0x0  }
0x1e: {  	s18 =	sadd.s32 $0x1880, s18;
	[sflag:s10] =	ssyncadd.s32 $0xFFFFFFC0  }
.LBB2_2:
0x1f: {  	s20 =	sadd.s32 s7, s19  }
0x20: {  	s21 =	smul.u32 $0x1880, s20;
	_ =	sdelay $0x1  }
0x21: {  	s1 =	sshrl.u32 s21, $0x3  }
0x22: {  	s1 =	sadd.s32 s5, s1  }
0x23: {  	[tilespmem:s3], [sflag:$0x2] =	stream.linear.gather [hbm4b:s1+s3], $0x1880, $0x38;
	[tilespmem:$0x3560] =	vst v63  }
0x24: {  	_ =	swait.ge [sflag:s10], $0x1880  }
0x25: {  	[sflag:s10] =	ssyncset.done $0x0  }
0x26: {  	[sflag:s10] =	ssyncadd.s32 $0xFFFFE780  }
0x27: {  	s4 =	simm.s32 $0x40;
	v12 =	vld [tilespmem:$0x0]  }
0x28: {  	v13 =	vld [tilespmem:s4+$0xFFFFFFD0]  }
0x29: {  	v14 =	vld [tilespmem:s4+$0xFFFFFFE0]  }
0x2a: {  	v15 =	vld [tilespmem:s4+$0xFFFFFFF0];
	_ =	sdelay $0x1  }
0x2b: {  	s1 =	simm.s32 $0x80;
	v10 =	vld [tilespmem:s4+$0x0]  }
0x2c: {  	v11 =	vld [tilespmem:s1+$0xFFFFFFF0];
	v13 =	vmax.f32 v12, v13  }
0x2d: {  	v12 =	vld [tilespmem:s1+$0xFFFFFFD0];
	v13 =	vmax.f32 v13, v14  }
0x2e: {  	s22 =	simm.s32 $0xC0;
	s4 =	simm.s32 $0x5;
	v14 =	vld [tilespmem:s1+$0xFFFFFFE0];
	v13 =	vmax.f32 v13, v15  }
.LBB2_3:
0x2f: {  	s4 =	sadd.s32 $0x4, s4  }
0x30: {  	v15 =	vld [tilespmem:s22+$0xFFFFFFF0];
	v13 =	vmax.f32 v13, v10;
	p0 =	slt.u32 s4, $0x5D  }
.Ltmp4:
0x31: {  	v10 =	vld [tilespmem:s1+$0x0];
	s1 =	smov.u32 s22;
	(pc) =	sbr.rel @p0 .LBB2_3-.Ltmp4, $4  }
0x32: {  	_ = 	snop  }
0x33: {  	v13 =	vmax.f32 v13, v12  }
0x34: {  	v12 =	vld [tilespmem:s22+$0xFFFFFFD0];
	v13 =	vmax.f32 v13, v14  }
0x35: {  	s22 =	sadd.s32 $0x40, s22;
	v14 =	vld [tilespmem:s1+$0xFFFFFFE0];
	v13 =	vmax.f32 v13, v11;
	v11 =	vmov v15  }
0x36: {  	v15 =	vld [tilespmem:s1+$0x0]  }
0x37: {  	s4 =	simm.s32 $0x660;
	v16 =	vld [tilespmem:$0x620]  }
0x38: {  	v17 =	vld [tilespmem:s4+$0xFFFFFFD0]  }
0x39: {  	v18 =	vld [tilespmem:s4+$0xFFFFFFE0]  }
0x3a: {  	v13 =	vmax.f32 v13, v10;
	v19 =	vld [tilespmem:s4+$0xFFFFFFF0]  }
0x3b: {  	v10 =	vld [tilespmem:$0x610];
	v12 =	vmax.f32 v13, v12  }
0x3c: {  	s1 =	simm.s32 $0x6A0;
	v14 =	vmax.f32 v12, v14;
	v12 =	vld [tilespmem:s4+$0x0]  }
0x3d: {  	v13 =	vld [tilespmem:s1+$0xFFFFFFF0];
	v16 =	vmax.f32 v16, v17  }
0x3e: {  	v11 =	vmax.f32 v14, v11;
	v14 =	vld [tilespmem:s1+$0xFFFFFFD0];
	v16 =	vmax.f32 v16, v18  }
0x3f: {  	s22 =	simm.s32 $0x6E0;
	s4 =	simm.s32 $0x5;
	v11 =	vmax.f32 v11, v15;
	v15 =	vld [tilespmem:s1+$0xFFFFFFE0];
	v16 =	vmax.f32 v16, v19  }
.LBB2_5:
0x40: {  	s4 =	sadd.s32 $0x4, s4  }
0x41: {  	v17 =	vld [tilespmem:s22+$0xFFFFFFF0];
	v16 =	vmax.f32 v16, v12;
	p0 =	slt.u32 s4, $0x5D  }
.Ltmp5:
0x42: {  	v12 =	vld [tilespmem:s1+$0x0];
	s1 =	smov.u32 s22;
	(pc) =	sbr.rel @p0 .LBB2_5-.Ltmp5, $4  }
0x43: {  	_ = 	snop  }
0x44: {  	v16 =	vmax.f32 v16, v14  }
0x45: {  	v14 =	vld [tilespmem:s22+$0xFFFFFFD0];
	v16 =	vmax.f32 v16, v15  }
0x46: {  	s22 =	sadd.s32 $0x40, s22;
	v15 =	vld [tilespmem:s1+$0xFFFFFFE0];
	v16 =	vmax.f32 v16, v13;
	v13 =	vmov v17  }
0x47: {  	v17 =	vld [tilespmem:s1+$0x0]  }
0x48: {  	s4 =	simm.s32 $0xC80;
	v18 =	vld [tilespmem:$0xC40]  }
0x49: {  	v19 =	vld [tilespmem:s4+$0xFFFFFFD0]  }
0x4a: {  	v20 =	vld [tilespmem:s4+$0xFFFFFFE0]  }
0x4b: {  	v16 =	vmax.f32 v16, v12;
	v21 =	vld [tilespmem:s4+$0xFFFFFFF0]  }
0x4c: {  	v12 =	vld [tilespmem:$0xC30];
	v16 =	vmax.f32 v16, v14  }
0x4d: {  	s1 =	simm.s32 $0xCC0;
	v16 =	vmax.f32 v16, v15;
	v15 =	vld [tilespmem:s4+$0x0]  }
0x4e: {  	v14 =	vld [tilespmem:s1+$0xFFFFFFF0];
	v18 =	vmax.f32 v18, v19  }
0x4f: {  	v13 =	vmax.f32 v16, v13;
	v16 =	vld [tilespmem:s1+$0xFFFFFFD0];
	v18 =	vmax.f32 v18, v20  }
0x50: {  	s22 =	simm.s32 $0xD00;
	s4 =	simm.s32 $0x5;
	v13 =	vmax.f32 v13, v17;
	v17 =	vld [tilespmem:s1+$0xFFFFFFE0];
	v18 =	vmax.f32 v18, v21  }
.LBB2_7:
0x51: {  	s4 =	sadd.s32 $0x4, s4  }
0x52: {  	v19 =	vld [tilespmem:s22+$0xFFFFFFF0];
	v18 =	vmax.f32 v18, v15;
	p0 =	slt.u32 s4, $0x5D  }
.Ltmp6:
0x53: {  	v15 =	vld [tilespmem:s1+$0x0];
	s1 =	smov.u32 s22;
	(pc) =	sbr.rel @p0 .LBB2_7-.Ltmp6, $4  }
0x54: {  	_ = 	snop  }
0x55: {  	v18 =	vmax.f32 v18, v16  }
0x56: {  	v16 =	vld [tilespmem:s22+$0xFFFFFFD0];
	v18 =	vmax.f32 v18, v17  }
0x57: {  	s22 =	sadd.s32 $0x40, s22;
	v17 =	vld [tilespmem:s1+$0xFFFFFFE0];
	v18 =	vmax.f32 v18, v14;
	v14 =	vmov v19  }
0x58: {  	v19 =	vld [tilespmem:s1+$0x0]  }
0x59: {  	s4 =	simm.s32 $0x12A0;
	v20 =	vld [tilespmem:$0x1260]  }
0x5a: {  	v21 =	vld [tilespmem:s4+$0xFFFFFFD0]  }
0x5b: {  	v22 =	vld [tilespmem:s4+$0xFFFFFFE0]  }
0x5c: {  	v18 =	vmax.f32 v18, v15;
	v23 =	vld [tilespmem:s4+$0xFFFFFFF0]  }
0x5d: {  	v15 =	vld [tilespmem:$0x1250];
	v18 =	vmax.f32 v18, v16  }
0x5e: {  	s1 =	simm.s32 $0x12E0;
	v18 =	vmax.f32 v18, v17;
	v17 =	vld [tilespmem:s4+$0x0]  }
0x5f: {  	v16 =	vld [tilespmem:s1+$0xFFFFFFF0];
	v20 =	vmax.f32 v20, v21  }
0x60: {  	v14 =	vmax.f32 v18, v14;
	v18 =	vld [tilespmem:s1+$0xFFFFFFD0];
	v20 =	vmax.f32 v20, v22  }
0x61: {  	s22 =	simm.s32 $0x1320;
	s4 =	simm.s32 $0x5;
	v14 =	vmax.f32 v14, v19;
	v19 =	vld [tilespmem:s1+$0xFFFFFFE0];
	v20 =	vmax.f32 v20, v23  }
.LBB2_9:
0x62: {  	s4 =	sadd.s32 $0x4, s4  }
0x63: {  	v21 =	vld [tilespmem:s22+$0xFFFFFFF0];
	v20 =	vmax.f32 v20, v17;
	p0 =	slt.u32 s4, $0x5D  }
.Ltmp7:
0x64: {  	v17 =	vld [tilespmem:s1+$0x0];
	s1 =	smov.u32 s22;
	(pc) =	sbr.rel @p0 .LBB2_9-.Ltmp7, $4  }
0x65: {  	_ = 	snop  }
0x66: {  	v20 =	vmax.f32 v20, v18  }
0x67: {  	v18 =	vld [tilespmem:s22+$0xFFFFFFD0];
	v20 =	vmax.f32 v20, v19  }
0x68: {  	s22 =	sadd.s32 $0x40, s22;
	v19 =	vld [tilespmem:s1+$0xFFFFFFE0];
	v20 =	vmax.f32 v20, v16;
	v16 =	vmov v21  }
0x69: {  	_ = 	snop  }
0x6a: {  	v21 =	vld [tilespmem:s1+$0x0]  }
0x6b: {  	v17 =	vmax.f32 v20, v17;
	v63 =	vld [tilespmem:$0x1870]  }
0x6c: {  	v17 =	vmax.f32 v17, v18  }
0x6d: {  	v17 =	vmax.f32 v17, v19  }
0x6e: {  	v16 =	vmax.f32 v17, v16  }
0x6f: {  	v10 =	vmax.f32 v11, v10;
	v16 =	vmax.f32 v16, v21  }
0x70: {  	v11 =	vmax.f32 v13, v12;
	v12 =	vmax.f32 v14, v15;
	v13 =	vmax.f32 v16, v63  }
0x71: {  	v10 =	vmin.f32 v10, v11;
	v11 =	vmin.f32 v12, v13  }
0x72: {  	v10 =	vmin.f32 v10, v11  }
0x73: {  	v11 =	vperm.xlane v10, v4;
	_ =	sdelay $0x1  }
0x74: {  	v10 =	vmin.f32 v10, v11  }
0x75: {  	v11 =	vperm.xlane v10, v0;
	_ =	sdelay $0x1  }
0x76: {  	v10 =	vmin.f32 v10, v11  }
0x77: {  	v11 =	vperm.xlane v10, v1;
	_ =	sdelay $0x1  }
0x78: {  	s31 =	sadd.s32 $0x187F, s21;
	v10 =	vmin.f32 v10, v11  }
0x79: {  	s1 =	simm.s32 $0x40;
	s4 =	simm.s32 $0x0;
	v12 =	vmov s31;
	v11 =	vperm.xlane v10, v2  }
.LBB2_11:
0x7a: {  	p0 =	sne.s32 s1, $0x1000;
	[tilespmem:s4+$0x1880] =	vst v12;
	s4 =	smov.u32 s1;
	s1 =	sadd.s32 $0x40, s1  }
.Ltmp8:
0x7b: {  	(pc) =	sbr.rel @p0 .LBB2_11-.Ltmp8, $2  }
0x7c: {  	_ =	sdelay $0x2  }
0x7d: {  	s4 =	sshra.s32 s4, $0x2  }
0x7e: {  	[tilespmem:s4+$0x1880] =	vst v12;
	s1 =	simm.s32 $0x40;
	s4 =	simm.s32 $0x0  }
.LBB2_13:
0x7f: {  	p0 =	sne.s32 s1, $0x1000;
	[tilespmem:s4+$0x2CA0] =	vst v5;
	s4 =	smov.u32 s1;
	s1 =	sadd.s32 $0x40, s1  }
.Ltmp9:
0x80: {  	(pc) =	sbr.rel @p0 .LBB2_13-.Ltmp9, $2  }
0x81: {  	_ =	sdelay $0x2  }
0x82: {  	s4 =	sshra.s32 s4, $0x2  }
0x83: {  	[tilespmem:s4+$0x2CA0] =	vst v5;
	s1 =	simm.s32 $0x10  }
0x84: {  	v12 =	vld [tilespmem:s1+$0xFFFFFFF0];
	_ =	sdelay $0x3  }
0x85: {  	v10 =	vmin.f32 v10, v11;
	s28 =	sadd.s32 $0xFFFFFFF0, s18  }
0x86: {  	v11 =	vor.u32 s28, v3;
	vm0 =	vge.f32 v12, v10  }
0x87: {  	(xrf1) =	vsort.ascd.msk.u32 vm0, v6, v11;
	_ =	sdelay $0xd  }
0x88: {  	s29 =	simm.s32 $0x0;
	_, v11, _ =	vpop (xrf1)  }
0x89: {  	[tilespmem:s29+$0x1880] =	vst v11  }
0x8a: {  	v12 =	vmpcnt.ones.xlane vm0;
	v11 =	vld [tilespmem:s1+$0x0];
	_ =	sdelay $0x1  }
0x8b: {  	(v2sf) =	vpush v12, $0x0;
	_ =	sdelay $0x2  }
0x8c: {  	v63 =	vor.u32 s18, v3;
	vm15 =	vge.f32 v11, v10  }
0x8d: {  	v11 =	vmpcnt.ones.xlane vm15;
	(xrf1) =	vsort.ascd.msk.u32 vm15, v6, v63;
	_ =	sdelay $0x1  }
0x8e: {  	(v2sf) =	vpush v11, $0x0;
	_ =	sdelay $0x8  }
0x8f: {  	s30 =	spop (v2sf)  }
0x90: {  	s1 =	sadd.s32 $0x0, s30  }
0x91: {  	p0 =	slt.s32 s1, $0x400  }
0x92: {  	s1 =	simm.s32 @!p0 $0x400;
	_, v11, _ =	vpop (xrf1)  }
0x93: {  	s23 =	simm.s32 $0x30;
	[tilespmem:s1+$0x1880] =	vst v11  }
0x94: {  	v11 =	vld [tilespmem:s23+$0xFFFFFFF0]  }
0x95: {  	s31 =	spop (v2sf)  }
0x96: {  	s1 =	sadd.s32 s1, s31  }
0x97: {  	s24 =	simm.s32 $0x2;
	s22 =	sadd.s32 $0x20, s18;
	p1 =	slt.s32 s1, $0x400  }
.LBB2_15:
0x98: {  	s24 =	sadd.s32 $0x2, s24;
	s4 =	sadd.s32 $0xFFFFFFF0, s22;
	s1 =	simm.s32 @!p1 $0x400  }
0x99: {  	p0 =	slt.u32 s24, $0x186;
	vm0 =	vge.f32 v11, v10;
	v11 =	vor.u32 s4, v3  }
0x9a: {  	v12 =	vmpcnt.ones.xlane vm0;
	(xrf1) =	vsort.ascd.msk.u32 vm0, v6, v11;
	_ =	sdelay $0x1  }
0x9b: {  	(v2sf) =	vpush v12, $0x0;
	_ =	sdelay $0xb  }
0x9c: {  	_, v11, _ =	vpop (xrf1)  }
0x9d: {  	[tilespmem:s1+$0x1880] =	vst v11  }
0x9e: {  	v11 =	vld [tilespmem:s23+$0x0]  }
0x9f: {  	s4 =	spop (v2sf)  }
0xa0: {  	s1 =	sadd.s32 s1, s4  }
0xa1: {  	p1 =	slt.s32 s1, $0x400;
	_ =	sdelay $0x1  }
0xa2: {  	vm0 =	vge.f32 v11, v10;
	v11 =	vor.u32 s22, v3  }
0xa3: {  	v12 =	vmpcnt.ones.xlane vm0;
	(xrf1) =	vsort.ascd.msk.u32 vm0, v6, v11;
	_ =	sdelay $0x1  }
0xa4: {  	(v2sf) =	vpush v12, $0x0;
	_ =	sdelay $0xb  }
0xa5: {  	s1 =	simm.s32 @!p1 $0x400;
	_, v11, _ =	vpop (xrf1)  }
.Ltmp10:
0xa6: {  	s23 =	sadd.s32 $0x20, s23;
	[tilespmem:s1+$0x1880] =	vst v11;
	(pc) =	sbr.rel @p0 .LBB2_15-.Ltmp10, $4  }
0xa7: {  	v11 =	vld [tilespmem:s23+$0xFFFFFFF0]  }
0xa8: {  	s4 =	spop (v2sf)  }
0xa9: {  	s1 =	sadd.s32 s1, s4  }
0xaa: {  	s22 =	sadd.s32 $0x20, s22;
	p1 =	slt.s32 s1, $0x400  }
0xab: {  	s4 =	sadd.s32 $0xFFFFFFF0, s22  }
0xac: {  	vm0 =	vge.f32 v11, v10;
	v11 =	vor.u32 s4, v3  }
0xad: {  	(xrf1) =	vsort.ascd.msk.u32 vm0, v6, v11;
	_ =	sdelay $0xd  }
0xae: {  	s1 =	simm.s32 @!p1 $0x400;
	_, v11, _ =	vpop (xrf1)  }
0xaf: {  	[tilespmem:s1+$0x1880] =	vst v11  }
0xb0: {  	v11 =	vld [tilespmem:s23+$0x0];
	_ =	sdelay $0x2  }
0xb1: {  	v12 =	vmpcnt.ones.xlane vm0;
	_ =	sdelay $0x1  }
0xb2: {  	(v2sf) =	vpush v12, $0x0;
	vm15 =	vge.f32 v11, v10  }
0xb3: {  	v11 =	vmpcnt.ones.xlane vm15;
	_ =	sdelay $0x1  }
0xb4: {  	(v2sf) =	vpush v11, $0x0;
	_ =	sdelay $0xb  }
0xb5: {  	s28 =	spop (v2sf)  }
0xb6: {  	s1 =	sadd.s32 s1, s28  }
0xb7: {  	p0 =	slt.s32 s1, $0x400;
	v11 =	vor.u32 s22, v3  }
0xb8: {  	s1 =	simm.s32 @!p0 $0x400;
	(xrf1) =	vsort.ascd.msk.u32 vm15, v6, v11;
	s30 =	spop (v2sf)  }
0xb9: {  	s4 =	sadd.s32 s1, s30  }
0xba: {  	p0 =	slt.s32 s4, $0x400  }
0xbb: {  	p5 =	slt.s32 s4, $0xFFFFFF82;
	s4 =	simm.s32 @!p0 $0x400  }
0xbc: {  	s4 =	sadd.s32 $0x7F, s4  }
0xbd: {  	s8 =	sand.u32 $0x7F, s4  }
0xbe: {  	s9 =	sshra.s32 s4, $0x1F;
	p6 =	sne.s32 s8, $0x0  }
0xbf: {  	s31 =	sshrl.u32 s9, $0x19;
	p0 =	por !p5, !p6  }
0xc0: {  	s8 =	simm.s32 $0x1;
	s4 =	sadd.s32 s31, s4;
	p0 =	por !p0, !p0  }
0xc1: {  	s4 =	sshra.s32 s4, $0x7;
	s8 =	simm.s32 @!p0 $0x0  }
0xc2: {  	s23 =	ssub.s32 s4, s8  }
0xc3: {  	p0 =	slt.s32 s23, $0x1  }
.Ltmp11:
0xc4: {  	_ = 	snop;
	(pc) =	sbr.rel @p0 .LBB2_22-.Ltmp11, $4  }
0xc5: {  	_ = 	snop  }
0xc6: {  	_, v11, _ =	vpop (xrf1)  }
0xc7: {  	s29 =	simm.s32 $0x0;
	s22 =	simm.s32 $0x0;
	[tilespmem:s1+$0x1880] =	vst v11  }
0xc8: {  	[tilespmem:s14], [sflag:$0x1] =	stream.indirect.gather [hbm4b:s6+s12], $0x10, s13, s12, $0xb8;
	[tilespmem:$0x3560] =	vst v63  }
0xc9: {  	s24 =	simm.s32 $0x0;
	s25 =	simm.s32 $0x0  }
0xca: {  	v11 =	vmov s21;
	s21 =	simm.s32 $0x0;
	s29 =	simm.s32 $0x0;
	s26 =	simm.s32 $0x0  }
.LBB2_19:
0xcb: {  	s26 =	sadd.s32 $0x1, s26  }
0xcc: {  	p0 =	slt.s32 s26, $0x7;
	s1 =	smov.u32 s26  }
0xcd: {  	s1 =	simm.s32 @!p0 $0x7  }
0xce: {  	s4 =	sshll.u32 s26, $0xB;
	s1 =	sshll.u32 s1, $0x7  }
0xcf: {  	s4 =	sand.u32 $0x800, s4;
	s1 =	sand.u32 $0x3FFFFF80, s1  }
0xd0: {  	s4 =	sadd.s32 $0x1CA0, s4;
	s1 =	sadd.s32 $0x1880, s1  }
0xd1: {  	[tilespmem:s4], [sflag:$0x1] =	stream.indirect.gather [hbm4b:s6+s12], $0x10, s1, s12, $0xb8;
	[tilespmem:$0x3560] =	vst v63  }
0xd2: {  	s9 =	sand.u32 $0xF, s24;
	s1 =	sadd.s32 $0x0, s25  }
0xd3: {  	p1 =	sne.s32 s9, $0x0;
	p4 =	seq.s32 s1, $0x0  }
0xd4: {  	p0 =	por !p4, !p1  }
0xd5: {  	s4 =	simm.s32 $0xFFFFFFFF;
	p0 =	por !p0, !p0  }
0xd6: {  	s4 =	simm.s32 @!p0 $0x0  }
0xd7: {  	_ =	swait.ge [sflag:s11], $0x800;
	s4 =	sshll.u32 s4, $0x4  }
0xd8: {  	[sflag:s11] =	ssyncset.done $0x0;
	s8 =	sadd.s32 s4, s1  }
0xd9: {  	s9 =	sand.u32 $0x800, s21;
	[sflag:s11] =	ssyncadd.s32 $0xFFFFF800;
	s8 =	sand.u32 $0xFFFFFFF0, s8  }
0xda: {  	s9 =	sadd.s32 $0x1CA0, s9;
	s4 =	sadd.s32 s4, s25;
	v12 =	vld [tilespmem:s8+$0x1880]  }
0xdb: {  	v13 =	vld [tilespmem:s9+$0x0];
	s4 =	sand.u32 $0xFFFFFFF0, s4  }
0xdc: {  	s1 =	ssub.s32 s1, s4  }
0xdd: {  	v14 =	vmov s1  }
0xde: {  	v14 =	vadd.s32 $0x10, v14  }
0xdf: {  	v12 =	vperm.xlane v12, v14  }
0xe0: {  	vm0 =	vge.f32 v13, v10  }
0xe1: {  	v61 =	vmpcnt.ones.xlane vm0;
	v12 =	vsub.s32 v12, v11  }
0xe2: {  	v12 =	vshll.u32 v12, $0x4  }
0xe3: {  	(xrf1) =	vsort.ascd.msk.u32 vm0, v6, v13;
	(v2sf) =	vpush v61, $0x0;
	v12 =	vor.u32 v3, v12  }
0xe4: {  	(xrf1) =	vsort.ascd.msk.u32 vm0, v6, v12;
	_ =	sdelay $0x6  }
0xe5: {  	s8 =	simm.s32 $0x1  }
0xe6: {  	s4 =	sadd.s32 $0x1, s25;
	s1 =	sand.u32 $0xF, s8  }
0xe7: {  	p5 =	seq.s32 s4, $0x0;
	p6 =	sne.s32 s1, $0x0  }
0xe8: {  	p0 =	por !p5, !p6  }
0xe9: {  	s1 =	simm.s32 $0xFFFFFFFF;
	p0 =	por !p0, !p0  }
0xea: {  	s30 =	simm.s32 $0x2;
	s1 =	simm.s32 @!p0 $0x0  }
0xeb: {  	s31 =	sadd.s32 $0x10, s9;
	s8 =	sshll.u32 s1, $0x4;
	s1 =	sadd.s32 $0x1, s25;
	_, v62, _ =	vpop (xrf1)  }
0xec: {  	s9 =	sadd.s32 s8, s4;
	s8 =	sadd.s32 s8, s1;
	[tilespmem:s29+$0x2CA0] =	vst v62;
	s28 =	spop (v2sf);
	_, v63, _ =	vpop (xrf1)  }
0xed: {  	s9 =	sand.u32 $0xFFFFFFF0, s9;
	s8 =	sand.u32 $0xFFFFFFF0, s8;
	s28 =	sadd.s32 s29, s28;
	[tilespmem:s29+$0x30C0] =	vst v63  }
.LBB2_20:
0xee: {  	p0 =	seq.s32 s30, $0x7F  }
0xef: {  	v12 =	vld [tilespmem:s9+$0x1880];
	p1 =	slt.s32 s28, $0x400;
	s9 =	smov.u32 s30;
	s30 =	sadd.s32 $0x1, s30  }
0xf0: {  	v13 =	vld [tilespmem:s31+$0x0];
	s28 =	simm.s32 @!p1 $0x400  }
0xf1: {  	s4 =	ssub.s32 s4, s8  }
0xf2: {  	v14 =	vmov s4  }
0xf3: {  	v14 =	vadd.s32 $0x10, v14  }
0xf4: {  	v12 =	vperm.xlane v12, v14  }
0xf5: {  	vm0 =	vge.f32 v13, v10  }
0xf6: {  	v12 =	vsub.s32 v12, v11;
	v14 =	vmpcnt.ones.xlane vm0;
	(xrf1) =	vsort.ascd.msk.u32 vm0, v6, v13  }
0xf7: {  	v12 =	vshll.u32 v12, $0x4  }
0xf8: {  	v12 =	vor.u32 v3, v12;
	(v2sf) =	vpush v14, $0x0  }
0xf9: {  	(xrf1) =	vsort.ascd.msk.u32 vm0, v6, v12;
	_ =	sdelay $0x7  }
0xfa: {  	s4 =	sadd.s32 s9, s25;
	s8 =	sand.u32 $0xF, s9  }
0xfb: {  	p1 =	seq.s32 s4, $0x0;
	p2 =	sne.s32 s8, $0x0  }
0xfc: {  	p1 =	por !p1, !p2  }
.Ltmp12:
0xfd: {  	s8 =	simm.s32 $0xFFFFFFFF;
	p1 =	por !p1, !p1;
	_, v12, _ =	vpop (xrf1);
	(pc) =	sbr.rel @!p0 .LBB2_20-.Ltmp12, $4  }
0xfe: {  	s8 =	simm.s32 @!p1 $0x0;
	[tilespmem:s28+$0x2CA0] =	vst v12  }
0xff: {  	s1 =	sadd.s32 $0x1, s1;
	s31 =	sadd.s32 $0x10, s31;
	s8 =	sshll.u32 s8, $0x4  }
0x100: {  	s9 =	sadd.s32 s8, s4;
	s8 =	sadd.s32 s8, s1;
	_, v12, _ =	vpop (xrf1);
	s29 =	spop (v2sf)  }
0x101: {  	s9 =	sand.u32 $0xFFFFFFF0, s9;
	s8 =	sand.u32 $0xFFFFFFF0, s8;
	[tilespmem:s28+$0x30C0] =	vst v12;
	s28 =	sadd.s32 s28, s29  }
0x102: {  	v12 =	vld [tilespmem:s31+$0x0]  }
0x103: {  	v13 =	vld [tilespmem:s9+$0x1880];
	_ =	sdelay $0x1  }
0x104: {  	s1 =	ssub.s32 s4, s8  }
0x105: {  	v14 =	vmov s1  }
0x106: {  	v14 =	vadd.s32 $0x10, v14;
	vm0 =	vge.f32 v12, v10  }
0x107: {  	v13 =	vperm.xlane v13, v14;
	v60 =	vmpcnt.ones.xlane vm0;
	_ =	sdelay $0x1  }
0x108: {  	v13 =	vsub.s32 v13, v11;
	(v2sf) =	vpush v60, $0x0  }
0x109: {  	v13 =	vshll.u32 v13, $0x4  }
0x10a: {  	(xrf1) =	vsort.ascd.msk.u32 vm0, v6, v12;
	v61 =	vor.u32 v3, v13  }
0x10b: {  	(xrf1) =	vsort.ascd.msk.u32 vm0, v6, v61;
	_ =	sdelay $0xa  }
0x10c: {  	p0 =	slt.s32 s28, $0x400  }
0x10d: {  	s28 =	simm.s32 @!p0 $0x400;
	s31 =	spop (v2sf)  }
0x10e: {  	_, v62, _ =	vpop (xrf1);
	s29 =	sadd.s32 s28, s31  }
0x10f: {  	[tilespmem:s28+$0x2CA0] =	vst v62;
	_, v63, _ =	vpop (xrf1);
	p0 =	slt.s32 s29, $0x400  }
0x110: {  	[tilespmem:s28+$0x30C0] =	vst v63;
	s29 =	simm.s32 @!p0 $0x400  }
0x111: {  	p0 =	seq.s32 s26, s23  }
.Ltmp13:
0x112: {  	_ = 	snop;
	(pc) =	sbr.rel @!p0 .LBB2_19-.Ltmp13, $2  }
0x113: {  	_ =	sdelay $0x2  }
0x114: {  	s21 =	sadd.s32 $0x800, s21;
	s25 =	sadd.s32 $0x80, s25  }
.LBB2_22:
0x115: {  	s1 =	sadd.s32 $0xF, s29  }
0x116: {  	s4 =	sand.u32 $0xF, s1  }
0x117: {  	p0 =	slt.s32 s29, $0xFFFFFFF2;
	s8 =	sshra.s32 s1, $0x1F;
	p1 =	sne.s32 s4, $0x0  }
.Ltmp14:
0x118: {  	s31 =	sshrl.u32 s8, $0x1C;
	p0 =	por !p0, !p1;
	(pc) =	sbr.rel .LBB2_23-.Ltmp14, $4  }
0x119: {  	s4 =	simm.s32 $0x1;
	s1 =	sadd.s32 s31, s1;
	p0 =	por !p0, !p0  }
0x11a: {  	_ =	swait.ge [sflag:s11], $0x800;
	s1 =	sshra.s32 s1, $0x4;
	s4 =	simm.s32 @!p0 $0x0  }
0x11b: {  	[sflag:s11] =	ssyncset.done $0x0;
	s21 =	ssub.s32 s1, s4  }
0x11c: {  	[sflag:s11] =	ssyncadd.s32 $0xFFFFF800;
	p0 =	slt.s32 s21, $0x1  }
.LBB2_24:
0x11d: {  	v11 =	vlaneseq.u32  }
.LBB2_32:
0x11e: {  	v12 =	vperm.xlane v10, v4;
	_ =	sdelay $0x1  }
0x11f: {  	v12 =	vmax.f32 v10, v12  }
0x120: {  	v13 =	vperm.xlane v12, v7;
	_ =	sdelay $0x1  }
0x121: {  	v12 =	vmax.f32 v12, v13  }
0x122: {  	v13 =	vperm.xlane v12, v8;
	_ =	sdelay $0x1  }
0x123: {  	v12 =	vmax.f32 v12, v13  }
0x124: {  	v13 =	vperm.xlane v12, v9;
	_ =	sdelay $0x1  }
0x125: {  	v12 =	vmax.f32 v12, v13  }
0x126: {  	vm0 =	veq.f32 v10, v12  }
0x127: {  	v10 =	vnsel vm0, $0x40000000, v11  }
0x128: {  	v11 =	vperm.xlane v10, v4;
	_ =	sdelay $0x1  }
0x129: {  	vm0 =	vlt.s32 v10, v11  }
0x12a: {  	v10 =	vsel vm0, v10, v11  }
0x12b: {  	v11 =	vperm.xlane v10, v7;
	_ =	sdelay $0x1  }
0x12c: {  	vm0 =	vlt.s32 v10, v11  }
0x12d: {  	v10 =	vsel vm0, v10, v11  }
0x12e: {  	v11 =	vperm.xlane v10, v8;
	_ =	sdelay $0x1  }
0x12f: {  	vm0 =	vlt.s32 v10, v11  }
0x130: {  	v10 =	vsel vm0, v10, v11  }
0x131: {  	v11 =	vperm.xlane v10, v9;
	_ =	sdelay $0x1  }
0x132: {  	vm0 =	vlt.s32 v10, v11  }
0x133: {  	v10 =	vsel vm0, v10, v11  }
0x134: {  	v11 =	vshra.s32 v10, $0x1F  }
0x135: {  	v11 =	vshrl.u32 v11, $0x1C  }
0x136: {  	v11 =	vadd.s32 v11, v10  }
0x137: {  	v11 =	vshrl.u32 v11, $0x4  }
0x138: {  	v11 =	vshll.u32 v11, $0x4  }
0x139: {  	(v2sf) =	vpush v10, $0x0;
	v11 =	vsub.s32 v10, v11  }
0x13a: {  	(v2sf) =	vpush v11, $0x0;
	_ =	sdelay $0xd  }
0x13b: {  	s1 =	spop (v2sf)  }
0x13c: {  	s4 =	spop (v2sf)  }
0x13d: {  	s8 =	sshra.s32 s1, $0x1F;
	p1 =	slt.s32 s1, $0x1;
	p2 =	sne.s32 s4, $0x0  }
0x13e: {  	s29 =	sshrl.u32 s8, $0x1C;
	p1 =	por !p1, !p2  }
0x13f: {  	s1 =	sadd.s32 s29, s1;
	s4 =	simm.s32 $0x1;
	p1 =	por !p1, !p1  }
0x140: {  	s1 =	sshrl.u32 s1, $0x4;
	s4 =	simm.s32 @!p1 $0x0  }
0x141: {  	s1 =	ssub.s32 s1, s4  }
0x142: {  	s1 =	sshll.u32 s1, $0x4  }
0x143: {  	s30 =	sand.u32 $0x30, s22;
	v10 =	vld [tilespmem:s1+$0x30C0]  }
0x144: {  	v63 =	vld [tilespmem:s30+$0x34E0]  }
0x145: {  	v14 =	vld [tilespmem:s30+$0x3520]  }
0x146: {  	s31 =	sand.u32 $0xF, s22  }
0x147: {  	v15 =	vmov s31;
	v11 =	vand.u32 $0xF, v11  }
0x148: {  	vm14 =	veq.s32 v15, v3;
	v10 =	vperm.xlane v10, v11  }
0x149: {  	v12 =	vsel vm14, v12, v63  }
0x14a: {  	[tilespmem:s30+$0x34E0] =	vst v12;
	v10 =	vsel vm14, v10, v14  }
0x14b: {  	[tilespmem:s30+$0x3520] =	vst v10  }
0x14c: {  	s22 =	sadd.s32 $0x1, s22;
	v10 =	vld [tilespmem:s1+$0x2CA0]  }
0x14d: {  	p1 =	sne.s32 s22, $0x40  }
.Ltmp15:
0x14e: {  	_ = 	snop;
	(pc) =	sbr.rel @!p1 .LBB2_33-.Ltmp15, $4  }
0x14f: {  	_ = 	snop  }
0x150: {  	vm15 =	veq.s32 v11, v3  }
0x151: {  	v10 =	vsel vm15, $0xFF61B1E6, v10  }
0x152: {  	[tilespmem:s1+$0x2CA0] =	vst v10  }
.LBB2_23:
.Ltmp16:
0x153: {  	(pc) =	sbr.rel @p0 .LBB2_24-.Ltmp16, $2  }
0x154: {  	_ =	sdelay $0x2  }
0x155: {  	v10 =	vimm.f32 $-3.000000010e+38  }
0x156: {  	p2 =	sne.s32 s21, $0x1  }
.Ltmp17:
0x157: {  	_ = 	snop;
	(pc) =	sbr.rel @!p2 .LBB2_26-.Ltmp17, $3  }
0x158: {  	_ =	sdelay $0x1  }
0x159: {  	s1 =	simm.s32 $0x0  }
0x15a: {  	v11 =	vimm.s32 $0x0;
	s4 =	simm.s32 $0x2CA0;
	s23 =	simm.s32 $0x1;
	p1 =	por $0x0, $0x0  }
0x15b: {  	v12 =	vld [tilespmem:s4+$0x0];
	p2 =	sne.s32 s21, $0x2  }
.Ltmp18:
0x15c: {  	_ = 	snop;
	(pc) =	sbr.rel @!p2 .LBB2_28-.Ltmp18, $2  }
0x15d: {  	_ =	sdelay $0x2  }
0x15e: {  	s24 =	simm.s32 $0x2;
	s4 =	simm.s32 $0x2CB0;
	p1 =	por $0x1, $0x1;
	vm0 =	vgt.f32 v12, v10;
	v10 =	vmax.f32 v10, v12;
	v12 =	vimm.s32 $0x0  }
.LBB2_29:
0x15f: {  	v12 =	vsel vm0, s1, v12;
	s1 =	smov.u32 s23;
	s23 =	smov.u32 s24;
	s24 =	sadd.s32 $0x1, s24  }
0x160: {  	v13 =	vld [tilespmem:s4+$0x0];
	p2 =	sne.s32 s21, s24  }
.Ltmp19:
0x161: {  	(pc) =	sbr.rel @p2 .LBB2_29-.Ltmp19, $2  }
0x162: {  	_ =	sdelay $0x2  }
0x163: {  	s4 =	sadd.s32 $0x10, s4;
	vm0 =	vgt.f32 v13, v10;
	v10 =	vmax.f32 v10, v13  }
0x164: {  	s8 =	smov.u32 s1;
	s1 =	smov.u32 s23  }
.LBB2_31:
0x165: {  	v13 =	vld [tilespmem:s4+$0x0];
	_ =	sdelay $0x3  }
.Ltmp20:
0x166: {  	v12 =	vsel @p1 vm0, s8, v12;
	(pc) =	sbr.rel .LBB2_32-.Ltmp20, $4  }
0x167: {  	v11 =	vpsel p1, v12, v11;
	vm15 =	vgt.f32 v13, v10  }
0x168: {  	v11 =	vsel vm15, s1, v11  }
0x169: {  	v11 =	vshll.u32 v11, $0x4  }
0x16a: {  	v10 =	vmax.f32 v10, v13;
	v11 =	vor.u32 v3, v11  }
.LBB2_26:
.Ltmp21:
0x16b: {  	(pc) =	sbr.rel .LBB2_31-.Ltmp21, $2  }
0x16c: {  	_ =	sdelay $0x2  }
0x16d: {  	v12 =	vimm.s32 $0x0  }
.LBB2_28:
.Ltmp22:
0x16e: {  	(pc) =	sbr.rel .LBB2_31-.Ltmp22, $2  }
0x16f: {  	_ =	sdelay $0x2  }
0x170: {  	s8 =	simm.s32 $0x0;
	v12 =	vimm.s32 $0x0;
	s1 =	simm.s32 $0x1  }
.LBB2_35:
0x171: {  	_ =	sfence.sel $0x180000  }
0x172: {  	[bflag:$0x0] =	sbarrier.arrive $0xFFFF  }
0x173: {  	_ =	strace $0x90000050  }
0x174: {  	s0 =	stileid.u32;
	[bflag:$0x2] =	sbarrier.arrive $0xFFFF  }
0x175: {  	p0 =	sne.s32 s0, $0x0;
	s0 =	rddreg [dreg:$0x3]  }
0x176: {  	s0 =	sadd.s32 @!p0 $0x100000, s0  }
0x177: {  	[sflag:s0] =	ssyncadd.tile.s32 @!p0 $0x1;
	_ =	shalt  }
.Lfunc_end2:
_tile_overlayer_lowered:
.L_overlay_start_2:
0x178: {  	(tag) =	ssettag $0x2  }
0x179: {  	s0 =	rddreg [dreg:$0x0];
	s2 =	stileid.u32  }
0x17a: {  	s1 =	rddreg [dreg:$0x1];
	p0 =	sne.s32 s2, $0x0  }
0x17b: {  	s3 =	rddreg [dreg:$0x2];
	[bflag:$0x3] =	sbarrier.arrive $0xFFFF;
	s2 =	simm.s32 @!p0 $0x1C02  }
0x17c: {  	[timem:s3], [sflag:s2] =	dma.local @!p0 [hbm:s0], s1  }
0x17d: {  	s0 =	simm.s32 @!p0 $0x2  }
0x17e: {  	_ =	swait.ge @!p0 [sflag:s0], s1  }
0x17f: {  	s1 =	ssub.s32 @!p0 $0x0, s1;
	[sflag:s0] =	ssyncset.done @!p0 $0x0  }
0x180: {  	[sflag:s0] =	ssyncadd.s32 @!p0 s1  }
0x181: {  	[bflag:$0x3] =	sbarrier.arrive $0xFFFF  }
0x182: {  	_ =	shalt  }

</sc_bundles>
